<compile_context>
chip_gen: v7x
topology: tpu7x:2x2x1
jax: 0.10.2.dev20260603
libtpu: 0.0.44.dev20260713+nightly
codegen_flags: <defaults>
</compile_context>

<pallas_src>
import functools

import jax
import jax.numpy as jnp
from jax import lax
from jax.experimental import pallas as pl
from jax.experimental.pallas import tpu as pltpu
from jax.experimental.pallas import tpu_sc as plsc

NUM_EMB = 100000
EMB_DIM = 64
BASE_DIM = 128
BATCH = 4096
HIST = 50

_INFO = plsc.get_sparse_core_info()
_NC, _NS = _INFO.num_cores, _INFO.num_subcores
_NW = _NC * _NS
_BAGS_PER_W = BATCH // _NW
_IDX_PER_W = _BAGS_PER_W * HIST
_CHUNK_BAGS = 16
_CHUNK_ROWS = _CHUNK_BAGS * HIST
_LANES = 16
_VPR = EMB_DIM // _LANES


def _sc_bagsum(table, idx):
    mesh = plsc.VectorSubcoreMesh(core_axis_name="c", subcore_axis_name="s")

    @functools.partial(
        pl.kernel,
        mesh=mesh,
        out_type=jax.ShapeDtypeStruct((BATCH, EMB_DIM), jnp.float32),
        compiler_params=pltpu.CompilerParams(use_tc_tiling_on_sc=False),
        scratch_types=[
            pltpu.VMEM((_IDX_PER_W,), jnp.int32),
            pltpu.VMEM((_CHUNK_ROWS, EMB_DIM), jnp.float32),
            pltpu.VMEM((_CHUNK_ROWS, EMB_DIM), jnp.float32),
            pltpu.VMEM((_BAGS_PER_W, EMB_DIM), jnp.float32),
            pltpu.SemaphoreType.DMA,
            pltpu.SemaphoreType.DMA,
        ],
    )
    def sc_kernel(table_hbm, idx_hbm, out_hbm, idx_v, rows0, rows1, out_v,
                  sem0, sem1):
        wid = lax.axis_index("s") * _NC + lax.axis_index("c")
        base = wid * _BAGS_PER_W
        pltpu.sync_copy(idx_hbm.at[pl.ds(wid * _IDX_PER_W, _IDX_PER_W)], idx_v)

        rows = (rows0, rows1)
        sems = (sem0, sem1)
        nbuf = 2

        def gather(c, p):
            off = c * _CHUNK_ROWS
            for g0 in range(0, _CHUNK_ROWS, 128):
                glen = min(128, _CHUNK_ROWS - g0)
                pltpu.async_copy(
                    table_hbm.at[idx_v.at[pl.ds(off + g0, glen)]],
                    rows[p].at[pl.ds(g0, glen)],
                    sems[p])

        def drain(p):
            for g0 in range(0, _CHUNK_ROWS, 128):
                glen = min(128, _CHUNK_ROWS - g0)
                pltpu.make_async_copy(
                    table_hbm.at[idx_v.at[pl.ds(g0, glen)]],
                    rows[p].at[pl.ds(g0, glen)],
                    sems[p]).wait()

        def accumulate(c, p):
            rbuf = rows[p]

            def bag_body(j, _):
                r0 = j * HIST
                acc0 = [rbuf[r0, pl.ds(i * _LANES, _LANES)]
                        for i in range(_VPR)]
                acc1 = [rbuf[r0 + 1, pl.ds(i * _LANES, _LANES)]
                        for i in range(_VPR)]
                for h in range(2, HIST, 2):
                    for i in range(_VPR):
                        acc0[i] = acc0[i] + rbuf[r0 + h,
                                                 pl.ds(i * _LANES, _LANES)]
                    for i in range(_VPR):
                        acc1[i] = acc1[i] + rbuf[r0 + h + 1,
                                                 pl.ds(i * _LANES, _LANES)]
                b = c * _CHUNK_BAGS + j
                for i in range(_VPR):
                    out_v[b, pl.ds(i * _LANES, _LANES)] = acc0[i] + acc1[i]
                return 0

            lax.fori_loop(0, _CHUNK_BAGS, bag_body, 0)

        nchunks = _BAGS_PER_W // _CHUNK_BAGS
        for p in range(nbuf):
            gather(p, p)

        def body(it, _):
            c0 = it * nbuf
            for p in range(nbuf):
                drain(p)
                accumulate(c0 + p, p)

                @pl.when(c0 + p + nbuf < nchunks)
                def _():
                    gather(c0 + p + nbuf, p)

            return 0

        lax.fori_loop(0, nchunks // nbuf, body, 0)
        pltpu.sync_copy(out_v, out_hbm.at[pl.ds(base, _BAGS_PER_W)])

    return sc_kernel


def _proj_body(x_ref, w_ref, o_ref):
    o_ref[...] = lax.dot_general(
        x_ref[...], w_ref[...],
        (((1,), (1,)), ((), ())),
        preferred_element_type=jnp.float32,
        precision=lax.Precision.HIGHEST,
    )


def _tc_proj(emb, W):
    blk = 1024
    return pl.pallas_call(
        _proj_body,
        grid=(BATCH // blk,),
        in_specs=[
            pl.BlockSpec((blk, EMB_DIM), lambda i: (i, 0)),
            pl.BlockSpec((BASE_DIM, EMB_DIM), lambda i: (0, 0)),
        ],
        out_specs=pl.BlockSpec((blk, BASE_DIM), lambda i: (i, 0)),
        out_shape=jax.ShapeDtypeStruct((BATCH, BASE_DIM), jnp.float32),
    )(emb, W)


def kernel(input, table, W):
    idx = input.astype(jnp.int32).reshape(-1)
    emb = _sc_bagsum(table, idx)(table, idx)
    return _tc_proj(emb, W)

# --- scband reference (transcript-rebuilt; emitter-appended) ---
"""Pipeline reference for scband-create-embedding-20779051778719 (READ-ONLY COPY).

The authoritative reference and input builder live on the scoring server;
editing this copy changes nothing except your own understanding.
"""

import jax, jax.numpy as jnp
import numpy as np

NUM_EMB = 100000
EMB_DIM = 64
BASE_DIM = 128
BATCH = 4096
HIST = 50

def setup_inputs(seed: int = 0) -> dict:
    key = jax.random.key(seed)
    k1, k2, k3 = jax.random.split(key, 3)
    indices = jax.random.randint(k1, (BATCH, HIST), 0, NUM_EMB, dtype=jnp.int64)
    # xavier_uniform for embedding table [NUM_EMB, EMB_DIM]
    bound_t = float(np.sqrt(6.0 / (NUM_EMB + EMB_DIM)))
    table = jax.random.uniform(k2, (NUM_EMB, EMB_DIM), minval=-bound_t, maxval=bound_t, dtype=jnp.float32)
    # xavier_uniform for proj weight W: [BASE_DIM, EMB_DIM] (torch Linear weight layout)
    bound_w = float(np.sqrt(6.0 / (BASE_DIM + EMB_DIM)))
    W = jax.random.uniform(k3, (BASE_DIM, EMB_DIM), minval=-bound_w, maxval=bound_w, dtype=jnp.float32)
    return {"input": indices, "table": table, "W": W}

def reference(input, table, W):
    # EmbeddingBag(mode='sum') on 2D input: gather rows then sum over bag dim
    emb = jnp.take(table, input, axis=0)          # [B, HIST, EMB_DIM]
    emb_vec = jnp.sum(emb, axis=1)                # [B, EMB_DIM]
    # Linear(embedding_dim -> base_dim, bias=False): x @ W.T
    out = emb_vec @ W.T                           # [B, BASE_DIM]
    return out

if __name__ == "__main__":
    import jax
    _d = setup_inputs()
    print(jax.jit(kernel)(*tuple(_d.values())))

</pallas_src>

<mosaic_0001>
#map = affine_map<(d0, d1) -> (0, 0)>
#map1 = affine_map<(d0, d1) -> (0)>
module attributes {stable_mosaic.version = 14 : i64} {
  func.func @sc_kernel(%arg0: i32, %arg1: i32, %arg2: memref<100000x64xf32, #tpu.memory_space<hbm>>, %arg3: memref<204800xi32, #tpu.memory_space<hbm>>, %arg4: memref<4096x64xf32, #tpu.memory_space<hbm>>, %arg5: memref<6400xi32, #tpu.memory_space<vmem>>, %arg6: memref<800x64xf32, #tpu.memory_space<vmem>>, %arg7: memref<800x64xf32, #tpu.memory_space<vmem>>, %arg8: memref<128x64xf32, #tpu.memory_space<vmem>>, %arg9: memref<!tpu.dma_semaphore, #tpu.memory_space<semaphore_mem>>, %arg10: memref<!tpu.dma_semaphore, #tpu.memory_space<semaphore_mem>>) attributes {dimension_semantics = [#tpu.dimension_semantics<core_parallel>, #tpu.dimension_semantics<subcore_parallel>], iteration_bounds = array<i64: 2, 16>, scalar_prefetch = 0 : i64, scratch_operands = 6 : i64, tpu.core_type = #tpu.core_type<sc_vector_subcore>, window_params = [{transform_indices = #map}, {transform_indices = #map1}, {transform_indices = #map}]} {
    %mul3A = arith.constant 2 : i32
    %mul3A_0 = arith.muli %arg1, %mul3A : i32
    %add3A = arith.addi %mul3A_0, %arg0 : i32
    %mul3A_1 = arith.constant 128 : i32
    %mul3A_2 = arith.muli %add3A, %mul3A_1 : i32
    %mul3A_3 = arith.constant 6400 : i32
    %mul3A_4 = arith.muli %add3A, %mul3A_3 : i32
    "tpu.region"() ({
      %run_scoped3A = tpu.sem_alloc : memref<!tpu.dma_semaphore, #tpu.memory_space<semaphore_mem>>
      %dma_start3A_122 = tpu.memref_slice %arg3[%mul3A_4] : memref<204800xi32, #tpu.memory_space<hbm>> -> memref<6400xi32, #tpu.memory_space<hbm>>
      %dma_start3A_123 = tpu.memref_slice %arg3[%mul3A_4] : memref<204800xi32, #tpu.memory_space<hbm>> -> memref<6400xi32, #tpu.memory_space<hbm>>
      tpu.enqueue_dma source(%dma_start3A_123 : memref<6400xi32, #tpu.memory_space<hbm>>) target(%arg5 : memref<6400xi32, #tpu.memory_space<vmem>>) target_semaphore(%run_scoped3A : memref<!tpu.dma_semaphore, #tpu.memory_space<semaphore_mem>>)
      %dma_wait3A = tpu.memref_slice %arg3[%mul3A_4] : memref<204800xi32, #tpu.memory_space<hbm>> -> memref<6400xi32, #tpu.memory_space<hbm>>
      %dma_wait3A_124 = tpu.memref_slice %arg3[%mul3A_4] : memref<204800xi32, #tpu.memory_space<hbm>> -> memref<6400xi32, #tpu.memory_space<hbm>>
      tpu.wait_dma2 semaphore(%run_scoped3A : memref<!tpu.dma_semaphore, #tpu.memory_space<semaphore_mem>>) src(%dma_wait3A_124 : memref<6400xi32, #tpu.memory_space<hbm>>) dst(%arg5 : memref<6400xi32, #tpu.memory_space<vmem>>)
      tpu.yield
    }) : () -> ()
    %dma_start3A = arith.constant 0 : i32
    %dma_start3A_5 = arith.constant 0 : i32
    %dma_start3A_6 = tpu.memref_slice %arg6[%dma_start3A, %dma_start3A_5] : memref<800x64xf32, #tpu.memory_space<vmem>> -> memref<128x64xf32, #tpu.memory_space<vmem>>
    %dma_start3A_7 = arith.constant 0 : i32
    %dma_start3A_8 = tpu.memref_slice %arg5[%dma_start3A_7] : memref<6400xi32, #tpu.memory_space<vmem>> -> memref<128xi32, #tpu.memory_space<vmem>>
    %dma_start3A_9 = arith.constant 0 : i32
    %dma_start3A_10 = arith.constant 0 : i32
    %dma_start3A_11 = tpu.memref_slice %arg2[%dma_start3A_9, %dma_start3A_10] : memref<100000x64xf32, #tpu.memory_space<hbm>> -> memref<100000x64xf32, #tpu.memory_space<hbm>>
    tpu.enqueue_indirect_dma source(%dma_start3A_11 : memref<100000x64xf32, #tpu.memory_space<hbm>>) target(%dma_start3A_6 : memref<128x64xf32, #tpu.memory_space<vmem>>) offsets(%dma_start3A_8 : memref<128xi32, #tpu.memory_space<vmem>>) semaphore(%arg9 : memref<!tpu.dma_semaphore, #tpu.memory_space<semaphore_mem>>)
    %dma_start3A_12 = arith.constant 128 : i32
    %dma_start3A_13 = arith.constant 0 : i32
    %dma_start3A_14 = tpu.memref_slice %arg6[%dma_start3A_12, %dma_start3A_13] : memref<800x64xf32, #tpu.memory_space<vmem>> -> memref<128x64xf32, #tpu.memory_space<vmem>>
    %dma_start3A_15 = arith.constant 128 : i32
    %dma_start3A_16 = tpu.memref_slice %arg5[%dma_start3A_15] : memref<6400xi32, #tpu.memory_space<vmem>> -> memref<128xi32, #tpu.memory_space<vmem>>
    %dma_start3A_17 = arith.constant 0 : i32
    %dma_start3A_18 = arith.constant 0 : i32
    %dma_start3A_19 = tpu.memref_slice %arg2[%dma_start3A_17, %dma_start3A_18] : memref<100000x64xf32, #tpu.memory_space<hbm>> -> memref<100000x64xf32, #tpu.memory_space<hbm>>
    tpu.enqueue_indirect_dma source(%dma_start3A_19 : memref<100000x64xf32, #tpu.memory_space<hbm>>) target(%dma_start3A_14 : memref<128x64xf32, #tpu.memory_space<vmem>>) offsets(%dma_start3A_16 : memref<128xi32, #tpu.memory_space<vmem>>) semaphore(%arg9 : memref<!tpu.dma_semaphore, #tpu.memory_space<semaphore_mem>>)
    %dma_start3A_20 = arith.constant 256 : i32
    %dma_start3A_21 = arith.constant 0 : i32
    %dma_start3A_22 = tpu.memref_slice %arg6[%dma_start3A_20, %dma_start3A_21] : memref<800x64xf32, #tpu.memory_space<vmem>> -> memref<128x64xf32, #tpu.memory_space<vmem>>
    %dma_start3A_23 = arith.constant 256 : i32
    %dma_start3A_24 = tpu.memref_slice %arg5[%dma_start3A_23] : memref<6400xi32, #tpu.memory_space<vmem>> -> memref<128xi32, #tpu.memory_space<vmem>>
    %dma_start3A_25 = arith.constant 0 : i32
    %dma_start3A_26 = arith.constant 0 : i32
    %dma_start3A_27 = tpu.memref_slice %arg2[%dma_start3A_25, %dma_start3A_26] : memref<100000x64xf32, #tpu.memory_space<hbm>> -> memref<100000x64xf32, #tpu.memory_space<hbm>>
    tpu.enqueue_indirect_dma source(%dma_start3A_27 : memref<100000x64xf32, #tpu.memory_space<hbm>>) target(%dma_start3A_22 : memref<128x64xf32, #tpu.memory_space<vmem>>) offsets(%dma_start3A_24 : memref<128xi32, #tpu.memory_space<vmem>>) semaphore(%arg9 : memref<!tpu.dma_semaphore, #tpu.memory_space<semaphore_mem>>)
    %dma_start3A_28 = arith.constant 384 : i32
    %dma_start3A_29 = arith.constant 0 : i32
    %dma_start3A_30 = tpu.memref_slice %arg6[%dma_start3A_28, %dma_start3A_29] : memref<800x64xf32, #tpu.memory_space<vmem>> -> memref<128x64xf32, #tpu.memory_space<vmem>>
    %dma_start3A_31 = arith.constant 384 : i32
    %dma_start3A_32 = tpu.memref_slice %arg5[%dma_start3A_31] : memref<6400xi32, #tpu.memory_space<vmem>> -> memref<128xi32, #tpu.memory_space<vmem>>
    %dma_start3A_33 = arith.constant 0 : i32
    %dma_start3A_34 = arith.constant 0 : i32
    %dma_start3A_35 = tpu.memref_slice %arg2[%dma_start3A_33, %dma_start3A_34] : memref<100000x64xf32, #tpu.memory_space<hbm>> -> memref<100000x64xf32, #tpu.memory_space<hbm>>
    tpu.enqueue_indirect_dma source(%dma_start3A_35 : memref<100000x64xf32, #tpu.memory_space<hbm>>) target(%dma_start3A_30 : memref<128x64xf32, #tpu.memory_space<vmem>>) offsets(%dma_start3A_32 : memref<128xi32, #tpu.memory_space<vmem>>) semaphore(%arg9 : memref<!tpu.dma_semaphore, #tpu.memory_space<semaphore_mem>>)
    %dma_start3A_36 = arith.constant 512 : i32
    %dma_start3A_37 = arith.constant 0 : i32
    %dma_start3A_38 = tpu.memref_slice %arg6[%dma_start3A_36, %dma_start3A_37] : memref<800x64xf32, #tpu.memory_space<vmem>> -> memref<128x64xf32, #tpu.memory_space<vmem>>
    %dma_start3A_39 = arith.constant 512 : i32
    %dma_start3A_40 = tpu.memref_slice %arg5[%dma_start3A_39] : memref<6400xi32, #tpu.memory_space<vmem>> -> memref<128xi32, #tpu.memory_space<vmem>>
    %dma_start3A_41 = arith.constant 0 : i32
    %dma_start3A_42 = arith.constant 0 : i32
    %dma_start3A_43 = tpu.memref_slice %arg2[%dma_start3A_41, %dma_start3A_42] : memref<100000x64xf32, #tpu.memory_space<hbm>> -> memref<100000x64xf32, #tpu.memory_space<hbm>>
    tpu.enqueue_indirect_dma source(%dma_start3A_43 : memref<100000x64xf32, #tpu.memory_space<hbm>>) target(%dma_start3A_38 : memref<128x64xf32, #tpu.memory_space<vmem>>) offsets(%dma_start3A_40 : memref<128xi32, #tpu.memory_space<vmem>>) semaphore(%arg9 : memref<!tpu.dma_semaphore, #tpu.memory_space<semaphore_mem>>)
    %dma_start3A_44 = arith.constant 640 : i32
    %dma_start3A_45 = arith.constant 0 : i32
    %dma_start3A_46 = tpu.memref_slice %arg6[%dma_start3A_44, %dma_start3A_45] : memref<800x64xf32, #tpu.memory_space<vmem>> -> memref<128x64xf32, #tpu.memory_space<vmem>>
    %dma_start3A_47 = arith.constant 640 : i32
    %dma_start3A_48 = tpu.memref_slice %arg5[%dma_start3A_47] : memref<6400xi32, #tpu.memory_space<vmem>> -> memref<128xi32, #tpu.memory_space<vmem>>
    %dma_start3A_49 = arith.constant 0 : i32
    %dma_start3A_50 = arith.constant 0 : i32
    %dma_start3A_51 = tpu.memref_slice %arg2[%dma_start3A_49, %dma_start3A_50] : memref<100000x64xf32, #tpu.memory_space<hbm>> -> memref<100000x64xf32, #tpu.memory_space<hbm>>
    tpu.enqueue_indirect_dma source(%dma_start3A_51 : memref<100000x64xf32, #tpu.memory_space<hbm>>) target(%dma_start3A_46 : memref<128x64xf32, #tpu.memory_space<vmem>>) offsets(%dma_start3A_48 : memref<128xi32, #tpu.memory_space<vmem>>) semaphore(%arg9 : memref<!tpu.dma_semaphore, #tpu.memory_space<semaphore_mem>>)
    %dma_start3A_52 = arith.constant 768 : i32
    %dma_start3A_53 = arith.constant 0 : i32
    %dma_start3A_54 = tpu.memref_slice %arg6[%dma_start3A_52, %dma_start3A_53] : memref<800x64xf32, #tpu.memory_space<vmem>> -> memref<32x64xf32, #tpu.memory_space<vmem>>
    %dma_start3A_55 = arith.constant 768 : i32
    %dma_start3A_56 = tpu.memref_slice %arg5[%dma_start3A_55] : memref<6400xi32, #tpu.memory_space<vmem>> -> memref<32xi32, #tpu.memory_space<vmem>>
    %dma_start3A_57 = arith.constant 0 : i32
    %dma_start3A_58 = arith.constant 0 : i32
    %dma_start3A_59 = tpu.memref_slice %arg2[%dma_start3A_57, %dma_start3A_58] : memref<100000x64xf32, #tpu.memory_space<hbm>> -> memref<100000x64xf32, #tpu.memory_space<hbm>>
    tpu.enqueue_indirect_dma source(%dma_start3A_59 : memref<100000x64xf32, #tpu.memory_space<hbm>>) target(%dma_start3A_54 : memref<32x64xf32, #tpu.memory_space<vmem>>) offsets(%dma_start3A_56 : memref<32xi32, #tpu.memory_space<vmem>>) semaphore(%arg9 : memref<!tpu.dma_semaphore, #tpu.memory_space<semaphore_mem>>)
    %dma_start3A_60 = arith.constant 0 : i32
    %dma_start3A_61 = arith.constant 0 : i32
    %dma_start3A_62 = tpu.memref_slice %arg7[%dma_start3A_60, %dma_start3A_61] : memref<800x64xf32, #tpu.memory_space<vmem>> -> memref<128x64xf32, #tpu.memory_space<vmem>>
    %dma_start3A_63 = arith.constant 800 : i32
    %dma_start3A_64 = tpu.memref_slice %arg5[%dma_start3A_63] : memref<6400xi32, #tpu.memory_space<vmem>> -> memref<128xi32, #tpu.memory_space<vmem>>
    %dma_start3A_65 = arith.constant 0 : i32
    %dma_start3A_66 = arith.constant 0 : i32
    %dma_start3A_67 = tpu.memref_slice %arg2[%dma_start3A_65, %dma_start3A_66] : memref<100000x64xf32, #tpu.memory_space<hbm>> -> memref<100000x64xf32, #tpu.memory_space<hbm>>
    tpu.enqueue_indirect_dma source(%dma_start3A_67 : memref<100000x64xf32, #tpu.memory_space<hbm>>) target(%dma_start3A_62 : memref<128x64xf32, #tpu.memory_space<vmem>>) offsets(%dma_start3A_64 : memref<128xi32, #tpu.memory_space<vmem>>) semaphore(%arg10 : memref<!tpu.dma_semaphore, #tpu.memory_space<semaphore_mem>>)
    %dma_start3A_68 = arith.constant 128 : i32
    %dma_start3A_69 = arith.constant 0 : i32
    %dma_start3A_70 = tpu.memref_slice %arg7[%dma_start3A_68, %dma_start3A_69] : memref<800x64xf32, #tpu.memory_space<vmem>> -> memref<128x64xf32, #tpu.memory_space<vmem>>
    %dma_start3A_71 = arith.constant 928 : i32
    %dma_start3A_72 = tpu.memref_slice %arg5[%dma_start3A_71] : memref<6400xi32, #tpu.memory_space<vmem>> -> memref<128xi32, #tpu.memory_space<vmem>>
    %dma_start3A_73 = arith.constant 0 : i32
    %dma_start3A_74 = arith.constant 0 : i32
    %dma_start3A_75 = tpu.memref_slice %arg2[%dma_start3A_73, %dma_start3A_74] : memref<100000x64xf32, #tpu.memory_space<hbm>> -> memref<100000x64xf32, #tpu.memory_space<hbm>>
    tpu.enqueue_indirect_dma source(%dma_start3A_75 : memref<100000x64xf32, #tpu.memory_space<hbm>>) target(%dma_start3A_70 : memref<128x64xf32, #tpu.memory_space<vmem>>) offsets(%dma_start3A_72 : memref<128xi32, #tpu.memory_space<vmem>>) semaphore(%arg10 : memref<!tpu.dma_semaphore, #tpu.memory_space<semaphore_mem>>)
    %dma_start3A_76 = arith.constant 256 : i32
    %dma_start3A_77 = arith.constant 0 : i32
    %dma_start3A_78 = tpu.memref_slice %arg7[%dma_start3A_76, %dma_start3A_77] : memref<800x64xf32, #tpu.memory_space<vmem>> -> memref<128x64xf32, #tpu.memory_space<vmem>>
    %dma_start3A_79 = arith.constant 1056 : i32
    %dma_start3A_80 = tpu.memref_slice %arg5[%dma_start3A_79] : memref<6400xi32, #tpu.memory_space<vmem>> -> memref<128xi32, #tpu.memory_space<vmem>>
    %dma_start3A_81 = arith.constant 0 : i32
    %dma_start3A_82 = arith.constant 0 : i32
    %dma_start3A_83 = tpu.memref_slice %arg2[%dma_start3A_81, %dma_start3A_82] : memref<100000x64xf32, #tpu.memory_space<hbm>> -> memref<100000x64xf32, #tpu.memory_space<hbm>>
    tpu.enqueue_indirect_dma source(%dma_start3A_83 : memref<100000x64xf32, #tpu.memory_space<hbm>>) target(%dma_start3A_78 : memref<128x64xf32, #tpu.memory_space<vmem>>) offsets(%dma_start3A_80 : memref<128xi32, #tpu.memory_space<vmem>>) semaphore(%arg10 : memref<!tpu.dma_semaphore, #tpu.memory_space<semaphore_mem>>)
    %dma_start3A_84 = arith.constant 384 : i32
    %dma_start3A_85 = arith.constant 0 : i32
    %dma_start3A_86 = tpu.memref_slice %arg7[%dma_start3A_84, %dma_start3A_85] : memref<800x64xf32, #tpu.memory_space<vmem>> -> memref<128x64xf32, #tpu.memory_space<vmem>>
    %dma_start3A_87 = arith.constant 1184 : i32
    %dma_start3A_88 = tpu.memref_slice %arg5[%dma_start3A_87] : memref<6400xi32, #tpu.memory_space<vmem>> -> memref<128xi32, #tpu.memory_space<vmem>>
    %dma_start3A_89 = arith.constant 0 : i32
    %dma_start3A_90 = arith.constant 0 : i32
    %dma_start3A_91 = tpu.memref_slice %arg2[%dma_start3A_89, %dma_start3A_90] : memref<100000x64xf32, #tpu.memory_space<hbm>> -> memref<100000x64xf32, #tpu.memory_space<hbm>>
    tpu.enqueue_indirect_dma source(%dma_start3A_91 : memref<100000x64xf32, #tpu.memory_space<hbm>>) target(%dma_start3A_86 : memref<128x64xf32, #tpu.memory_space<vmem>>) offsets(%dma_start3A_88 : memref<128xi32, #tpu.memory_space<vmem>>) semaphore(%arg10 : memref<!tpu.dma_semaphore, #tpu.memory_space<semaphore_mem>>)
    %dma_start3A_92 = arith.constant 512 : i32
    %dma_start3A_93 = arith.constant 0 : i32
    %dma_start3A_94 = tpu.memref_slice %arg7[%dma_start3A_92, %dma_start3A_93] : memref<800x64xf32, #tpu.memory_space<vmem>> -> memref<128x64xf32, #tpu.memory_space<vmem>>
    %dma_start3A_95 = arith.constant 1312 : i32
    %dma_start3A_96 = tpu.memref_slice %arg5[%dma_start3A_95] : memref<6400xi32, #tpu.memory_space<vmem>> -> memref<128xi32, #tpu.memory_space<vmem>>
    %dma_start3A_97 = arith.constant 0 : i32
    %dma_start3A_98 = arith.constant 0 : i32
    %dma_start3A_99 = tpu.memref_slice %arg2[%dma_start3A_97, %dma_start3A_98] : memref<100000x64xf32, #tpu.memory_space<hbm>> -> memref<100000x64xf32, #tpu.memory_space<hbm>>
    tpu.enqueue_indirect_dma source(%dma_start3A_99 : memref<100000x64xf32, #tpu.memory_space<hbm>>) target(%dma_start3A_94 : memref<128x64xf32, #tpu.memory_space<vmem>>) offsets(%dma_start3A_96 : memref<128xi32, #tpu.memory_space<vmem>>) semaphore(%arg10 : memref<!tpu.dma_semaphore, #tpu.memory_space<semaphore_mem>>)
    %dma_start3A_100 = arith.constant 640 : i32
    %dma_start3A_101 = arith.constant 0 : i32
    %dma_start3A_102 = tpu.memref_slice %arg7[%dma_start3A_100, %dma_start3A_101] : memref<800x64xf32, #tpu.memory_space<vmem>> -> memref<128x64xf32, #tpu.memory_space<vmem>>
    %dma_start3A_103 = arith.constant 1440 : i32
    %dma_start3A_104 = tpu.memref_slice %arg5[%dma_start3A_103] : memref<6400xi32, #tpu.memory_space<vmem>> -> memref<128xi32, #tpu.memory_space<vmem>>
    %dma_start3A_105 = arith.constant 0 : i32
    %dma_start3A_106 = arith.constant 0 : i32
    %dma_start3A_107 = tpu.memref_slice %arg2[%dma_start3A_105, %dma_start3A_106] : memref<100000x64xf32, #tpu.memory_space<hbm>> -> memref<100000x64xf32, #tpu.memory_space<hbm>>
    tpu.enqueue_indirect_dma source(%dma_start3A_107 : memref<100000x64xf32, #tpu.memory_space<hbm>>) target(%dma_start3A_102 : memref<128x64xf32, #tpu.memory_space<vmem>>) offsets(%dma_start3A_104 : memref<128xi32, #tpu.memory_space<vmem>>) semaphore(%arg10 : memref<!tpu.dma_semaphore, #tpu.memory_space<semaphore_mem>>)
    %dma_start3A_108 = arith.constant 768 : i32
    %dma_start3A_109 = arith.constant 0 : i32
    %dma_start3A_110 = tpu.memref_slice %arg7[%dma_start3A_108, %dma_start3A_109] : memref<800x64xf32, #tpu.memory_space<vmem>> -> memref<32x64xf32, #tpu.memory_space<vmem>>
    %dma_start3A_111 = arith.constant 1568 : i32
    %dma_start3A_112 = tpu.memref_slice %arg5[%dma_start3A_111] : memref<6400xi32, #tpu.memory_space<vmem>> -> memref<32xi32, #tpu.memory_space<vmem>>
    %dma_start3A_113 = arith.constant 0 : i32
    %dma_start3A_114 = arith.constant 0 : i32
    %dma_start3A_115 = tpu.memref_slice %arg2[%dma_start3A_113, %dma_start3A_114] : memref<100000x64xf32, #tpu.memory_space<hbm>> -> memref<100000x64xf32, #tpu.memory_space<hbm>>
    tpu.enqueue_indirect_dma source(%dma_start3A_115 : memref<100000x64xf32, #tpu.memory_space<hbm>>) target(%dma_start3A_110 : memref<32x64xf32, #tpu.memory_space<vmem>>) offsets(%dma_start3A_112 : memref<32xi32, #tpu.memory_space<vmem>>) semaphore(%arg10 : memref<!tpu.dma_semaphore, #tpu.memory_space<semaphore_mem>>)
    %scan3A = arith.constant 0 : i32
    %scan3A_116 = arith.constant 0 : i32
    %scan3A_117 = arith.constant 4 : i32
    %scan3A_118 = arith.addi %scan3A_116, %scan3A_117 : i32
    %scan3A_119 = arith.constant 1 : i32
    %scan3A_120 = scf.for %scan3A_122 = %scan3A_116 to %scan3A_118 step %scan3A_119 iter_args(%scan3A_123 = %scan3A) -> (i32)  : i32 {
      %mul3A_124 = arith.constant 2 : i32
      %mul3A_125 = arith.muli %scan3A_122, %mul3A_124 : i32
      %dma_wait3A = arith.constant 0 : i32
      %dma_wait3A_126 = arith.constant 0 : i32
      %dma_wait3A_127 = tpu.memref_slice %arg6[%dma_wait3A, %dma_wait3A_126] : memref<800x64xf32, #tpu.memory_space<vmem>> -> memref<128x64xf32, #tpu.memory_space<vmem>>
      %dma_wait3A_128 = arith.constant 0 : i32
      %dma_wait3A_129 = tpu.memref_slice %arg5[%dma_wait3A_128] : memref<6400xi32, #tpu.memory_space<vmem>> -> memref<128xi32, #tpu.memory_space<vmem>>
      %dma_wait3A_130 = arith.constant 0 : i32
      %dma_wait3A_131 = arith.constant 0 : i32
      %dma_wait3A_132 = tpu.memref_slice %arg2[%dma_wait3A_130, %dma_wait3A_131] : memref<100000x64xf32, #tpu.memory_space<hbm>> -> memref<100000x64xf32, #tpu.memory_space<hbm>>
      tpu.wait_indirect_dma semaphore(%arg9 : memref<!tpu.dma_semaphore, #tpu.memory_space<semaphore_mem>>) src(%dma_wait3A_132 : memref<100000x64xf32, #tpu.memory_space<hbm>>) dst(%dma_wait3A_127 : memref<128x64xf32, #tpu.memory_space<vmem>>)
      %dma_wait3A_133 = arith.constant 128 : i32
      %dma_wait3A_134 = arith.constant 0 : i32
      %dma_wait3A_135 = tpu.memref_slice %arg6[%dma_wait3A_133, %dma_wait3A_134] : memref<800x64xf32, #tpu.memory_space<vmem>> -> memref<128x64xf32, #tpu.memory_space<vmem>>
      %dma_wait3A_136 = arith.constant 128 : i32
      %dma_wait3A_137 = tpu.memref_slice %arg5[%dma_wait3A_136] : memref<6400xi32, #tpu.memory_space<vmem>> -> memref<128xi32, #tpu.memory_space<vmem>>
      %dma_wait3A_138 = arith.constant 0 : i32
      %dma_wait3A_139 = arith.constant 0 : i32
      %dma_wait3A_140 = tpu.memref_slice %arg2[%dma_wait3A_138, %dma_wait3A_139] : memref<100000x64xf32, #tpu.memory_space<hbm>> -> memref<100000x64xf32, #tpu.memory_space<hbm>>
      tpu.wait_indirect_dma semaphore(%arg9 : memref<!tpu.dma_semaphore, #tpu.memory_space<semaphore_mem>>) src(%dma_wait3A_140 : memref<100000x64xf32, #tpu.memory_space<hbm>>) dst(%dma_wait3A_135 : memref<128x64xf32, #tpu.memory_space<vmem>>)
      %dma_wait3A_141 = arith.constant 256 : i32
      %dma_wait3A_142 = arith.constant 0 : i32
      %dma_wait3A_143 = tpu.memref_slice %arg6[%dma_wait3A_141, %dma_wait3A_142] : memref<800x64xf32, #tpu.memory_space<vmem>> -> memref<128x64xf32, #tpu.memory_space<vmem>>
      %dma_wait3A_144 = arith.constant 256 : i32
      %dma_wait3A_145 = tpu.memref_slice %arg5[%dma_wait3A_144] : memref<6400xi32, #tpu.memory_space<vmem>> -> memref<128xi32, #tpu.memory_space<vmem>>
      %dma_wait3A_146 = arith.constant 0 : i32
      %dma_wait3A_147 = arith.constant 0 : i32
      %dma_wait3A_148 = tpu.memref_slice %arg2[%dma_wait3A_146, %dma_wait3A_147] : memref<100000x64xf32, #tpu.memory_space<hbm>> -> memref<100000x64xf32, #tpu.memory_space<hbm>>
      tpu.wait_indirect_dma semaphore(%arg9 : memref<!tpu.dma_semaphore, #tpu.memory_space<semaphore_mem>>) src(%dma_wait3A_148 : memref<100000x64xf32, #tpu.memory_space<hbm>>) dst(%dma_wait3A_143 : memref<128x64xf32, #tpu.memory_space<vmem>>)
      %dma_wait3A_149 = arith.constant 384 : i32
      %dma_wait3A_150 = arith.constant 0 : i32
      %dma_wait3A_151 = tpu.memref_slice %arg6[%dma_wait3A_149, %dma_wait3A_150] : memref<800x64xf32, #tpu.memory_space<vmem>> -> memref<128x64xf32, #tpu.memory_space<vmem>>
      %dma_wait3A_152 = arith.constant 384 : i32
      %dma_wait3A_153 = tpu.memref_slice %arg5[%dma_wait3A_152] : memref<6400xi32, #tpu.memory_space<vmem>> -> memref<128xi32, #tpu.memory_space<vmem>>
      %dma_wait3A_154 = arith.constant 0 : i32
      %dma_wait3A_155 = arith.constant 0 : i32
      %dma_wait3A_156 = tpu.memref_slice %arg2[%dma_wait3A_154, %dma_wait3A_155] : memref<100000x64xf32, #tpu.memory_space<hbm>> -> memref<100000x64xf32, #tpu.memory_space<hbm>>
      tpu.wait_indirect_dma semaphore(%arg9 : memref<!tpu.dma_semaphore, #tpu.memory_space<semaphore_mem>>) src(%dma_wait3A_156 : memref<100000x64xf32, #tpu.memory_space<hbm>>) dst(%dma_wait3A_151 : memref<128x64xf32, #tpu.memory_space<vmem>>)
      %dma_wait3A_157 = arith.constant 512 : i32
      %dma_wait3A_158 = arith.constant 0 : i32
      %dma_wait3A_159 = tpu.memref_slice %arg6[%dma_wait3A_157, %dma_wait3A_158] : memref<800x64xf32, #tpu.memory_space<vmem>> -> memref<128x64xf32, #tpu.memory_space<vmem>>
      %dma_wait3A_160 = arith.constant 512 : i32
      %dma_wait3A_161 = tpu.memref_slice %arg5[%dma_wait3A_160] : memref<6400xi32, #tpu.memory_space<vmem>> -> memref<128xi32, #tpu.memory_space<vmem>>
      %dma_wait3A_162 = arith.constant 0 : i32
      %dma_wait3A_163 = arith.constant 0 : i32
      %dma_wait3A_164 = tpu.memref_slice %arg2[%dma_wait3A_162, %dma_wait3A_163] : memref<100000x64xf32, #tpu.memory_space<hbm>> -> memref<100000x64xf32, #tpu.memory_space<hbm>>
      tpu.wait_indirect_dma semaphore(%arg9 : memref<!tpu.dma_semaphore, #tpu.memory_space<semaphore_mem>>) src(%dma_wait3A_164 : memref<100000x64xf32, #tpu.memory_space<hbm>>) dst(%dma_wait3A_159 : memref<128x64xf32, #tpu.memory_space<vmem>>)
      %dma_wait3A_165 = arith.constant 640 : i32
      %dma_wait3A_166 = arith.constant 0 : i32
      %dma_wait3A_167 = tpu.memref_slice %arg6[%dma_wait3A_165, %dma_wait3A_166] : memref<800x64xf32, #tpu.memory_space<vmem>> -> memref<128x64xf32, #tpu.memory_space<vmem>>
      %dma_wait3A_168 = arith.constant 640 : i32
      %dma_wait3A_169 = tpu.memref_slice %arg5[%dma_wait3A_168] : memref<6400xi32, #tpu.memory_space<vmem>> -> memref<128xi32, #tpu.memory_space<vmem>>
      %dma_wait3A_170 = arith.constant 0 : i32
      %dma_wait3A_171 = arith.constant 0 : i32
      %dma_wait3A_172 = tpu.memref_slice %arg2[%dma_wait3A_170, %dma_wait3A_171] : memref<100000x64xf32, #tpu.memory_space<hbm>> -> memref<100000x64xf32, #tpu.memory_space<hbm>>
      tpu.wait_indirect_dma semaphore(%arg9 : memref<!tpu.dma_semaphore, #tpu.memory_space<semaphore_mem>>) src(%dma_wait3A_172 : memref<100000x64xf32, #tpu.memory_space<hbm>>) dst(%dma_wait3A_167 : memref<128x64xf32, #tpu.memory_space<vmem>>)
      %dma_wait3A_173 = arith.constant 768 : i32
      %dma_wait3A_174 = arith.constant 0 : i32
      %dma_wait3A_175 = tpu.memref_slice %arg6[%dma_wait3A_173, %dma_wait3A_174] : memref<800x64xf32, #tpu.memory_space<vmem>> -> memref<32x64xf32, #tpu.memory_space<vmem>>
      %dma_wait3A_176 = arith.constant 768 : i32
      %dma_wait3A_177 = tpu.memref_slice %arg5[%dma_wait3A_176] : memref<6400xi32, #tpu.memory_space<vmem>> -> memref<32xi32, #tpu.memory_space<vmem>>
      %dma_wait3A_178 = arith.constant 0 : i32
      %dma_wait3A_179 = arith.constant 0 : i32
      %dma_wait3A_180 = tpu.memref_slice %arg2[%dma_wait3A_178, %dma_wait3A_179] : memref<100000x64xf32, #tpu.memory_space<hbm>> -> memref<100000x64xf32, #tpu.memory_space<hbm>>
      tpu.wait_indirect_dma semaphore(%arg9 : memref<!tpu.dma_semaphore, #tpu.memory_space<semaphore_mem>>) src(%dma_wait3A_180 : memref<100000x64xf32, #tpu.memory_space<hbm>>) dst(%dma_wait3A_175 : memref<32x64xf32, #tpu.memory_space<vmem>>)
      %add3A_181 = arith.constant 0 : i32
      %add3A_182 = arith.addi %mul3A_125, %add3A_181 : i32
      %scan3A_183 = arith.constant 0 : i32
      %scan3A_184 = arith.constant 0 : i32
      %scan3A_185 = arith.constant 16 : i32
      %scan3A_186 = arith.addi %scan3A_184, %scan3A_185 : i32
      %scan3A_187 = arith.constant 1 : i32
      %scan3A_188 = scf.for %scan3A_271 = %scan3A_184 to %scan3A_186 step %scan3A_187 iter_args(%scan3A_272 = %scan3A_183) -> (i32)  : i32 {
        %mul3A_273 = arith.constant 50 : i32
        %mul3A_274 = arith.muli %scan3A_271, %mul3A_273 : i32
        %get3A = arith.index_cast %mul3A_274 : i32 to index
        %get3A_275 = arith.constant 0 : index
        %get3A_276 = tpu.vector_load %arg6[%get3A, %get3A_275] {strides = array<i32>} : memref<800x64xf32, #tpu.memory_space<vmem>>, vector<1x16xf32>,
        %get3A_277 = vector.shape_cast %get3A_276 : vector<1x16xf32> to vector<16xf32>
        %get3A_278 = arith.index_cast %mul3A_274 : i32 to index
        %get3A_279 = arith.constant 16 : index
        %get3A_280 = tpu.vector_load %arg6[%get3A_278, %get3A_279] {strides = array<i32>} : memref<800x64xf32, #tpu.memory_space<vmem>>, vector<1x16xf32>,
        %get3A_281 = vector.shape_cast %get3A_280 : vector<1x16xf32> to vector<16xf32>
        %get3A_282 = arith.index_cast %mul3A_274 : i32 to index
        %get3A_283 = arith.constant 32 : index
        %get3A_284 = tpu.vector_load %arg6[%get3A_282, %get3A_283] {strides = array<i32>} : memref<800x64xf32, #tpu.memory_space<vmem>>, vector<1x16xf32>,
        %get3A_285 = vector.shape_cast %get3A_284 : vector<1x16xf32> to vector<16xf32>
        %get3A_286 = arith.index_cast %mul3A_274 : i32 to index
        %get3A_287 = arith.constant 48 : index
        %get3A_288 = tpu.vector_load %arg6[%get3A_286, %get3A_287] {strides = array<i32>} : memref<800x64xf32, #tpu.memory_space<vmem>>, vector<1x16xf32>,
        %get3A_289 = vector.shape_cast %get3A_288 : vector<1x16xf32> to vector<16xf32>
        %add3A_290 = arith.constant 1 : i32
        %add3A_291 = arith.addi %mul3A_274, %add3A_290 : i32
        %get3A_292 = arith.index_cast %add3A_291 : i32 to index
        %get3A_293 = arith.constant 0 : index
        %get3A_294 = tpu.vector_load %arg6[%get3A_292, %get3A_293] {strides = array<i32>} : memref<800x64xf32, #tpu.memory_space<vmem>>, vector<1x16xf32>,
        %get3A_295 = vector.shape_cast %get3A_294 : vector<1x16xf32> to vector<16xf32>
        %add3A_296 = arith.constant 1 : i32
        %add3A_297 = arith.addi %mul3A_274, %add3A_296 : i32
        %get3A_298 = arith.index_cast %add3A_297 : i32 to index
        %get3A_299 = arith.constant 16 : index
        %get3A_300 = tpu.vector_load %arg6[%get3A_298, %get3A_299] {strides = array<i32>} : memref<800x64xf32, #tpu.memory_space<vmem>>, vector<1x16xf32>,
        %get3A_301 = vector.shape_cast %get3A_300 : vector<1x16xf32> to vector<16xf32>
        %add3A_302 = arith.constant 1 : i32
        %add3A_303 = arith.addi %mul3A_274, %add3A_302 : i32
        %get3A_304 = arith.index_cast %add3A_303 : i32 to index
        %get3A_305 = arith.constant 32 : index
        %get3A_306 = tpu.vector_load %arg6[%get3A_304, %get3A_305] {strides = array<i32>} : memref<800x64xf32, #tpu.memory_space<vmem>>, vector<1x16xf32>,
        %get3A_307 = vector.shape_cast %get3A_306 : vector<1x16xf32> to vector<16xf32>
        %add3A_308 = arith.constant 1 : i32
        %add3A_309 = arith.addi %mul3A_274, %add3A_308 : i32
        %get3A_310 = arith.index_cast %add3A_309 : i32 to index
        %get3A_311 = arith.constant 48 : index
        %get3A_312 = tpu.vector_load %arg6[%get3A_310, %get3A_311] {strides = array<i32>} : memref<800x64xf32, #tpu.memory_space<vmem>>, vector<1x16xf32>,
        %get3A_313 = vector.shape_cast %get3A_312 : vector<1x16xf32> to vector<16xf32>
        %add3A_314 = arith.constant 2 : i32
        %add3A_315 = arith.addi %mul3A_274, %add3A_314 : i32
        %get3A_316 = arith.index_cast %add3A_315 : i32 to index
        %get3A_317 = arith.constant 0 : index
        %get3A_318 = tpu.vector_load %arg6[%get3A_316, %get3A_317] {strides = array<i32>} : memref<800x64xf32, #tpu.memory_space<vmem>>, vector<1x16xf32>,
        %get3A_319 = vector.shape_cast %get3A_318 : vector<1x16xf32> to vector<16xf32>
        %add3A_320 = arith.addf %get3A_277, %get3A_319 : vector<16xf32>
        %add3A_321 = arith.constant 2 : i32
        %add3A_322 = arith.addi %mul3A_274, %add3A_321 : i32
        %get3A_323 = arith.index_cast %add3A_322 : i32 to index
        %get3A_324 = arith.constant 16 : index
        %get3A_325 = tpu.vector_load %arg6[%get3A_323, %get3A_324] {strides = array<i32>} : memref<800x64xf32, #tpu.memory_space<vmem>>, vector<1x16xf32>,
        %get3A_326 = vector.shape_cast %get3A_325 : vector<1x16xf32> to vector<16xf32>
        %add3A_327 = arith.addf %get3A_281, %get3A_326 : vector<16xf32>
        %add3A_328 = arith.constant 2 : i32
        %add3A_329 = arith.addi %mul3A_274, %add3A_328 : i32
        %get3A_330 = arith.index_cast %add3A_329 : i32 to index
        %get3A_331 = arith.constant 32 : index
        %get3A_332 = tpu.vector_load %arg6[%get3A_330, %get3A_331] {strides = array<i32>} : memref<800x64xf32, #tpu.memory_space<vmem>>, vector<1x16xf32>,
        %get3A_333 = vector.shape_cast %get3A_332 : vector<1x16xf32> to vector<16xf32>
        %add3A_334 = arith.addf %get3A_285, %get3A_333 : vector<16xf32>
        %add3A_335 = arith.constant 2 : i32
        %add3A_336 = arith.addi %mul3A_274, %add3A_335 : i32
        %get3A_337 = arith.index_cast %add3A_336 : i32 to index
        %get3A_338 = arith.constant 48 : index
        %get3A_339 = tpu.vector_load %arg6[%get3A_337, %get3A_338] {strides = array<i32>} : memref<800x64xf32, #tpu.memory_space<vmem>>, vector<1x16xf32>,
        %get3A_340 = vector.shape_cast %get3A_339 : vector<1x16xf32> to vector<16xf32>
        %add3A_341 = arith.addf %get3A_289, %get3A_340 : vector<16xf32>
        %add3A_342 = arith.constant 2 : i32
        %add3A_343 = arith.addi %mul3A_274, %add3A_342 : i32
        %add3A_344 = arith.constant 1 : i32
        %add3A_345 = arith.addi %add3A_343, %add3A_344 : i32
        %get3A_346 = arith.index_cast %add3A_345 : i32 to index
        %get3A_347 = arith.constant 0 : index
        %get3A_348 = tpu.vector_load %arg6[%get3A_346, %get3A_347] {strides = array<i32>} : memref<800x64xf32, #tpu.memory_space<vmem>>, vector<1x16xf32>,
        %get3A_349 = vector.shape_cast %get3A_348 : vector<1x16xf32> to vector<16xf32>
        %add3A_350 = arith.addf %get3A_295, %get3A_349 : vector<16xf32>
        %add3A_351 = arith.constant 2 : i32
        %add3A_352 = arith.addi %mul3A_274, %add3A_351 : i32
        %add3A_353 = arith.constant 1 : i32
        %add3A_354 = arith.addi %add3A_352, %add3A_353 : i32
        %get3A_355 = arith.index_cast %add3A_354 : i32 to index
        %get3A_356 = arith.constant 16 : index
        %get3A_357 = tpu.vector_load %arg6[%get3A_355, %get3A_356] {strides = array<i32>} : memref<800x64xf32, #tpu.memory_space<vmem>>, vector<1x16xf32>,
        %get3A_358 = vector.shape_cast %get3A_357 : vector<1x16xf32> to vector<16xf32>
        %add3A_359 = arith.addf %get3A_301, %get3A_358 : vector<16xf32>
        %add3A_360 = arith.constant 2 : i32
        %add3A_361 = arith.addi %mul3A_274, %add3A_360 : i32
        %add3A_362 = arith.constant 1 : i32
        %add3A_363 = arith.addi %add3A_361, %add3A_362 : i32
        %get3A_364 = arith.index_cast %add3A_363 : i32 to index
        %get3A_365 = arith.constant 32 : index
        %get3A_366 = tpu.vector_load %arg6[%get3A_364, %get3A_365] {strides = array<i32>} : memref<800x64xf32, #tpu.memory_space<vmem>>, vector<1x16xf32>,
        %get3A_367 = vector.shape_cast %get3A_366 : vector<1x16xf32> to vector<16xf32>
        %add3A_368 = arith.addf %get3A_307, %get3A_367 : vector<16xf32>
        %add3A_369 = arith.constant 2 : i32
        %add3A_370 = arith.addi %mul3A_274, %add3A_369 : i32
        %add3A_371 = arith.constant 1 : i32
        %add3A_372 = arith.addi %add3A_370, %add3A_371 : i32
        %get3A_373 = arith.index_cast %add3A_372 : i32 to index
        %get3A_374 = arith.constant 48 : index
        %get3A_375 = tpu.vector_load %arg6[%get3A_373, %get3A_374] {strides = array<i32>} : memref<800x64xf32, #tpu.memory_space<vmem>>, vector<1x16xf32>,
        %get3A_376 = vector.shape_cast %get3A_375 : vector<1x16xf32> to vector<16xf32>
        %add3A_377 = arith.addf %get3A_313, %get3A_376 : vector<16xf32>
        %add3A_378 = arith.constant 4 : i32
        %add3A_379 = arith.addi %mul3A_274, %add3A_378 : i32
        %get3A_380 = arith.index_cast %add3A_379 : i32 to index
        %get3A_381 = arith.constant 0 : index
        %get3A_382 = tpu.vector_load %arg6[%get3A_380, %get3A_381] {strides = array<i32>} : memref<800x64xf32, #tpu.memory_space<vmem>>, vector<1x16xf32>,
        %get3A_383 = vector.shape_cast %get3A_382 : vector<1x16xf32> to vector<16xf32>
        %add3A_384 = arith.addf %add3A_320, %get3A_383 : vector<16xf32>
        %add3A_385 = arith.constant 4 : i32
        %add3A_386 = arith.addi %mul3A_274, %add3A_385 : i32
        %get3A_387 = arith.index_cast %add3A_386 : i32 to index
        %get3A_388 = arith.constant 16 : index
        %get3A_389 = tpu.vector_load %arg6[%get3A_387, %get3A_388] {strides = array<i32>} : memref<800x64xf32, #tpu.memory_space<vmem>>, vector<1x16xf32>,
        %get3A_390 = vector.shape_cast %get3A_389 : vector<1x16xf32> to vector<16xf32>
        %add3A_391 = arith.addf %add3A_327, %get3A_390 : vector<16xf32>
        %add3A_392 = arith.constant 4 : i32
        %add3A_393 = arith.addi %mul3A_274, %add3A_392 : i32
        %get3A_394 = arith.index_cast %add3A_393 : i32 to index
        %get3A_395 = arith.constant 32 : index
        %get3A_396 = tpu.vector_load %arg6[%get3A_394, %get3A_395] {strides = array<i32>} : memref<800x64xf32, #tpu.memory_space<vmem>>, vector<1x16xf32>,
        %get3A_397 = vector.shape_cast %get3A_396 : vector<1x16xf32> to vector<16xf32>
        %add3A_398 = arith.addf %add3A_334, %get3A_397 : vector<16xf32>
        %add3A_399 = arith.constant 4 : i32
        %add3A_400 = arith.addi %mul3A_274, %add3A_399 : i32
        %get3A_401 = arith.index_cast %add3A_400 : i32 to index
        %get3A_402 = arith.constant 48 : index
        %get3A_403 = tpu.vector_load %arg6[%get3A_401, %get3A_402] {strides = array<i32>} : memref<800x64xf32, #tpu.memory_space<vmem>>, vector<1x16xf32>,
        %get3A_404 = vector.shape_cast %get3A_403 : vector<1x16xf32> to vector<16xf32>
        %add3A_405 = arith.addf %add3A_341, %get3A_404 : vector<16xf32>
        %add3A_406 = arith.constant 4 : i32
        %add3A_407 = arith.addi %mul3A_274, %add3A_406 : i32
        %add3A_408 = arith.constant 1 : i32
        %add3A_409 = arith.addi %add3A_407, %add3A_408 : i32
        %get3A_410 = arith.index_cast %add3A_409 : i32 to index
        %get3A_411 = arith.constant 0 : index
        %get3A_412 = tpu.vector_load %arg6[%get3A_410, %get3A_411] {strides = array<i32>} : memref<800x64xf32, #tpu.memory_space<vmem>>, vector<1x16xf32>,
        %get3A_413 = vector.shape_cast %get3A_412 : vector<1x16xf32> to vector<16xf32>
        %add3A_414 = arith.addf %add3A_350, %get3A_413 : vector<16xf32>
        %add3A_415 = arith.constant 4 : i32
        %add3A_416 = arith.addi %mul3A_274, %add3A_415 : i32
        %add3A_417 = arith.constant 1 : i32
        %add3A_418 = arith.addi %add3A_416, %add3A_417 : i32
        %get3A_419 = arith.index_cast %add3A_418 : i32 to index
        %get3A_420 = arith.constant 16 : index
        %get3A_421 = tpu.vector_load %arg6[%get3A_419, %get3A_420] {strides = array<i32>} : memref<800x64xf32, #tpu.memory_space<vmem>>, vector<1x16xf32>,
        %get3A_422 = vector.shape_cast %get3A_421 : vector<1x16xf32> to vector<16xf32>
        %add3A_423 = arith.addf %add3A_359, %get3A_422 : vector<16xf32>
        %add3A_424 = arith.constant 4 : i32
        %add3A_425 = arith.addi %mul3A_274, %add3A_424 : i32
        %add3A_426 = arith.constant 1 : i32
        %add3A_427 = arith.addi %add3A_425, %add3A_426 : i32
        %get3A_428 = arith.index_cast %add3A_427 : i32 to index
        %get3A_429 = arith.constant 32 : index
        %get3A_430 = tpu.vector_load %arg6[%get3A_428, %get3A_429] {strides = array<i32>} : memref<800x64xf32, #tpu.memory_space<vmem>>, vector<1x16xf32>,
        %get3A_431 = vector.shape_cast %get3A_430 : vector<1x16xf32> to vector<16xf32>
        %add3A_432 = arith.addf %add3A_368, %get3A_431 : vector<16xf32>
        %add3A_433 = arith.constant 4 : i32
        %add3A_434 = arith.addi %mul3A_274, %add3A_433 : i32
        %add3A_435 = arith.constant 1 : i32
        %add3A_436 = arith.addi %add3A_434, %add3A_435 : i32
        %get3A_437 = arith.index_cast %add3A_436 : i32 to index
        %get3A_438 = arith.constant 48 : index
        %get3A_439 = tpu.vector_load %arg6[%get3A_437, %get3A_438] {strides = array<i32>} : memref<800x64xf32, #tpu.memory_space<vmem>>, vector<1x16xf32>,
        %get3A_440 = vector.shape_cast %get3A_439 : vector<1x16xf32> to vector<16xf32>
        %add3A_441 = arith.addf %add3A_377, %get3A_440 : vector<16xf32>
        %add3A_442 = arith.constant 6 : i32
        %add3A_443 = arith.addi %mul3A_274, %add3A_442 : i32
        %get3A_444 = arith.index_cast %add3A_443 : i32 to index
        %get3A_445 = arith.constant 0 : index
        %get3A_446 = tpu.vector_load %arg6[%get3A_444, %get3A_445] {strides = array<i32>} : memref<800x64xf32, #tpu.memory_space<vmem>>, vector<1x16xf32>,
        %get3A_447 = vector.shape_cast %get3A_446 : vector<1x16xf32> to vector<16xf32>
        %add3A_448 = arith.addf %add3A_384, %get3A_447 : vector<16xf32>
        %add3A_449 = arith.constant 6 : i32
        %add3A_450 = arith.addi %mul3A_274, %add3A_449 : i32
        %get3A_451 = arith.index_cast %add3A_450 : i32 to index
        %get3A_452 = arith.constant 16 : index
        %get3A_453 = tpu.vector_load %arg6[%get3A_451, %get3A_452] {strides = array<i32>} : memref<800x64xf32, #tpu.memory_space<vmem>>, vector<1x16xf32>,
        %get3A_454 = vector.shape_cast %get3A_453 : vector<1x16xf32> to vector<16xf32>
        %add3A_455 = arith.addf %add3A_391, %get3A_454 : vector<16xf32>
        %add3A_456 = arith.constant 6 : i32
        %add3A_457 = arith.addi %mul3A_274, %add3A_456 : i32
        %get3A_458 = arith.index_cast %add3A_457 : i32 to index
        %get3A_459 = arith.constant 32 : index
        %get3A_460 = tpu.vector_load %arg6[%get3A_458, %get3A_459] {strides = array<i32>} : memref<800x64xf32, #tpu.memory_space<vmem>>, vector<1x16xf32>,
        %get3A_461 = vector.shape_cast %get3A_460 : vector<1x16xf32> to vector<16xf32>
        %add3A_462 = arith.addf %add3A_398, %get3A_461 : vector<16xf32>
        %add3A_463 = arith.constant 6 : i32
        %add3A_464 = arith.addi %mul3A_274, %add3A_463 : i32
        %get3A_465 = arith.index_cast %add3A_464 : i32 to index
        %get3A_466 = arith.constant 48 : index
        %get3A_467 = tpu.vector_load %arg6[%get3A_465, %get3A_466] {strides = array<i32>} : memref<800x64xf32, #tpu.memory_space<vmem>>, vector<1x16xf32>,
        %get3A_468 = vector.shape_cast %get3A_467 : vector<1x16xf32> to vector<16xf32>
        %add3A_469 = arith.addf %add3A_405, %get3A_468 : vector<16xf32>
        %add3A_470 = arith.constant 6 : i32
        %add3A_471 = arith.addi %mul3A_274, %add3A_470 : i32
        %add3A_472 = arith.constant 1 : i32
        %add3A_473 = arith.addi %add3A_471, %add3A_472 : i32
        %get3A_474 = arith.index_cast %add3A_473 : i32 to index
        %get3A_475 = arith.constant 0 : index
        %get3A_476 = tpu.vector_load %arg6[%get3A_474, %get3A_475] {strides = array<i32>} : memref<800x64xf32, #tpu.memory_space<vmem>>, vector<1x16xf32>,
        %get3A_477 = vector.shape_cast %get3A_476 : vector<1x16xf32> to vector<16xf32>
        %add3A_478 = arith.addf %add3A_414, %get3A_477 : vector<16xf32>
        %add3A_479 = arith.constant 6 : i32
        %add3A_480 = arith.addi %mul3A_274, %add3A_479 : i32
        %add3A_481 = arith.constant 1 : i32
        %add3A_482 = arith.addi %add3A_480, %add3A_481 : i32
        %get3A_483 = arith.index_cast %add3A_482 : i32 to index
        %get3A_484 = arith.constant 16 : index
        %get3A_485 = tpu.vector_load %arg6[%get3A_483, %get3A_484] {strides = array<i32>} : memref<800x64xf32, #tpu.memory_space<vmem>>, vector<1x16xf32>,
        %get3A_486 = vector.shape_cast %get3A_485 : vector<1x16xf32> to vector<16xf32>
        %add3A_487 = arith.addf %add3A_423, %get3A_486 : vector<16xf32>
        %add3A_488 = arith.constant 6 : i32
        %add3A_489 = arith.addi %mul3A_274, %add3A_488 : i32
        %add3A_490 = arith.constant 1 : i32
        %add3A_491 = arith.addi %add3A_489, %add3A_490 : i32
        %get3A_492 = arith.index_cast %add3A_491 : i32 to index
        %get3A_493 = arith.constant 32 : index
        %get3A_494 = tpu.vector_load %arg6[%get3A_492, %get3A_493] {strides = array<i32>} : memref<800x64xf32, #tpu.memory_space<vmem>>, vector<1x16xf32>,
        %get3A_495 = vector.shape_cast %get3A_494 : vector<1x16xf32> to vector<16xf32>
        %add3A_496 = arith.addf %add3A_432, %get3A_495 : vector<16xf32>
        %add3A_497 = arith.constant 6 : i32
        %add3A_498 = arith.addi %mul3A_274, %add3A_497 : i32
        %add3A_499 = arith.constant 1 : i32
        %add3A_500 = arith.addi %add3A_498, %add3A_499 : i32
        %get3A_501 = arith.index_cast %add3A_500 : i32 to index
        %get3A_502 = arith.constant 48 : index
        %get3A_503 = tpu.vector_load %arg6[%get3A_501, %get3A_502] {strides = array<i32>} : memref<800x64xf32, #tpu.memory_space<vmem>>, vector<1x16xf32>,
        %get3A_504 = vector.shape_cast %get3A_503 : vector<1x16xf32> to vector<16xf32>
        %add3A_505 = arith.addf %add3A_441, %get3A_504 : vector<16xf32>
        %add3A_506 = arith.constant 8 : i32
        %add3A_507 = arith.addi %mul3A_274, %add3A_506 : i32
        %get3A_508 = arith.index_cast %add3A_507 : i32 to index
        %get3A_509 = arith.constant 0 : index
        %get3A_510 = tpu.vector_load %arg6[%get3A_508, %get3A_509] {strides = array<i32>} : memref<800x64xf32, #tpu.memory_space<vmem>>, vector<1x16xf32>,
        %get3A_511 = vector.shape_cast %get3A_510 : vector<1x16xf32> to vector<16xf32>
        %add3A_512 = arith.addf %add3A_448, %get3A_511 : vector<16xf32>
        %add3A_513 = arith.constant 8 : i32
        %add3A_514 = arith.addi %mul3A_274, %add3A_513 : i32
        %get3A_515 = arith.index_cast %add3A_514 : i32 to index
        %get3A_516 = arith.constant 16 : index
        %get3A_517 = tpu.vector_load %arg6[%get3A_515, %get3A_516] {strides = array<i32>} : memref<800x64xf32, #tpu.memory_space<vmem>>, vector<1x16xf32>,
        %get3A_518 = vector.shape_cast %get3A_517 : vector<1x16xf32> to vector<16xf32>
        %add3A_519 = arith.addf %add3A_455, %get3A_518 : vector<16xf32>
        %add3A_520 = arith.constant 8 : i32
        %add3A_521 = arith.addi %mul3A_274, %add3A_520 : i32
        %get3A_522 = arith.index_cast %add3A_521 : i32 to index
        %get3A_523 = arith.constant 32 : index
        %get3A_524 = tpu.vector_load %arg6[%get3A_522, %get3A_523] {strides = array<i32>} : memref<800x64xf32, #tpu.memory_space<vmem>>, vector<1x16xf32>,
        %get3A_525 = vector.shape_cast %get3A_524 : vector<1x16xf32> to vector<16xf32>
        %add3A_526 = arith.addf %add3A_462, %get3A_525 : vector<16xf32>
        %add3A_527 = arith.constant 8 : i32
        %add3A_528 = arith.addi %mul3A_274, %add3A_527 : i32
        %get3A_529 = arith.index_cast %add3A_528 : i32 to index
        %get3A_530 = arith.constant 48 : index
        %get3A_531 = tpu.vector_load %arg6[%get3A_529, %get3A_530] {strides = array<i32>} : memref<800x64xf32, #tpu.memory_space<vmem>>, vector<1x16xf32>,
        %get3A_532 = vector.shape_cast %get3A_531 : vector<1x16xf32> to vector<16xf32>
        %add3A_533 = arith.addf %add3A_469, %get3A_532 : vector<16xf32>
        %add3A_534 = arith.constant 8 : i32
        %add3A_535 = arith.addi %mul3A_274, %add3A_534 : i32
        %add3A_536 = arith.constant 1 : i32
        %add3A_537 = arith.addi %add3A_535, %add3A_536 : i32
        %get3A_538 = arith.index_cast %add3A_537 : i32 to index
        %get3A_539 = arith.constant 0 : index
        %get3A_540 = tpu.vector_load %arg6[%get3A_538, %get3A_539] {strides = array<i32>} : memref<800x64xf32, #tpu.memory_space<vmem>>, vector<1x16xf32>,
        %get3A_541 = vector.shape_cast %get3A_540 : vector<1x16xf32> to vector<16xf32>
        %add3A_542 = arith.addf %add3A_478, %get3A_541 : vector<16xf32>
        %add3A_543 = arith.constant 8 : i32
        %add3A_544 = arith.addi %mul3A_274, %add3A_543 : i32
        %add3A_545 = arith.constant 1 : i32
        %add3A_546 = arith.addi %add3A_544, %add3A_545 : i32
        %get3A_547 = arith.index_cast %add3A_546 : i32 to index
        %get3A_548 = arith.constant 16 : index
        %get3A_549 = tpu.vector_load %arg6[%get3A_547, %get3A_548] {strides = array<i32>} : memref<800x64xf32, #tpu.memory_space<vmem>>, vector<1x16xf32>,
        %get3A_550 = vector.shape_cast %get3A_549 : vector<1x16xf32> to vector<16xf32>
        %add3A_551 = arith.addf %add3A_487, %get3A_550 : vector<16xf32>
        %add3A_552 = arith.constant 8 : i32
        %add3A_553 = arith.addi %mul3A_274, %add3A_552 : i32
        %add3A_554 = arith.constant 1 : i32
        %add3A_555 = arith.addi %add3A_553, %add3A_554 : i32
        %get3A_556 = arith.index_cast %add3A_555 : i32 to index
        %get3A_557 = arith.constant 32 : index
        %get3A_558 = tpu.vector_load %arg6[%get3A_556, %get3A_557] {strides = array<i32>} : memref<800x64xf32, #tpu.memory_space<vmem>>, vector<1x16xf32>,
        %get3A_559 = vector.shape_cast %get3A_558 : vector<1x16xf32> to vector<16xf32>
        %add3A_560 = arith.addf %add3A_496, %get3A_559 : vector<16xf32>
        %add3A_561 = arith.constant 8 : i32
        %add3A_562 = arith.addi %mul3A_274, %add3A_561 : i32
        %add3A_563 = arith.constant 1 : i32
        %add3A_564 = arith.addi %add3A_562, %add3A_563 : i32
        %get3A_565 = arith.index_cast %add3A_564 : i32 to index
        %get3A_566 = arith.constant 48 : index
        %get3A_567 = tpu.vector_load %arg6[%get3A_565, %get3A_566] {strides = array<i32>} : memref<800x64xf32, #tpu.memory_space<vmem>>, vector<1x16xf32>,
        %get3A_568 = vector.shape_cast %get3A_567 : vector<1x16xf32> to vector<16xf32>
        %add3A_569 = arith.addf %add3A_505, %get3A_568 : vector<16xf32>
        %add3A_570 = arith.constant 10 : i32
        %add3A_571 = arith.addi %mul3A_274, %add3A_570 : i32
        %get3A_572 = arith.index_cast %add3A_571 : i32 to index
        %get3A_573 = arith.constant 0 : index
        %get3A_574 = tpu.vector_load %arg6[%get3A_572, %get3A_573] {strides = array<i32>} : memref<800x64xf32, #tpu.memory_space<vmem>>, vector<1x16xf32>,
        %get3A_575 = vector.shape_cast %get3A_574 : vector<1x16xf32> to vector<16xf32>
        %add3A_576 = arith.addf %add3A_512, %get3A_575 : vector<16xf32>
        %add3A_577 = arith.constant 10 : i32
        %add3A_578 = arith.addi %mul3A_274, %add3A_577 : i32
        %get3A_579 = arith.index_cast %add3A_578 : i32 to index
        %get3A_580 = arith.constant 16 : index
        %get3A_581 = tpu.vector_load %arg6[%get3A_579, %get3A_580] {strides = array<i32>} : memref<800x64xf32, #tpu.memory_space<vmem>>, vector<1x16xf32>,
        %get3A_582 = vector.shape_cast %get3A_581 : vector<1x16xf32> to vector<16xf32>
        %add3A_583 = arith.addf %add3A_519, %get3A_582 : vector<16xf32>
        %add3A_584 = arith.constant 10 : i32
        %add3A_585 = arith.addi %mul3A_274, %add3A_584 : i32
        %get3A_586 = arith.index_cast %add3A_585 : i32 to index
        %get3A_587 = arith.constant 32 : index
        %get3A_588 = tpu.vector_load %arg6[%get3A_586, %get3A_587] {strides = array<i32>} : memref<800x64xf32, #tpu.memory_space<vmem>>, vector<1x16xf32>,
        %get3A_589 = vector.shape_cast %get3A_588 : vector<1x16xf32> to vector<16xf32>
        %add3A_590 = arith.addf %add3A_526, %get3A_589 : vector<16xf32>
        %add3A_591 = arith.constant 10 : i32
        %add3A_592 = arith.addi %mul3A_274, %add3A_591 : i32
        %get3A_593 = arith.index_cast %add3A_592 : i32 to index
        %get3A_594 = arith.constant 48 : index
        %get3A_595 = tpu.vector_load %arg6[%get3A_593, %get3A_594] {strides = array<i32>} : memref<800x64xf32, #tpu.memory_space<vmem>>, vector<1x16xf32>,
        %get3A_596 = vector.shape_cast %get3A_595 : vector<1x16xf32> to vector<16xf32>
        %add3A_597 = arith.addf %add3A_533, %get3A_596 : vector<16xf32>
        %add3A_598 = arith.constant 10 : i32
        %add3A_599 = arith.addi %mul3A_274, %add3A_598 : i32
        %add3A_600 = arith.constant 1 : i32
        %add3A_601 = arith.addi %add3A_599, %add3A_600 : i32
        %get3A_602 = arith.index_cast %add3A_601 : i32 to index
        %get3A_603 = arith.constant 0 : index
        %get3A_604 = tpu.vector_load %arg6[%get3A_602, %get3A_603] {strides = array<i32>} : memref<800x64xf32, #tpu.memory_space<vmem>>, vector<1x16xf32>,
        %get3A_605 = vector.shape_cast %get3A_604 : vector<1x16xf32> to vector<16xf32>
        %add3A_606 = arith.addf %add3A_542, %get3A_605 : vector<16xf32>
        %add3A_607 = arith.constant 10 : i32
        %add3A_608 = arith.addi %mul3A_274, %add3A_607 : i32
        %add3A_609 = arith.constant 1 : i32
        %add3A_610 = arith.addi %add3A_608, %add3A_609 : i32
        %get3A_611 = arith.index_cast %add3A_610 : i32 to index
        %get3A_612 = arith.constant 16 : index
        %get3A_613 = tpu.vector_load %arg6[%get3A_611, %get3A_612] {strides = array<i32>} : memref<800x64xf32, #tpu.memory_space<vmem>>, vector<1x16xf32>,
        %get3A_614 = vector.shape_cast %get3A_613 : vector<1x16xf32> to vector<16xf32>
        %add3A_615 = arith.addf %add3A_551, %get3A_614 : vector<16xf32>
        %add3A_616 = arith.constant 10 : i32
        %add3A_617 = arith.addi %mul3A_274, %add3A_616 : i32
        %add3A_618 = arith.constant 1 : i32
        %add3A_619 = arith.addi %add3A_617, %add3A_618 : i32
        %get3A_620 = arith.index_cast %add3A_619 : i32 to index
        %get3A_621 = arith.constant 32 : index
        %get3A_622 = tpu.vector_load %arg6[%get3A_620, %get3A_621] {strides = array<i32>} : memref<800x64xf32, #tpu.memory_space<vmem>>, vector<1x16xf32>,
        %get3A_623 = vector.shape_cast %get3A_622 : vector<1x16xf32> to vector<16xf32>
        %add3A_624 = arith.addf %add3A_560, %get3A_623 : vector<16xf32>
        %add3A_625 = arith.constant 10 : i32
        %add3A_626 = arith.addi %mul3A_274, %add3A_625 : i32
        %add3A_627 = arith.constant 1 : i32
        %add3A_628 = arith.addi %add3A_626, %add3A_627 : i32
        %get3A_629 = arith.index_cast %add3A_628 : i32 to index
        %get3A_630 = arith.constant 48 : index
        %get3A_631 = tpu.vector_load %arg6[%get3A_629, %get3A_630] {strides = array<i32>} : memref<800x64xf32, #tpu.memory_space<vmem>>, vector<1x16xf32>,
        %get3A_632 = vector.shape_cast %get3A_631 : vector<1x16xf32> to vector<16xf32>
        %add3A_633 = arith.addf %add3A_569, %get3A_632 : vector<16xf32>
        %add3A_634 = arith.constant 12 : i32
        %add3A_635 = arith.addi %mul3A_274, %add3A_634 : i32
        %get3A_636 = arith.index_cast %add3A_635 : i32 to index
        %get3A_637 = arith.constant 0 : index
        %get3A_638 = tpu.vector_load %arg6[%get3A_636, %get3A_637] {strides = array<i32>} : memref<800x64xf32, #tpu.memory_space<vmem>>, vector<1x16xf32>,
        %get3A_639 = vector.shape_cast %get3A_638 : vector<1x16xf32> to vector<16xf32>
        %add3A_640 = arith.addf %add3A_576, %get3A_639 : vector<16xf32>
        %add3A_641 = arith.constant 12 : i32
        %add3A_642 = arith.addi %mul3A_274, %add3A_641 : i32
        %get3A_643 = arith.index_cast %add3A_642 : i32 to index
        %get3A_644 = arith.constant 16 : index
        %get3A_645 = tpu.vector_load %arg6[%get3A_643, %get3A_644] {strides = array<i32>} : memref<800x64xf32, #tpu.memory_space<vmem>>, vector<1x16xf32>,
        %get3A_646 = vector.shape_cast %get3A_645 : vector<1x16xf32> to vector<16xf32>
        %add3A_647 = arith.addf %add3A_583, %get3A_646 : vector<16xf32>
        %add3A_648 = arith.constant 12 : i32
        %add3A_649 = arith.addi %mul3A_274, %add3A_648 : i32
        %get3A_650 = arith.index_cast %add3A_649 : i32 to index
        %get3A_651 = arith.constant 32 : index
        %get3A_652 = tpu.vector_load %arg6[%get3A_650, %get3A_651] {strides = array<i32>} : memref<800x64xf32, #tpu.memory_space<vmem>>, vector<1x16xf32>,
        %get3A_653 = vector.shape_cast %get3A_652 : vector<1x16xf32> to vector<16xf32>
        %add3A_654 = arith.addf %add3A_590, %get3A_653 : vector<16xf32>
        %add3A_655 = arith.constant 12 : i32
        %add3A_656 = arith.addi %mul3A_274, %add3A_655 : i32
        %get3A_657 = arith.index_cast %add3A_656 : i32 to index
        %get3A_658 = arith.constant 48 : index
        %get3A_659 = tpu.vector_load %arg6[%get3A_657, %get3A_658] {strides = array<i32>} : memref<800x64xf32, #tpu.memory_space<vmem>>, vector<1x16xf32>,
        %get3A_660 = vector.shape_cast %get3A_659 : vector<1x16xf32> to vector<16xf32>
        %add3A_661 = arith.addf %add3A_597, %get3A_660 : vector<16xf32>
        %add3A_662 = arith.constant 12 : i32
        %add3A_663 = arith.addi %mul3A_274, %add3A_662 : i32
        %add3A_664 = arith.constant 1 : i32
        %add3A_665 = arith.addi %add3A_663, %add3A_664 : i32
        %get3A_666 = arith.index_cast %add3A_665 : i32 to index
        %get3A_667 = arith.constant 0 : index
        %get3A_668 = tpu.vector_load %arg6[%get3A_666, %get3A_667] {strides = array<i32>} : memref<800x64xf32, #tpu.memory_space<vmem>>, vector<1x16xf32>,
        %get3A_669 = vector.shape_cast %get3A_668 : vector<1x16xf32> to vector<16xf32>
        %add3A_670 = arith.addf %add3A_606, %get3A_669 : vector<16xf32>
        %add3A_671 = arith.constant 12 : i32
        %add3A_672 = arith.addi %mul3A_274, %add3A_671 : i32
        %add3A_673 = arith.constant 1 : i32
        %add3A_674 = arith.addi %add3A_672, %add3A_673 : i32
        %get3A_675 = arith.index_cast %add3A_674 : i32 to index
        %get3A_676 = arith.constant 16 : index
        %get3A_677 = tpu.vector_load %arg6[%get3A_675, %get3A_676] {strides = array<i32>} : memref<800x64xf32, #tpu.memory_space<vmem>>, vector<1x16xf32>,
        %get3A_678 = vector.shape_cast %get3A_677 : vector<1x16xf32> to vector<16xf32>
        %add3A_679 = arith.addf %add3A_615, %get3A_678 : vector<16xf32>
        %add3A_680 = arith.constant 12 : i32
        %add3A_681 = arith.addi %mul3A_274, %add3A_680 : i32
        %add3A_682 = arith.constant 1 : i32
        %add3A_683 = arith.addi %add3A_681, %add3A_682 : i32
        %get3A_684 = arith.index_cast %add3A_683 : i32 to index
        %get3A_685 = arith.constant 32 : index
        %get3A_686 = tpu.vector_load %arg6[%get3A_684, %get3A_685] {strides = array<i32>} : memref<800x64xf32, #tpu.memory_space<vmem>>, vector<1x16xf32>,
        %get3A_687 = vector.shape_cast %get3A_686 : vector<1x16xf32> to vector<16xf32>
        %add3A_688 = arith.addf %add3A_624, %get3A_687 : vector<16xf32>
        %add3A_689 = arith.constant 12 : i32
        %add3A_690 = arith.addi %mul3A_274, %add3A_689 : i32
        %add3A_691 = arith.constant 1 : i32
        %add3A_692 = arith.addi %add3A_690, %add3A_691 : i32
        %get3A_693 = arith.index_cast %add3A_692 : i32 to index
        %get3A_694 = arith.constant 48 : index
        %get3A_695 = tpu.vector_load %arg6[%get3A_693, %get3A_694] {strides = array<i32>} : memref<800x64xf32, #tpu.memory_space<vmem>>, vector<1x16xf32>,
        %get3A_696 = vector.shape_cast %get3A_695 : vector<1x16xf32> to vector<16xf32>
        %add3A_697 = arith.addf %add3A_633, %get3A_696 : vector<16xf32>
        %add3A_698 = arith.constant 14 : i32
        %add3A_699 = arith.addi %mul3A_274, %add3A_698 : i32
        %get3A_700 = arith.index_cast %add3A_699 : i32 to index
        %get3A_701 = arith.constant 0 : index
        %get3A_702 = tpu.vector_load %arg6[%get3A_700, %get3A_701] {strides = array<i32>} : memref<800x64xf32, #tpu.memory_space<vmem>>, vector<1x16xf32>,
        %get3A_703 = vector.shape_cast %get3A_702 : vector<1x16xf32> to vector<16xf32>
        %add3A_704 = arith.addf %add3A_640, %get3A_703 : vector<16xf32>
        %add3A_705 = arith.constant 14 : i32
        %add3A_706 = arith.addi %mul3A_274, %add3A_705 : i32
        %get3A_707 = arith.index_cast %add3A_706 : i32 to index
        %get3A_708 = arith.constant 16 : index
        %get3A_709 = tpu.vector_load %arg6[%get3A_707, %get3A_708] {strides = array<i32>} : memref<800x64xf32, #tpu.memory_space<vmem>>, vector<1x16xf32>,
        %get3A_710 = vector.shape_cast %get3A_709 : vector<1x16xf32> to vector<16xf32>
        %add3A_711 = arith.addf %add3A_647, %get3A_710 : vector<16xf32>
        %add3A_712 = arith.constant 14 : i32
        %add3A_713 = arith.addi %mul3A_274, %add3A_712 : i32
        %get3A_714 = arith.index_cast %add3A_713 : i32 to index
        %get3A_715 = arith.constant 32 : index
        %get3A_716 = tpu.vector_load %arg6[%get3A_714, %get3A_715] {strides = array<i32>} : memref<800x64xf32, #tpu.memory_space<vmem>>, vector<1x16xf32>,
        %get3A_717 = vector.shape_cast %get3A_716 : vector<1x16xf32> to vector<16xf32>
        %add3A_718 = arith.addf %add3A_654, %get3A_717 : vector<16xf32>
        %add3A_719 = arith.constant 14 : i32
        %add3A_720 = arith.addi %mul3A_274, %add3A_719 : i32
        %get3A_721 = arith.index_cast %add3A_720 : i32 to index
        %get3A_722 = arith.constant 48 : index
        %get3A_723 = tpu.vector_load %arg6[%get3A_721, %get3A_722] {strides = array<i32>} : memref<800x64xf32, #tpu.memory_space<vmem>>, vector<1x16xf32>,
        %get3A_724 = vector.shape_cast %get3A_723 : vector<1x16xf32> to vector<16xf32>
        %add3A_725 = arith.addf %add3A_661, %get3A_724 : vector<16xf32>
        %add3A_726 = arith.constant 14 : i32
        %add3A_727 = arith.addi %mul3A_274, %add3A_726 : i32
        %add3A_728 = arith.constant 1 : i32
        %add3A_729 = arith.addi %add3A_727, %add3A_728 : i32
        %get3A_730 = arith.index_cast %add3A_729 : i32 to index
        %get3A_731 = arith.constant 0 : index
        %get3A_732 = tpu.vector_load %arg6[%get3A_730, %get3A_731] {strides = array<i32>} : memref<800x64xf32, #tpu.memory_space<vmem>>, vector<1x16xf32>,
        %get3A_733 = vector.shape_cast %get3A_732 : vector<1x16xf32> to vector<16xf32>
        %add3A_734 = arith.addf %add3A_670, %get3A_733 : vector<16xf32>
        %add3A_735 = arith.constant 14 : i32
        %add3A_736 = arith.addi %mul3A_274, %add3A_735 : i32
        %add3A_737 = arith.constant 1 : i32
        %add3A_738 = arith.addi %add3A_736, %add3A_737 : i32
        %get3A_739 = arith.index_cast %add3A_738 : i32 to index
        %get3A_740 = arith.constant 16 : index
        %get3A_741 = tpu.vector_load %arg6[%get3A_739, %get3A_740] {strides = array<i32>} : memref<800x64xf32, #tpu.memory_space<vmem>>, vector<1x16xf32>,
        %get3A_742 = vector.shape_cast %get3A_741 : vector<1x16xf32> to vector<16xf32>
        %add3A_743 = arith.addf %add3A_679, %get3A_742 : vector<16xf32>
        %add3A_744 = arith.constant 14 : i32
        %add3A_745 = arith.addi %mul3A_274, %add3A_744 : i32
        %add3A_746 = arith.constant 1 : i32
        %add3A_747 = arith.addi %add3A_745, %add3A_746 : i32
        %get3A_748 = arith.index_cast %add3A_747 : i32 to index
        %get3A_749 = arith.constant 32 : index
        %get3A_750 = tpu.vector_load %arg6[%get3A_748, %get3A_749] {strides = array<i32>} : memref<800x64xf32, #tpu.memory_space<vmem>>, vector<1x16xf32>,
        %get3A_751 = vector.shape_cast %get3A_750 : vector<1x16xf32> to vector<16xf32>
        %add3A_752 = arith.addf %add3A_688, %get3A_751 : vector<16xf32>
        %add3A_753 = arith.constant 14 : i32
        %add3A_754 = arith.addi %mul3A_274, %add3A_753 : i32
        %add3A_755 = arith.constant 1 : i32
        %add3A_756 = arith.addi %add3A_754, %add3A_755 : i32
        %get3A_757 = arith.index_cast %add3A_756 : i32 to index
        %get3A_758 = arith.constant 48 : index
        %get3A_759 = tpu.vector_load %arg6[%get3A_757, %get3A_758] {strides = array<i32>} : memref<800x64xf32, #tpu.memory_space<vmem>>, vector<1x16xf32>,
        %get3A_760 = vector.shape_cast %get3A_759 : vector<1x16xf32> to vector<16xf32>
        %add3A_761 = arith.addf %add3A_697, %get3A_760 : vector<16xf32>
        %add3A_762 = arith.constant 16 : i32
        %add3A_763 = arith.addi %mul3A_274, %add3A_762 : i32
        %get3A_764 = arith.index_cast %add3A_763 : i32 to index
        %get3A_765 = arith.constant 0 : index
        %get3A_766 = tpu.vector_load %arg6[%get3A_764, %get3A_765] {strides = array<i32>} : memref<800x64xf32, #tpu.memory_space<vmem>>, vector<1x16xf32>,
        %get3A_767 = vector.shape_cast %get3A_766 : vector<1x16xf32> to vector<16xf32>
        %add3A_768 = arith.addf %add3A_704, %get3A_767 : vector<16xf32>
        %add3A_769 = arith.constant 16 : i32
        %add3A_770 = arith.addi %mul3A_274, %add3A_769 : i32
        %get3A_771 = arith.index_cast %add3A_770 : i32 to index
        %get3A_772 = arith.constant 16 : index
        %get3A_773 = tpu.vector_load %arg6[%get3A_771, %get3A_772] {strides = array<i32>} : memref<800x64xf32, #tpu.memory_space<vmem>>, vector<1x16xf32>,
        %get3A_774 = vector.shape_cast %get3A_773 : vector<1x16xf32> to vector<16xf32>
        %add3A_775 = arith.addf %add3A_711, %get3A_774 : vector<16xf32>
        %add3A_776 = arith.constant 16 : i32
        %add3A_777 = arith.addi %mul3A_274, %add3A_776 : i32
        %get3A_778 = arith.index_cast %add3A_777 : i32 to index
        %get3A_779 = arith.constant 32 : index
        %get3A_780 = tpu.vector_load %arg6[%get3A_778, %get3A_779] {strides = array<i32>} : memref<800x64xf32, #tpu.memory_space<vmem>>, vector<1x16xf32>,
        %get3A_781 = vector.shape_cast %get3A_780 : vector<1x16xf32> to vector<16xf32>
        %add3A_782 = arith.addf %add3A_718, %get3A_781 : vector<16xf32>
        %add3A_783 = arith.constant 16 : i32
        %add3A_784 = arith.addi %mul3A_274, %add3A_783 : i32
        %get3A_785 = arith.index_cast %add3A_784 : i32 to index
        %get3A_786 = arith.constant 48 : index
        %get3A_787 = tpu.vector_load %arg6[%get3A_785, %get3A_786] {strides = array<i32>} : memref<800x64xf32, #tpu.memory_space<vmem>>, vector<1x16xf32>,
        %get3A_788 = vector.shape_cast %get3A_787 : vector<1x16xf32> to vector<16xf32>
        %add3A_789 = arith.addf %add3A_725, %get3A_788 : vector<16xf32>
        %add3A_790 = arith.constant 16 : i32
        %add3A_791 = arith.addi %mul3A_274, %add3A_790 : i32
        %add3A_792 = arith.constant 1 : i32
        %add3A_793 = arith.addi %add3A_791, %add3A_792 : i32
        %get3A_794 = arith.index_cast %add3A_793 : i32 to index
        %get3A_795 = arith.constant 0 : index
        %get3A_796 = tpu.vector_load %arg6[%get3A_794, %get3A_795] {strides = array<i32>} : memref<800x64xf32, #tpu.memory_space<vmem>>, vector<1x16xf32>,
        %get3A_797 = vector.shape_cast %get3A_796 : vector<1x16xf32> to vector<16xf32>
        %add3A_798 = arith.addf %add3A_734, %get3A_797 : vector<16xf32>
        %add3A_799 = arith.constant 16 : i32
        %add3A_800 = arith.addi %mul3A_274, %add3A_799 : i32
        %add3A_801 = arith.constant 1 : i32
        %add3A_802 = arith.addi %add3A_800, %add3A_801 : i32
        %get3A_803 = arith.index_cast %add3A_802 : i32 to index
        %get3A_804 = arith.constant 16 : index
        %get3A_805 = tpu.vector_load %arg6[%get3A_803, %get3A_804] {strides = array<i32>} : memref<800x64xf32, #tpu.memory_space<vmem>>, vector<1x16xf32>,
        %get3A_806 = vector.shape_cast %get3A_805 : vector<1x16xf32> to vector<16xf32>
        %add3A_807 = arith.addf %add3A_743, %get3A_806 : vector<16xf32>
        %add3A_808 = arith.constant 16 : i32
        %add3A_809 = arith.addi %mul3A_274, %add3A_808 : i32
        %add3A_810 = arith.constant 1 : i32
        %add3A_811 = arith.addi %add3A_809, %add3A_810 : i32
        %get3A_812 = arith.index_cast %add3A_811 : i32 to index
        %get3A_813 = arith.constant 32 : index
        %get3A_814 = tpu.vector_load %arg6[%get3A_812, %get3A_813] {strides = array<i32>} : memref<800x64xf32, #tpu.memory_space<vmem>>, vector<1x16xf32>,
        %get3A_815 = vector.shape_cast %get3A_814 : vector<1x16xf32> to vector<16xf32>
        %add3A_816 = arith.addf %add3A_752, %get3A_815 : vector<16xf32>
        %add3A_817 = arith.constant 16 : i32
        %add3A_818 = arith.addi %mul3A_274, %add3A_817 : i32
        %add3A_819 = arith.constant 1 : i32
        %add3A_820 = arith.addi %add3A_818, %add3A_819 : i32
        %get3A_821 = arith.index_cast %add3A_820 : i32 to index
        %get3A_822 = arith.constant 48 : index
        %get3A_823 = tpu.vector_load %arg6[%get3A_821, %get3A_822] {strides = array<i32>} : memref<800x64xf32, #tpu.memory_space<vmem>>, vector<1x16xf32>,
        %get3A_824 = vector.shape_cast %get3A_823 : vector<1x16xf32> to vector<16xf32>
        %add3A_825 = arith.addf %add3A_761, %get3A_824 : vector<16xf32>
        %add3A_826 = arith.constant 18 : i32
        %add3A_827 = arith.addi %mul3A_274, %add3A_826 : i32
        %get3A_828 = arith.index_cast %add3A_827 : i32 to index
        %get3A_829 = arith.constant 0 : index
        %get3A_830 = tpu.vector_load %arg6[%get3A_828, %get3A_829] {strides = array<i32>} : memref<800x64xf32, #tpu.memory_space<vmem>>, vector<1x16xf32>,
        %get3A_831 = vector.shape_cast %get3A_830 : vector<1x16xf32> to vector<16xf32>
        %add3A_832 = arith.addf %add3A_768, %get3A_831 : vector<16xf32>
        %add3A_833 = arith.constant 18 : i32
        %add3A_834 = arith.addi %mul3A_274, %add3A_833 : i32
        %get3A_835 = arith.index_cast %add3A_834 : i32 to index
        %get3A_836 = arith.constant 16 : index
        %get3A_837 = tpu.vector_load %arg6[%get3A_835, %get3A_836] {strides = array<i32>} : memref<800x64xf32, #tpu.memory_space<vmem>>, vector<1x16xf32>,
        %get3A_838 = vector.shape_cast %get3A_837 : vector<1x16xf32> to vector<16xf32>
        %add3A_839 = arith.addf %add3A_775, %get3A_838 : vector<16xf32>
        %add3A_840 = arith.constant 18 : i32
        %add3A_841 = arith.addi %mul3A_274, %add3A_840 : i32
        %get3A_842 = arith.index_cast %add3A_841 : i32 to index
        %get3A_843 = arith.constant 32 : index
        %get3A_844 = tpu.vector_load %arg6[%get3A_842, %get3A_843] {strides = array<i32>} : memref<800x64xf32, #tpu.memory_space<vmem>>, vector<1x16xf32>,
        %get3A_845 = vector.shape_cast %get3A_844 : vector<1x16xf32> to vector<16xf32>
        %add3A_846 = arith.addf %add3A_782, %get3A_845 : vector<16xf32>
        %add3A_847 = arith.constant 18 : i32
        %add3A_848 = arith.addi %mul3A_274, %add3A_847 : i32
        %get3A_849 = arith.index_cast %add3A_848 : i32 to index
        %get3A_850 = arith.constant 48 : index
        %get3A_851 = tpu.vector_load %arg6[%get3A_849, %get3A_850] {strides = array<i32>} : memref<800x64xf32, #tpu.memory_space<vmem>>, vector<1x16xf32>,
        %get3A_852 = vector.shape_cast %get3A_851 : vector<1x16xf32> to vector<16xf32>
        %add3A_853 = arith.addf %add3A_789, %get3A_852 : vector<16xf32>
        %add3A_854 = arith.constant 18 : i32
        %add3A_855 = arith.addi %mul3A_274, %add3A_854 : i32
        %add3A_856 = arith.constant 1 : i32
        %add3A_857 = arith.addi %add3A_855, %add3A_856 : i32
        %get3A_858 = arith.index_cast %add3A_857 : i32 to index
        %get3A_859 = arith.constant 0 : index
        %get3A_860 = tpu.vector_load %arg6[%get3A_858, %get3A_859] {strides = array<i32>} : memref<800x64xf32, #tpu.memory_space<vmem>>, vector<1x16xf32>,
        %get3A_861 = vector.shape_cast %get3A_860 : vector<1x16xf32> to vector<16xf32>
        %add3A_862 = arith.addf %add3A_798, %get3A_861 : vector<16xf32>
        %add3A_863 = arith.constant 18 : i32
        %add3A_864 = arith.addi %mul3A_274, %add3A_863 : i32
        %add3A_865 = arith.constant 1 : i32
        %add3A_866 = arith.addi %add3A_864, %add3A_865 : i32
        %get3A_867 = arith.index_cast %add3A_866 : i32 to index
        %get3A_868 = arith.constant 16 : index
        %get3A_869 = tpu.vector_load %arg6[%get3A_867, %get3A_868] {strides = array<i32>} : memref<800x64xf32, #tpu.memory_space<vmem>>, vector<1x16xf32>,
        %get3A_870 = vector.shape_cast %get3A_869 : vector<1x16xf32> to vector<16xf32>
        %add3A_871 = arith.addf %add3A_807, %get3A_870 : vector<16xf32>
        %add3A_872 = arith.constant 18 : i32
        %add3A_873 = arith.addi %mul3A_274, %add3A_872 : i32
        %add3A_874 = arith.constant 1 : i32
        %add3A_875 = arith.addi %add3A_873, %add3A_874 : i32
        %get3A_876 = arith.index_cast %add3A_875 : i32 to index
        %get3A_877 = arith.constant 32 : index
        %get3A_878 = tpu.vector_load %arg6[%get3A_876, %get3A_877] {strides = array<i32>} : memref<800x64xf32, #tpu.memory_space<vmem>>, vector<1x16xf32>,
        %get3A_879 = vector.shape_cast %get3A_878 : vector<1x16xf32> to vector<16xf32>
        %add3A_880 = arith.addf %add3A_816, %get3A_879 : vector<16xf32>
        %add3A_881 = arith.constant 18 : i32
        %add3A_882 = arith.addi %mul3A_274, %add3A_881 : i32
        %add3A_883 = arith.constant 1 : i32
        %add3A_884 = arith.addi %add3A_882, %add3A_883 : i32
        %get3A_885 = arith.index_cast %add3A_884 : i32 to index
        %get3A_886 = arith.constant 48 : index
        %get3A_887 = tpu.vector_load %arg6[%get3A_885, %get3A_886] {strides = array<i32>} : memref<800x64xf32, #tpu.memory_space<vmem>>, vector<1x16xf32>,
        %get3A_888 = vector.shape_cast %get3A_887 : vector<1x16xf32> to vector<16xf32>
        %add3A_889 = arith.addf %add3A_825, %get3A_888 : vector<16xf32>
        %add3A_890 = arith.constant 20 : i32
        %add3A_891 = arith.addi %mul3A_274, %add3A_890 : i32
        %get3A_892 = arith.index_cast %add3A_891 : i32 to index
        %get3A_893 = arith.constant 0 : index
        %get3A_894 = tpu.vector_load %arg6[%get3A_892, %get3A_893] {strides = array<i32>} : memref<800x64xf32, #tpu.memory_space<vmem>>, vector<1x16xf32>,
        %get3A_895 = vector.shape_cast %get3A_894 : vector<1x16xf32> to vector<16xf32>
        %add3A_896 = arith.addf %add3A_832, %get3A_895 : vector<16xf32>
        %add3A_897 = arith.constant 20 : i32
        %add3A_898 = arith.addi %mul3A_274, %add3A_897 : i32
        %get3A_899 = arith.index_cast %add3A_898 : i32 to index
        %get3A_900 = arith.constant 16 : index
        %get3A_901 = tpu.vector_load %arg6[%get3A_899, %get3A_900] {strides = array<i32>} : memref<800x64xf32, #tpu.memory_space<vmem>>, vector<1x16xf32>,
        %get3A_902 = vector.shape_cast %get3A_901 : vector<1x16xf32> to vector<16xf32>
        %add3A_903 = arith.addf %add3A_839, %get3A_902 : vector<16xf32>
        %add3A_904 = arith.constant 20 : i32
        %add3A_905 = arith.addi %mul3A_274, %add3A_904 : i32
        %get3A_906 = arith.index_cast %add3A_905 : i32 to index
        %get3A_907 = arith.constant 32 : index
        %get3A_908 = tpu.vector_load %arg6[%get3A_906, %get3A_907] {strides = array<i32>} : memref<800x64xf32, #tpu.memory_space<vmem>>, vector<1x16xf32>,
        %get3A_909 = vector.shape_cast %get3A_908 : vector<1x16xf32> to vector<16xf32>
        %add3A_910 = arith.addf %add3A_846, %get3A_909 : vector<16xf32>
        %add3A_911 = arith.constant 20 : i32
        %add3A_912 = arith.addi %mul3A_274, %add3A_911 : i32
        %get3A_913 = arith.index_cast %add3A_912 : i32 to index
        %get3A_914 = arith.constant 48 : index
        %get3A_915 = tpu.vector_load %arg6[%get3A_913, %get3A_914] {strides = array<i32>} : memref<800x64xf32, #tpu.memory_space<vmem>>, vector<1x16xf32>,
        %get3A_916 = vector.shape_cast %get3A_915 : vector<1x16xf32> to vector<16xf32>
        %add3A_917 = arith.addf %add3A_853, %get3A_916 : vector<16xf32>
        %add3A_918 = arith.constant 20 : i32
        %add3A_919 = arith.addi %mul3A_274, %add3A_918 : i32
        %add3A_920 = arith.constant 1 : i32
        %add3A_921 = arith.addi %add3A_919, %add3A_920 : i32
        %get3A_922 = arith.index_cast %add3A_921 : i32 to index
        %get3A_923 = arith.constant 0 : index
        %get3A_924 = tpu.vector_load %arg6[%get3A_922, %get3A_923] {strides = array<i32>} : memref<800x64xf32, #tpu.memory_space<vmem>>, vector<1x16xf32>,
        %get3A_925 = vector.shape_cast %get3A_924 : vector<1x16xf32> to vector<16xf32>
        %add3A_926 = arith.addf %add3A_862, %get3A_925 : vector<16xf32>
        %add3A_927 = arith.constant 20 : i32
        %add3A_928 = arith.addi %mul3A_274, %add3A_927 : i32
        %add3A_929 = arith.constant 1 : i32
        %add3A_930 = arith.addi %add3A_928, %add3A_929 : i32
        %get3A_931 = arith.index_cast %add3A_930 : i32 to index
        %get3A_932 = arith.constant 16 : index
        %get3A_933 = tpu.vector_load %arg6[%get3A_931, %get3A_932] {strides = array<i32>} : memref<800x64xf32, #tpu.memory_space<vmem>>, vector<1x16xf32>,
        %get3A_934 = vector.shape_cast %get3A_933 : vector<1x16xf32> to vector<16xf32>
        %add3A_935 = arith.addf %add3A_871, %get3A_934 : vector<16xf32>
        %add3A_936 = arith.constant 20 : i32
        %add3A_937 = arith.addi %mul3A_274, %add3A_936 : i32
        %add3A_938 = arith.constant 1 : i32
        %add3A_939 = arith.addi %add3A_937, %add3A_938 : i32
        %get3A_940 = arith.index_cast %add3A_939 : i32 to index
        %get3A_941 = arith.constant 32 : index
        %get3A_942 = tpu.vector_load %arg6[%get3A_940, %get3A_941] {strides = array<i32>} : memref<800x64xf32, #tpu.memory_space<vmem>>, vector<1x16xf32>,
        %get3A_943 = vector.shape_cast %get3A_942 : vector<1x16xf32> to vector<16xf32>
        %add3A_944 = arith.addf %add3A_880, %get3A_943 : vector<16xf32>
        %add3A_945 = arith.constant 20 : i32
        %add3A_946 = arith.addi %mul3A_274, %add3A_945 : i32
        %add3A_947 = arith.constant 1 : i32
        %add3A_948 = arith.addi %add3A_946, %add3A_947 : i32
        %get3A_949 = arith.index_cast %add3A_948 : i32 to index
        %get3A_950 = arith.constant 48 : index
        %get3A_951 = tpu.vector_load %arg6[%get3A_949, %get3A_950] {strides = array<i32>} : memref<800x64xf32, #tpu.memory_space<vmem>>, vector<1x16xf32>,
        %get3A_952 = vector.shape_cast %get3A_951 : vector<1x16xf32> to vector<16xf32>
        %add3A_953 = arith.addf %add3A_889, %get3A_952 : vector<16xf32>
        %add3A_954 = arith.constant 22 : i32
        %add3A_955 = arith.addi %mul3A_274, %add3A_954 : i32
        %get3A_956 = arith.index_cast %add3A_955 : i32 to index
        %get3A_957 = arith.constant 0 : index
        %get3A_958 = tpu.vector_load %arg6[%get3A_956, %get3A_957] {strides = array<i32>} : memref<800x64xf32, #tpu.memory_space<vmem>>, vector<1x16xf32>,
        %get3A_959 = vector.shape_cast %get3A_958 : vector<1x16xf32> to vector<16xf32>
        %add3A_960 = arith.addf %add3A_896, %get3A_959 : vector<16xf32>
        %add3A_961 = arith.constant 22 : i32
        %add3A_962 = arith.addi %mul3A_274, %add3A_961 : i32
        %get3A_963 = arith.index_cast %add3A_962 : i32 to index
        %get3A_964 = arith.constant 16 : index
        %get3A_965 = tpu.vector_load %arg6[%get3A_963, %get3A_964] {strides = array<i32>} : memref<800x64xf32, #tpu.memory_space<vmem>>, vector<1x16xf32>,
        %get3A_966 = vector.shape_cast %get3A_965 : vector<1x16xf32> to vector<16xf32>
        %add3A_967 = arith.addf %add3A_903, %get3A_966 : vector<16xf32>
        %add3A_968 = arith.constant 22 : i32
        %add3A_969 = arith.addi %mul3A_274, %add3A_968 : i32
        %get3A_970 = arith.index_cast %add3A_969 : i32 to index
        %get3A_971 = arith.constant 32 : index
        %get3A_972 = tpu.vector_load %arg6[%get3A_970, %get3A_971] {strides = array<i32>} : memref<800x64xf32, #tpu.memory_space<vmem>>, vector<1x16xf32>,
        %get3A_973 = vector.shape_cast %get3A_972 : vector<1x16xf32> to vector<16xf32>
        %add3A_974 = arith.addf %add3A_910, %get3A_973 : vector<16xf32>
        %add3A_975 = arith.constant 22 : i32
        %add3A_976 = arith.addi %mul3A_274, %add3A_975 : i32
        %get3A_977 = arith.index_cast %add3A_976 : i32 to index
        %get3A_978 = arith.constant 48 : index
        %get3A_979 = tpu.vector_load %arg6[%get3A_977, %get3A_978] {strides = array<i32>} : memref<800x64xf32, #tpu.memory_space<vmem>>, vector<1x16xf32>,
        %get3A_980 = vector.shape_cast %get3A_979 : vector<1x16xf32> to vector<16xf32>
        %add3A_981 = arith.addf %add3A_917, %get3A_980 : vector<16xf32>
        %add3A_982 = arith.constant 22 : i32
        %add3A_983 = arith.addi %mul3A_274, %add3A_982 : i32
        %add3A_984 = arith.constant 1 : i32
        %add3A_985 = arith.addi %add3A_983, %add3A_984 : i32
        %get3A_986 = arith.index_cast %add3A_985 : i32 to index
        %get3A_987 = arith.constant 0 : index
        %get3A_988 = tpu.vector_load %arg6[%get3A_986, %get3A_987] {strides = array<i32>} : memref<800x64xf32, #tpu.memory_space<vmem>>, vector<1x16xf32>,
        %get3A_989 = vector.shape_cast %get3A_988 : vector<1x16xf32> to vector<16xf32>
        %add3A_990 = arith.addf %add3A_926, %get3A_989 : vector<16xf32>
        %add3A_991 = arith.constant 22 : i32
        %add3A_992 = arith.addi %mul3A_274, %add3A_991 : i32
        %add3A_993 = arith.constant 1 : i32
        %add3A_994 = arith.addi %add3A_992, %add3A_993 : i32
        %get3A_995 = arith.index_cast %add3A_994 : i32 to index
        %get3A_996 = arith.constant 16 : index
        %get3A_997 = tpu.vector_load %arg6[%get3A_995, %get3A_996] {strides = array<i32>} : memref<800x64xf32, #tpu.memory_space<vmem>>, vector<1x16xf32>,
        %get3A_998 = vector.shape_cast %get3A_997 : vector<1x16xf32> to vector<16xf32>
        %add3A_999 = arith.addf %add3A_935, %get3A_998 : vector<16xf32>
        %add3A_1000 = arith.constant 22 : i32
        %add3A_1001 = arith.addi %mul3A_274, %add3A_1000 : i32
        %add3A_1002 = arith.constant 1 : i32
        %add3A_1003 = arith.addi %add3A_1001, %add3A_1002 : i32
        %get3A_1004 = arith.index_cast %add3A_1003 : i32 to index
        %get3A_1005 = arith.constant 32 : index
        %get3A_1006 = tpu.vector_load %arg6[%get3A_1004, %get3A_1005] {strides = array<i32>} : memref<800x64xf32, #tpu.memory_space<vmem>>, vector<1x16xf32>,
        %get3A_1007 = vector.shape_cast %get3A_1006 : vector<1x16xf32> to vector<16xf32>
        %add3A_1008 = arith.addf %add3A_944, %get3A_1007 : vector<16xf32>
        %add3A_1009 = arith.constant 22 : i32
        %add3A_1010 = arith.addi %mul3A_274, %add3A_1009 : i32
        %add3A_1011 = arith.constant 1 : i32
        %add3A_1012 = arith.addi %add3A_1010, %add3A_1011 : i32
        %get3A_1013 = arith.index_cast %add3A_1012 : i32 to index
        %get3A_1014 = arith.constant 48 : index
        %get3A_1015 = tpu.vector_load %arg6[%get3A_1013, %get3A_1014] {strides = array<i32>} : memref<800x64xf32, #tpu.memory_space<vmem>>, vector<1x16xf32>,
        %get3A_1016 = vector.shape_cast %get3A_1015 : vector<1x16xf32> to vector<16xf32>
        %add3A_1017 = arith.addf %add3A_953, %get3A_1016 : vector<16xf32>
        %add3A_1018 = arith.constant 24 : i32
        %add3A_1019 = arith.addi %mul3A_274, %add3A_1018 : i32
        %get3A_1020 = arith.index_cast %add3A_1019 : i32 to index
        %get3A_1021 = arith.constant 0 : index
        %get3A_1022 = tpu.vector_load %arg6[%get3A_1020, %get3A_1021] {strides = array<i32>} : memref<800x64xf32, #tpu.memory_space<vmem>>, vector<1x16xf32>,
        %get3A_1023 = vector.shape_cast %get3A_1022 : vector<1x16xf32> to vector<16xf32>
        %add3A_1024 = arith.addf %add3A_960, %get3A_1023 : vector<16xf32>
        %add3A_1025 = arith.constant 24 : i32
        %add3A_1026 = arith.addi %mul3A_274, %add3A_1025 : i32
        %get3A_1027 = arith.index_cast %add3A_1026 : i32 to index
        %get3A_1028 = arith.constant 16 : index
        %get3A_1029 = tpu.vector_load %arg6[%get3A_1027, %get3A_1028] {strides = array<i32>} : memref<800x64xf32, #tpu.memory_space<vmem>>, vector<1x16xf32>,
        %get3A_1030 = vector.shape_cast %get3A_1029 : vector<1x16xf32> to vector<16xf32>
        %add3A_1031 = arith.addf %add3A_967, %get3A_1030 : vector<16xf32>
        %add3A_1032 = arith.constant 24 : i32
        %add3A_1033 = arith.addi %mul3A_274, %add3A_1032 : i32
        %get3A_1034 = arith.index_cast %add3A_1033 : i32 to index
        %get3A_1035 = arith.constant 32 : index
        %get3A_1036 = tpu.vector_load %arg6[%get3A_1034, %get3A_1035] {strides = array<i32>} : memref<800x64xf32, #tpu.memory_space<vmem>>, vector<1x16xf32>,
        %get3A_1037 = vector.shape_cast %get3A_1036 : vector<1x16xf32> to vector<16xf32>
        %add3A_1038 = arith.addf %add3A_974, %get3A_1037 : vector<16xf32>
        %add3A_1039 = arith.constant 24 : i32
        %add3A_1040 = arith.addi %mul3A_274, %add3A_1039 : i32
        %get3A_1041 = arith.index_cast %add3A_1040 : i32 to index
        %get3A_1042 = arith.constant 48 : index
        %get3A_1043 = tpu.vector_load %arg6[%get3A_1041, %get3A_1042] {strides = array<i32>} : memref<800x64xf32, #tpu.memory_space<vmem>>, vector<1x16xf32>,
        %get3A_1044 = vector.shape_cast %get3A_1043 : vector<1x16xf32> to vector<16xf32>
        %add3A_1045 = arith.addf %add3A_981, %get3A_1044 : vector<16xf32>
        %add3A_1046 = arith.constant 24 : i32
        %add3A_1047 = arith.addi %mul3A_274, %add3A_1046 : i32
        %add3A_1048 = arith.constant 1 : i32
        %add3A_1049 = arith.addi %add3A_1047, %add3A_1048 : i32
        %get3A_1050 = arith.index_cast %add3A_1049 : i32 to index
        %get3A_1051 = arith.constant 0 : index
        %get3A_1052 = tpu.vector_load %arg6[%get3A_1050, %get3A_1051] {strides = array<i32>} : memref<800x64xf32, #tpu.memory_space<vmem>>, vector<1x16xf32>,
        %get3A_1053 = vector.shape_cast %get3A_1052 : vector<1x16xf32> to vector<16xf32>
        %add3A_1054 = arith.addf %add3A_990, %get3A_1053 : vector<16xf32>
        %add3A_1055 = arith.constant 24 : i32
        %add3A_1056 = arith.addi %mul3A_274, %add3A_1055 : i32
        %add3A_1057 = arith.constant 1 : i32
        %add3A_1058 = arith.addi %add3A_1056, %add3A_1057 : i32
        %get3A_1059 = arith.index_cast %add3A_1058 : i32 to index
        %get3A_1060 = arith.constant 16 : index
        %get3A_1061 = tpu.vector_load %arg6[%get3A_1059, %get3A_1060] {strides = array<i32>} : memref<800x64xf32, #tpu.memory_space<vmem>>, vector<1x16xf32>,
        %get3A_1062 = vector.shape_cast %get3A_1061 : vector<1x16xf32> to vector<16xf32>
        %add3A_1063 = arith.addf %add3A_999, %get3A_1062 : vector<16xf32>
        %add3A_1064 = arith.constant 24 : i32
        %add3A_1065 = arith.addi %mul3A_274, %add3A_1064 : i32
        %add3A_1066 = arith.constant 1 : i32
        %add3A_1067 = arith.addi %add3A_1065, %add3A_1066 : i32
        %get3A_1068 = arith.index_cast %add3A_1067 : i32 to index
        %get3A_1069 = arith.constant 32 : index
        %get3A_1070 = tpu.vector_load %arg6[%get3A_1068, %get3A_1069] {strides = array<i32>} : memref<800x64xf32, #tpu.memory_space<vmem>>, vector<1x16xf32>,
        %get3A_1071 = vector.shape_cast %get3A_1070 : vector<1x16xf32> to vector<16xf32>
        %add3A_1072 = arith.addf %add3A_1008, %get3A_1071 : vector<16xf32>
        %add3A_1073 = arith.constant 24 : i32
        %add3A_1074 = arith.addi %mul3A_274, %add3A_1073 : i32
        %add3A_1075 = arith.constant 1 : i32
        %add3A_1076 = arith.addi %add3A_1074, %add3A_1075 : i32
        %get3A_1077 = arith.index_cast %add3A_1076 : i32 to index
        %get3A_1078 = arith.constant 48 : index
        %get3A_1079 = tpu.vector_load %arg6[%get3A_1077, %get3A_1078] {strides = array<i32>} : memref<800x64xf32, #tpu.memory_space<vmem>>, vector<1x16xf32>,
        %get3A_1080 = vector.shape_cast %get3A_1079 : vector<1x16xf32> to vector<16xf32>
        %add3A_1081 = arith.addf %add3A_1017, %get3A_1080 : vector<16xf32>
        %add3A_1082 = arith.constant 26 : i32
        %add3A_1083 = arith.addi %mul3A_274, %add3A_1082 : i32
        %get3A_1084 = arith.index_cast %add3A_1083 : i32 to index
        %get3A_1085 = arith.constant 0 : index
        %get3A_1086 = tpu.vector_load %arg6[%get3A_1084, %get3A_1085] {strides = array<i32>} : memref<800x64xf32, #tpu.memory_space<vmem>>, vector<1x16xf32>,
        %get3A_1087 = vector.shape_cast %get3A_1086 : vector<1x16xf32> to vector<16xf32>
        %add3A_1088 = arith.addf %add3A_1024, %get3A_1087 : vector<16xf32>
        %add3A_1089 = arith.constant 26 : i32
        %add3A_1090 = arith.addi %mul3A_274, %add3A_1089 : i32
        %get3A_1091 = arith.index_cast %add3A_1090 : i32 to index
        %get3A_1092 = arith.constant 16 : index
        %get3A_1093 = tpu.vector_load %arg6[%get3A_1091, %get3A_1092] {strides = array<i32>} : memref<800x64xf32, #tpu.memory_space<vmem>>, vector<1x16xf32>,
        %get3A_1094 = vector.shape_cast %get3A_1093 : vector<1x16xf32> to vector<16xf32>
        %add3A_1095 = arith.addf %add3A_1031, %get3A_1094 : vector<16xf32>
        %add3A_1096 = arith.constant 26 : i32
        %add3A_1097 = arith.addi %mul3A_274, %add3A_1096 : i32
        %get3A_1098 = arith.index_cast %add3A_1097 : i32 to index
        %get3A_1099 = arith.constant 32 : index
        %get3A_1100 = tpu.vector_load %arg6[%get3A_1098, %get3A_1099] {strides = array<i32>} : memref<800x64xf32, #tpu.memory_space<vmem>>, vector<1x16xf32>,
        %get3A_1101 = vector.shape_cast %get3A_1100 : vector<1x16xf32> to vector<16xf32>
        %add3A_1102 = arith.addf %add3A_1038, %get3A_1101 : vector<16xf32>
        %add3A_1103 = arith.constant 26 : i32
        %add3A_1104 = arith.addi %mul3A_274, %add3A_1103 : i32
        %get3A_1105 = arith.index_cast %add3A_1104 : i32 to index
        %get3A_1106 = arith.constant 48 : index
        %get3A_1107 = tpu.vector_load %arg6[%get3A_1105, %get3A_1106] {strides = array<i32>} : memref<800x64xf32, #tpu.memory_space<vmem>>, vector<1x16xf32>,
        %get3A_1108 = vector.shape_cast %get3A_1107 : vector<1x16xf32> to vector<16xf32>
        %add3A_1109 = arith.addf %add3A_1045, %get3A_1108 : vector<16xf32>
        %add3A_1110 = arith.constant 26 : i32
        %add3A_1111 = arith.addi %mul3A_274, %add3A_1110 : i32
        %add3A_1112 = arith.constant 1 : i32
        %add3A_1113 = arith.addi %add3A_1111, %add3A_1112 : i32
        %get3A_1114 = arith.index_cast %add3A_1113 : i32 to index
        %get3A_1115 = arith.constant 0 : index
        %get3A_1116 = tpu.vector_load %arg6[%get3A_1114, %get3A_1115] {strides = array<i32>} : memref<800x64xf32, #tpu.memory_space<vmem>>, vector<1x16xf32>,
        %get3A_1117 = vector.shape_cast %get3A_1116 : vector<1x16xf32> to vector<16xf32>
        %add3A_1118 = arith.addf %add3A_1054, %get3A_1117 : vector<16xf32>
        %add3A_1119 = arith.constant 26 : i32
        %add3A_1120 = arith.addi %mul3A_274, %add3A_1119 : i32
        %add3A_1121 = arith.constant 1 : i32
        %add3A_1122 = arith.addi %add3A_1120, %add3A_1121 : i32
        %get3A_1123 = arith.index_cast %add3A_1122 : i32 to index
        %get3A_1124 = arith.constant 16 : index
        %get3A_1125 = tpu.vector_load %arg6[%get3A_1123, %get3A_1124] {strides = array<i32>} : memref<800x64xf32, #tpu.memory_space<vmem>>, vector<1x16xf32>,
        %get3A_1126 = vector.shape_cast %get3A_1125 : vector<1x16xf32> to vector<16xf32>
        %add3A_1127 = arith.addf %add3A_1063, %get3A_1126 : vector<16xf32>
        %add3A_1128 = arith.constant 26 : i32
        %add3A_1129 = arith.addi %mul3A_274, %add3A_1128 : i32
        %add3A_1130 = arith.constant 1 : i32
        %add3A_1131 = arith.addi %add3A_1129, %add3A_1130 : i32
        %get3A_1132 = arith.index_cast %add3A_1131 : i32 to index
        %get3A_1133 = arith.constant 32 : index
        %get3A_1134 = tpu.vector_load %arg6[%get3A_1132, %get3A_1133] {strides = array<i32>} : memref<800x64xf32, #tpu.memory_space<vmem>>, vector<1x16xf32>,
        %get3A_1135 = vector.shape_cast %get3A_1134 : vector<1x16xf32> to vector<16xf32>
        %add3A_1136 = arith.addf %add3A_1072, %get3A_1135 : vector<16xf32>
        %add3A_1137 = arith.constant 26 : i32
        %add3A_1138 = arith.addi %mul3A_274, %add3A_1137 : i32
        %add3A_1139 = arith.constant 1 : i32
        %add3A_1140 = arith.addi %add3A_1138, %add3A_1139 : i32
        %get3A_1141 = arith.index_cast %add3A_1140 : i32 to index
        %get3A_1142 = arith.constant 48 : index
        %get3A_1143 = tpu.vector_load %arg6[%get3A_1141, %get3A_1142] {strides = array<i32>} : memref<800x64xf32, #tpu.memory_space<vmem>>, vector<1x16xf32>,
        %get3A_1144 = vector.shape_cast %get3A_1143 : vector<1x16xf32> to vector<16xf32>
        %add3A_1145 = arith.addf %add3A_1081, %get3A_1144 : vector<16xf32>
        %add3A_1146 = arith.constant 28 : i32
        %add3A_1147 = arith.addi %mul3A_274, %add3A_1146 : i32
        %get3A_1148 = arith.index_cast %add3A_1147 : i32 to index
        %get3A_1149 = arith.constant 0 : index
        %get3A_1150 = tpu.vector_load %arg6[%get3A_1148, %get3A_1149] {strides = array<i32>} : memref<800x64xf32, #tpu.memory_space<vmem>>, vector<1x16xf32>,
        %get3A_1151 = vector.shape_cast %get3A_1150 : vector<1x16xf32> to vector<16xf32>
        %add3A_1152 = arith.addf %add3A_1088, %get3A_1151 : vector<16xf32>
        %add3A_1153 = arith.constant 28 : i32
        %add3A_1154 = arith.addi %mul3A_274, %add3A_1153 : i32
        %get3A_1155 = arith.index_cast %add3A_1154 : i32 to index
        %get3A_1156 = arith.constant 16 : index
        %get3A_1157 = tpu.vector_load %arg6[%get3A_1155, %get3A_1156] {strides = array<i32>} : memref<800x64xf32, #tpu.memory_space<vmem>>, vector<1x16xf32>,
        %get3A_1158 = vector.shape_cast %get3A_1157 : vector<1x16xf32> to vector<16xf32>
        %add3A_1159 = arith.addf %add3A_1095, %get3A_1158 : vector<16xf32>
        %add3A_1160 = arith.constant 28 : i32
        %add3A_1161 = arith.addi %mul3A_274, %add3A_1160 : i32
        %get3A_1162 = arith.index_cast %add3A_1161 : i32 to index
        %get3A_1163 = arith.constant 32 : index
        %get3A_1164 = tpu.vector_load %arg6[%get3A_1162, %get3A_1163] {strides = array<i32>} : memref<800x64xf32, #tpu.memory_space<vmem>>, vector<1x16xf32>,
        %get3A_1165 = vector.shape_cast %get3A_1164 : vector<1x16xf32> to vector<16xf32>
        %add3A_1166 = arith.addf %add3A_1102, %get3A_1165 : vector<16xf32>
        %add3A_1167 = arith.constant 28 : i32
        %add3A_1168 = arith.addi %mul3A_274, %add3A_1167 : i32
        %get3A_1169 = arith.index_cast %add3A_1168 : i32 to index
        %get3A_1170 = arith.constant 48 : index
        %get3A_1171 = tpu.vector_load %arg6[%get3A_1169, %get3A_1170] {strides = array<i32>} : memref<800x64xf32, #tpu.memory_space<vmem>>, vector<1x16xf32>,
        %get3A_1172 = vector.shape_cast %get3A_1171 : vector<1x16xf32> to vector<16xf32>
        %add3A_1173 = arith.addf %add3A_1109, %get3A_1172 : vector<16xf32>
        %add3A_1174 = arith.constant 28 : i32
        %add3A_1175 = arith.addi %mul3A_274, %add3A_1174 : i32
        %add3A_1176 = arith.constant 1 : i32
        %add3A_1177 = arith.addi %add3A_1175, %add3A_1176 : i32
        %get3A_1178 = arith.index_cast %add3A_1177 : i32 to index
        %get3A_1179 = arith.constant 0 : index
        %get3A_1180 = tpu.vector_load %arg6[%get3A_1178, %get3A_1179] {strides = array<i32>} : memref<800x64xf32, #tpu.memory_space<vmem>>, vector<1x16xf32>,
        %get3A_1181 = vector.shape_cast %get3A_1180 : vector<1x16xf32> to vector<16xf32>
        %add3A_1182 = arith.addf %add3A_1118, %get3A_1181 : vector<16xf32>
        %add3A_1183 = arith.constant 28 : i32
        %add3A_1184 = arith.addi %mul3A_274, %add3A_1183 : i32
        %add3A_1185 = arith.constant 1 : i32
        %add3A_1186 = arith.addi %add3A_1184, %add3A_1185 : i32
        %get3A_1187 = arith.index_cast %add3A_1186 : i32 to index
        %get3A_1188 = arith.constant 16 : index
        %get3A_1189 = tpu.vector_load %arg6[%get3A_1187, %get3A_1188] {strides = array<i32>} : memref<800x64xf32, #tpu.memory_space<vmem>>, vector<1x16xf32>,
        %get3A_1190 = vector.shape_cast %get3A_1189 : vector<1x16xf32> to vector<16xf32>
        %add3A_1191 = arith.addf %add3A_1127, %get3A_1190 : vector<16xf32>
        %add3A_1192 = arith.constant 28 : i32
        %add3A_1193 = arith.addi %mul3A_274, %add3A_1192 : i32
        %add3A_1194 = arith.constant 1 : i32
        %add3A_1195 = arith.addi %add3A_1193, %add3A_1194 : i32
        %get3A_1196 = arith.index_cast %add3A_1195 : i32 to index
        %get3A_1197 = arith.constant 32 : index
        %get3A_1198 = tpu.vector_load %arg6[%get3A_1196, %get3A_1197] {strides = array<i32>} : memref<800x64xf32, #tpu.memory_space<vmem>>, vector<1x16xf32>,
        %get3A_1199 = vector.shape_cast %get3A_1198 : vector<1x16xf32> to vector<16xf32>
        %add3A_1200 = arith.addf %add3A_1136, %get3A_1199 : vector<16xf32>
        %add3A_1201 = arith.constant 28 : i32
        %add3A_1202 = arith.addi %mul3A_274, %add3A_1201 : i32
        %add3A_1203 = arith.constant 1 : i32
        %add3A_1204 = arith.addi %add3A_1202, %add3A_1203 : i32
        %get3A_1205 = arith.index_cast %add3A_1204 : i32 to index
        %get3A_1206 = arith.constant 48 : index
        %get3A_1207 = tpu.vector_load %arg6[%get3A_1205, %get3A_1206] {strides = array<i32>} : memref<800x64xf32, #tpu.memory_space<vmem>>, vector<1x16xf32>,
        %get3A_1208 = vector.shape_cast %get3A_1207 : vector<1x16xf32> to vector<16xf32>
        %add3A_1209 = arith.addf %add3A_1145, %get3A_1208 : vector<16xf32>
        %add3A_1210 = arith.constant 30 : i32
        %add3A_1211 = arith.addi %mul3A_274, %add3A_1210 : i32
        %get3A_1212 = arith.index_cast %add3A_1211 : i32 to index
        %get3A_1213 = arith.constant 0 : index
        %get3A_1214 = tpu.vector_load %arg6[%get3A_1212, %get3A_1213] {strides = array<i32>} : memref<800x64xf32, #tpu.memory_space<vmem>>, vector<1x16xf32>,
        %get3A_1215 = vector.shape_cast %get3A_1214 : vector<1x16xf32> to vector<16xf32>
        %add3A_1216 = arith.addf %add3A_1152, %get3A_1215 : vector<16xf32>
        %add3A_1217 = arith.constant 30 : i32
        %add3A_1218 = arith.addi %mul3A_274, %add3A_1217 : i32
        %get3A_1219 = arith.index_cast %add3A_1218 : i32 to index
        %get3A_1220 = arith.constant 16 : index
        %get3A_1221 = tpu.vector_load %arg6[%get3A_1219, %get3A_1220] {strides = array<i32>} : memref<800x64xf32, #tpu.memory_space<vmem>>, vector<1x16xf32>,
        %get3A_1222 = vector.shape_cast %get3A_1221 : vector<1x16xf32> to vector<16xf32>
        %add3A_1223 = arith.addf %add3A_1159, %get3A_1222 : vector<16xf32>
        %add3A_1224 = arith.constant 30 : i32
        %add3A_1225 = arith.addi %mul3A_274, %add3A_1224 : i32
        %get3A_1226 = arith.index_cast %add3A_1225 : i32 to index
        %get3A_1227 = arith.constant 32 : index
        %get3A_1228 = tpu.vector_load %arg6[%get3A_1226, %get3A_1227] {strides = array<i32>} : memref<800x64xf32, #tpu.memory_space<vmem>>, vector<1x16xf32>,
        %get3A_1229 = vector.shape_cast %get3A_1228 : vector<1x16xf32> to vector<16xf32>
        %add3A_1230 = arith.addf %add3A_1166, %get3A_1229 : vector<16xf32>
        %add3A_1231 = arith.constant 30 : i32
        %add3A_1232 = arith.addi %mul3A_274, %add3A_1231 : i32
        %get3A_1233 = arith.index_cast %add3A_1232 : i32 to index
        %get3A_1234 = arith.constant 48 : index
        %get3A_1235 = tpu.vector_load %arg6[%get3A_1233, %get3A_1234] {strides = array<i32>} : memref<800x64xf32, #tpu.memory_space<vmem>>, vector<1x16xf32>,
        %get3A_1236 = vector.shape_cast %get3A_1235 : vector<1x16xf32> to vector<16xf32>
        %add3A_1237 = arith.addf %add3A_1173, %get3A_1236 : vector<16xf32>
        %add3A_1238 = arith.constant 30 : i32
        %add3A_1239 = arith.addi %mul3A_274, %add3A_1238 : i32
        %add3A_1240 = arith.constant 1 : i32
        %add3A_1241 = arith.addi %add3A_1239, %add3A_1240 : i32
        %get3A_1242 = arith.index_cast %add3A_1241 : i32 to index
        %get3A_1243 = arith.constant 0 : index
        %get3A_1244 = tpu.vector_load %arg6[%get3A_1242, %get3A_1243] {strides = array<i32>} : memref<800x64xf32, #tpu.memory_space<vmem>>, vector<1x16xf32>,
        %get3A_1245 = vector.shape_cast %get3A_1244 : vector<1x16xf32> to vector<16xf32>
        %add3A_1246 = arith.addf %add3A_1182, %get3A_1245 : vector<16xf32>
        %add3A_1247 = arith.constant 30 : i32
        %add3A_1248 = arith.addi %mul3A_274, %add3A_1247 : i32
        %add3A_1249 = arith.constant 1 : i32
        %add3A_1250 = arith.addi %add3A_1248, %add3A_1249 : i32
        %get3A_1251 = arith.index_cast %add3A_1250 : i32 to index
        %get3A_1252 = arith.constant 16 : index
        %get3A_1253 = tpu.vector_load %arg6[%get3A_1251, %get3A_1252] {strides = array<i32>} : memref<800x64xf32, #tpu.memory_space<vmem>>, vector<1x16xf32>,
        %get3A_1254 = vector.shape_cast %get3A_1253 : vector<1x16xf32> to vector<16xf32>
        %add3A_1255 = arith.addf %add3A_1191, %get3A_1254 : vector<16xf32>
        %add3A_1256 = arith.constant 30 : i32
        %add3A_1257 = arith.addi %mul3A_274, %add3A_1256 : i32
        %add3A_1258 = arith.constant 1 : i32
        %add3A_1259 = arith.addi %add3A_1257, %add3A_1258 : i32
        %get3A_1260 = arith.index_cast %add3A_1259 : i32 to index
        %get3A_1261 = arith.constant 32 : index
        %get3A_1262 = tpu.vector_load %arg6[%get3A_1260, %get3A_1261] {strides = array<i32>} : memref<800x64xf32, #tpu.memory_space<vmem>>, vector<1x16xf32>,
        %get3A_1263 = vector.shape_cast %get3A_1262 : vector<1x16xf32> to vector<16xf32>
        %add3A_1264 = arith.addf %add3A_1200, %get3A_1263 : vector<16xf32>
        %add3A_1265 = arith.constant 30 : i32
        %add3A_1266 = arith.addi %mul3A_274, %add3A_1265 : i32
        %add3A_1267 = arith.constant 1 : i32
        %add3A_1268 = arith.addi %add3A_1266, %add3A_1267 : i32
        %get3A_1269 = arith.index_cast %add3A_1268 : i32 to index
        %get3A_1270 = arith.constant 48 : index
        %get3A_1271 = tpu.vector_load %arg6[%get3A_1269, %get3A_1270] {strides = array<i32>} : memref<800x64xf32, #tpu.memory_space<vmem>>, vector<1x16xf32>,
        %get3A_1272 = vector.shape_cast %get3A_1271 : vector<1x16xf32> to vector<16xf32>
        %add3A_1273 = arith.addf %add3A_1209, %get3A_1272 : vector<16xf32>
        %add3A_1274 = arith.constant 32 : i32
        %add3A_1275 = arith.addi %mul3A_274, %add3A_1274 : i32
        %get3A_1276 = arith.index_cast %add3A_1275 : i32 to index
        %get3A_1277 = arith.constant 0 : index
        %get3A_1278 = tpu.vector_load %arg6[%get3A_1276, %get3A_1277] {strides = array<i32>} : memref<800x64xf32, #tpu.memory_space<vmem>>, vector<1x16xf32>,
        %get3A_1279 = vector.shape_cast %get3A_1278 : vector<1x16xf32> to vector<16xf32>
        %add3A_1280 = arith.addf %add3A_1216, %get3A_1279 : vector<16xf32>
        %add3A_1281 = arith.constant 32 : i32
        %add3A_1282 = arith.addi %mul3A_274, %add3A_1281 : i32
        %get3A_1283 = arith.index_cast %add3A_1282 : i32 to index
        %get3A_1284 = arith.constant 16 : index
        %get3A_1285 = tpu.vector_load %arg6[%get3A_1283, %get3A_1284] {strides = array<i32>} : memref<800x64xf32, #tpu.memory_space<vmem>>, vector<1x16xf32>,
        %get3A_1286 = vector.shape_cast %get3A_1285 : vector<1x16xf32> to vector<16xf32>
        %add3A_1287 = arith.addf %add3A_1223, %get3A_1286 : vector<16xf32>
        %add3A_1288 = arith.constant 32 : i32
        %add3A_1289 = arith.addi %mul3A_274, %add3A_1288 : i32
        %get3A_1290 = arith.index_cast %add3A_1289 : i32 to index
        %get3A_1291 = arith.constant 32 : index
        %get3A_1292 = tpu.vector_load %arg6[%get3A_1290, %get3A_1291] {strides = array<i32>} : memref<800x64xf32, #tpu.memory_space<vmem>>, vector<1x16xf32>,
        %get3A_1293 = vector.shape_cast %get3A_1292 : vector<1x16xf32> to vector<16xf32>
        %add3A_1294 = arith.addf %add3A_1230, %get3A_1293 : vector<16xf32>
        %add3A_1295 = arith.constant 32 : i32
        %add3A_1296 = arith.addi %mul3A_274, %add3A_1295 : i32
        %get3A_1297 = arith.index_cast %add3A_1296 : i32 to index
        %get3A_1298 = arith.constant 48 : index
        %get3A_1299 = tpu.vector_load %arg6[%get3A_1297, %get3A_1298] {strides = array<i32>} : memref<800x64xf32, #tpu.memory_space<vmem>>, vector<1x16xf32>,
        %get3A_1300 = vector.shape_cast %get3A_1299 : vector<1x16xf32> to vector<16xf32>
        %add3A_1301 = arith.addf %add3A_1237, %get3A_1300 : vector<16xf32>
        %add3A_1302 = arith.constant 32 : i32
        %add3A_1303 = arith.addi %mul3A_274, %add3A_1302 : i32
        %add3A_1304 = arith.constant 1 : i32
        %add3A_1305 = arith.addi %add3A_1303, %add3A_1304 : i32
        %get3A_1306 = arith.index_cast %add3A_1305 : i32 to index
        %get3A_1307 = arith.constant 0 : index
        %get3A_1308 = tpu.vector_load %arg6[%get3A_1306, %get3A_1307] {strides = array<i32>} : memref<800x64xf32, #tpu.memory_space<vmem>>, vector<1x16xf32>,
        %get3A_1309 = vector.shape_cast %get3A_1308 : vector<1x16xf32> to vector<16xf32>
        %add3A_1310 = arith.addf %add3A_1246, %get3A_1309 : vector<16xf32>
        %add3A_1311 = arith.constant 32 : i32
        %add3A_1312 = arith.addi %mul3A_274, %add3A_1311 : i32
        %add3A_1313 = arith.constant 1 : i32
        %add3A_1314 = arith.addi %add3A_1312, %add3A_1313 : i32
        %get3A_1315 = arith.index_cast %add3A_1314 : i32 to index
        %get3A_1316 = arith.constant 16 : index
        %get3A_1317 = tpu.vector_load %arg6[%get3A_1315, %get3A_1316] {strides = array<i32>} : memref<800x64xf32, #tpu.memory_space<vmem>>, vector<1x16xf32>,
        %get3A_1318 = vector.shape_cast %get3A_1317 : vector<1x16xf32> to vector<16xf32>
        %add3A_1319 = arith.addf %add3A_1255, %get3A_1318 : vector<16xf32>
        %add3A_1320 = arith.constant 32 : i32
        %add3A_1321 = arith.addi %mul3A_274, %add3A_1320 : i32
        %add3A_1322 = arith.constant 1 : i32
        %add3A_1323 = arith.addi %add3A_1321, %add3A_1322 : i32
        %get3A_1324 = arith.index_cast %add3A_1323 : i32 to index
        %get3A_1325 = arith.constant 32 : index
        %get3A_1326 = tpu.vector_load %arg6[%get3A_1324, %get3A_1325] {strides = array<i32>} : memref<800x64xf32, #tpu.memory_space<vmem>>, vector<1x16xf32>,
        %get3A_1327 = vector.shape_cast %get3A_1326 : vector<1x16xf32> to vector<16xf32>
        %add3A_1328 = arith.addf %add3A_1264, %get3A_1327 : vector<16xf32>
        %add3A_1329 = arith.constant 32 : i32
        %add3A_1330 = arith.addi %mul3A_274, %add3A_1329 : i32
        %add3A_1331 = arith.constant 1 : i32
        %add3A_1332 = arith.addi %add3A_1330, %add3A_1331 : i32
        %get3A_1333 = arith.index_cast %add3A_1332 : i32 to index
        %get3A_1334 = arith.constant 48 : index
        %get3A_1335 = tpu.vector_load %arg6[%get3A_1333, %get3A_1334] {strides = array<i32>} : memref<800x64xf32, #tpu.memory_space<vmem>>, vector<1x16xf32>,
        %get3A_1336 = vector.shape_cast %get3A_1335 : vector<1x16xf32> to vector<16xf32>
        %add3A_1337 = arith.addf %add3A_1273, %get3A_1336 : vector<16xf32>
        %add3A_1338 = arith.constant 34 : i32
        %add3A_1339 = arith.addi %mul3A_274, %add3A_1338 : i32
        %get3A_1340 = arith.index_cast %add3A_1339 : i32 to index
        %get3A_1341 = arith.constant 0 : index
        %get3A_1342 = tpu.vector_load %arg6[%get3A_1340, %get3A_1341] {strides = array<i32>} : memref<800x64xf32, #tpu.memory_space<vmem>>, vector<1x16xf32>,
        %get3A_1343 = vector.shape_cast %get3A_1342 : vector<1x16xf32> to vector<16xf32>
        %add3A_1344 = arith.addf %add3A_1280, %get3A_1343 : vector<16xf32>
        %add3A_1345 = arith.constant 34 : i32
        %add3A_1346 = arith.addi %mul3A_274, %add3A_1345 : i32
        %get3A_1347 = arith.index_cast %add3A_1346 : i32 to index
        %get3A_1348 = arith.constant 16 : index
        %get3A_1349 = tpu.vector_load %arg6[%get3A_1347, %get3A_1348] {strides = array<i32>} : memref<800x64xf32, #tpu.memory_space<vmem>>, vector<1x16xf32>,
        %get3A_1350 = vector.shape_cast %get3A_1349 : vector<1x16xf32> to vector<16xf32>
        %add3A_1351 = arith.addf %add3A_1287, %get3A_1350 : vector<16xf32>
        %add3A_1352 = arith.constant 34 : i32
        %add3A_1353 = arith.addi %mul3A_274, %add3A_1352 : i32
        %get3A_1354 = arith.index_cast %add3A_1353 : i32 to index
        %get3A_1355 = arith.constant 32 : index
        %get3A_1356 = tpu.vector_load %arg6[%get3A_1354, %get3A_1355] {strides = array<i32>} : memref<800x64xf32, #tpu.memory_space<vmem>>, vector<1x16xf32>,
        %get3A_1357 = vector.shape_cast %get3A_1356 : vector<1x16xf32> to vector<16xf32>
        %add3A_1358 = arith.addf %add3A_1294, %get3A_1357 : vector<16xf32>
        %add3A_1359 = arith.constant 34 : i32
        %add3A_1360 = arith.addi %mul3A_274, %add3A_1359 : i32
        %get3A_1361 = arith.index_cast %add3A_1360 : i32 to index
        %get3A_1362 = arith.constant 48 : index
        %get3A_1363 = tpu.vector_load %arg6[%get3A_1361, %get3A_1362] {strides = array<i32>} : memref<800x64xf32, #tpu.memory_space<vmem>>, vector<1x16xf32>,
        %get3A_1364 = vector.shape_cast %get3A_1363 : vector<1x16xf32> to vector<16xf32>
        %add3A_1365 = arith.addf %add3A_1301, %get3A_1364 : vector<16xf32>
        %add3A_1366 = arith.constant 34 : i32
        %add3A_1367 = arith.addi %mul3A_274, %add3A_1366 : i32
        %add3A_1368 = arith.constant 1 : i32
        %add3A_1369 = arith.addi %add3A_1367, %add3A_1368 : i32
        %get3A_1370 = arith.index_cast %add3A_1369 : i32 to index
        %get3A_1371 = arith.constant 0 : index
        %get3A_1372 = tpu.vector_load %arg6[%get3A_1370, %get3A_1371] {strides = array<i32>} : memref<800x64xf32, #tpu.memory_space<vmem>>, vector<1x16xf32>,
        %get3A_1373 = vector.shape_cast %get3A_1372 : vector<1x16xf32> to vector<16xf32>
        %add3A_1374 = arith.addf %add3A_1310, %get3A_1373 : vector<16xf32>
        %add3A_1375 = arith.constant 34 : i32
        %add3A_1376 = arith.addi %mul3A_274, %add3A_1375 : i32
        %add3A_1377 = arith.constant 1 : i32
        %add3A_1378 = arith.addi %add3A_1376, %add3A_1377 : i32
        %get3A_1379 = arith.index_cast %add3A_1378 : i32 to index
        %get3A_1380 = arith.constant 16 : index
        %get3A_1381 = tpu.vector_load %arg6[%get3A_1379, %get3A_1380] {strides = array<i32>} : memref<800x64xf32, #tpu.memory_space<vmem>>, vector<1x16xf32>,
        %get3A_1382 = vector.shape_cast %get3A_1381 : vector<1x16xf32> to vector<16xf32>
        %add3A_1383 = arith.addf %add3A_1319, %get3A_1382 : vector<16xf32>
        %add3A_1384 = arith.constant 34 : i32
        %add3A_1385 = arith.addi %mul3A_274, %add3A_1384 : i32
        %add3A_1386 = arith.constant 1 : i32
        %add3A_1387 = arith.addi %add3A_1385, %add3A_1386 : i32
        %get3A_1388 = arith.index_cast %add3A_1387 : i32 to index
        %get3A_1389 = arith.constant 32 : index
        %get3A_1390 = tpu.vector_load %arg6[%get3A_1388, %get3A_1389] {strides = array<i32>} : memref<800x64xf32, #tpu.memory_space<vmem>>, vector<1x16xf32>,
        %get3A_1391 = vector.shape_cast %get3A_1390 : vector<1x16xf32> to vector<16xf32>
        %add3A_1392 = arith.addf %add3A_1328, %get3A_1391 : vector<16xf32>
        %add3A_1393 = arith.constant 34 : i32
        %add3A_1394 = arith.addi %mul3A_274, %add3A_1393 : i32
        %add3A_1395 = arith.constant 1 : i32
        %add3A_1396 = arith.addi %add3A_1394, %add3A_1395 : i32
        %get3A_1397 = arith.index_cast %add3A_1396 : i32 to index
        %get3A_1398 = arith.constant 48 : index
        %get3A_1399 = tpu.vector_load %arg6[%get3A_1397, %get3A_1398] {strides = array<i32>} : memref<800x64xf32, #tpu.memory_space<vmem>>, vector<1x16xf32>,
        %get3A_1400 = vector.shape_cast %get3A_1399 : vector<1x16xf32> to vector<16xf32>
        %add3A_1401 = arith.addf %add3A_1337, %get3A_1400 : vector<16xf32>
        %add3A_1402 = arith.constant 36 : i32
        %add3A_1403 = arith.addi %mul3A_274, %add3A_1402 : i32
        %get3A_1404 = arith.index_cast %add3A_1403 : i32 to index
        %get3A_1405 = arith.constant 0 : index
        %get3A_1406 = tpu.vector_load %arg6[%get3A_1404, %get3A_1405] {strides = array<i32>} : memref<800x64xf32, #tpu.memory_space<vmem>>, vector<1x16xf32>,
        %get3A_1407 = vector.shape_cast %get3A_1406 : vector<1x16xf32> to vector<16xf32>
        %add3A_1408 = arith.addf %add3A_1344, %get3A_1407 : vector<16xf32>
        %add3A_1409 = arith.constant 36 : i32
        %add3A_1410 = arith.addi %mul3A_274, %add3A_1409 : i32
        %get3A_1411 = arith.index_cast %add3A_1410 : i32 to index
        %get3A_1412 = arith.constant 16 : index
        %get3A_1413 = tpu.vector_load %arg6[%get3A_1411, %get3A_1412] {strides = array<i32>} : memref<800x64xf32, #tpu.memory_space<vmem>>, vector<1x16xf32>,
        %get3A_1414 = vector.shape_cast %get3A_1413 : vector<1x16xf32> to vector<16xf32>
        %add3A_1415 = arith.addf %add3A_1351, %get3A_1414 : vector<16xf32>
        %add3A_1416 = arith.constant 36 : i32
        %add3A_1417 = arith.addi %mul3A_274, %add3A_1416 : i32
        %get3A_1418 = arith.index_cast %add3A_1417 : i32 to index
        %get3A_1419 = arith.constant 32 : index
        %get3A_1420 = tpu.vector_load %arg6[%get3A_1418, %get3A_1419] {strides = array<i32>} : memref<800x64xf32, #tpu.memory_space<vmem>>, vector<1x16xf32>,
        %get3A_1421 = vector.shape_cast %get3A_1420 : vector<1x16xf32> to vector<16xf32>
        %add3A_1422 = arith.addf %add3A_1358, %get3A_1421 : vector<16xf32>
        %add3A_1423 = arith.constant 36 : i32
        %add3A_1424 = arith.addi %mul3A_274, %add3A_1423 : i32
        %get3A_1425 = arith.index_cast %add3A_1424 : i32 to index
        %get3A_1426 = arith.constant 48 : index
        %get3A_1427 = tpu.vector_load %arg6[%get3A_1425, %get3A_1426] {strides = array<i32>} : memref<800x64xf32, #tpu.memory_space<vmem>>, vector<1x16xf32>,
        %get3A_1428 = vector.shape_cast %get3A_1427 : vector<1x16xf32> to vector<16xf32>
        %add3A_1429 = arith.addf %add3A_1365, %get3A_1428 : vector<16xf32>
        %add3A_1430 = arith.constant 36 : i32
        %add3A_1431 = arith.addi %mul3A_274, %add3A_1430 : i32
        %add3A_1432 = arith.constant 1 : i32
        %add3A_1433 = arith.addi %add3A_1431, %add3A_1432 : i32
        %get3A_1434 = arith.index_cast %add3A_1433 : i32 to index
        %get3A_1435 = arith.constant 0 : index
        %get3A_1436 = tpu.vector_load %arg6[%get3A_1434, %get3A_1435] {strides = array<i32>} : memref<800x64xf32, #tpu.memory_space<vmem>>, vector<1x16xf32>,
        %get3A_1437 = vector.shape_cast %get3A_1436 : vector<1x16xf32> to vector<16xf32>
        %add3A_1438 = arith.addf %add3A_1374, %get3A_1437 : vector<16xf32>
        %add3A_1439 = arith.constant 36 : i32
        %add3A_1440 = arith.addi %mul3A_274, %add3A_1439 : i32
        %add3A_1441 = arith.constant 1 : i32
        %add3A_1442 = arith.addi %add3A_1440, %add3A_1441 : i32
        %get3A_1443 = arith.index_cast %add3A_1442 : i32 to index
        %get3A_1444 = arith.constant 16 : index
        %get3A_1445 = tpu.vector_load %arg6[%get3A_1443, %get3A_1444] {strides = array<i32>} : memref<800x64xf32, #tpu.memory_space<vmem>>, vector<1x16xf32>,
        %get3A_1446 = vector.shape_cast %get3A_1445 : vector<1x16xf32> to vector<16xf32>
        %add3A_1447 = arith.addf %add3A_1383, %get3A_1446 : vector<16xf32>
        %add3A_1448 = arith.constant 36 : i32
        %add3A_1449 = arith.addi %mul3A_274, %add3A_1448 : i32
        %add3A_1450 = arith.constant 1 : i32
        %add3A_1451 = arith.addi %add3A_1449, %add3A_1450 : i32
        %get3A_1452 = arith.index_cast %add3A_1451 : i32 to index
        %get3A_1453 = arith.constant 32 : index
        %get3A_1454 = tpu.vector_load %arg6[%get3A_1452, %get3A_1453] {strides = array<i32>} : memref<800x64xf32, #tpu.memory_space<vmem>>, vector<1x16xf32>,
        %get3A_1455 = vector.shape_cast %get3A_1454 : vector<1x16xf32> to vector<16xf32>
        %add3A_1456 = arith.addf %add3A_1392, %get3A_1455 : vector<16xf32>
        %add3A_1457 = arith.constant 36 : i32
        %add3A_1458 = arith.addi %mul3A_274, %add3A_1457 : i32
        %add3A_1459 = arith.constant 1 : i32
        %add3A_1460 = arith.addi %add3A_1458, %add3A_1459 : i32
        %get3A_1461 = arith.index_cast %add3A_1460 : i32 to index
        %get3A_1462 = arith.constant 48 : index
        %get3A_1463 = tpu.vector_load %arg6[%get3A_1461, %get3A_1462] {strides = array<i32>} : memref<800x64xf32, #tpu.memory_space<vmem>>, vector<1x16xf32>,
        %get3A_1464 = vector.shape_cast %get3A_1463 : vector<1x16xf32> to vector<16xf32>
        %add3A_1465 = arith.addf %add3A_1401, %get3A_1464 : vector<16xf32>
        %add3A_1466 = arith.constant 38 : i32
        %add3A_1467 = arith.addi %mul3A_274, %add3A_1466 : i32
        %get3A_1468 = arith.index_cast %add3A_1467 : i32 to index
        %get3A_1469 = arith.constant 0 : index
        %get3A_1470 = tpu.vector_load %arg6[%get3A_1468, %get3A_1469] {strides = array<i32>} : memref<800x64xf32, #tpu.memory_space<vmem>>, vector<1x16xf32>,
        %get3A_1471 = vector.shape_cast %get3A_1470 : vector<1x16xf32> to vector<16xf32>
        %add3A_1472 = arith.addf %add3A_1408, %get3A_1471 : vector<16xf32>
        %add3A_1473 = arith.constant 38 : i32
        %add3A_1474 = arith.addi %mul3A_274, %add3A_1473 : i32
        %get3A_1475 = arith.index_cast %add3A_1474 : i32 to index
        %get3A_1476 = arith.constant 16 : index
        %get3A_1477 = tpu.vector_load %arg6[%get3A_1475, %get3A_1476] {strides = array<i32>} : memref<800x64xf32, #tpu.memory_space<vmem>>, vector<1x16xf32>,
        %get3A_1478 = vector.shape_cast %get3A_1477 : vector<1x16xf32> to vector<16xf32>
        %add3A_1479 = arith.addf %add3A_1415, %get3A_1478 : vector<16xf32>
        %add3A_1480 = arith.constant 38 : i32
        %add3A_1481 = arith.addi %mul3A_274, %add3A_1480 : i32
        %get3A_1482 = arith.index_cast %add3A_1481 : i32 to index
        %get3A_1483 = arith.constant 32 : index
        %get3A_1484 = tpu.vector_load %arg6[%get3A_1482, %get3A_1483] {strides = array<i32>} : memref<800x64xf32, #tpu.memory_space<vmem>>, vector<1x16xf32>,
        %get3A_1485 = vector.shape_cast %get3A_1484 : vector<1x16xf32> to vector<16xf32>
        %add3A_1486 = arith.addf %add3A_1422, %get3A_1485 : vector<16xf32>
        %add3A_1487 = arith.constant 38 : i32
        %add3A_1488 = arith.addi %mul3A_274, %add3A_1487 : i32
        %get3A_1489 = arith.index_cast %add3A_1488 : i32 to index
        %get3A_1490 = arith.constant 48 : index
        %get3A_1491 = tpu.vector_load %arg6[%get3A_1489, %get3A_1490] {strides = array<i32>} : memref<800x64xf32, #tpu.memory_space<vmem>>, vector<1x16xf32>,
        %get3A_1492 = vector.shape_cast %get3A_1491 : vector<1x16xf32> to vector<16xf32>
        %add3A_1493 = arith.addf %add3A_1429, %get3A_1492 : vector<16xf32>
        %add3A_1494 = arith.constant 38 : i32
        %add3A_1495 = arith.addi %mul3A_274, %add3A_1494 : i32
        %add3A_1496 = arith.constant 1 : i32
        %add3A_1497 = arith.addi %add3A_1495, %add3A_1496 : i32
        %get3A_1498 = arith.index_cast %add3A_1497 : i32 to index
        %get3A_1499 = arith.constant 0 : index
        %get3A_1500 = tpu.vector_load %arg6[%get3A_1498, %get3A_1499] {strides = array<i32>} : memref<800x64xf32, #tpu.memory_space<vmem>>, vector<1x16xf32>,
        %get3A_1501 = vector.shape_cast %get3A_1500 : vector<1x16xf32> to vector<16xf32>
        %add3A_1502 = arith.addf %add3A_1438, %get3A_1501 : vector<16xf32>
        %add3A_1503 = arith.constant 38 : i32
        %add3A_1504 = arith.addi %mul3A_274, %add3A_1503 : i32
        %add3A_1505 = arith.constant 1 : i32
        %add3A_1506 = arith.addi %add3A_1504, %add3A_1505 : i32
        %get3A_1507 = arith.index_cast %add3A_1506 : i32 to index
        %get3A_1508 = arith.constant 16 : index
        %get3A_1509 = tpu.vector_load %arg6[%get3A_1507, %get3A_1508] {strides = array<i32>} : memref<800x64xf32, #tpu.memory_space<vmem>>, vector<1x16xf32>,
        %get3A_1510 = vector.shape_cast %get3A_1509 : vector<1x16xf32> to vector<16xf32>
        %add3A_1511 = arith.addf %add3A_1447, %get3A_1510 : vector<16xf32>
        %add3A_1512 = arith.constant 38 : i32
        %add3A_1513 = arith.addi %mul3A_274, %add3A_1512 : i32
        %add3A_1514 = arith.constant 1 : i32
        %add3A_1515 = arith.addi %add3A_1513, %add3A_1514 : i32
        %get3A_1516 = arith.index_cast %add3A_1515 : i32 to index
        %get3A_1517 = arith.constant 32 : index
        %get3A_1518 = tpu.vector_load %arg6[%get3A_1516, %get3A_1517] {strides = array<i32>} : memref<800x64xf32, #tpu.memory_space<vmem>>, vector<1x16xf32>,
        %get3A_1519 = vector.shape_cast %get3A_1518 : vector<1x16xf32> to vector<16xf32>
        %add3A_1520 = arith.addf %add3A_1456, %get3A_1519 : vector<16xf32>
        %add3A_1521 = arith.constant 38 : i32
        %add3A_1522 = arith.addi %mul3A_274, %add3A_1521 : i32
        %add3A_1523 = arith.constant 1 : i32
        %add3A_1524 = arith.addi %add3A_1522, %add3A_1523 : i32
        %get3A_1525 = arith.index_cast %add3A_1524 : i32 to index
        %get3A_1526 = arith.constant 48 : index
        %get3A_1527 = tpu.vector_load %arg6[%get3A_1525, %get3A_1526] {strides = array<i32>} : memref<800x64xf32, #tpu.memory_space<vmem>>, vector<1x16xf32>,
        %get3A_1528 = vector.shape_cast %get3A_1527 : vector<1x16xf32> to vector<16xf32>
        %add3A_1529 = arith.addf %add3A_1465, %get3A_1528 : vector<16xf32>
        %add3A_1530 = arith.constant 40 : i32
        %add3A_1531 = arith.addi %mul3A_274, %add3A_1530 : i32
        %get3A_1532 = arith.index_cast %add3A_1531 : i32 to index
        %get3A_1533 = arith.constant 0 : index
        %get3A_1534 = tpu.vector_load %arg6[%get3A_1532, %get3A_1533] {strides = array<i32>} : memref<800x64xf32, #tpu.memory_space<vmem>>, vector<1x16xf32>,
        %get3A_1535 = vector.shape_cast %get3A_1534 : vector<1x16xf32> to vector<16xf32>
        %add3A_1536 = arith.addf %add3A_1472, %get3A_1535 : vector<16xf32>
        %add3A_1537 = arith.constant 40 : i32
        %add3A_1538 = arith.addi %mul3A_274, %add3A_1537 : i32
        %get3A_1539 = arith.index_cast %add3A_1538 : i32 to index
        %get3A_1540 = arith.constant 16 : index
        %get3A_1541 = tpu.vector_load %arg6[%get3A_1539, %get3A_1540] {strides = array<i32>} : memref<800x64xf32, #tpu.memory_space<vmem>>, vector<1x16xf32>,
        %get3A_1542 = vector.shape_cast %get3A_1541 : vector<1x16xf32> to vector<16xf32>
        %add3A_1543 = arith.addf %add3A_1479, %get3A_1542 : vector<16xf32>
        %add3A_1544 = arith.constant 40 : i32
        %add3A_1545 = arith.addi %mul3A_274, %add3A_1544 : i32
        %get3A_1546 = arith.index_cast %add3A_1545 : i32 to index
        %get3A_1547 = arith.constant 32 : index
        %get3A_1548 = tpu.vector_load %arg6[%get3A_1546, %get3A_1547] {strides = array<i32>} : memref<800x64xf32, #tpu.memory_space<vmem>>, vector<1x16xf32>,
        %get3A_1549 = vector.shape_cast %get3A_1548 : vector<1x16xf32> to vector<16xf32>
        %add3A_1550 = arith.addf %add3A_1486, %get3A_1549 : vector<16xf32>
        %add3A_1551 = arith.constant 40 : i32
        %add3A_1552 = arith.addi %mul3A_274, %add3A_1551 : i32
        %get3A_1553 = arith.index_cast %add3A_1552 : i32 to index
        %get3A_1554 = arith.constant 48 : index
        %get3A_1555 = tpu.vector_load %arg6[%get3A_1553, %get3A_1554] {strides = array<i32>} : memref<800x64xf32, #tpu.memory_space<vmem>>, vector<1x16xf32>,
        %get3A_1556 = vector.shape_cast %get3A_1555 : vector<1x16xf32> to vector<16xf32>
        %add3A_1557 = arith.addf %add3A_1493, %get3A_1556 : vector<16xf32>
        %add3A_1558 = arith.constant 40 : i32
        %add3A_1559 = arith.addi %mul3A_274, %add3A_1558 : i32
        %add3A_1560 = arith.constant 1 : i32
        %add3A_1561 = arith.addi %add3A_1559, %add3A_1560 : i32
        %get3A_1562 = arith.index_cast %add3A_1561 : i32 to index
        %get3A_1563 = arith.constant 0 : index
        %get3A_1564 = tpu.vector_load %arg6[%get3A_1562, %get3A_1563] {strides = array<i32>} : memref<800x64xf32, #tpu.memory_space<vmem>>, vector<1x16xf32>,
        %get3A_1565 = vector.shape_cast %get3A_1564 : vector<1x16xf32> to vector<16xf32>
        %add3A_1566 = arith.addf %add3A_1502, %get3A_1565 : vector<16xf32>
        %add3A_1567 = arith.constant 40 : i32
        %add3A_1568 = arith.addi %mul3A_274, %add3A_1567 : i32
        %add3A_1569 = arith.constant 1 : i32
        %add3A_1570 = arith.addi %add3A_1568, %add3A_1569 : i32
        %get3A_1571 = arith.index_cast %add3A_1570 : i32 to index
        %get3A_1572 = arith.constant 16 : index
        %get3A_1573 = tpu.vector_load %arg6[%get3A_1571, %get3A_1572] {strides = array<i32>} : memref<800x64xf32, #tpu.memory_space<vmem>>, vector<1x16xf32>,
        %get3A_1574 = vector.shape_cast %get3A_1573 : vector<1x16xf32> to vector<16xf32>
        %add3A_1575 = arith.addf %add3A_1511, %get3A_1574 : vector<16xf32>
        %add3A_1576 = arith.constant 40 : i32
        %add3A_1577 = arith.addi %mul3A_274, %add3A_1576 : i32
        %add3A_1578 = arith.constant 1 : i32
        %add3A_1579 = arith.addi %add3A_1577, %add3A_1578 : i32
        %get3A_1580 = arith.index_cast %add3A_1579 : i32 to index
        %get3A_1581 = arith.constant 32 : index
        %get3A_1582 = tpu.vector_load %arg6[%get3A_1580, %get3A_1581] {strides = array<i32>} : memref<800x64xf32, #tpu.memory_space<vmem>>, vector<1x16xf32>,
        %get3A_1583 = vector.shape_cast %get3A_1582 : vector<1x16xf32> to vector<16xf32>
        %add3A_1584 = arith.addf %add3A_1520, %get3A_1583 : vector<16xf32>
        %add3A_1585 = arith.constant 40 : i32
        %add3A_1586 = arith.addi %mul3A_274, %add3A_1585 : i32
        %add3A_1587 = arith.constant 1 : i32
        %add3A_1588 = arith.addi %add3A_1586, %add3A_1587 : i32
        %get3A_1589 = arith.index_cast %add3A_1588 : i32 to index
        %get3A_1590 = arith.constant 48 : index
        %get3A_1591 = tpu.vector_load %arg6[%get3A_1589, %get3A_1590] {strides = array<i32>} : memref<800x64xf32, #tpu.memory_space<vmem>>, vector<1x16xf32>,
        %get3A_1592 = vector.shape_cast %get3A_1591 : vector<1x16xf32> to vector<16xf32>
        %add3A_1593 = arith.addf %add3A_1529, %get3A_1592 : vector<16xf32>
        %add3A_1594 = arith.constant 42 : i32
        %add3A_1595 = arith.addi %mul3A_274, %add3A_1594 : i32
        %get3A_1596 = arith.index_cast %add3A_1595 : i32 to index
        %get3A_1597 = arith.constant 0 : index
        %get3A_1598 = tpu.vector_load %arg6[%get3A_1596, %get3A_1597] {strides = array<i32>} : memref<800x64xf32, #tpu.memory_space<vmem>>, vector<1x16xf32>,
        %get3A_1599 = vector.shape_cast %get3A_1598 : vector<1x16xf32> to vector<16xf32>
        %add3A_1600 = arith.addf %add3A_1536, %get3A_1599 : vector<16xf32>
        %add3A_1601 = arith.constant 42 : i32
        %add3A_1602 = arith.addi %mul3A_274, %add3A_1601 : i32
        %get3A_1603 = arith.index_cast %add3A_1602 : i32 to index
        %get3A_1604 = arith.constant 16 : index
        %get3A_1605 = tpu.vector_load %arg6[%get3A_1603, %get3A_1604] {strides = array<i32>} : memref<800x64xf32, #tpu.memory_space<vmem>>, vector<1x16xf32>,
        %get3A_1606 = vector.shape_cast %get3A_1605 : vector<1x16xf32> to vector<16xf32>
        %add3A_1607 = arith.addf %add3A_1543, %get3A_1606 : vector<16xf32>
        %add3A_1608 = arith.constant 42 : i32
        %add3A_1609 = arith.addi %mul3A_274, %add3A_1608 : i32
        %get3A_1610 = arith.index_cast %add3A_1609 : i32 to index
        %get3A_1611 = arith.constant 32 : index
        %get3A_1612 = tpu.vector_load %arg6[%get3A_1610, %get3A_1611] {strides = array<i32>} : memref<800x64xf32, #tpu.memory_space<vmem>>, vector<1x16xf32>,
        %get3A_1613 = vector.shape_cast %get3A_1612 : vector<1x16xf32> to vector<16xf32>
        %add3A_1614 = arith.addf %add3A_1550, %get3A_1613 : vector<16xf32>
        %add3A_1615 = arith.constant 42 : i32
        %add3A_1616 = arith.addi %mul3A_274, %add3A_1615 : i32
        %get3A_1617 = arith.index_cast %add3A_1616 : i32 to index
        %get3A_1618 = arith.constant 48 : index
        %get3A_1619 = tpu.vector_load %arg6[%get3A_1617, %get3A_1618] {strides = array<i32>} : memref<800x64xf32, #tpu.memory_space<vmem>>, vector<1x16xf32>,
        %get3A_1620 = vector.shape_cast %get3A_1619 : vector<1x16xf32> to vector<16xf32>
        %add3A_1621 = arith.addf %add3A_1557, %get3A_1620 : vector<16xf32>
        %add3A_1622 = arith.constant 42 : i32
        %add3A_1623 = arith.addi %mul3A_274, %add3A_1622 : i32
        %add3A_1624 = arith.constant 1 : i32
        %add3A_1625 = arith.addi %add3A_1623, %add3A_1624 : i32
        %get3A_1626 = arith.index_cast %add3A_1625 : i32 to index
        %get3A_1627 = arith.constant 0 : index
        %get3A_1628 = tpu.vector_load %arg6[%get3A_1626, %get3A_1627] {strides = array<i32>} : memref<800x64xf32, #tpu.memory_space<vmem>>, vector<1x16xf32>,
        %get3A_1629 = vector.shape_cast %get3A_1628 : vector<1x16xf32> to vector<16xf32>
        %add3A_1630 = arith.addf %add3A_1566, %get3A_1629 : vector<16xf32>
        %add3A_1631 = arith.constant 42 : i32
        %add3A_1632 = arith.addi %mul3A_274, %add3A_1631 : i32
        %add3A_1633 = arith.constant 1 : i32
        %add3A_1634 = arith.addi %add3A_1632, %add3A_1633 : i32
        %get3A_1635 = arith.index_cast %add3A_1634 : i32 to index
        %get3A_1636 = arith.constant 16 : index
        %get3A_1637 = tpu.vector_load %arg6[%get3A_1635, %get3A_1636] {strides = array<i32>} : memref<800x64xf32, #tpu.memory_space<vmem>>, vector<1x16xf32>,
        %get3A_1638 = vector.shape_cast %get3A_1637 : vector<1x16xf32> to vector<16xf32>
        %add3A_1639 = arith.addf %add3A_1575, %get3A_1638 : vector<16xf32>
        %add3A_1640 = arith.constant 42 : i32
        %add3A_1641 = arith.addi %mul3A_274, %add3A_1640 : i32
        %add3A_1642 = arith.constant 1 : i32
        %add3A_1643 = arith.addi %add3A_1641, %add3A_1642 : i32
        %get3A_1644 = arith.index_cast %add3A_1643 : i32 to index
        %get3A_1645 = arith.constant 32 : index
        %get3A_1646 = tpu.vector_load %arg6[%get3A_1644, %get3A_1645] {strides = array<i32>} : memref<800x64xf32, #tpu.memory_space<vmem>>, vector<1x16xf32>,
        %get3A_1647 = vector.shape_cast %get3A_1646 : vector<1x16xf32> to vector<16xf32>
        %add3A_1648 = arith.addf %add3A_1584, %get3A_1647 : vector<16xf32>
        %add3A_1649 = arith.constant 42 : i32
        %add3A_1650 = arith.addi %mul3A_274, %add3A_1649 : i32
        %add3A_1651 = arith.constant 1 : i32
        %add3A_1652 = arith.addi %add3A_1650, %add3A_1651 : i32
        %get3A_1653 = arith.index_cast %add3A_1652 : i32 to index
        %get3A_1654 = arith.constant 48 : index
        %get3A_1655 = tpu.vector_load %arg6[%get3A_1653, %get3A_1654] {strides = array<i32>} : memref<800x64xf32, #tpu.memory_space<vmem>>, vector<1x16xf32>,
        %get3A_1656 = vector.shape_cast %get3A_1655 : vector<1x16xf32> to vector<16xf32>
        %add3A_1657 = arith.addf %add3A_1593, %get3A_1656 : vector<16xf32>
        %add3A_1658 = arith.constant 44 : i32
        %add3A_1659 = arith.addi %mul3A_274, %add3A_1658 : i32
        %get3A_1660 = arith.index_cast %add3A_1659 : i32 to index
        %get3A_1661 = arith.constant 0 : index
        %get3A_1662 = tpu.vector_load %arg6[%get3A_1660, %get3A_1661] {strides = array<i32>} : memref<800x64xf32, #tpu.memory_space<vmem>>, vector<1x16xf32>,
        %get3A_1663 = vector.shape_cast %get3A_1662 : vector<1x16xf32> to vector<16xf32>
        %add3A_1664 = arith.addf %add3A_1600, %get3A_1663 : vector<16xf32>
        %add3A_1665 = arith.constant 44 : i32
        %add3A_1666 = arith.addi %mul3A_274, %add3A_1665 : i32
        %get3A_1667 = arith.index_cast %add3A_1666 : i32 to index
        %get3A_1668 = arith.constant 16 : index
        %get3A_1669 = tpu.vector_load %arg6[%get3A_1667, %get3A_1668] {strides = array<i32>} : memref<800x64xf32, #tpu.memory_space<vmem>>, vector<1x16xf32>,
        %get3A_1670 = vector.shape_cast %get3A_1669 : vector<1x16xf32> to vector<16xf32>
        %add3A_1671 = arith.addf %add3A_1607, %get3A_1670 : vector<16xf32>
        %add3A_1672 = arith.constant 44 : i32
        %add3A_1673 = arith.addi %mul3A_274, %add3A_1672 : i32
        %get3A_1674 = arith.index_cast %add3A_1673 : i32 to index
        %get3A_1675 = arith.constant 32 : index
        %get3A_1676 = tpu.vector_load %arg6[%get3A_1674, %get3A_1675] {strides = array<i32>} : memref<800x64xf32, #tpu.memory_space<vmem>>, vector<1x16xf32>,
        %get3A_1677 = vector.shape_cast %get3A_1676 : vector<1x16xf32> to vector<16xf32>
        %add3A_1678 = arith.addf %add3A_1614, %get3A_1677 : vector<16xf32>
        %add3A_1679 = arith.constant 44 : i32
        %add3A_1680 = arith.addi %mul3A_274, %add3A_1679 : i32
        %get3A_1681 = arith.index_cast %add3A_1680 : i32 to index
        %get3A_1682 = arith.constant 48 : index
        %get3A_1683 = tpu.vector_load %arg6[%get3A_1681, %get3A_1682] {strides = array<i32>} : memref<800x64xf32, #tpu.memory_space<vmem>>, vector<1x16xf32>,
        %get3A_1684 = vector.shape_cast %get3A_1683 : vector<1x16xf32> to vector<16xf32>
        %add3A_1685 = arith.addf %add3A_1621, %get3A_1684 : vector<16xf32>
        %add3A_1686 = arith.constant 44 : i32
        %add3A_1687 = arith.addi %mul3A_274, %add3A_1686 : i32
        %add3A_1688 = arith.constant 1 : i32
        %add3A_1689 = arith.addi %add3A_1687, %add3A_1688 : i32
        %get3A_1690 = arith.index_cast %add3A_1689 : i32 to index
        %get3A_1691 = arith.constant 0 : index
        %get3A_1692 = tpu.vector_load %arg6[%get3A_1690, %get3A_1691] {strides = array<i32>} : memref<800x64xf32, #tpu.memory_space<vmem>>, vector<1x16xf32>,
        %get3A_1693 = vector.shape_cast %get3A_1692 : vector<1x16xf32> to vector<16xf32>
        %add3A_1694 = arith.addf %add3A_1630, %get3A_1693 : vector<16xf32>
        %add3A_1695 = arith.constant 44 : i32
        %add3A_1696 = arith.addi %mul3A_274, %add3A_1695 : i32
        %add3A_1697 = arith.constant 1 : i32
        %add3A_1698 = arith.addi %add3A_1696, %add3A_1697 : i32
        %get3A_1699 = arith.index_cast %add3A_1698 : i32 to index
        %get3A_1700 = arith.constant 16 : index
        %get3A_1701 = tpu.vector_load %arg6[%get3A_1699, %get3A_1700] {strides = array<i32>} : memref<800x64xf32, #tpu.memory_space<vmem>>, vector<1x16xf32>,
        %get3A_1702 = vector.shape_cast %get3A_1701 : vector<1x16xf32> to vector<16xf32>
        %add3A_1703 = arith.addf %add3A_1639, %get3A_1702 : vector<16xf32>
        %add3A_1704 = arith.constant 44 : i32
        %add3A_1705 = arith.addi %mul3A_274, %add3A_1704 : i32
        %add3A_1706 = arith.constant 1 : i32
        %add3A_1707 = arith.addi %add3A_1705, %add3A_1706 : i32
        %get3A_1708 = arith.index_cast %add3A_1707 : i32 to index
        %get3A_1709 = arith.constant 32 : index
        %get3A_1710 = tpu.vector_load %arg6[%get3A_1708, %get3A_1709] {strides = array<i32>} : memref<800x64xf32, #tpu.memory_space<vmem>>, vector<1x16xf32>,
        %get3A_1711 = vector.shape_cast %get3A_1710 : vector<1x16xf32> to vector<16xf32>
        %add3A_1712 = arith.addf %add3A_1648, %get3A_1711 : vector<16xf32>
        %add3A_1713 = arith.constant 44 : i32
        %add3A_1714 = arith.addi %mul3A_274, %add3A_1713 : i32
        %add3A_1715 = arith.constant 1 : i32
        %add3A_1716 = arith.addi %add3A_1714, %add3A_1715 : i32
        %get3A_1717 = arith.index_cast %add3A_1716 : i32 to index
        %get3A_1718 = arith.constant 48 : index
        %get3A_1719 = tpu.vector_load %arg6[%get3A_1717, %get3A_1718] {strides = array<i32>} : memref<800x64xf32, #tpu.memory_space<vmem>>, vector<1x16xf32>,
        %get3A_1720 = vector.shape_cast %get3A_1719 : vector<1x16xf32> to vector<16xf32>
        %add3A_1721 = arith.addf %add3A_1657, %get3A_1720 : vector<16xf32>
        %add3A_1722 = arith.constant 46 : i32
        %add3A_1723 = arith.addi %mul3A_274, %add3A_1722 : i32
        %get3A_1724 = arith.index_cast %add3A_1723 : i32 to index
        %get3A_1725 = arith.constant 0 : index
        %get3A_1726 = tpu.vector_load %arg6[%get3A_1724, %get3A_1725] {strides = array<i32>} : memref<800x64xf32, #tpu.memory_space<vmem>>, vector<1x16xf32>,
        %get3A_1727 = vector.shape_cast %get3A_1726 : vector<1x16xf32> to vector<16xf32>
        %add3A_1728 = arith.addf %add3A_1664, %get3A_1727 : vector<16xf32>
        %add3A_1729 = arith.constant 46 : i32
        %add3A_1730 = arith.addi %mul3A_274, %add3A_1729 : i32
        %get3A_1731 = arith.index_cast %add3A_1730 : i32 to index
        %get3A_1732 = arith.constant 16 : index
        %get3A_1733 = tpu.vector_load %arg6[%get3A_1731, %get3A_1732] {strides = array<i32>} : memref<800x64xf32, #tpu.memory_space<vmem>>, vector<1x16xf32>,
        %get3A_1734 = vector.shape_cast %get3A_1733 : vector<1x16xf32> to vector<16xf32>
        %add3A_1735 = arith.addf %add3A_1671, %get3A_1734 : vector<16xf32>
        %add3A_1736 = arith.constant 46 : i32
        %add3A_1737 = arith.addi %mul3A_274, %add3A_1736 : i32
        %get3A_1738 = arith.index_cast %add3A_1737 : i32 to index
        %get3A_1739 = arith.constant 32 : index
        %get3A_1740 = tpu.vector_load %arg6[%get3A_1738, %get3A_1739] {strides = array<i32>} : memref<800x64xf32, #tpu.memory_space<vmem>>, vector<1x16xf32>,
        %get3A_1741 = vector.shape_cast %get3A_1740 : vector<1x16xf32> to vector<16xf32>
        %add3A_1742 = arith.addf %add3A_1678, %get3A_1741 : vector<16xf32>
        %add3A_1743 = arith.constant 46 : i32
        %add3A_1744 = arith.addi %mul3A_274, %add3A_1743 : i32
        %get3A_1745 = arith.index_cast %add3A_1744 : i32 to index
        %get3A_1746 = arith.constant 48 : index
        %get3A_1747 = tpu.vector_load %arg6[%get3A_1745, %get3A_1746] {strides = array<i32>} : memref<800x64xf32, #tpu.memory_space<vmem>>, vector<1x16xf32>,
        %get3A_1748 = vector.shape_cast %get3A_1747 : vector<1x16xf32> to vector<16xf32>
        %add3A_1749 = arith.addf %add3A_1685, %get3A_1748 : vector<16xf32>
        %add3A_1750 = arith.constant 46 : i32
        %add3A_1751 = arith.addi %mul3A_274, %add3A_1750 : i32
        %add3A_1752 = arith.constant 1 : i32
        %add3A_1753 = arith.addi %add3A_1751, %add3A_1752 : i32
        %get3A_1754 = arith.index_cast %add3A_1753 : i32 to index
        %get3A_1755 = arith.constant 0 : index
        %get3A_1756 = tpu.vector_load %arg6[%get3A_1754, %get3A_1755] {strides = array<i32>} : memref<800x64xf32, #tpu.memory_space<vmem>>, vector<1x16xf32>,
        %get3A_1757 = vector.shape_cast %get3A_1756 : vector<1x16xf32> to vector<16xf32>
        %add3A_1758 = arith.addf %add3A_1694, %get3A_1757 : vector<16xf32>
        %add3A_1759 = arith.constant 46 : i32
        %add3A_1760 = arith.addi %mul3A_274, %add3A_1759 : i32
        %add3A_1761 = arith.constant 1 : i32
        %add3A_1762 = arith.addi %add3A_1760, %add3A_1761 : i32
        %get3A_1763 = arith.index_cast %add3A_1762 : i32 to index
        %get3A_1764 = arith.constant 16 : index
        %get3A_1765 = tpu.vector_load %arg6[%get3A_1763, %get3A_1764] {strides = array<i32>} : memref<800x64xf32, #tpu.memory_space<vmem>>, vector<1x16xf32>,
        %get3A_1766 = vector.shape_cast %get3A_1765 : vector<1x16xf32> to vector<16xf32>
        %add3A_1767 = arith.addf %add3A_1703, %get3A_1766 : vector<16xf32>
        %add3A_1768 = arith.constant 46 : i32
        %add3A_1769 = arith.addi %mul3A_274, %add3A_1768 : i32
        %add3A_1770 = arith.constant 1 : i32
        %add3A_1771 = arith.addi %add3A_1769, %add3A_1770 : i32
        %get3A_1772 = arith.index_cast %add3A_1771 : i32 to index
        %get3A_1773 = arith.constant 32 : index
        %get3A_1774 = tpu.vector_load %arg6[%get3A_1772, %get3A_1773] {strides = array<i32>} : memref<800x64xf32, #tpu.memory_space<vmem>>, vector<1x16xf32>,
        %get3A_1775 = vector.shape_cast %get3A_1774 : vector<1x16xf32> to vector<16xf32>
        %add3A_1776 = arith.addf %add3A_1712, %get3A_1775 : vector<16xf32>
        %add3A_1777 = arith.constant 46 : i32
        %add3A_1778 = arith.addi %mul3A_274, %add3A_1777 : i32
        %add3A_1779 = arith.constant 1 : i32
        %add3A_1780 = arith.addi %add3A_1778, %add3A_1779 : i32
        %get3A_1781 = arith.index_cast %add3A_1780 : i32 to index
        %get3A_1782 = arith.constant 48 : index
        %get3A_1783 = tpu.vector_load %arg6[%get3A_1781, %get3A_1782] {strides = array<i32>} : memref<800x64xf32, #tpu.memory_space<vmem>>, vector<1x16xf32>,
        %get3A_1784 = vector.shape_cast %get3A_1783 : vector<1x16xf32> to vector<16xf32>
        %add3A_1785 = arith.addf %add3A_1721, %get3A_1784 : vector<16xf32>
        %add3A_1786 = arith.constant 48 : i32
        %add3A_1787 = arith.addi %mul3A_274, %add3A_1786 : i32
        %get3A_1788 = arith.index_cast %add3A_1787 : i32 to index
        %get3A_1789 = arith.constant 0 : index
        %get3A_1790 = tpu.vector_load %arg6[%get3A_1788, %get3A_1789] {strides = array<i32>} : memref<800x64xf32, #tpu.memory_space<vmem>>, vector<1x16xf32>,
        %get3A_1791 = vector.shape_cast %get3A_1790 : vector<1x16xf32> to vector<16xf32>
        %add3A_1792 = arith.addf %add3A_1728, %get3A_1791 : vector<16xf32>
        %add3A_1793 = arith.constant 48 : i32
        %add3A_1794 = arith.addi %mul3A_274, %add3A_1793 : i32
        %get3A_1795 = arith.index_cast %add3A_1794 : i32 to index
        %get3A_1796 = arith.constant 16 : index
        %get3A_1797 = tpu.vector_load %arg6[%get3A_1795, %get3A_1796] {strides = array<i32>} : memref<800x64xf32, #tpu.memory_space<vmem>>, vector<1x16xf32>,
        %get3A_1798 = vector.shape_cast %get3A_1797 : vector<1x16xf32> to vector<16xf32>
        %add3A_1799 = arith.addf %add3A_1735, %get3A_1798 : vector<16xf32>
        %add3A_1800 = arith.constant 48 : i32
        %add3A_1801 = arith.addi %mul3A_274, %add3A_1800 : i32
        %get3A_1802 = arith.index_cast %add3A_1801 : i32 to index
        %get3A_1803 = arith.constant 32 : index
        %get3A_1804 = tpu.vector_load %arg6[%get3A_1802, %get3A_1803] {strides = array<i32>} : memref<800x64xf32, #tpu.memory_space<vmem>>, vector<1x16xf32>,
        %get3A_1805 = vector.shape_cast %get3A_1804 : vector<1x16xf32> to vector<16xf32>
        %add3A_1806 = arith.addf %add3A_1742, %get3A_1805 : vector<16xf32>
        %add3A_1807 = arith.constant 48 : i32
        %add3A_1808 = arith.addi %mul3A_274, %add3A_1807 : i32
        %get3A_1809 = arith.index_cast %add3A_1808 : i32 to index
        %get3A_1810 = arith.constant 48 : index
        %get3A_1811 = tpu.vector_load %arg6[%get3A_1809, %get3A_1810] {strides = array<i32>} : memref<800x64xf32, #tpu.memory_space<vmem>>, vector<1x16xf32>,
        %get3A_1812 = vector.shape_cast %get3A_1811 : vector<1x16xf32> to vector<16xf32>
        %add3A_1813 = arith.addf %add3A_1749, %get3A_1812 : vector<16xf32>
        %add3A_1814 = arith.constant 48 : i32
        %add3A_1815 = arith.addi %mul3A_274, %add3A_1814 : i32
        %add3A_1816 = arith.constant 1 : i32
        %add3A_1817 = arith.addi %add3A_1815, %add3A_1816 : i32
        %get3A_1818 = arith.index_cast %add3A_1817 : i32 to index
        %get3A_1819 = arith.constant 0 : index
        %get3A_1820 = tpu.vector_load %arg6[%get3A_1818, %get3A_1819] {strides = array<i32>} : memref<800x64xf32, #tpu.memory_space<vmem>>, vector<1x16xf32>,
        %get3A_1821 = vector.shape_cast %get3A_1820 : vector<1x16xf32> to vector<16xf32>
        %add3A_1822 = arith.addf %add3A_1758, %get3A_1821 : vector<16xf32>
        %add3A_1823 = arith.constant 48 : i32
        %add3A_1824 = arith.addi %mul3A_274, %add3A_1823 : i32
        %add3A_1825 = arith.constant 1 : i32
        %add3A_1826 = arith.addi %add3A_1824, %add3A_1825 : i32
        %get3A_1827 = arith.index_cast %add3A_1826 : i32 to index
        %get3A_1828 = arith.constant 16 : index
        %get3A_1829 = tpu.vector_load %arg6[%get3A_1827, %get3A_1828] {strides = array<i32>} : memref<800x64xf32, #tpu.memory_space<vmem>>, vector<1x16xf32>,
        %get3A_1830 = vector.shape_cast %get3A_1829 : vector<1x16xf32> to vector<16xf32>
        %add3A_1831 = arith.addf %add3A_1767, %get3A_1830 : vector<16xf32>
        %add3A_1832 = arith.constant 48 : i32
        %add3A_1833 = arith.addi %mul3A_274, %add3A_1832 : i32
        %add3A_1834 = arith.constant 1 : i32
        %add3A_1835 = arith.addi %add3A_1833, %add3A_1834 : i32
        %get3A_1836 = arith.index_cast %add3A_1835 : i32 to index
        %get3A_1837 = arith.constant 32 : index
        %get3A_1838 = tpu.vector_load %arg6[%get3A_1836, %get3A_1837] {strides = array<i32>} : memref<800x64xf32, #tpu.memory_space<vmem>>, vector<1x16xf32>,
        %get3A_1839 = vector.shape_cast %get3A_1838 : vector<1x16xf32> to vector<16xf32>
        %add3A_1840 = arith.addf %add3A_1776, %get3A_1839 : vector<16xf32>
        %add3A_1841 = arith.constant 48 : i32
        %add3A_1842 = arith.addi %mul3A_274, %add3A_1841 : i32
        %add3A_1843 = arith.constant 1 : i32
        %add3A_1844 = arith.addi %add3A_1842, %add3A_1843 : i32
        %get3A_1845 = arith.index_cast %add3A_1844 : i32 to index
        %get3A_1846 = arith.constant 48 : index
        %get3A_1847 = tpu.vector_load %arg6[%get3A_1845, %get3A_1846] {strides = array<i32>} : memref<800x64xf32, #tpu.memory_space<vmem>>, vector<1x16xf32>,
        %get3A_1848 = vector.shape_cast %get3A_1847 : vector<1x16xf32> to vector<16xf32>
        %add3A_1849 = arith.addf %add3A_1785, %get3A_1848 : vector<16xf32>
        %mul3A_1850 = arith.constant 16 : i32
        %mul3A_1851 = arith.muli %add3A_182, %mul3A_1850 : i32
        %add3A_1852 = arith.addi %mul3A_1851, %scan3A_271 : i32
        %add3A_1853 = arith.addf %add3A_1792, %add3A_1822 : vector<16xf32>
        %swap3A = arith.index_cast %add3A_1852 : i32 to index
        %swap3A_1854 = arith.constant 0 : index
        %swap3A_1855 = tpu.vector_load %arg8[%swap3A, %swap3A_1854] {strides = array<i32>} : memref<128x64xf32, #tpu.memory_space<vmem>>, vector<1x16xf32>,
        %swap3A_1856 = vector.shape_cast %swap3A_1855 : vector<1x16xf32> to vector<16xf32>
        %swap3A_1857 = vector.shape_cast %add3A_1853 : vector<16xf32> to vector<1x16xf32>
        tpu.vector_store %arg8[%swap3A, %swap3A_1854], %swap3A_1857 {strides = array<i32>} : memref<128x64xf32, #tpu.memory_space<vmem>>, vector<1x16xf32>,
        %add3A_1858 = arith.addf %add3A_1799, %add3A_1831 : vector<16xf32>
        %swap3A_1859 = arith.index_cast %add3A_1852 : i32 to index
        %swap3A_1860 = arith.constant 16 : index
        %swap3A_1861 = tpu.vector_load %arg8[%swap3A_1859, %swap3A_1860] {strides = array<i32>} : memref<128x64xf32, #tpu.memory_space<vmem>>, vector<1x16xf32>,
        %swap3A_1862 = vector.shape_cast %swap3A_1861 : vector<1x16xf32> to vector<16xf32>
        %swap3A_1863 = vector.shape_cast %add3A_1858 : vector<16xf32> to vector<1x16xf32>
        tpu.vector_store %arg8[%swap3A_1859, %swap3A_1860], %swap3A_1863 {strides = array<i32>} : memref<128x64xf32, #tpu.memory_space<vmem>>, vector<1x16xf32>,
        %add3A_1864 = arith.addf %add3A_1806, %add3A_1840 : vector<16xf32>
        %swap3A_1865 = arith.index_cast %add3A_1852 : i32 to index
        %swap3A_1866 = arith.constant 32 : index
        %swap3A_1867 = tpu.vector_load %arg8[%swap3A_1865, %swap3A_1866] {strides = array<i32>} : memref<128x64xf32, #tpu.memory_space<vmem>>, vector<1x16xf32>,
        %swap3A_1868 = vector.shape_cast %swap3A_1867 : vector<1x16xf32> to vector<16xf32>
        %swap3A_1869 = vector.shape_cast %add3A_1864 : vector<16xf32> to vector<1x16xf32>
        tpu.vector_store %arg8[%swap3A_1865, %swap3A_1866], %swap3A_1869 {strides = array<i32>} : memref<128x64xf32, #tpu.memory_space<vmem>>, vector<1x16xf32>,
        %add3A_1870 = arith.addf %add3A_1813, %add3A_1849 : vector<16xf32>
        %swap3A_1871 = arith.index_cast %add3A_1852 : i32 to index
        %swap3A_1872 = arith.constant 48 : index
        %swap3A_1873 = tpu.vector_load %arg8[%swap3A_1871, %swap3A_1872] {strides = array<i32>} : memref<128x64xf32, #tpu.memory_space<vmem>>, vector<1x16xf32>,
        %swap3A_1874 = vector.shape_cast %swap3A_1873 : vector<1x16xf32> to vector<16xf32>
        %swap3A_1875 = vector.shape_cast %add3A_1870 : vector<16xf32> to vector<1x16xf32>
        tpu.vector_store %arg8[%swap3A_1871, %swap3A_1872], %swap3A_1875 {strides = array<i32>} : memref<128x64xf32, #tpu.memory_space<vmem>>, vector<1x16xf32>,
        %scan3A_1876 = arith.constant 0 : i32
        scf.yield %scan3A_1876 : i32
      }
      %scan3A_189 = arith.constant 16 : i32
      %add3A_190 = arith.constant 0 : i32
      %add3A_191 = arith.addi %mul3A_125, %add3A_190 : i32
      %add3A_192 = arith.constant 2 : i32
      %add3A_193 = arith.addi %add3A_191, %add3A_192 : i32
      %lt3A = arith.constant 8 : i32
      %lt3A_194 = arith.cmpi slt, %add3A_193, %lt3A : i32
      %convert_element_type3A = arith.extui %lt3A_194 : i1 to i32
      %cond3A = arith.constant 0 : i32
      %cond3A_195 = arith.cmpi ne, %convert_element_type3A, %cond3A : i32
      scf.if %cond3A_195 {
        %add3A_271 = arith.constant 0 : i32
        %add3A_272 = arith.addi %mul3A_125, %add3A_271 : i32
        %add3A_273 = arith.constant 2 : i32
        %add3A_274 = arith.addi %add3A_272, %add3A_273 : i32
        %mul3A_275 = arith.constant 800 : i32
        %mul3A_276 = arith.muli %add3A_274, %mul3A_275 : i32
        %add3A_277 = arith.constant 0 : i32
        %add3A_278 = arith.addi %mul3A_276, %add3A_277 : i32
        %dma_start3A_279 = arith.constant 0 : i32
        %dma_start3A_280 = arith.constant 0 : i32
        %dma_start3A_281 = tpu.memref_slice %arg6[%dma_start3A_279, %dma_start3A_280] : memref<800x64xf32, #tpu.memory_space<vmem>> -> memref<128x64xf32, #tpu.memory_space<vmem>>
        %dma_start3A_282 = tpu.memref_slice %arg5[%add3A_278] : memref<6400xi32, #tpu.memory_space<vmem>> -> memref<128xi32, #tpu.memory_space<vmem>>
        %dma_start3A_283 = arith.constant 0 : i32
        %dma_start3A_284 = arith.constant 0 : i32
        %dma_start3A_285 = tpu.memref_slice %arg2[%dma_start3A_283, %dma_start3A_284] : memref<100000x64xf32, #tpu.memory_space<hbm>> -> memref<100000x64xf32, #tpu.memory_space<hbm>>
        tpu.enqueue_indirect_dma source(%dma_start3A_285 : memref<100000x64xf32, #tpu.memory_space<hbm>>) target(%dma_start3A_281 : memref<128x64xf32, #tpu.memory_space<vmem>>) offsets(%dma_start3A_282 : memref<128xi32, #tpu.memory_space<vmem>>) semaphore(%arg9 : memref<!tpu.dma_semaphore, #tpu.memory_space<semaphore_mem>>)
        %add3A_286 = arith.constant 128 : i32
        %add3A_287 = arith.addi %mul3A_276, %add3A_286 : i32
        %dma_start3A_288 = arith.constant 128 : i32
        %dma_start3A_289 = arith.constant 0 : i32
        %dma_start3A_290 = tpu.memref_slice %arg6[%dma_start3A_288, %dma_start3A_289] : memref<800x64xf32, #tpu.memory_space<vmem>> -> memref<128x64xf32, #tpu.memory_space<vmem>>
        %dma_start3A_291 = tpu.memref_slice %arg5[%add3A_287] : memref<6400xi32, #tpu.memory_space<vmem>> -> memref<128xi32, #tpu.memory_space<vmem>>
        %dma_start3A_292 = arith.constant 0 : i32
        %dma_start3A_293 = arith.constant 0 : i32
        %dma_start3A_294 = tpu.memref_slice %arg2[%dma_start3A_292, %dma_start3A_293] : memref<100000x64xf32, #tpu.memory_space<hbm>> -> memref<100000x64xf32, #tpu.memory_space<hbm>>
        tpu.enqueue_indirect_dma source(%dma_start3A_294 : memref<100000x64xf32, #tpu.memory_space<hbm>>) target(%dma_start3A_290 : memref<128x64xf32, #tpu.memory_space<vmem>>) offsets(%dma_start3A_291 : memref<128xi32, #tpu.memory_space<vmem>>) semaphore(%arg9 : memref<!tpu.dma_semaphore, #tpu.memory_space<semaphore_mem>>)
        %add3A_295 = arith.constant 256 : i32
        %add3A_296 = arith.addi %mul3A_276, %add3A_295 : i32
        %dma_start3A_297 = arith.constant 256 : i32
        %dma_start3A_298 = arith.constant 0 : i32
        %dma_start3A_299 = tpu.memref_slice %arg6[%dma_start3A_297, %dma_start3A_298] : memref<800x64xf32, #tpu.memory_space<vmem>> -> memref<128x64xf32, #tpu.memory_space<vmem>>
        %dma_start3A_300 = tpu.memref_slice %arg5[%add3A_296] : memref<6400xi32, #tpu.memory_space<vmem>> -> memref<128xi32, #tpu.memory_space<vmem>>
        %dma_start3A_301 = arith.constant 0 : i32
        %dma_start3A_302 = arith.constant 0 : i32
        %dma_start3A_303 = tpu.memref_slice %arg2[%dma_start3A_301, %dma_start3A_302] : memref<100000x64xf32, #tpu.memory_space<hbm>> -> memref<100000x64xf32, #tpu.memory_space<hbm>>
        tpu.enqueue_indirect_dma source(%dma_start3A_303 : memref<100000x64xf32, #tpu.memory_space<hbm>>) target(%dma_start3A_299 : memref<128x64xf32, #tpu.memory_space<vmem>>) offsets(%dma_start3A_300 : memref<128xi32, #tpu.memory_space<vmem>>) semaphore(%arg9 : memref<!tpu.dma_semaphore, #tpu.memory_space<semaphore_mem>>)
        %add3A_304 = arith.constant 384 : i32
        %add3A_305 = arith.addi %mul3A_276, %add3A_304 : i32
        %dma_start3A_306 = arith.constant 384 : i32
        %dma_start3A_307 = arith.constant 0 : i32
        %dma_start3A_308 = tpu.memref_slice %arg6[%dma_start3A_306, %dma_start3A_307] : memref<800x64xf32, #tpu.memory_space<vmem>> -> memref<128x64xf32, #tpu.memory_space<vmem>>
        %dma_start3A_309 = tpu.memref_slice %arg5[%add3A_305] : memref<6400xi32, #tpu.memory_space<vmem>> -> memref<128xi32, #tpu.memory_space<vmem>>
        %dma_start3A_310 = arith.constant 0 : i32
        %dma_start3A_311 = arith.constant 0 : i32
        %dma_start3A_312 = tpu.memref_slice %arg2[%dma_start3A_310, %dma_start3A_311] : memref<100000x64xf32, #tpu.memory_space<hbm>> -> memref<100000x64xf32, #tpu.memory_space<hbm>>
        tpu.enqueue_indirect_dma source(%dma_start3A_312 : memref<100000x64xf32, #tpu.memory_space<hbm>>) target(%dma_start3A_308 : memref<128x64xf32, #tpu.memory_space<vmem>>) offsets(%dma_start3A_309 : memref<128xi32, #tpu.memory_space<vmem>>) semaphore(%arg9 : memref<!tpu.dma_semaphore, #tpu.memory_space<semaphore_mem>>)
        %add3A_313 = arith.constant 512 : i32
        %add3A_314 = arith.addi %mul3A_276, %add3A_313 : i32
        %dma_start3A_315 = arith.constant 512 : i32
        %dma_start3A_316 = arith.constant 0 : i32
        %dma_start3A_317 = tpu.memref_slice %arg6[%dma_start3A_315, %dma_start3A_316] : memref<800x64xf32, #tpu.memory_space<vmem>> -> memref<128x64xf32, #tpu.memory_space<vmem>>
        %dma_start3A_318 = tpu.memref_slice %arg5[%add3A_314] : memref<6400xi32, #tpu.memory_space<vmem>> -> memref<128xi32, #tpu.memory_space<vmem>>
        %dma_start3A_319 = arith.constant 0 : i32
        %dma_start3A_320 = arith.constant 0 : i32
        %dma_start3A_321 = tpu.memref_slice %arg2[%dma_start3A_319, %dma_start3A_320] : memref<100000x64xf32, #tpu.memory_space<hbm>> -> memref<100000x64xf32, #tpu.memory_space<hbm>>
        tpu.enqueue_indirect_dma source(%dma_start3A_321 : memref<100000x64xf32, #tpu.memory_space<hbm>>) target(%dma_start3A_317 : memref<128x64xf32, #tpu.memory_space<vmem>>) offsets(%dma_start3A_318 : memref<128xi32, #tpu.memory_space<vmem>>) semaphore(%arg9 : memref<!tpu.dma_semaphore, #tpu.memory_space<semaphore_mem>>)
        %add3A_322 = arith.constant 640 : i32
        %add3A_323 = arith.addi %mul3A_276, %add3A_322 : i32
        %dma_start3A_324 = arith.constant 640 : i32
        %dma_start3A_325 = arith.constant 0 : i32
        %dma_start3A_326 = tpu.memref_slice %arg6[%dma_start3A_324, %dma_start3A_325] : memref<800x64xf32, #tpu.memory_space<vmem>> -> memref<128x64xf32, #tpu.memory_space<vmem>>
        %dma_start3A_327 = tpu.memref_slice %arg5[%add3A_323] : memref<6400xi32, #tpu.memory_space<vmem>> -> memref<128xi32, #tpu.memory_space<vmem>>
        %dma_start3A_328 = arith.constant 0 : i32
        %dma_start3A_329 = arith.constant 0 : i32
        %dma_start3A_330 = tpu.memref_slice %arg2[%dma_start3A_328, %dma_start3A_329] : memref<100000x64xf32, #tpu.memory_space<hbm>> -> memref<100000x64xf32, #tpu.memory_space<hbm>>
        tpu.enqueue_indirect_dma source(%dma_start3A_330 : memref<100000x64xf32, #tpu.memory_space<hbm>>) target(%dma_start3A_326 : memref<128x64xf32, #tpu.memory_space<vmem>>) offsets(%dma_start3A_327 : memref<128xi32, #tpu.memory_space<vmem>>) semaphore(%arg9 : memref<!tpu.dma_semaphore, #tpu.memory_space<semaphore_mem>>)
        %add3A_331 = arith.constant 768 : i32
        %add3A_332 = arith.addi %mul3A_276, %add3A_331 : i32
        %dma_start3A_333 = arith.constant 768 : i32
        %dma_start3A_334 = arith.constant 0 : i32
        %dma_start3A_335 = tpu.memref_slice %arg6[%dma_start3A_333, %dma_start3A_334] : memref<800x64xf32, #tpu.memory_space<vmem>> -> memref<32x64xf32, #tpu.memory_space<vmem>>
        %dma_start3A_336 = tpu.memref_slice %arg5[%add3A_332] : memref<6400xi32, #tpu.memory_space<vmem>> -> memref<32xi32, #tpu.memory_space<vmem>>
        %dma_start3A_337 = arith.constant 0 : i32
        %dma_start3A_338 = arith.constant 0 : i32
        %dma_start3A_339 = tpu.memref_slice %arg2[%dma_start3A_337, %dma_start3A_338] : memref<100000x64xf32, #tpu.memory_space<hbm>> -> memref<100000x64xf32, #tpu.memory_space<hbm>>
        tpu.enqueue_indirect_dma source(%dma_start3A_339 : memref<100000x64xf32, #tpu.memory_space<hbm>>) target(%dma_start3A_335 : memref<32x64xf32, #tpu.memory_space<vmem>>) offsets(%dma_start3A_336 : memref<32xi32, #tpu.memory_space<vmem>>) semaphore(%arg9 : memref<!tpu.dma_semaphore, #tpu.memory_space<semaphore_mem>>)
      } else {
      }
      %dma_wait3A_196 = arith.constant 0 : i32
      %dma_wait3A_197 = arith.constant 0 : i32
      %dma_wait3A_198 = tpu.memref_slice %arg7[%dma_wait3A_196, %dma_wait3A_197] : memref<800x64xf32, #tpu.memory_space<vmem>> -> memref<128x64xf32, #tpu.memory_space<vmem>>
      %dma_wait3A_199 = arith.constant 0 : i32
      %dma_wait3A_200 = tpu.memref_slice %arg5[%dma_wait3A_199] : memref<6400xi32, #tpu.memory_space<vmem>> -> memref<128xi32, #tpu.memory_space<vmem>>
      %dma_wait3A_201 = arith.constant 0 : i32
      %dma_wait3A_202 = arith.constant 0 : i32
      %dma_wait3A_203 = tpu.memref_slice %arg2[%dma_wait3A_201, %dma_wait3A_202] : memref<100000x64xf32, #tpu.memory_space<hbm>> -> memref<100000x64xf32, #tpu.memory_space<hbm>>
      tpu.wait_indirect_dma semaphore(%arg10 : memref<!tpu.dma_semaphore, #tpu.memory_space<semaphore_mem>>) src(%dma_wait3A_203 : memref<100000x64xf32, #tpu.memory_space<hbm>>) dst(%dma_wait3A_198 : memref<128x64xf32, #tpu.memory_space<vmem>>)
      %dma_wait3A_204 = arith.constant 128 : i32
      %dma_wait3A_205 = arith.constant 0 : i32
      %dma_wait3A_206 = tpu.memref_slice %arg7[%dma_wait3A_204, %dma_wait3A_205] : memref<800x64xf32, #tpu.memory_space<vmem>> -> memref<128x64xf32, #tpu.memory_space<vmem>>
      %dma_wait3A_207 = arith.constant 128 : i32
      %dma_wait3A_208 = tpu.memref_slice %arg5[%dma_wait3A_207] : memref<6400xi32, #tpu.memory_space<vmem>> -> memref<128xi32, #tpu.memory_space<vmem>>
      %dma_wait3A_209 = arith.constant 0 : i32
      %dma_wait3A_210 = arith.constant 0 : i32
      %dma_wait3A_211 = tpu.memref_slice %arg2[%dma_wait3A_209, %dma_wait3A_210] : memref<100000x64xf32, #tpu.memory_space<hbm>> -> memref<100000x64xf32, #tpu.memory_space<hbm>>
      tpu.wait_indirect_dma semaphore(%arg10 : memref<!tpu.dma_semaphore, #tpu.memory_space<semaphore_mem>>) src(%dma_wait3A_211 : memref<100000x64xf32, #tpu.memory_space<hbm>>) dst(%dma_wait3A_206 : memref<128x64xf32, #tpu.memory_space<vmem>>)
      %dma_wait3A_212 = arith.constant 256 : i32
      %dma_wait3A_213 = arith.constant 0 : i32
      %dma_wait3A_214 = tpu.memref_slice %arg7[%dma_wait3A_212, %dma_wait3A_213] : memref<800x64xf32, #tpu.memory_space<vmem>> -> memref<128x64xf32, #tpu.memory_space<vmem>>
      %dma_wait3A_215 = arith.constant 256 : i32
      %dma_wait3A_216 = tpu.memref_slice %arg5[%dma_wait3A_215] : memref<6400xi32, #tpu.memory_space<vmem>> -> memref<128xi32, #tpu.memory_space<vmem>>
      %dma_wait3A_217 = arith.constant 0 : i32
      %dma_wait3A_218 = arith.constant 0 : i32
      %dma_wait3A_219 = tpu.memref_slice %arg2[%dma_wait3A_217, %dma_wait3A_218] : memref<100000x64xf32, #tpu.memory_space<hbm>> -> memref<100000x64xf32, #tpu.memory_space<hbm>>
      tpu.wait_indirect_dma semaphore(%arg10 : memref<!tpu.dma_semaphore, #tpu.memory_space<semaphore_mem>>) src(%dma_wait3A_219 : memref<100000x64xf32, #tpu.memory_space<hbm>>) dst(%dma_wait3A_214 : memref<128x64xf32, #tpu.memory_space<vmem>>)
      %dma_wait3A_220 = arith.constant 384 : i32
      %dma_wait3A_221 = arith.constant 0 : i32
      %dma_wait3A_222 = tpu.memref_slice %arg7[%dma_wait3A_220, %dma_wait3A_221] : memref<800x64xf32, #tpu.memory_space<vmem>> -> memref<128x64xf32, #tpu.memory_space<vmem>>
      %dma_wait3A_223 = arith.constant 384 : i32
      %dma_wait3A_224 = tpu.memref_slice %arg5[%dma_wait3A_223] : memref<6400xi32, #tpu.memory_space<vmem>> -> memref<128xi32, #tpu.memory_space<vmem>>
      %dma_wait3A_225 = arith.constant 0 : i32
      %dma_wait3A_226 = arith.constant 0 : i32
      %dma_wait3A_227 = tpu.memref_slice %arg2[%dma_wait3A_225, %dma_wait3A_226] : memref<100000x64xf32, #tpu.memory_space<hbm>> -> memref<100000x64xf32, #tpu.memory_space<hbm>>
      tpu.wait_indirect_dma semaphore(%arg10 : memref<!tpu.dma_semaphore, #tpu.memory_space<semaphore_mem>>) src(%dma_wait3A_227 : memref<100000x64xf32, #tpu.memory_space<hbm>>) dst(%dma_wait3A_222 : memref<128x64xf32, #tpu.memory_space<vmem>>)
      %dma_wait3A_228 = arith.constant 512 : i32
      %dma_wait3A_229 = arith.constant 0 : i32
      %dma_wait3A_230 = tpu.memref_slice %arg7[%dma_wait3A_228, %dma_wait3A_229] : memref<800x64xf32, #tpu.memory_space<vmem>> -> memref<128x64xf32, #tpu.memory_space<vmem>>
      %dma_wait3A_231 = arith.constant 512 : i32
      %dma_wait3A_232 = tpu.memref_slice %arg5[%dma_wait3A_231] : memref<6400xi32, #tpu.memory_space<vmem>> -> memref<128xi32, #tpu.memory_space<vmem>>
      %dma_wait3A_233 = arith.constant 0 : i32
      %dma_wait3A_234 = arith.constant 0 : i32
      %dma_wait3A_235 = tpu.memref_slice %arg2[%dma_wait3A_233, %dma_wait3A_234] : memref<100000x64xf32, #tpu.memory_space<hbm>> -> memref<100000x64xf32, #tpu.memory_space<hbm>>
      tpu.wait_indirect_dma semaphore(%arg10 : memref<!tpu.dma_semaphore, #tpu.memory_space<semaphore_mem>>) src(%dma_wait3A_235 : memref<100000x64xf32, #tpu.memory_space<hbm>>) dst(%dma_wait3A_230 : memref<128x64xf32, #tpu.memory_space<vmem>>)
      %dma_wait3A_236 = arith.constant 640 : i32
      %dma_wait3A_237 = arith.constant 0 : i32
      %dma_wait3A_238 = tpu.memref_slice %arg7[%dma_wait3A_236, %dma_wait3A_237] : memref<800x64xf32, #tpu.memory_space<vmem>> -> memref<128x64xf32, #tpu.memory_space<vmem>>
      %dma_wait3A_239 = arith.constant 640 : i32
      %dma_wait3A_240 = tpu.memref_slice %arg5[%dma_wait3A_239] : memref<6400xi32, #tpu.memory_space<vmem>> -> memref<128xi32, #tpu.memory_space<vmem>>
      %dma_wait3A_241 = arith.constant 0 : i32
      %dma_wait3A_242 = arith.constant 0 : i32
      %dma_wait3A_243 = tpu.memref_slice %arg2[%dma_wait3A_241, %dma_wait3A_242] : memref<100000x64xf32, #tpu.memory_space<hbm>> -> memref<100000x64xf32, #tpu.memory_space<hbm>>
      tpu.wait_indirect_dma semaphore(%arg10 : memref<!tpu.dma_semaphore, #tpu.memory_space<semaphore_mem>>) src(%dma_wait3A_243 : memref<100000x64xf32, #tpu.memory_space<hbm>>) dst(%dma_wait3A_238 : memref<128x64xf32, #tpu.memory_space<vmem>>)
      %dma_wait3A_244 = arith.constant 768 : i32
      %dma_wait3A_245 = arith.constant 0 : i32
      %dma_wait3A_246 = tpu.memref_slice %arg7[%dma_wait3A_244, %dma_wait3A_245] : memref<800x64xf32, #tpu.memory_space<vmem>> -> memref<32x64xf32, #tpu.memory_space<vmem>>
      %dma_wait3A_247 = arith.constant 768 : i32
      %dma_wait3A_248 = tpu.memref_slice %arg5[%dma_wait3A_247] : memref<6400xi32, #tpu.memory_space<vmem>> -> memref<32xi32, #tpu.memory_space<vmem>>
      %dma_wait3A_249 = arith.constant 0 : i32
      %dma_wait3A_250 = arith.constant 0 : i32
      %dma_wait3A_251 = tpu.memref_slice %arg2[%dma_wait3A_249, %dma_wait3A_250] : memref<100000x64xf32, #tpu.memory_space<hbm>> -> memref<100000x64xf32, #tpu.memory_space<hbm>>
      tpu.wait_indirect_dma semaphore(%arg10 : memref<!tpu.dma_semaphore, #tpu.memory_space<semaphore_mem>>) src(%dma_wait3A_251 : memref<100000x64xf32, #tpu.memory_space<hbm>>) dst(%dma_wait3A_246 : memref<32x64xf32, #tpu.memory_space<vmem>>)
      %add3A_252 = arith.constant 1 : i32
      %add3A_253 = arith.addi %mul3A_125, %add3A_252 : i32
      %scan3A_254 = arith.constant 0 : i32
      %scan3A_255 = arith.constant 0 : i32
      %scan3A_256 = arith.constant 16 : i32
      %scan3A_257 = arith.addi %scan3A_255, %scan3A_256 : i32
      %scan3A_258 = arith.constant 1 : i32
      %scan3A_259 = scf.for %scan3A_271 = %scan3A_255 to %scan3A_257 step %scan3A_258 iter_args(%scan3A_272 = %scan3A_254) -> (i32)  : i32 {
        %mul3A_273 = arith.constant 50 : i32
        %mul3A_274 = arith.muli %scan3A_271, %mul3A_273 : i32
        %get3A = arith.index_cast %mul3A_274 : i32 to index
        %get3A_275 = arith.constant 0 : index
        %get3A_276 = tpu.vector_load %arg7[%get3A, %get3A_275] {strides = array<i32>} : memref<800x64xf32, #tpu.memory_space<vmem>>, vector<1x16xf32>,
        %get3A_277 = vector.shape_cast %get3A_276 : vector<1x16xf32> to vector<16xf32>
        %get3A_278 = arith.index_cast %mul3A_274 : i32 to index
        %get3A_279 = arith.constant 16 : index
        %get3A_280 = tpu.vector_load %arg7[%get3A_278, %get3A_279] {strides = array<i32>} : memref<800x64xf32, #tpu.memory_space<vmem>>, vector<1x16xf32>,
        %get3A_281 = vector.shape_cast %get3A_280 : vector<1x16xf32> to vector<16xf32>
        %get3A_282 = arith.index_cast %mul3A_274 : i32 to index
        %get3A_283 = arith.constant 32 : index
        %get3A_284 = tpu.vector_load %arg7[%get3A_282, %get3A_283] {strides = array<i32>} : memref<800x64xf32, #tpu.memory_space<vmem>>, vector<1x16xf32>,
        %get3A_285 = vector.shape_cast %get3A_284 : vector<1x16xf32> to vector<16xf32>
        %get3A_286 = arith.index_cast %mul3A_274 : i32 to index
        %get3A_287 = arith.constant 48 : index
        %get3A_288 = tpu.vector_load %arg7[%get3A_286, %get3A_287] {strides = array<i32>} : memref<800x64xf32, #tpu.memory_space<vmem>>, vector<1x16xf32>,
        %get3A_289 = vector.shape_cast %get3A_288 : vector<1x16xf32> to vector<16xf32>
        %add3A_290 = arith.constant 1 : i32
        %add3A_291 = arith.addi %mul3A_274, %add3A_290 : i32
        %get3A_292 = arith.index_cast %add3A_291 : i32 to index
        %get3A_293 = arith.constant 0 : index
        %get3A_294 = tpu.vector_load %arg7[%get3A_292, %get3A_293] {strides = array<i32>} : memref<800x64xf32, #tpu.memory_space<vmem>>, vector<1x16xf32>,
        %get3A_295 = vector.shape_cast %get3A_294 : vector<1x16xf32> to vector<16xf32>
        %add3A_296 = arith.constant 1 : i32
        %add3A_297 = arith.addi %mul3A_274, %add3A_296 : i32
        %get3A_298 = arith.index_cast %add3A_297 : i32 to index
        %get3A_299 = arith.constant 16 : index
        %get3A_300 = tpu.vector_load %arg7[%get3A_298, %get3A_299] {strides = array<i32>} : memref<800x64xf32, #tpu.memory_space<vmem>>, vector<1x16xf32>,
        %get3A_301 = vector.shape_cast %get3A_300 : vector<1x16xf32> to vector<16xf32>
        %add3A_302 = arith.constant 1 : i32
        %add3A_303 = arith.addi %mul3A_274, %add3A_302 : i32
        %get3A_304 = arith.index_cast %add3A_303 : i32 to index
        %get3A_305 = arith.constant 32 : index
        %get3A_306 = tpu.vector_load %arg7[%get3A_304, %get3A_305] {strides = array<i32>} : memref<800x64xf32, #tpu.memory_space<vmem>>, vector<1x16xf32>,
        %get3A_307 = vector.shape_cast %get3A_306 : vector<1x16xf32> to vector<16xf32>
        %add3A_308 = arith.constant 1 : i32
        %add3A_309 = arith.addi %mul3A_274, %add3A_308 : i32
        %get3A_310 = arith.index_cast %add3A_309 : i32 to index
        %get3A_311 = arith.constant 48 : index
        %get3A_312 = tpu.vector_load %arg7[%get3A_310, %get3A_311] {strides = array<i32>} : memref<800x64xf32, #tpu.memory_space<vmem>>, vector<1x16xf32>,
        %get3A_313 = vector.shape_cast %get3A_312 : vector<1x16xf32> to vector<16xf32>
        %add3A_314 = arith.constant 2 : i32
        %add3A_315 = arith.addi %mul3A_274, %add3A_314 : i32
        %get3A_316 = arith.index_cast %add3A_315 : i32 to index
        %get3A_317 = arith.constant 0 : index
        %get3A_318 = tpu.vector_load %arg7[%get3A_316, %get3A_317] {strides = array<i32>} : memref<800x64xf32, #tpu.memory_space<vmem>>, vector<1x16xf32>,
        %get3A_319 = vector.shape_cast %get3A_318 : vector<1x16xf32> to vector<16xf32>
        %add3A_320 = arith.addf %get3A_277, %get3A_319 : vector<16xf32>
        %add3A_321 = arith.constant 2 : i32
        %add3A_322 = arith.addi %mul3A_274, %add3A_321 : i32
        %get3A_323 = arith.index_cast %add3A_322 : i32 to index
        %get3A_324 = arith.constant 16 : index
        %get3A_325 = tpu.vector_load %arg7[%get3A_323, %get3A_324] {strides = array<i32>} : memref<800x64xf32, #tpu.memory_space<vmem>>, vector<1x16xf32>,
        %get3A_326 = vector.shape_cast %get3A_325 : vector<1x16xf32> to vector<16xf32>
        %add3A_327 = arith.addf %get3A_281, %get3A_326 : vector<16xf32>
        %add3A_328 = arith.constant 2 : i32
        %add3A_329 = arith.addi %mul3A_274, %add3A_328 : i32
        %get3A_330 = arith.index_cast %add3A_329 : i32 to index
        %get3A_331 = arith.constant 32 : index
        %get3A_332 = tpu.vector_load %arg7[%get3A_330, %get3A_331] {strides = array<i32>} : memref<800x64xf32, #tpu.memory_space<vmem>>, vector<1x16xf32>,
        %get3A_333 = vector.shape_cast %get3A_332 : vector<1x16xf32> to vector<16xf32>
        %add3A_334 = arith.addf %get3A_285, %get3A_333 : vector<16xf32>
        %add3A_335 = arith.constant 2 : i32
        %add3A_336 = arith.addi %mul3A_274, %add3A_335 : i32
        %get3A_337 = arith.index_cast %add3A_336 : i32 to index
        %get3A_338 = arith.constant 48 : index
        %get3A_339 = tpu.vector_load %arg7[%get3A_337, %get3A_338] {strides = array<i32>} : memref<800x64xf32, #tpu.memory_space<vmem>>, vector<1x16xf32>,
        %get3A_340 = vector.shape_cast %get3A_339 : vector<1x16xf32> to vector<16xf32>
        %add3A_341 = arith.addf %get3A_289, %get3A_340 : vector<16xf32>
        %add3A_342 = arith.constant 2 : i32
        %add3A_343 = arith.addi %mul3A_274, %add3A_342 : i32
        %add3A_344 = arith.constant 1 : i32
        %add3A_345 = arith.addi %add3A_343, %add3A_344 : i32
        %get3A_346 = arith.index_cast %add3A_345 : i32 to index
        %get3A_347 = arith.constant 0 : index
        %get3A_348 = tpu.vector_load %arg7[%get3A_346, %get3A_347] {strides = array<i32>} : memref<800x64xf32, #tpu.memory_space<vmem>>, vector<1x16xf32>,
        %get3A_349 = vector.shape_cast %get3A_348 : vector<1x16xf32> to vector<16xf32>
        %add3A_350 = arith.addf %get3A_295, %get3A_349 : vector<16xf32>
        %add3A_351 = arith.constant 2 : i32
        %add3A_352 = arith.addi %mul3A_274, %add3A_351 : i32
        %add3A_353 = arith.constant 1 : i32
        %add3A_354 = arith.addi %add3A_352, %add3A_353 : i32
        %get3A_355 = arith.index_cast %add3A_354 : i32 to index
        %get3A_356 = arith.constant 16 : index
        %get3A_357 = tpu.vector_load %arg7[%get3A_355, %get3A_356] {strides = array<i32>} : memref<800x64xf32, #tpu.memory_space<vmem>>, vector<1x16xf32>,
        %get3A_358 = vector.shape_cast %get3A_357 : vector<1x16xf32> to vector<16xf32>
        %add3A_359 = arith.addf %get3A_301, %get3A_358 : vector<16xf32>
        %add3A_360 = arith.constant 2 : i32
        %add3A_361 = arith.addi %mul3A_274, %add3A_360 : i32
        %add3A_362 = arith.constant 1 : i32
        %add3A_363 = arith.addi %add3A_361, %add3A_362 : i32
        %get3A_364 = arith.index_cast %add3A_363 : i32 to index
        %get3A_365 = arith.constant 32 : index
        %get3A_366 = tpu.vector_load %arg7[%get3A_364, %get3A_365] {strides = array<i32>} : memref<800x64xf32, #tpu.memory_space<vmem>>, vector<1x16xf32>,
        %get3A_367 = vector.shape_cast %get3A_366 : vector<1x16xf32> to vector<16xf32>
        %add3A_368 = arith.addf %get3A_307, %get3A_367 : vector<16xf32>
        %add3A_369 = arith.constant 2 : i32
        %add3A_370 = arith.addi %mul3A_274, %add3A_369 : i32
        %add3A_371 = arith.constant 1 : i32
        %add3A_372 = arith.addi %add3A_370, %add3A_371 : i32
        %get3A_373 = arith.index_cast %add3A_372 : i32 to index
        %get3A_374 = arith.constant 48 : index
        %get3A_375 = tpu.vector_load %arg7[%get3A_373, %get3A_374] {strides = array<i32>} : memref<800x64xf32, #tpu.memory_space<vmem>>, vector<1x16xf32>,
        %get3A_376 = vector.shape_cast %get3A_375 : vector<1x16xf32> to vector<16xf32>
        %add3A_377 = arith.addf %get3A_313, %get3A_376 : vector<16xf32>
        %add3A_378 = arith.constant 4 : i32
        %add3A_379 = arith.addi %mul3A_274, %add3A_378 : i32
        %get3A_380 = arith.index_cast %add3A_379 : i32 to index
        %get3A_381 = arith.constant 0 : index
        %get3A_382 = tpu.vector_load %arg7[%get3A_380, %get3A_381] {strides = array<i32>} : memref<800x64xf32, #tpu.memory_space<vmem>>, vector<1x16xf32>,
        %get3A_383 = vector.shape_cast %get3A_382 : vector<1x16xf32> to vector<16xf32>
        %add3A_384 = arith.addf %add3A_320, %get3A_383 : vector<16xf32>
        %add3A_385 = arith.constant 4 : i32
        %add3A_386 = arith.addi %mul3A_274, %add3A_385 : i32
        %get3A_387 = arith.index_cast %add3A_386 : i32 to index
        %get3A_388 = arith.constant 16 : index
        %get3A_389 = tpu.vector_load %arg7[%get3A_387, %get3A_388] {strides = array<i32>} : memref<800x64xf32, #tpu.memory_space<vmem>>, vector<1x16xf32>,
        %get3A_390 = vector.shape_cast %get3A_389 : vector<1x16xf32> to vector<16xf32>
        %add3A_391 = arith.addf %add3A_327, %get3A_390 : vector<16xf32>
        %add3A_392 = arith.constant 4 : i32
        %add3A_393 = arith.addi %mul3A_274, %add3A_392 : i32
        %get3A_394 = arith.index_cast %add3A_393 : i32 to index
        %get3A_395 = arith.constant 32 : index
        %get3A_396 = tpu.vector_load %arg7[%get3A_394, %get3A_395] {strides = array<i32>} : memref<800x64xf32, #tpu.memory_space<vmem>>, vector<1x16xf32>,
        %get3A_397 = vector.shape_cast %get3A_396 : vector<1x16xf32> to vector<16xf32>
        %add3A_398 = arith.addf %add3A_334, %get3A_397 : vector<16xf32>
        %add3A_399 = arith.constant 4 : i32
        %add3A_400 = arith.addi %mul3A_274, %add3A_399 : i32
        %get3A_401 = arith.index_cast %add3A_400 : i32 to index
        %get3A_402 = arith.constant 48 : index
        %get3A_403 = tpu.vector_load %arg7[%get3A_401, %get3A_402] {strides = array<i32>} : memref<800x64xf32, #tpu.memory_space<vmem>>, vector<1x16xf32>,
        %get3A_404 = vector.shape_cast %get3A_403 : vector<1x16xf32> to vector<16xf32>
        %add3A_405 = arith.addf %add3A_341, %get3A_404 : vector<16xf32>
        %add3A_406 = arith.constant 4 : i32
        %add3A_407 = arith.addi %mul3A_274, %add3A_406 : i32
        %add3A_408 = arith.constant 1 : i32
        %add3A_409 = arith.addi %add3A_407, %add3A_408 : i32
        %get3A_410 = arith.index_cast %add3A_409 : i32 to index
        %get3A_411 = arith.constant 0 : index
        %get3A_412 = tpu.vector_load %arg7[%get3A_410, %get3A_411] {strides = array<i32>} : memref<800x64xf32, #tpu.memory_space<vmem>>, vector<1x16xf32>,
        %get3A_413 = vector.shape_cast %get3A_412 : vector<1x16xf32> to vector<16xf32>
        %add3A_414 = arith.addf %add3A_350, %get3A_413 : vector<16xf32>
        %add3A_415 = arith.constant 4 : i32
        %add3A_416 = arith.addi %mul3A_274, %add3A_415 : i32
        %add3A_417 = arith.constant 1 : i32
        %add3A_418 = arith.addi %add3A_416, %add3A_417 : i32
        %get3A_419 = arith.index_cast %add3A_418 : i32 to index
        %get3A_420 = arith.constant 16 : index
        %get3A_421 = tpu.vector_load %arg7[%get3A_419, %get3A_420] {strides = array<i32>} : memref<800x64xf32, #tpu.memory_space<vmem>>, vector<1x16xf32>,
        %get3A_422 = vector.shape_cast %get3A_421 : vector<1x16xf32> to vector<16xf32>
        %add3A_423 = arith.addf %add3A_359, %get3A_422 : vector<16xf32>
        %add3A_424 = arith.constant 4 : i32
        %add3A_425 = arith.addi %mul3A_274, %add3A_424 : i32
        %add3A_426 = arith.constant 1 : i32
        %add3A_427 = arith.addi %add3A_425, %add3A_426 : i32
        %get3A_428 = arith.index_cast %add3A_427 : i32 to index
        %get3A_429 = arith.constant 32 : index
        %get3A_430 = tpu.vector_load %arg7[%get3A_428, %get3A_429] {strides = array<i32>} : memref<800x64xf32, #tpu.memory_space<vmem>>, vector<1x16xf32>,
        %get3A_431 = vector.shape_cast %get3A_430 : vector<1x16xf32> to vector<16xf32>
        %add3A_432 = arith.addf %add3A_368, %get3A_431 : vector<16xf32>
        %add3A_433 = arith.constant 4 : i32
        %add3A_434 = arith.addi %mul3A_274, %add3A_433 : i32
        %add3A_435 = arith.constant 1 : i32
        %add3A_436 = arith.addi %add3A_434, %add3A_435 : i32
        %get3A_437 = arith.index_cast %add3A_436 : i32 to index
        %get3A_438 = arith.constant 48 : index
        %get3A_439 = tpu.vector_load %arg7[%get3A_437, %get3A_438] {strides = array<i32>} : memref<800x64xf32, #tpu.memory_space<vmem>>, vector<1x16xf32>,
        %get3A_440 = vector.shape_cast %get3A_439 : vector<1x16xf32> to vector<16xf32>
        %add3A_441 = arith.addf %add3A_377, %get3A_440 : vector<16xf32>
        %add3A_442 = arith.constant 6 : i32
        %add3A_443 = arith.addi %mul3A_274, %add3A_442 : i32
        %get3A_444 = arith.index_cast %add3A_443 : i32 to index
        %get3A_445 = arith.constant 0 : index
        %get3A_446 = tpu.vector_load %arg7[%get3A_444, %get3A_445] {strides = array<i32>} : memref<800x64xf32, #tpu.memory_space<vmem>>, vector<1x16xf32>,
        %get3A_447 = vector.shape_cast %get3A_446 : vector<1x16xf32> to vector<16xf32>
        %add3A_448 = arith.addf %add3A_384, %get3A_447 : vector<16xf32>
        %add3A_449 = arith.constant 6 : i32
        %add3A_450 = arith.addi %mul3A_274, %add3A_449 : i32
        %get3A_451 = arith.index_cast %add3A_450 : i32 to index
        %get3A_452 = arith.constant 16 : index
        %get3A_453 = tpu.vector_load %arg7[%get3A_451, %get3A_452] {strides = array<i32>} : memref<800x64xf32, #tpu.memory_space<vmem>>, vector<1x16xf32>,
        %get3A_454 = vector.shape_cast %get3A_453 : vector<1x16xf32> to vector<16xf32>
        %add3A_455 = arith.addf %add3A_391, %get3A_454 : vector<16xf32>
        %add3A_456 = arith.constant 6 : i32
        %add3A_457 = arith.addi %mul3A_274, %add3A_456 : i32
        %get3A_458 = arith.index_cast %add3A_457 : i32 to index
        %get3A_459 = arith.constant 32 : index
        %get3A_460 = tpu.vector_load %arg7[%get3A_458, %get3A_459] {strides = array<i32>} : memref<800x64xf32, #tpu.memory_space<vmem>>, vector<1x16xf32>,
        %get3A_461 = vector.shape_cast %get3A_460 : vector<1x16xf32> to vector<16xf32>
        %add3A_462 = arith.addf %add3A_398, %get3A_461 : vector<16xf32>
        %add3A_463 = arith.constant 6 : i32
        %add3A_464 = arith.addi %mul3A_274, %add3A_463 : i32
        %get3A_465 = arith.index_cast %add3A_464 : i32 to index
        %get3A_466 = arith.constant 48 : index
        %get3A_467 = tpu.vector_load %arg7[%get3A_465, %get3A_466] {strides = array<i32>} : memref<800x64xf32, #tpu.memory_space<vmem>>, vector<1x16xf32>,
        %get3A_468 = vector.shape_cast %get3A_467 : vector<1x16xf32> to vector<16xf32>
        %add3A_469 = arith.addf %add3A_405, %get3A_468 : vector<16xf32>
        %add3A_470 = arith.constant 6 : i32
        %add3A_471 = arith.addi %mul3A_274, %add3A_470 : i32
        %add3A_472 = arith.constant 1 : i32
        %add3A_473 = arith.addi %add3A_471, %add3A_472 : i32
        %get3A_474 = arith.index_cast %add3A_473 : i32 to index
        %get3A_475 = arith.constant 0 : index
        %get3A_476 = tpu.vector_load %arg7[%get3A_474, %get3A_475] {strides = array<i32>} : memref<800x64xf32, #tpu.memory_space<vmem>>, vector<1x16xf32>,
        %get3A_477 = vector.shape_cast %get3A_476 : vector<1x16xf32> to vector<16xf32>
        %add3A_478 = arith.addf %add3A_414, %get3A_477 : vector<16xf32>
        %add3A_479 = arith.constant 6 : i32
        %add3A_480 = arith.addi %mul3A_274, %add3A_479 : i32
        %add3A_481 = arith.constant 1 : i32
        %add3A_482 = arith.addi %add3A_480, %add3A_481 : i32
        %get3A_483 = arith.index_cast %add3A_482 : i32 to index
        %get3A_484 = arith.constant 16 : index
        %get3A_485 = tpu.vector_load %arg7[%get3A_483, %get3A_484] {strides = array<i32>} : memref<800x64xf32, #tpu.memory_space<vmem>>, vector<1x16xf32>,
        %get3A_486 = vector.shape_cast %get3A_485 : vector<1x16xf32> to vector<16xf32>
        %add3A_487 = arith.addf %add3A_423, %get3A_486 : vector<16xf32>
        %add3A_488 = arith.constant 6 : i32
        %add3A_489 = arith.addi %mul3A_274, %add3A_488 : i32
        %add3A_490 = arith.constant 1 : i32
        %add3A_491 = arith.addi %add3A_489, %add3A_490 : i32
        %get3A_492 = arith.index_cast %add3A_491 : i32 to index
        %get3A_493 = arith.constant 32 : index
        %get3A_494 = tpu.vector_load %arg7[%get3A_492, %get3A_493] {strides = array<i32>} : memref<800x64xf32, #tpu.memory_space<vmem>>, vector<1x16xf32>,
        %get3A_495 = vector.shape_cast %get3A_494 : vector<1x16xf32> to vector<16xf32>
        %add3A_496 = arith.addf %add3A_432, %get3A_495 : vector<16xf32>
        %add3A_497 = arith.constant 6 : i32
        %add3A_498 = arith.addi %mul3A_274, %add3A_497 : i32
        %add3A_499 = arith.constant 1 : i32
        %add3A_500 = arith.addi %add3A_498, %add3A_499 : i32
        %get3A_501 = arith.index_cast %add3A_500 : i32 to index
        %get3A_502 = arith.constant 48 : index
        %get3A_503 = tpu.vector_load %arg7[%get3A_501, %get3A_502] {strides = array<i32>} : memref<800x64xf32, #tpu.memory_space<vmem>>, vector<1x16xf32>,
        %get3A_504 = vector.shape_cast %get3A_503 : vector<1x16xf32> to vector<16xf32>
        %add3A_505 = arith.addf %add3A_441, %get3A_504 : vector<16xf32>
        %add3A_506 = arith.constant 8 : i32
        %add3A_507 = arith.addi %mul3A_274, %add3A_506 : i32
        %get3A_508 = arith.index_cast %add3A_507 : i32 to index
        %get3A_509 = arith.constant 0 : index
        %get3A_510 = tpu.vector_load %arg7[%get3A_508, %get3A_509] {strides = array<i32>} : memref<800x64xf32, #tpu.memory_space<vmem>>, vector<1x16xf32>,
        %get3A_511 = vector.shape_cast %get3A_510 : vector<1x16xf32> to vector<16xf32>
        %add3A_512 = arith.addf %add3A_448, %get3A_511 : vector<16xf32>
        %add3A_513 = arith.constant 8 : i32
        %add3A_514 = arith.addi %mul3A_274, %add3A_513 : i32
        %get3A_515 = arith.index_cast %add3A_514 : i32 to index
        %get3A_516 = arith.constant 16 : index
        %get3A_517 = tpu.vector_load %arg7[%get3A_515, %get3A_516] {strides = array<i32>} : memref<800x64xf32, #tpu.memory_space<vmem>>, vector<1x16xf32>,
        %get3A_518 = vector.shape_cast %get3A_517 : vector<1x16xf32> to vector<16xf32>
        %add3A_519 = arith.addf %add3A_455, %get3A_518 : vector<16xf32>
        %add3A_520 = arith.constant 8 : i32
        %add3A_521 = arith.addi %mul3A_274, %add3A_520 : i32
        %get3A_522 = arith.index_cast %add3A_521 : i32 to index
        %get3A_523 = arith.constant 32 : index
        %get3A_524 = tpu.vector_load %arg7[%get3A_522, %get3A_523] {strides = array<i32>} : memref<800x64xf32, #tpu.memory_space<vmem>>, vector<1x16xf32>,
        %get3A_525 = vector.shape_cast %get3A_524 : vector<1x16xf32> to vector<16xf32>
        %add3A_526 = arith.addf %add3A_462, %get3A_525 : vector<16xf32>
        %add3A_527 = arith.constant 8 : i32
        %add3A_528 = arith.addi %mul3A_274, %add3A_527 : i32
        %get3A_529 = arith.index_cast %add3A_528 : i32 to index
        %get3A_530 = arith.constant 48 : index
        %get3A_531 = tpu.vector_load %arg7[%get3A_529, %get3A_530] {strides = array<i32>} : memref<800x64xf32, #tpu.memory_space<vmem>>, vector<1x16xf32>,
        %get3A_532 = vector.shape_cast %get3A_531 : vector<1x16xf32> to vector<16xf32>
        %add3A_533 = arith.addf %add3A_469, %get3A_532 : vector<16xf32>
        %add3A_534 = arith.constant 8 : i32
        %add3A_535 = arith.addi %mul3A_274, %add3A_534 : i32
        %add3A_536 = arith.constant 1 : i32
        %add3A_537 = arith.addi %add3A_535, %add3A_536 : i32
        %get3A_538 = arith.index_cast %add3A_537 : i32 to index
        %get3A_539 = arith.constant 0 : index
        %get3A_540 = tpu.vector_load %arg7[%get3A_538, %get3A_539] {strides = array<i32>} : memref<800x64xf32, #tpu.memory_space<vmem>>, vector<1x16xf32>,
        %get3A_541 = vector.shape_cast %get3A_540 : vector<1x16xf32> to vector<16xf32>
        %add3A_542 = arith.addf %add3A_478, %get3A_541 : vector<16xf32>
        %add3A_543 = arith.constant 8 : i32
        %add3A_544 = arith.addi %mul3A_274, %add3A_543 : i32
        %add3A_545 = arith.constant 1 : i32
        %add3A_546 = arith.addi %add3A_544, %add3A_545 : i32
        %get3A_547 = arith.index_cast %add3A_546 : i32 to index
        %get3A_548 = arith.constant 16 : index
        %get3A_549 = tpu.vector_load %arg7[%get3A_547, %get3A_548] {strides = array<i32>} : memref<800x64xf32, #tpu.memory_space<vmem>>, vector<1x16xf32>,
        %get3A_550 = vector.shape_cast %get3A_549 : vector<1x16xf32> to vector<16xf32>
        %add3A_551 = arith.addf %add3A_487, %get3A_550 : vector<16xf32>
        %add3A_552 = arith.constant 8 : i32
        %add3A_553 = arith.addi %mul3A_274, %add3A_552 : i32
        %add3A_554 = arith.constant 1 : i32
        %add3A_555 = arith.addi %add3A_553, %add3A_554 : i32
        %get3A_556 = arith.index_cast %add3A_555 : i32 to index
        %get3A_557 = arith.constant 32 : index
        %get3A_558 = tpu.vector_load %arg7[%get3A_556, %get3A_557] {strides = array<i32>} : memref<800x64xf32, #tpu.memory_space<vmem>>, vector<1x16xf32>,
        %get3A_559 = vector.shape_cast %get3A_558 : vector<1x16xf32> to vector<16xf32>
        %add3A_560 = arith.addf %add3A_496, %get3A_559 : vector<16xf32>
        %add3A_561 = arith.constant 8 : i32
        %add3A_562 = arith.addi %mul3A_274, %add3A_561 : i32
        %add3A_563 = arith.constant 1 : i32
        %add3A_564 = arith.addi %add3A_562, %add3A_563 : i32
        %get3A_565 = arith.index_cast %add3A_564 : i32 to index
        %get3A_566 = arith.constant 48 : index
        %get3A_567 = tpu.vector_load %arg7[%get3A_565, %get3A_566] {strides = array<i32>} : memref<800x64xf32, #tpu.memory_space<vmem>>, vector<1x16xf32>,
        %get3A_568 = vector.shape_cast %get3A_567 : vector<1x16xf32> to vector<16xf32>
        %add3A_569 = arith.addf %add3A_505, %get3A_568 : vector<16xf32>
        %add3A_570 = arith.constant 10 : i32
        %add3A_571 = arith.addi %mul3A_274, %add3A_570 : i32
        %get3A_572 = arith.index_cast %add3A_571 : i32 to index
        %get3A_573 = arith.constant 0 : index
        %get3A_574 = tpu.vector_load %arg7[%get3A_572, %get3A_573] {strides = array<i32>} : memref<800x64xf32, #tpu.memory_space<vmem>>, vector<1x16xf32>,
        %get3A_575 = vector.shape_cast %get3A_574 : vector<1x16xf32> to vector<16xf32>
        %add3A_576 = arith.addf %add3A_512, %get3A_575 : vector<16xf32>
        %add3A_577 = arith.constant 10 : i32
        %add3A_578 = arith.addi %mul3A_274, %add3A_577 : i32
        %get3A_579 = arith.index_cast %add3A_578 : i32 to index
        %get3A_580 = arith.constant 16 : index
        %get3A_581 = tpu.vector_load %arg7[%get3A_579, %get3A_580] {strides = array<i32>} : memref<800x64xf32, #tpu.memory_space<vmem>>, vector<1x16xf32>,
        %get3A_582 = vector.shape_cast %get3A_581 : vector<1x16xf32> to vector<16xf32>
        %add3A_583 = arith.addf %add3A_519, %get3A_582 : vector<16xf32>
        %add3A_584 = arith.constant 10 : i32
        %add3A_585 = arith.addi %mul3A_274, %add3A_584 : i32
        %get3A_586 = arith.index_cast %add3A_585 : i32 to index
        %get3A_587 = arith.constant 32 : index
        %get3A_588 = tpu.vector_load %arg7[%get3A_586, %get3A_587] {strides = array<i32>} : memref<800x64xf32, #tpu.memory_space<vmem>>, vector<1x16xf32>,
        %get3A_589 = vector.shape_cast %get3A_588 : vector<1x16xf32> to vector<16xf32>
        %add3A_590 = arith.addf %add3A_526, %get3A_589 : vector<16xf32>
        %add3A_591 = arith.constant 10 : i32
        %add3A_592 = arith.addi %mul3A_274, %add3A_591 : i32
        %get3A_593 = arith.index_cast %add3A_592 : i32 to index
        %get3A_594 = arith.constant 48 : index
        %get3A_595 = tpu.vector_load %arg7[%get3A_593, %get3A_594] {strides = array<i32>} : memref<800x64xf32, #tpu.memory_space<vmem>>, vector<1x16xf32>,
        %get3A_596 = vector.shape_cast %get3A_595 : vector<1x16xf32> to vector<16xf32>
        %add3A_597 = arith.addf %add3A_533, %get3A_596 : vector<16xf32>
        %add3A_598 = arith.constant 10 : i32
        %add3A_599 = arith.addi %mul3A_274, %add3A_598 : i32
        %add3A_600 = arith.constant 1 : i32
        %add3A_601 = arith.addi %add3A_599, %add3A_600 : i32
        %get3A_602 = arith.index_cast %add3A_601 : i32 to index
        %get3A_603 = arith.constant 0 : index
        %get3A_604 = tpu.vector_load %arg7[%get3A_602, %get3A_603] {strides = array<i32>} : memref<800x64xf32, #tpu.memory_space<vmem>>, vector<1x16xf32>,
        %get3A_605 = vector.shape_cast %get3A_604 : vector<1x16xf32> to vector<16xf32>
        %add3A_606 = arith.addf %add3A_542, %get3A_605 : vector<16xf32>
        %add3A_607 = arith.constant 10 : i32
        %add3A_608 = arith.addi %mul3A_274, %add3A_607 : i32
        %add3A_609 = arith.constant 1 : i32
        %add3A_610 = arith.addi %add3A_608, %add3A_609 : i32
        %get3A_611 = arith.index_cast %add3A_610 : i32 to index
        %get3A_612 = arith.constant 16 : index
        %get3A_613 = tpu.vector_load %arg7[%get3A_611, %get3A_612] {strides = array<i32>} : memref<800x64xf32, #tpu.memory_space<vmem>>, vector<1x16xf32>,
        %get3A_614 = vector.shape_cast %get3A_613 : vector<1x16xf32> to vector<16xf32>
        %add3A_615 = arith.addf %add3A_551, %get3A_614 : vector<16xf32>
        %add3A_616 = arith.constant 10 : i32
        %add3A_617 = arith.addi %mul3A_274, %add3A_616 : i32
        %add3A_618 = arith.constant 1 : i32
        %add3A_619 = arith.addi %add3A_617, %add3A_618 : i32
        %get3A_620 = arith.index_cast %add3A_619 : i32 to index
        %get3A_621 = arith.constant 32 : index
        %get3A_622 = tpu.vector_load %arg7[%get3A_620, %get3A_621] {strides = array<i32>} : memref<800x64xf32, #tpu.memory_space<vmem>>, vector<1x16xf32>,
        %get3A_623 = vector.shape_cast %get3A_622 : vector<1x16xf32> to vector<16xf32>
        %add3A_624 = arith.addf %add3A_560, %get3A_623 : vector<16xf32>
        %add3A_625 = arith.constant 10 : i32
        %add3A_626 = arith.addi %mul3A_274, %add3A_625 : i32
        %add3A_627 = arith.constant 1 : i32
        %add3A_628 = arith.addi %add3A_626, %add3A_627 : i32
        %get3A_629 = arith.index_cast %add3A_628 : i32 to index
        %get3A_630 = arith.constant 48 : index
        %get3A_631 = tpu.vector_load %arg7[%get3A_629, %get3A_630] {strides = array<i32>} : memref<800x64xf32, #tpu.memory_space<vmem>>, vector<1x16xf32>,
        %get3A_632 = vector.shape_cast %get3A_631 : vector<1x16xf32> to vector<16xf32>
        %add3A_633 = arith.addf %add3A_569, %get3A_632 : vector<16xf32>
        %add3A_634 = arith.constant 12 : i32
        %add3A_635 = arith.addi %mul3A_274, %add3A_634 : i32
        %get3A_636 = arith.index_cast %add3A_635 : i32 to index
        %get3A_637 = arith.constant 0 : index
        %get3A_638 = tpu.vector_load %arg7[%get3A_636, %get3A_637] {strides = array<i32>} : memref<800x64xf32, #tpu.memory_space<vmem>>, vector<1x16xf32>,
        %get3A_639 = vector.shape_cast %get3A_638 : vector<1x16xf32> to vector<16xf32>
        %add3A_640 = arith.addf %add3A_576, %get3A_639 : vector<16xf32>
        %add3A_641 = arith.constant 12 : i32
        %add3A_642 = arith.addi %mul3A_274, %add3A_641 : i32
        %get3A_643 = arith.index_cast %add3A_642 : i32 to index
        %get3A_644 = arith.constant 16 : index
        %get3A_645 = tpu.vector_load %arg7[%get3A_643, %get3A_644] {strides = array<i32>} : memref<800x64xf32, #tpu.memory_space<vmem>>, vector<1x16xf32>,
        %get3A_646 = vector.shape_cast %get3A_645 : vector<1x16xf32> to vector<16xf32>
        %add3A_647 = arith.addf %add3A_583, %get3A_646 : vector<16xf32>
        %add3A_648 = arith.constant 12 : i32
        %add3A_649 = arith.addi %mul3A_274, %add3A_648 : i32
        %get3A_650 = arith.index_cast %add3A_649 : i32 to index
        %get3A_651 = arith.constant 32 : index
        %get3A_652 = tpu.vector_load %arg7[%get3A_650, %get3A_651] {strides = array<i32>} : memref<800x64xf32, #tpu.memory_space<vmem>>, vector<1x16xf32>,
        %get3A_653 = vector.shape_cast %get3A_652 : vector<1x16xf32> to vector<16xf32>
        %add3A_654 = arith.addf %add3A_590, %get3A_653 : vector<16xf32>
        %add3A_655 = arith.constant 12 : i32
        %add3A_656 = arith.addi %mul3A_274, %add3A_655 : i32
        %get3A_657 = arith.index_cast %add3A_656 : i32 to index
        %get3A_658 = arith.constant 48 : index
        %get3A_659 = tpu.vector_load %arg7[%get3A_657, %get3A_658] {strides = array<i32>} : memref<800x64xf32, #tpu.memory_space<vmem>>, vector<1x16xf32>,
        %get3A_660 = vector.shape_cast %get3A_659 : vector<1x16xf32> to vector<16xf32>
        %add3A_661 = arith.addf %add3A_597, %get3A_660 : vector<16xf32>
        %add3A_662 = arith.constant 12 : i32
        %add3A_663 = arith.addi %mul3A_274, %add3A_662 : i32
        %add3A_664 = arith.constant 1 : i32
        %add3A_665 = arith.addi %add3A_663, %add3A_664 : i32
        %get3A_666 = arith.index_cast %add3A_665 : i32 to index
        %get3A_667 = arith.constant 0 : index
        %get3A_668 = tpu.vector_load %arg7[%get3A_666, %get3A_667] {strides = array<i32>} : memref<800x64xf32, #tpu.memory_space<vmem>>, vector<1x16xf32>,
        %get3A_669 = vector.shape_cast %get3A_668 : vector<1x16xf32> to vector<16xf32>
        %add3A_670 = arith.addf %add3A_606, %get3A_669 : vector<16xf32>
        %add3A_671 = arith.constant 12 : i32
        %add3A_672 = arith.addi %mul3A_274, %add3A_671 : i32
        %add3A_673 = arith.constant 1 : i32
        %add3A_674 = arith.addi %add3A_672, %add3A_673 : i32
        %get3A_675 = arith.index_cast %add3A_674 : i32 to index
        %get3A_676 = arith.constant 16 : index
        %get3A_677 = tpu.vector_load %arg7[%get3A_675, %get3A_676] {strides = array<i32>} : memref<800x64xf32, #tpu.memory_space<vmem>>, vector<1x16xf32>,
        %get3A_678 = vector.shape_cast %get3A_677 : vector<1x16xf32> to vector<16xf32>
        %add3A_679 = arith.addf %add3A_615, %get3A_678 : vector<16xf32>
        %add3A_680 = arith.constant 12 : i32
        %add3A_681 = arith.addi %mul3A_274, %add3A_680 : i32
        %add3A_682 = arith.constant 1 : i32
        %add3A_683 = arith.addi %add3A_681, %add3A_682 : i32
        %get3A_684 = arith.index_cast %add3A_683 : i32 to index
        %get3A_685 = arith.constant 32 : index
        %get3A_686 = tpu.vector_load %arg7[%get3A_684, %get3A_685] {strides = array<i32>} : memref<800x64xf32, #tpu.memory_space<vmem>>, vector<1x16xf32>,
        %get3A_687 = vector.shape_cast %get3A_686 : vector<1x16xf32> to vector<16xf32>
        %add3A_688 = arith.addf %add3A_624, %get3A_687 : vector<16xf32>
        %add3A_689 = arith.constant 12 : i32
        %add3A_690 = arith.addi %mul3A_274, %add3A_689 : i32
        %add3A_691 = arith.constant 1 : i32
        %add3A_692 = arith.addi %add3A_690, %add3A_691 : i32
        %get3A_693 = arith.index_cast %add3A_692 : i32 to index
        %get3A_694 = arith.constant 48 : index
        %get3A_695 = tpu.vector_load %arg7[%get3A_693, %get3A_694] {strides = array<i32>} : memref<800x64xf32, #tpu.memory_space<vmem>>, vector<1x16xf32>,
        %get3A_696 = vector.shape_cast %get3A_695 : vector<1x16xf32> to vector<16xf32>
        %add3A_697 = arith.addf %add3A_633, %get3A_696 : vector<16xf32>
        %add3A_698 = arith.constant 14 : i32
        %add3A_699 = arith.addi %mul3A_274, %add3A_698 : i32
        %get3A_700 = arith.index_cast %add3A_699 : i32 to index
        %get3A_701 = arith.constant 0 : index
        %get3A_702 = tpu.vector_load %arg7[%get3A_700, %get3A_701] {strides = array<i32>} : memref<800x64xf32, #tpu.memory_space<vmem>>, vector<1x16xf32>,
        %get3A_703 = vector.shape_cast %get3A_702 : vector<1x16xf32> to vector<16xf32>
        %add3A_704 = arith.addf %add3A_640, %get3A_703 : vector<16xf32>
        %add3A_705 = arith.constant 14 : i32
        %add3A_706 = arith.addi %mul3A_274, %add3A_705 : i32
        %get3A_707 = arith.index_cast %add3A_706 : i32 to index
        %get3A_708 = arith.constant 16 : index
        %get3A_709 = tpu.vector_load %arg7[%get3A_707, %get3A_708] {strides = array<i32>} : memref<800x64xf32, #tpu.memory_space<vmem>>, vector<1x16xf32>,
        %get3A_710 = vector.shape_cast %get3A_709 : vector<1x16xf32> to vector<16xf32>
        %add3A_711 = arith.addf %add3A_647, %get3A_710 : vector<16xf32>
        %add3A_712 = arith.constant 14 : i32
        %add3A_713 = arith.addi %mul3A_274, %add3A_712 : i32
        %get3A_714 = arith.index_cast %add3A_713 : i32 to index
        %get3A_715 = arith.constant 32 : index
        %get3A_716 = tpu.vector_load %arg7[%get3A_714, %get3A_715] {strides = array<i32>} : memref<800x64xf32, #tpu.memory_space<vmem>>, vector<1x16xf32>,
        %get3A_717 = vector.shape_cast %get3A_716 : vector<1x16xf32> to vector<16xf32>
        %add3A_718 = arith.addf %add3A_654, %get3A_717 : vector<16xf32>
        %add3A_719 = arith.constant 14 : i32
        %add3A_720 = arith.addi %mul3A_274, %add3A_719 : i32
        %get3A_721 = arith.index_cast %add3A_720 : i32 to index
        %get3A_722 = arith.constant 48 : index
        %get3A_723 = tpu.vector_load %arg7[%get3A_721, %get3A_722] {strides = array<i32>} : memref<800x64xf32, #tpu.memory_space<vmem>>, vector<1x16xf32>,
        %get3A_724 = vector.shape_cast %get3A_723 : vector<1x16xf32> to vector<16xf32>
        %add3A_725 = arith.addf %add3A_661, %get3A_724 : vector<16xf32>
        %add3A_726 = arith.constant 14 : i32
        %add3A_727 = arith.addi %mul3A_274, %add3A_726 : i32
        %add3A_728 = arith.constant 1 : i32
        %add3A_729 = arith.addi %add3A_727, %add3A_728 : i32
        %get3A_730 = arith.index_cast %add3A_729 : i32 to index
        %get3A_731 = arith.constant 0 : index
        %get3A_732 = tpu.vector_load %arg7[%get3A_730, %get3A_731] {strides = array<i32>} : memref<800x64xf32, #tpu.memory_space<vmem>>, vector<1x16xf32>,
        %get3A_733 = vector.shape_cast %get3A_732 : vector<1x16xf32> to vector<16xf32>
        %add3A_734 = arith.addf %add3A_670, %get3A_733 : vector<16xf32>
        %add3A_735 = arith.constant 14 : i32
        %add3A_736 = arith.addi %mul3A_274, %add3A_735 : i32
        %add3A_737 = arith.constant 1 : i32
        %add3A_738 = arith.addi %add3A_736, %add3A_737 : i32
        %get3A_739 = arith.index_cast %add3A_738 : i32 to index
        %get3A_740 = arith.constant 16 : index
        %get3A_741 = tpu.vector_load %arg7[%get3A_739, %get3A_740] {strides = array<i32>} : memref<800x64xf32, #tpu.memory_space<vmem>>, vector<1x16xf32>,
        %get3A_742 = vector.shape_cast %get3A_741 : vector<1x16xf32> to vector<16xf32>
        %add3A_743 = arith.addf %add3A_679, %get3A_742 : vector<16xf32>
        %add3A_744 = arith.constant 14 : i32
        %add3A_745 = arith.addi %mul3A_274, %add3A_744 : i32
        %add3A_746 = arith.constant 1 : i32
        %add3A_747 = arith.addi %add3A_745, %add3A_746 : i32
        %get3A_748 = arith.index_cast %add3A_747 : i32 to index
        %get3A_749 = arith.constant 32 : index
        %get3A_750 = tpu.vector_load %arg7[%get3A_748, %get3A_749] {strides = array<i32>} : memref<800x64xf32, #tpu.memory_space<vmem>>, vector<1x16xf32>,
        %get3A_751 = vector.shape_cast %get3A_750 : vector<1x16xf32> to vector<16xf32>
        %add3A_752 = arith.addf %add3A_688, %get3A_751 : vector<16xf32>
        %add3A_753 = arith.constant 14 : i32
        %add3A_754 = arith.addi %mul3A_274, %add3A_753 : i32
        %add3A_755 = arith.constant 1 : i32
        %add3A_756 = arith.addi %add3A_754, %add3A_755 : i32
        %get3A_757 = arith.index_cast %add3A_756 : i32 to index
        %get3A_758 = arith.constant 48 : index
        %get3A_759 = tpu.vector_load %arg7[%get3A_757, %get3A_758] {strides = array<i32>} : memref<800x64xf32, #tpu.memory_space<vmem>>, vector<1x16xf32>,
        %get3A_760 = vector.shape_cast %get3A_759 : vector<1x16xf32> to vector<16xf32>
        %add3A_761 = arith.addf %add3A_697, %get3A_760 : vector<16xf32>
        %add3A_762 = arith.constant 16 : i32
        %add3A_763 = arith.addi %mul3A_274, %add3A_762 : i32
        %get3A_764 = arith.index_cast %add3A_763 : i32 to index
        %get3A_765 = arith.constant 0 : index
        %get3A_766 = tpu.vector_load %arg7[%get3A_764, %get3A_765] {strides = array<i32>} : memref<800x64xf32, #tpu.memory_space<vmem>>, vector<1x16xf32>,
        %get3A_767 = vector.shape_cast %get3A_766 : vector<1x16xf32> to vector<16xf32>
        %add3A_768 = arith.addf %add3A_704, %get3A_767 : vector<16xf32>
        %add3A_769 = arith.constant 16 : i32
        %add3A_770 = arith.addi %mul3A_274, %add3A_769 : i32
        %get3A_771 = arith.index_cast %add3A_770 : i32 to index
        %get3A_772 = arith.constant 16 : index
        %get3A_773 = tpu.vector_load %arg7[%get3A_771, %get3A_772] {strides = array<i32>} : memref<800x64xf32, #tpu.memory_space<vmem>>, vector<1x16xf32>,
        %get3A_774 = vector.shape_cast %get3A_773 : vector<1x16xf32> to vector<16xf32>
        %add3A_775 = arith.addf %add3A_711, %get3A_774 : vector<16xf32>
        %add3A_776 = arith.constant 16 : i32
        %add3A_777 = arith.addi %mul3A_274, %add3A_776 : i32
        %get3A_778 = arith.index_cast %add3A_777 : i32 to index
        %get3A_779 = arith.constant 32 : index
        %get3A_780 = tpu.vector_load %arg7[%get3A_778, %get3A_779] {strides = array<i32>} : memref<800x64xf32, #tpu.memory_space<vmem>>, vector<1x16xf32>,
        %get3A_781 = vector.shape_cast %get3A_780 : vector<1x16xf32> to vector<16xf32>
        %add3A_782 = arith.addf %add3A_718, %get3A_781 : vector<16xf32>
        %add3A_783 = arith.constant 16 : i32
        %add3A_784 = arith.addi %mul3A_274, %add3A_783 : i32
        %get3A_785 = arith.index_cast %add3A_784 : i32 to index
        %get3A_786 = arith.constant 48 : index
        %get3A_787 = tpu.vector_load %arg7[%get3A_785, %get3A_786] {strides = array<i32>} : memref<800x64xf32, #tpu.memory_space<vmem>>, vector<1x16xf32>,
        %get3A_788 = vector.shape_cast %get3A_787 : vector<1x16xf32> to vector<16xf32>
        %add3A_789 = arith.addf %add3A_725, %get3A_788 : vector<16xf32>
        %add3A_790 = arith.constant 16 : i32
        %add3A_791 = arith.addi %mul3A_274, %add3A_790 : i32
        %add3A_792 = arith.constant 1 : i32
        %add3A_793 = arith.addi %add3A_791, %add3A_792 : i32
        %get3A_794 = arith.index_cast %add3A_793 : i32 to index
        %get3A_795 = arith.constant 0 : index
        %get3A_796 = tpu.vector_load %arg7[%get3A_794, %get3A_795] {strides = array<i32>} : memref<800x64xf32, #tpu.memory_space<vmem>>, vector<1x16xf32>,
        %get3A_797 = vector.shape_cast %get3A_796 : vector<1x16xf32> to vector<16xf32>
        %add3A_798 = arith.addf %add3A_734, %get3A_797 : vector<16xf32>
        %add3A_799 = arith.constant 16 : i32
        %add3A_800 = arith.addi %mul3A_274, %add3A_799 : i32
        %add3A_801 = arith.constant 1 : i32
        %add3A_802 = arith.addi %add3A_800, %add3A_801 : i32
        %get3A_803 = arith.index_cast %add3A_802 : i32 to index
        %get3A_804 = arith.constant 16 : index
        %get3A_805 = tpu.vector_load %arg7[%get3A_803, %get3A_804] {strides = array<i32>} : memref<800x64xf32, #tpu.memory_space<vmem>>, vector<1x16xf32>,
        %get3A_806 = vector.shape_cast %get3A_805 : vector<1x16xf32> to vector<16xf32>
        %add3A_807 = arith.addf %add3A_743, %get3A_806 : vector<16xf32>
        %add3A_808 = arith.constant 16 : i32
        %add3A_809 = arith.addi %mul3A_274, %add3A_808 : i32
        %add3A_810 = arith.constant 1 : i32
        %add3A_811 = arith.addi %add3A_809, %add3A_810 : i32
        %get3A_812 = arith.index_cast %add3A_811 : i32 to index
        %get3A_813 = arith.constant 32 : index
        %get3A_814 = tpu.vector_load %arg7[%get3A_812, %get3A_813] {strides = array<i32>} : memref<800x64xf32, #tpu.memory_space<vmem>>, vector<1x16xf32>,
        %get3A_815 = vector.shape_cast %get3A_814 : vector<1x16xf32> to vector<16xf32>
        %add3A_816 = arith.addf %add3A_752, %get3A_815 : vector<16xf32>
        %add3A_817 = arith.constant 16 : i32
        %add3A_818 = arith.addi %mul3A_274, %add3A_817 : i32
        %add3A_819 = arith.constant 1 : i32
        %add3A_820 = arith.addi %add3A_818, %add3A_819 : i32
        %get3A_821 = arith.index_cast %add3A_820 : i32 to index
        %get3A_822 = arith.constant 48 : index
        %get3A_823 = tpu.vector_load %arg7[%get3A_821, %get3A_822] {strides = array<i32>} : memref<800x64xf32, #tpu.memory_space<vmem>>, vector<1x16xf32>,
        %get3A_824 = vector.shape_cast %get3A_823 : vector<1x16xf32> to vector<16xf32>
        %add3A_825 = arith.addf %add3A_761, %get3A_824 : vector<16xf32>
        %add3A_826 = arith.constant 18 : i32
        %add3A_827 = arith.addi %mul3A_274, %add3A_826 : i32
        %get3A_828 = arith.index_cast %add3A_827 : i32 to index
        %get3A_829 = arith.constant 0 : index
        %get3A_830 = tpu.vector_load %arg7[%get3A_828, %get3A_829] {strides = array<i32>} : memref<800x64xf32, #tpu.memory_space<vmem>>, vector<1x16xf32>,
        %get3A_831 = vector.shape_cast %get3A_830 : vector<1x16xf32> to vector<16xf32>
        %add3A_832 = arith.addf %add3A_768, %get3A_831 : vector<16xf32>
        %add3A_833 = arith.constant 18 : i32
        %add3A_834 = arith.addi %mul3A_274, %add3A_833 : i32
        %get3A_835 = arith.index_cast %add3A_834 : i32 to index
        %get3A_836 = arith.constant 16 : index
        %get3A_837 = tpu.vector_load %arg7[%get3A_835, %get3A_836] {strides = array<i32>} : memref<800x64xf32, #tpu.memory_space<vmem>>, vector<1x16xf32>,
        %get3A_838 = vector.shape_cast %get3A_837 : vector<1x16xf32> to vector<16xf32>
        %add3A_839 = arith.addf %add3A_775, %get3A_838 : vector<16xf32>
        %add3A_840 = arith.constant 18 : i32
        %add3A_841 = arith.addi %mul3A_274, %add3A_840 : i32
        %get3A_842 = arith.index_cast %add3A_841 : i32 to index
        %get3A_843 = arith.constant 32 : index
        %get3A_844 = tpu.vector_load %arg7[%get3A_842, %get3A_843] {strides = array<i32>} : memref<800x64xf32, #tpu.memory_space<vmem>>, vector<1x16xf32>,
        %get3A_845 = vector.shape_cast %get3A_844 : vector<1x16xf32> to vector<16xf32>
        %add3A_846 = arith.addf %add3A_782, %get3A_845 : vector<16xf32>
        %add3A_847 = arith.constant 18 : i32
        %add3A_848 = arith.addi %mul3A_274, %add3A_847 : i32
        %get3A_849 = arith.index_cast %add3A_848 : i32 to index
        %get3A_850 = arith.constant 48 : index
        %get3A_851 = tpu.vector_load %arg7[%get3A_849, %get3A_850] {strides = array<i32>} : memref<800x64xf32, #tpu.memory_space<vmem>>, vector<1x16xf32>,
        %get3A_852 = vector.shape_cast %get3A_851 : vector<1x16xf32> to vector<16xf32>
        %add3A_853 = arith.addf %add3A_789, %get3A_852 : vector<16xf32>
        %add3A_854 = arith.constant 18 : i32
        %add3A_855 = arith.addi %mul3A_274, %add3A_854 : i32
        %add3A_856 = arith.constant 1 : i32
        %add3A_857 = arith.addi %add3A_855, %add3A_856 : i32
        %get3A_858 = arith.index_cast %add3A_857 : i32 to index
        %get3A_859 = arith.constant 0 : index
        %get3A_860 = tpu.vector_load %arg7[%get3A_858, %get3A_859] {strides = array<i32>} : memref<800x64xf32, #tpu.memory_space<vmem>>, vector<1x16xf32>,
        %get3A_861 = vector.shape_cast %get3A_860 : vector<1x16xf32> to vector<16xf32>
        %add3A_862 = arith.addf %add3A_798, %get3A_861 : vector<16xf32>
        %add3A_863 = arith.constant 18 : i32
        %add3A_864 = arith.addi %mul3A_274, %add3A_863 : i32
        %add3A_865 = arith.constant 1 : i32
        %add3A_866 = arith.addi %add3A_864, %add3A_865 : i32
        %get3A_867 = arith.index_cast %add3A_866 : i32 to index
        %get3A_868 = arith.constant 16 : index
        %get3A_869 = tpu.vector_load %arg7[%get3A_867, %get3A_868] {strides = array<i32>} : memref<800x64xf32, #tpu.memory_space<vmem>>, vector<1x16xf32>,
        %get3A_870 = vector.shape_cast %get3A_869 : vector<1x16xf32> to vector<16xf32>
        %add3A_871 = arith.addf %add3A_807, %get3A_870 : vector<16xf32>
        %add3A_872 = arith.constant 18 : i32
        %add3A_873 = arith.addi %mul3A_274, %add3A_872 : i32
        %add3A_874 = arith.constant 1 : i32
        %add3A_875 = arith.addi %add3A_873, %add3A_874 : i32
        %get3A_876 = arith.index_cast %add3A_875 : i32 to index
        %get3A_877 = arith.constant 32 : index
        %get3A_878 = tpu.vector_load %arg7[%get3A_876, %get3A_877] {strides = array<i32>} : memref<800x64xf32, #tpu.memory_space<vmem>>, vector<1x16xf32>,
        %get3A_879 = vector.shape_cast %get3A_878 : vector<1x16xf32> to vector<16xf32>
        %add3A_880 = arith.addf %add3A_816, %get3A_879 : vector<16xf32>
        %add3A_881 = arith.constant 18 : i32
        %add3A_882 = arith.addi %mul3A_274, %add3A_881 : i32
        %add3A_883 = arith.constant 1 : i32
        %add3A_884 = arith.addi %add3A_882, %add3A_883 : i32
        %get3A_885 = arith.index_cast %add3A_884 : i32 to index
        %get3A_886 = arith.constant 48 : index
        %get3A_887 = tpu.vector_load %arg7[%get3A_885, %get3A_886] {strides = array<i32>} : memref<800x64xf32, #tpu.memory_space<vmem>>, vector<1x16xf32>,
        %get3A_888 = vector.shape_cast %get3A_887 : vector<1x16xf32> to vector<16xf32>
        %add3A_889 = arith.addf %add3A_825, %get3A_888 : vector<16xf32>
        %add3A_890 = arith.constant 20 : i32
        %add3A_891 = arith.addi %mul3A_274, %add3A_890 : i32
        %get3A_892 = arith.index_cast %add3A_891 : i32 to index
        %get3A_893 = arith.constant 0 : index
        %get3A_894 = tpu.vector_load %arg7[%get3A_892, %get3A_893] {strides = array<i32>} : memref<800x64xf32, #tpu.memory_space<vmem>>, vector<1x16xf32>,
        %get3A_895 = vector.shape_cast %get3A_894 : vector<1x16xf32> to vector<16xf32>
        %add3A_896 = arith.addf %add3A_832, %get3A_895 : vector<16xf32>
        %add3A_897 = arith.constant 20 : i32
        %add3A_898 = arith.addi %mul3A_274, %add3A_897 : i32
        %get3A_899 = arith.index_cast %add3A_898 : i32 to index
        %get3A_900 = arith.constant 16 : index
        %get3A_901 = tpu.vector_load %arg7[%get3A_899, %get3A_900] {strides = array<i32>} : memref<800x64xf32, #tpu.memory_space<vmem>>, vector<1x16xf32>,
        %get3A_902 = vector.shape_cast %get3A_901 : vector<1x16xf32> to vector<16xf32>
        %add3A_903 = arith.addf %add3A_839, %get3A_902 : vector<16xf32>
        %add3A_904 = arith.constant 20 : i32
        %add3A_905 = arith.addi %mul3A_274, %add3A_904 : i32
        %get3A_906 = arith.index_cast %add3A_905 : i32 to index
        %get3A_907 = arith.constant 32 : index
        %get3A_908 = tpu.vector_load %arg7[%get3A_906, %get3A_907] {strides = array<i32>} : memref<800x64xf32, #tpu.memory_space<vmem>>, vector<1x16xf32>,
        %get3A_909 = vector.shape_cast %get3A_908 : vector<1x16xf32> to vector<16xf32>
        %add3A_910 = arith.addf %add3A_846, %get3A_909 : vector<16xf32>
        %add3A_911 = arith.constant 20 : i32
        %add3A_912 = arith.addi %mul3A_274, %add3A_911 : i32
        %get3A_913 = arith.index_cast %add3A_912 : i32 to index
        %get3A_914 = arith.constant 48 : index
        %get3A_915 = tpu.vector_load %arg7[%get3A_913, %get3A_914] {strides = array<i32>} : memref<800x64xf32, #tpu.memory_space<vmem>>, vector<1x16xf32>,
        %get3A_916 = vector.shape_cast %get3A_915 : vector<1x16xf32> to vector<16xf32>
        %add3A_917 = arith.addf %add3A_853, %get3A_916 : vector<16xf32>
        %add3A_918 = arith.constant 20 : i32
        %add3A_919 = arith.addi %mul3A_274, %add3A_918 : i32
        %add3A_920 = arith.constant 1 : i32
        %add3A_921 = arith.addi %add3A_919, %add3A_920 : i32
        %get3A_922 = arith.index_cast %add3A_921 : i32 to index
        %get3A_923 = arith.constant 0 : index
        %get3A_924 = tpu.vector_load %arg7[%get3A_922, %get3A_923] {strides = array<i32>} : memref<800x64xf32, #tpu.memory_space<vmem>>, vector<1x16xf32>,
        %get3A_925 = vector.shape_cast %get3A_924 : vector<1x16xf32> to vector<16xf32>
        %add3A_926 = arith.addf %add3A_862, %get3A_925 : vector<16xf32>
        %add3A_927 = arith.constant 20 : i32
        %add3A_928 = arith.addi %mul3A_274, %add3A_927 : i32
        %add3A_929 = arith.constant 1 : i32
        %add3A_930 = arith.addi %add3A_928, %add3A_929 : i32
        %get3A_931 = arith.index_cast %add3A_930 : i32 to index
        %get3A_932 = arith.constant 16 : index
        %get3A_933 = tpu.vector_load %arg7[%get3A_931, %get3A_932] {strides = array<i32>} : memref<800x64xf32, #tpu.memory_space<vmem>>, vector<1x16xf32>,
        %get3A_934 = vector.shape_cast %get3A_933 : vector<1x16xf32> to vector<16xf32>
        %add3A_935 = arith.addf %add3A_871, %get3A_934 : vector<16xf32>
        %add3A_936 = arith.constant 20 : i32
        %add3A_937 = arith.addi %mul3A_274, %add3A_936 : i32
        %add3A_938 = arith.constant 1 : i32
        %add3A_939 = arith.addi %add3A_937, %add3A_938 : i32
        %get3A_940 = arith.index_cast %add3A_939 : i32 to index
        %get3A_941 = arith.constant 32 : index
        %get3A_942 = tpu.vector_load %arg7[%get3A_940, %get3A_941] {strides = array<i32>} : memref<800x64xf32, #tpu.memory_space<vmem>>, vector<1x16xf32>,
        %get3A_943 = vector.shape_cast %get3A_942 : vector<1x16xf32> to vector<16xf32>
        %add3A_944 = arith.addf %add3A_880, %get3A_943 : vector<16xf32>
        %add3A_945 = arith.constant 20 : i32
        %add3A_946 = arith.addi %mul3A_274, %add3A_945 : i32
        %add3A_947 = arith.constant 1 : i32
        %add3A_948 = arith.addi %add3A_946, %add3A_947 : i32
        %get3A_949 = arith.index_cast %add3A_948 : i32 to index
        %get3A_950 = arith.constant 48 : index
        %get3A_951 = tpu.vector_load %arg7[%get3A_949, %get3A_950] {strides = array<i32>} : memref<800x64xf32, #tpu.memory_space<vmem>>, vector<1x16xf32>,
        %get3A_952 = vector.shape_cast %get3A_951 : vector<1x16xf32> to vector<16xf32>
        %add3A_953 = arith.addf %add3A_889, %get3A_952 : vector<16xf32>
        %add3A_954 = arith.constant 22 : i32
        %add3A_955 = arith.addi %mul3A_274, %add3A_954 : i32
        %get3A_956 = arith.index_cast %add3A_955 : i32 to index
        %get3A_957 = arith.constant 0 : index
        %get3A_958 = tpu.vector_load %arg7[%get3A_956, %get3A_957] {strides = array<i32>} : memref<800x64xf32, #tpu.memory_space<vmem>>, vector<1x16xf32>,
        %get3A_959 = vector.shape_cast %get3A_958 : vector<1x16xf32> to vector<16xf32>
        %add3A_960 = arith.addf %add3A_896, %get3A_959 : vector<16xf32>
        %add3A_961 = arith.constant 22 : i32
        %add3A_962 = arith.addi %mul3A_274, %add3A_961 : i32
        %get3A_963 = arith.index_cast %add3A_962 : i32 to index
        %get3A_964 = arith.constant 16 : index
        %get3A_965 = tpu.vector_load %arg7[%get3A_963, %get3A_964] {strides = array<i32>} : memref<800x64xf32, #tpu.memory_space<vmem>>, vector<1x16xf32>,
        %get3A_966 = vector.shape_cast %get3A_965 : vector<1x16xf32> to vector<16xf32>
        %add3A_967 = arith.addf %add3A_903, %get3A_966 : vector<16xf32>
        %add3A_968 = arith.constant 22 : i32
        %add3A_969 = arith.addi %mul3A_274, %add3A_968 : i32
        %get3A_970 = arith.index_cast %add3A_969 : i32 to index
        %get3A_971 = arith.constant 32 : index
        %get3A_972 = tpu.vector_load %arg7[%get3A_970, %get3A_971] {strides = array<i32>} : memref<800x64xf32, #tpu.memory_space<vmem>>, vector<1x16xf32>,
        %get3A_973 = vector.shape_cast %get3A_972 : vector<1x16xf32> to vector<16xf32>
        %add3A_974 = arith.addf %add3A_910, %get3A_973 : vector<16xf32>
        %add3A_975 = arith.constant 22 : i32
        %add3A_976 = arith.addi %mul3A_274, %add3A_975 : i32
        %get3A_977 = arith.index_cast %add3A_976 : i32 to index
        %get3A_978 = arith.constant 48 : index
        %get3A_979 = tpu.vector_load %arg7[%get3A_977, %get3A_978] {strides = array<i32>} : memref<800x64xf32, #tpu.memory_space<vmem>>, vector<1x16xf32>,
        %get3A_980 = vector.shape_cast %get3A_979 : vector<1x16xf32> to vector<16xf32>
        %add3A_981 = arith.addf %add3A_917, %get3A_980 : vector<16xf32>
        %add3A_982 = arith.constant 22 : i32
        %add3A_983 = arith.addi %mul3A_274, %add3A_982 : i32
        %add3A_984 = arith.constant 1 : i32
        %add3A_985 = arith.addi %add3A_983, %add3A_984 : i32
        %get3A_986 = arith.index_cast %add3A_985 : i32 to index
        %get3A_987 = arith.constant 0 : index
        %get3A_988 = tpu.vector_load %arg7[%get3A_986, %get3A_987] {strides = array<i32>} : memref<800x64xf32, #tpu.memory_space<vmem>>, vector<1x16xf32>,
        %get3A_989 = vector.shape_cast %get3A_988 : vector<1x16xf32> to vector<16xf32>
        %add3A_990 = arith.addf %add3A_926, %get3A_989 : vector<16xf32>
        %add3A_991 = arith.constant 22 : i32
        %add3A_992 = arith.addi %mul3A_274, %add3A_991 : i32
        %add3A_993 = arith.constant 1 : i32
        %add3A_994 = arith.addi %add3A_992, %add3A_993 : i32
        %get3A_995 = arith.index_cast %add3A_994 : i32 to index
        %get3A_996 = arith.constant 16 : index
        %get3A_997 = tpu.vector_load %arg7[%get3A_995, %get3A_996] {strides = array<i32>} : memref<800x64xf32, #tpu.memory_space<vmem>>, vector<1x16xf32>,
        %get3A_998 = vector.shape_cast %get3A_997 : vector<1x16xf32> to vector<16xf32>
        %add3A_999 = arith.addf %add3A_935, %get3A_998 : vector<16xf32>
        %add3A_1000 = arith.constant 22 : i32
        %add3A_1001 = arith.addi %mul3A_274, %add3A_1000 : i32
        %add3A_1002 = arith.constant 1 : i32
        %add3A_1003 = arith.addi %add3A_1001, %add3A_1002 : i32
        %get3A_1004 = arith.index_cast %add3A_1003 : i32 to index
        %get3A_1005 = arith.constant 32 : index
        %get3A_1006 = tpu.vector_load %arg7[%get3A_1004, %get3A_1005] {strides = array<i32>} : memref<800x64xf32, #tpu.memory_space<vmem>>, vector<1x16xf32>,
        %get3A_1007 = vector.shape_cast %get3A_1006 : vector<1x16xf32> to vector<16xf32>
        %add3A_1008 = arith.addf %add3A_944, %get3A_1007 : vector<16xf32>
        %add3A_1009 = arith.constant 22 : i32
        %add3A_1010 = arith.addi %mul3A_274, %add3A_1009 : i32
        %add3A_1011 = arith.constant 1 : i32
        %add3A_1012 = arith.addi %add3A_1010, %add3A_1011 : i32
        %get3A_1013 = arith.index_cast %add3A_1012 : i32 to index
        %get3A_1014 = arith.constant 48 : index
        %get3A_1015 = tpu.vector_load %arg7[%get3A_1013, %get3A_1014] {strides = array<i32>} : memref<800x64xf32, #tpu.memory_space<vmem>>, vector<1x16xf32>,
        %get3A_1016 = vector.shape_cast %get3A_1015 : vector<1x16xf32> to vector<16xf32>
        %add3A_1017 = arith.addf %add3A_953, %get3A_1016 : vector<16xf32>
        %add3A_1018 = arith.constant 24 : i32
        %add3A_1019 = arith.addi %mul3A_274, %add3A_1018 : i32
        %get3A_1020 = arith.index_cast %add3A_1019 : i32 to index
        %get3A_1021 = arith.constant 0 : index
        %get3A_1022 = tpu.vector_load %arg7[%get3A_1020, %get3A_1021] {strides = array<i32>} : memref<800x64xf32, #tpu.memory_space<vmem>>, vector<1x16xf32>,
        %get3A_1023 = vector.shape_cast %get3A_1022 : vector<1x16xf32> to vector<16xf32>
        %add3A_1024 = arith.addf %add3A_960, %get3A_1023 : vector<16xf32>
        %add3A_1025 = arith.constant 24 : i32
        %add3A_1026 = arith.addi %mul3A_274, %add3A_1025 : i32
        %get3A_1027 = arith.index_cast %add3A_1026 : i32 to index
        %get3A_1028 = arith.constant 16 : index
        %get3A_1029 = tpu.vector_load %arg7[%get3A_1027, %get3A_1028] {strides = array<i32>} : memref<800x64xf32, #tpu.memory_space<vmem>>, vector<1x16xf32>,
        %get3A_1030 = vector.shape_cast %get3A_1029 : vector<1x16xf32> to vector<16xf32>
        %add3A_1031 = arith.addf %add3A_967, %get3A_1030 : vector<16xf32>
        %add3A_1032 = arith.constant 24 : i32
        %add3A_1033 = arith.addi %mul3A_274, %add3A_1032 : i32
        %get3A_1034 = arith.index_cast %add3A_1033 : i32 to index
        %get3A_1035 = arith.constant 32 : index
        %get3A_1036 = tpu.vector_load %arg7[%get3A_1034, %get3A_1035] {strides = array<i32>} : memref<800x64xf32, #tpu.memory_space<vmem>>, vector<1x16xf32>,
        %get3A_1037 = vector.shape_cast %get3A_1036 : vector<1x16xf32> to vector<16xf32>
        %add3A_1038 = arith.addf %add3A_974, %get3A_1037 : vector<16xf32>
        %add3A_1039 = arith.constant 24 : i32
        %add3A_1040 = arith.addi %mul3A_274, %add3A_1039 : i32
        %get3A_1041 = arith.index_cast %add3A_1040 : i32 to index
        %get3A_1042 = arith.constant 48 : index
        %get3A_1043 = tpu.vector_load %arg7[%get3A_1041, %get3A_1042] {strides = array<i32>} : memref<800x64xf32, #tpu.memory_space<vmem>>, vector<1x16xf32>,
        %get3A_1044 = vector.shape_cast %get3A_1043 : vector<1x16xf32> to vector<16xf32>
        %add3A_1045 = arith.addf %add3A_981, %get3A_1044 : vector<16xf32>
        %add3A_1046 = arith.constant 24 : i32
        %add3A_1047 = arith.addi %mul3A_274, %add3A_1046 : i32
        %add3A_1048 = arith.constant 1 : i32
        %add3A_1049 = arith.addi %add3A_1047, %add3A_1048 : i32
        %get3A_1050 = arith.index_cast %add3A_1049 : i32 to index
        %get3A_1051 = arith.constant 0 : index
        %get3A_1052 = tpu.vector_load %arg7[%get3A_1050, %get3A_1051] {strides = array<i32>} : memref<800x64xf32, #tpu.memory_space<vmem>>, vector<1x16xf32>,
        %get3A_1053 = vector.shape_cast %get3A_1052 : vector<1x16xf32> to vector<16xf32>
        %add3A_1054 = arith.addf %add3A_990, %get3A_1053 : vector<16xf32>
        %add3A_1055 = arith.constant 24 : i32
        %add3A_1056 = arith.addi %mul3A_274, %add3A_1055 : i32
        %add3A_1057 = arith.constant 1 : i32
        %add3A_1058 = arith.addi %add3A_1056, %add3A_1057 : i32
        %get3A_1059 = arith.index_cast %add3A_1058 : i32 to index
        %get3A_1060 = arith.constant 16 : index
        %get3A_1061 = tpu.vector_load %arg7[%get3A_1059, %get3A_1060] {strides = array<i32>} : memref<800x64xf32, #tpu.memory_space<vmem>>, vector<1x16xf32>,
        %get3A_1062 = vector.shape_cast %get3A_1061 : vector<1x16xf32> to vector<16xf32>
        %add3A_1063 = arith.addf %add3A_999, %get3A_1062 : vector<16xf32>
        %add3A_1064 = arith.constant 24 : i32
        %add3A_1065 = arith.addi %mul3A_274, %add3A_1064 : i32
        %add3A_1066 = arith.constant 1 : i32
        %add3A_1067 = arith.addi %add3A_1065, %add3A_1066 : i32
        %get3A_1068 = arith.index_cast %add3A_1067 : i32 to index
        %get3A_1069 = arith.constant 32 : index
        %get3A_1070 = tpu.vector_load %arg7[%get3A_1068, %get3A_1069] {strides = array<i32>} : memref<800x64xf32, #tpu.memory_space<vmem>>, vector<1x16xf32>,
        %get3A_1071 = vector.shape_cast %get3A_1070 : vector<1x16xf32> to vector<16xf32>
        %add3A_1072 = arith.addf %add3A_1008, %get3A_1071 : vector<16xf32>
        %add3A_1073 = arith.constant 24 : i32
        %add3A_1074 = arith.addi %mul3A_274, %add3A_1073 : i32
        %add3A_1075 = arith.constant 1 : i32
        %add3A_1076 = arith.addi %add3A_1074, %add3A_1075 : i32
        %get3A_1077 = arith.index_cast %add3A_1076 : i32 to index
        %get3A_1078 = arith.constant 48 : index
        %get3A_1079 = tpu.vector_load %arg7[%get3A_1077, %get3A_1078] {strides = array<i32>} : memref<800x64xf32, #tpu.memory_space<vmem>>, vector<1x16xf32>,
        %get3A_1080 = vector.shape_cast %get3A_1079 : vector<1x16xf32> to vector<16xf32>
        %add3A_1081 = arith.addf %add3A_1017, %get3A_1080 : vector<16xf32>
        %add3A_1082 = arith.constant 26 : i32
        %add3A_1083 = arith.addi %mul3A_274, %add3A_1082 : i32
        %get3A_1084 = arith.index_cast %add3A_1083 : i32 to index
        %get3A_1085 = arith.constant 0 : index
        %get3A_1086 = tpu.vector_load %arg7[%get3A_1084, %get3A_1085] {strides = array<i32>} : memref<800x64xf32, #tpu.memory_space<vmem>>, vector<1x16xf32>,
        %get3A_1087 = vector.shape_cast %get3A_1086 : vector<1x16xf32> to vector<16xf32>
        %add3A_1088 = arith.addf %add3A_1024, %get3A_1087 : vector<16xf32>
        %add3A_1089 = arith.constant 26 : i32
        %add3A_1090 = arith.addi %mul3A_274, %add3A_1089 : i32
        %get3A_1091 = arith.index_cast %add3A_1090 : i32 to index
        %get3A_1092 = arith.constant 16 : index
        %get3A_1093 = tpu.vector_load %arg7[%get3A_1091, %get3A_1092] {strides = array<i32>} : memref<800x64xf32, #tpu.memory_space<vmem>>, vector<1x16xf32>,
        %get3A_1094 = vector.shape_cast %get3A_1093 : vector<1x16xf32> to vector<16xf32>
        %add3A_1095 = arith.addf %add3A_1031, %get3A_1094 : vector<16xf32>
        %add3A_1096 = arith.constant 26 : i32
        %add3A_1097 = arith.addi %mul3A_274, %add3A_1096 : i32
        %get3A_1098 = arith.index_cast %add3A_1097 : i32 to index
        %get3A_1099 = arith.constant 32 : index
        %get3A_1100 = tpu.vector_load %arg7[%get3A_1098, %get3A_1099] {strides = array<i32>} : memref<800x64xf32, #tpu.memory_space<vmem>>, vector<1x16xf32>,
        %get3A_1101 = vector.shape_cast %get3A_1100 : vector<1x16xf32> to vector<16xf32>
        %add3A_1102 = arith.addf %add3A_1038, %get3A_1101 : vector<16xf32>
        %add3A_1103 = arith.constant 26 : i32
        %add3A_1104 = arith.addi %mul3A_274, %add3A_1103 : i32
        %get3A_1105 = arith.index_cast %add3A_1104 : i32 to index
        %get3A_1106 = arith.constant 48 : index
        %get3A_1107 = tpu.vector_load %arg7[%get3A_1105, %get3A_1106] {strides = array<i32>} : memref<800x64xf32, #tpu.memory_space<vmem>>, vector<1x16xf32>,
        %get3A_1108 = vector.shape_cast %get3A_1107 : vector<1x16xf32> to vector<16xf32>
        %add3A_1109 = arith.addf %add3A_1045, %get3A_1108 : vector<16xf32>
        %add3A_1110 = arith.constant 26 : i32
        %add3A_1111 = arith.addi %mul3A_274, %add3A_1110 : i32
        %add3A_1112 = arith.constant 1 : i32
        %add3A_1113 = arith.addi %add3A_1111, %add3A_1112 : i32
        %get3A_1114 = arith.index_cast %add3A_1113 : i32 to index
        %get3A_1115 = arith.constant 0 : index
        %get3A_1116 = tpu.vector_load %arg7[%get3A_1114, %get3A_1115] {strides = array<i32>} : memref<800x64xf32, #tpu.memory_space<vmem>>, vector<1x16xf32>,
        %get3A_1117 = vector.shape_cast %get3A_1116 : vector<1x16xf32> to vector<16xf32>
        %add3A_1118 = arith.addf %add3A_1054, %get3A_1117 : vector<16xf32>
        %add3A_1119 = arith.constant 26 : i32
        %add3A_1120 = arith.addi %mul3A_274, %add3A_1119 : i32
        %add3A_1121 = arith.constant 1 : i32
        %add3A_1122 = arith.addi %add3A_1120, %add3A_1121 : i32
        %get3A_1123 = arith.index_cast %add3A_1122 : i32 to index
        %get3A_1124 = arith.constant 16 : index
        %get3A_1125 = tpu.vector_load %arg7[%get3A_1123, %get3A_1124] {strides = array<i32>} : memref<800x64xf32, #tpu.memory_space<vmem>>, vector<1x16xf32>,
        %get3A_1126 = vector.shape_cast %get3A_1125 : vector<1x16xf32> to vector<16xf32>
        %add3A_1127 = arith.addf %add3A_1063, %get3A_1126 : vector<16xf32>
        %add3A_1128 = arith.constant 26 : i32
        %add3A_1129 = arith.addi %mul3A_274, %add3A_1128 : i32
        %add3A_1130 = arith.constant 1 : i32
        %add3A_1131 = arith.addi %add3A_1129, %add3A_1130 : i32
        %get3A_1132 = arith.index_cast %add3A_1131 : i32 to index
        %get3A_1133 = arith.constant 32 : index
        %get3A_1134 = tpu.vector_load %arg7[%get3A_1132, %get3A_1133] {strides = array<i32>} : memref<800x64xf32, #tpu.memory_space<vmem>>, vector<1x16xf32>,
        %get3A_1135 = vector.shape_cast %get3A_1134 : vector<1x16xf32> to vector<16xf32>
        %add3A_1136 = arith.addf %add3A_1072, %get3A_1135 : vector<16xf32>
        %add3A_1137 = arith.constant 26 : i32
        %add3A_1138 = arith.addi %mul3A_274, %add3A_1137 : i32
        %add3A_1139 = arith.constant 1 : i32
        %add3A_1140 = arith.addi %add3A_1138, %add3A_1139 : i32
        %get3A_1141 = arith.index_cast %add3A_1140 : i32 to index
        %get3A_1142 = arith.constant 48 : index
        %get3A_1143 = tpu.vector_load %arg7[%get3A_1141, %get3A_1142] {strides = array<i32>} : memref<800x64xf32, #tpu.memory_space<vmem>>, vector<1x16xf32>,
        %get3A_1144 = vector.shape_cast %get3A_1143 : vector<1x16xf32> to vector<16xf32>
        %add3A_1145 = arith.addf %add3A_1081, %get3A_1144 : vector<16xf32>
        %add3A_1146 = arith.constant 28 : i32
        %add3A_1147 = arith.addi %mul3A_274, %add3A_1146 : i32
        %get3A_1148 = arith.index_cast %add3A_1147 : i32 to index
        %get3A_1149 = arith.constant 0 : index
        %get3A_1150 = tpu.vector_load %arg7[%get3A_1148, %get3A_1149] {strides = array<i32>} : memref<800x64xf32, #tpu.memory_space<vmem>>, vector<1x16xf32>,
        %get3A_1151 = vector.shape_cast %get3A_1150 : vector<1x16xf32> to vector<16xf32>
        %add3A_1152 = arith.addf %add3A_1088, %get3A_1151 : vector<16xf32>
        %add3A_1153 = arith.constant 28 : i32
        %add3A_1154 = arith.addi %mul3A_274, %add3A_1153 : i32
        %get3A_1155 = arith.index_cast %add3A_1154 : i32 to index
        %get3A_1156 = arith.constant 16 : index
        %get3A_1157 = tpu.vector_load %arg7[%get3A_1155, %get3A_1156] {strides = array<i32>} : memref<800x64xf32, #tpu.memory_space<vmem>>, vector<1x16xf32>,
        %get3A_1158 = vector.shape_cast %get3A_1157 : vector<1x16xf32> to vector<16xf32>
        %add3A_1159 = arith.addf %add3A_1095, %get3A_1158 : vector<16xf32>
        %add3A_1160 = arith.constant 28 : i32
        %add3A_1161 = arith.addi %mul3A_274, %add3A_1160 : i32
        %get3A_1162 = arith.index_cast %add3A_1161 : i32 to index
        %get3A_1163 = arith.constant 32 : index
        %get3A_1164 = tpu.vector_load %arg7[%get3A_1162, %get3A_1163] {strides = array<i32>} : memref<800x64xf32, #tpu.memory_space<vmem>>, vector<1x16xf32>,
        %get3A_1165 = vector.shape_cast %get3A_1164 : vector<1x16xf32> to vector<16xf32>
        %add3A_1166 = arith.addf %add3A_1102, %get3A_1165 : vector<16xf32>
        %add3A_1167 = arith.constant 28 : i32
        %add3A_1168 = arith.addi %mul3A_274, %add3A_1167 : i32
        %get3A_1169 = arith.index_cast %add3A_1168 : i32 to index
        %get3A_1170 = arith.constant 48 : index
        %get3A_1171 = tpu.vector_load %arg7[%get3A_1169, %get3A_1170] {strides = array<i32>} : memref<800x64xf32, #tpu.memory_space<vmem>>, vector<1x16xf32>,
        %get3A_1172 = vector.shape_cast %get3A_1171 : vector<1x16xf32> to vector<16xf32>
        %add3A_1173 = arith.addf %add3A_1109, %get3A_1172 : vector<16xf32>
        %add3A_1174 = arith.constant 28 : i32
        %add3A_1175 = arith.addi %mul3A_274, %add3A_1174 : i32
        %add3A_1176 = arith.constant 1 : i32
        %add3A_1177 = arith.addi %add3A_1175, %add3A_1176 : i32
        %get3A_1178 = arith.index_cast %add3A_1177 : i32 to index
        %get3A_1179 = arith.constant 0 : index
        %get3A_1180 = tpu.vector_load %arg7[%get3A_1178, %get3A_1179] {strides = array<i32>} : memref<800x64xf32, #tpu.memory_space<vmem>>, vector<1x16xf32>,
        %get3A_1181 = vector.shape_cast %get3A_1180 : vector<1x16xf32> to vector<16xf32>
        %add3A_1182 = arith.addf %add3A_1118, %get3A_1181 : vector<16xf32>
        %add3A_1183 = arith.constant 28 : i32
        %add3A_1184 = arith.addi %mul3A_274, %add3A_1183 : i32
        %add3A_1185 = arith.constant 1 : i32
        %add3A_1186 = arith.addi %add3A_1184, %add3A_1185 : i32
        %get3A_1187 = arith.index_cast %add3A_1186 : i32 to index
        %get3A_1188 = arith.constant 16 : index
        %get3A_1189 = tpu.vector_load %arg7[%get3A_1187, %get3A_1188] {strides = array<i32>} : memref<800x64xf32, #tpu.memory_space<vmem>>, vector<1x16xf32>,
        %get3A_1190 = vector.shape_cast %get3A_1189 : vector<1x16xf32> to vector<16xf32>
        %add3A_1191 = arith.addf %add3A_1127, %get3A_1190 : vector<16xf32>
        %add3A_1192 = arith.constant 28 : i32
        %add3A_1193 = arith.addi %mul3A_274, %add3A_1192 : i32
        %add3A_1194 = arith.constant 1 : i32
        %add3A_1195 = arith.addi %add3A_1193, %add3A_1194 : i32
        %get3A_1196 = arith.index_cast %add3A_1195 : i32 to index
        %get3A_1197 = arith.constant 32 : index
        %get3A_1198 = tpu.vector_load %arg7[%get3A_1196, %get3A_1197] {strides = array<i32>} : memref<800x64xf32, #tpu.memory_space<vmem>>, vector<1x16xf32>,
        %get3A_1199 = vector.shape_cast %get3A_1198 : vector<1x16xf32> to vector<16xf32>
        %add3A_1200 = arith.addf %add3A_1136, %get3A_1199 : vector<16xf32>
        %add3A_1201 = arith.constant 28 : i32
        %add3A_1202 = arith.addi %mul3A_274, %add3A_1201 : i32
        %add3A_1203 = arith.constant 1 : i32
        %add3A_1204 = arith.addi %add3A_1202, %add3A_1203 : i32
        %get3A_1205 = arith.index_cast %add3A_1204 : i32 to index
        %get3A_1206 = arith.constant 48 : index
        %get3A_1207 = tpu.vector_load %arg7[%get3A_1205, %get3A_1206] {strides = array<i32>} : memref<800x64xf32, #tpu.memory_space<vmem>>, vector<1x16xf32>,
        %get3A_1208 = vector.shape_cast %get3A_1207 : vector<1x16xf32> to vector<16xf32>
        %add3A_1209 = arith.addf %add3A_1145, %get3A_1208 : vector<16xf32>
        %add3A_1210 = arith.constant 30 : i32
        %add3A_1211 = arith.addi %mul3A_274, %add3A_1210 : i32
        %get3A_1212 = arith.index_cast %add3A_1211 : i32 to index
        %get3A_1213 = arith.constant 0 : index
        %get3A_1214 = tpu.vector_load %arg7[%get3A_1212, %get3A_1213] {strides = array<i32>} : memref<800x64xf32, #tpu.memory_space<vmem>>, vector<1x16xf32>,
        %get3A_1215 = vector.shape_cast %get3A_1214 : vector<1x16xf32> to vector<16xf32>
        %add3A_1216 = arith.addf %add3A_1152, %get3A_1215 : vector<16xf32>
        %add3A_1217 = arith.constant 30 : i32
        %add3A_1218 = arith.addi %mul3A_274, %add3A_1217 : i32
        %get3A_1219 = arith.index_cast %add3A_1218 : i32 to index
        %get3A_1220 = arith.constant 16 : index
        %get3A_1221 = tpu.vector_load %arg7[%get3A_1219, %get3A_1220] {strides = array<i32>} : memref<800x64xf32, #tpu.memory_space<vmem>>, vector<1x16xf32>,
        %get3A_1222 = vector.shape_cast %get3A_1221 : vector<1x16xf32> to vector<16xf32>
        %add3A_1223 = arith.addf %add3A_1159, %get3A_1222 : vector<16xf32>
        %add3A_1224 = arith.constant 30 : i32
        %add3A_1225 = arith.addi %mul3A_274, %add3A_1224 : i32
        %get3A_1226 = arith.index_cast %add3A_1225 : i32 to index
        %get3A_1227 = arith.constant 32 : index
        %get3A_1228 = tpu.vector_load %arg7[%get3A_1226, %get3A_1227] {strides = array<i32>} : memref<800x64xf32, #tpu.memory_space<vmem>>, vector<1x16xf32>,
        %get3A_1229 = vector.shape_cast %get3A_1228 : vector<1x16xf32> to vector<16xf32>
        %add3A_1230 = arith.addf %add3A_1166, %get3A_1229 : vector<16xf32>
        %add3A_1231 = arith.constant 30 : i32
        %add3A_1232 = arith.addi %mul3A_274, %add3A_1231 : i32
        %get3A_1233 = arith.index_cast %add3A_1232 : i32 to index
        %get3A_1234 = arith.constant 48 : index
        %get3A_1235 = tpu.vector_load %arg7[%get3A_1233, %get3A_1234] {strides = array<i32>} : memref<800x64xf32, #tpu.memory_space<vmem>>, vector<1x16xf32>,
        %get3A_1236 = vector.shape_cast %get3A_1235 : vector<1x16xf32> to vector<16xf32>
        %add3A_1237 = arith.addf %add3A_1173, %get3A_1236 : vector<16xf32>
        %add3A_1238 = arith.constant 30 : i32
        %add3A_1239 = arith.addi %mul3A_274, %add3A_1238 : i32
        %add3A_1240 = arith.constant 1 : i32
        %add3A_1241 = arith.addi %add3A_1239, %add3A_1240 : i32
        %get3A_1242 = arith.index_cast %add3A_1241 : i32 to index
        %get3A_1243 = arith.constant 0 : index
        %get3A_1244 = tpu.vector_load %arg7[%get3A_1242, %get3A_1243] {strides = array<i32>} : memref<800x64xf32, #tpu.memory_space<vmem>>, vector<1x16xf32>,
        %get3A_1245 = vector.shape_cast %get3A_1244 : vector<1x16xf32> to vector<16xf32>
        %add3A_1246 = arith.addf %add3A_1182, %get3A_1245 : vector<16xf32>
        %add3A_1247 = arith.constant 30 : i32
        %add3A_1248 = arith.addi %mul3A_274, %add3A_1247 : i32
        %add3A_1249 = arith.constant 1 : i32
        %add3A_1250 = arith.addi %add3A_1248, %add3A_1249 : i32
        %get3A_1251 = arith.index_cast %add3A_1250 : i32 to index
        %get3A_1252 = arith.constant 16 : index
        %get3A_1253 = tpu.vector_load %arg7[%get3A_1251, %get3A_1252] {strides = array<i32>} : memref<800x64xf32, #tpu.memory_space<vmem>>, vector<1x16xf32>,
        %get3A_1254 = vector.shape_cast %get3A_1253 : vector<1x16xf32> to vector<16xf32>
        %add3A_1255 = arith.addf %add3A_1191, %get3A_1254 : vector<16xf32>
        %add3A_1256 = arith.constant 30 : i32
        %add3A_1257 = arith.addi %mul3A_274, %add3A_1256 : i32
        %add3A_1258 = arith.constant 1 : i32
        %add3A_1259 = arith.addi %add3A_1257, %add3A_1258 : i32
        %get3A_1260 = arith.index_cast %add3A_1259 : i32 to index
        %get3A_1261 = arith.constant 32 : index
        %get3A_1262 = tpu.vector_load %arg7[%get3A_1260, %get3A_1261] {strides = array<i32>} : memref<800x64xf32, #tpu.memory_space<vmem>>, vector<1x16xf32>,
        %get3A_1263 = vector.shape_cast %get3A_1262 : vector<1x16xf32> to vector<16xf32>
        %add3A_1264 = arith.addf %add3A_1200, %get3A_1263 : vector<16xf32>
        %add3A_1265 = arith.constant 30 : i32
        %add3A_1266 = arith.addi %mul3A_274, %add3A_1265 : i32
        %add3A_1267 = arith.constant 1 : i32
        %add3A_1268 = arith.addi %add3A_1266, %add3A_1267 : i32
        %get3A_1269 = arith.index_cast %add3A_1268 : i32 to index
        %get3A_1270 = arith.constant 48 : index
        %get3A_1271 = tpu.vector_load %arg7[%get3A_1269, %get3A_1270] {strides = array<i32>} : memref<800x64xf32, #tpu.memory_space<vmem>>, vector<1x16xf32>,
        %get3A_1272 = vector.shape_cast %get3A_1271 : vector<1x16xf32> to vector<16xf32>
        %add3A_1273 = arith.addf %add3A_1209, %get3A_1272 : vector<16xf32>
        %add3A_1274 = arith.constant 32 : i32
        %add3A_1275 = arith.addi %mul3A_274, %add3A_1274 : i32
        %get3A_1276 = arith.index_cast %add3A_1275 : i32 to index
        %get3A_1277 = arith.constant 0 : index
        %get3A_1278 = tpu.vector_load %arg7[%get3A_1276, %get3A_1277] {strides = array<i32>} : memref<800x64xf32, #tpu.memory_space<vmem>>, vector<1x16xf32>,
        %get3A_1279 = vector.shape_cast %get3A_1278 : vector<1x16xf32> to vector<16xf32>
        %add3A_1280 = arith.addf %add3A_1216, %get3A_1279 : vector<16xf32>
        %add3A_1281 = arith.constant 32 : i32
        %add3A_1282 = arith.addi %mul3A_274, %add3A_1281 : i32
        %get3A_1283 = arith.index_cast %add3A_1282 : i32 to index
        %get3A_1284 = arith.constant 16 : index
        %get3A_1285 = tpu.vector_load %arg7[%get3A_1283, %get3A_1284] {strides = array<i32>} : memref<800x64xf32, #tpu.memory_space<vmem>>, vector<1x16xf32>,
        %get3A_1286 = vector.shape_cast %get3A_1285 : vector<1x16xf32> to vector<16xf32>
        %add3A_1287 = arith.addf %add3A_1223, %get3A_1286 : vector<16xf32>
        %add3A_1288 = arith.constant 32 : i32
        %add3A_1289 = arith.addi %mul3A_274, %add3A_1288 : i32
        %get3A_1290 = arith.index_cast %add3A_1289 : i32 to index
        %get3A_1291 = arith.constant 32 : index
        %get3A_1292 = tpu.vector_load %arg7[%get3A_1290, %get3A_1291] {strides = array<i32>} : memref<800x64xf32, #tpu.memory_space<vmem>>, vector<1x16xf32>,
        %get3A_1293 = vector.shape_cast %get3A_1292 : vector<1x16xf32> to vector<16xf32>
        %add3A_1294 = arith.addf %add3A_1230, %get3A_1293 : vector<16xf32>
        %add3A_1295 = arith.constant 32 : i32
        %add3A_1296 = arith.addi %mul3A_274, %add3A_1295 : i32
        %get3A_1297 = arith.index_cast %add3A_1296 : i32 to index
        %get3A_1298 = arith.constant 48 : index
        %get3A_1299 = tpu.vector_load %arg7[%get3A_1297, %get3A_1298] {strides = array<i32>} : memref<800x64xf32, #tpu.memory_space<vmem>>, vector<1x16xf32>,
        %get3A_1300 = vector.shape_cast %get3A_1299 : vector<1x16xf32> to vector<16xf32>
        %add3A_1301 = arith.addf %add3A_1237, %get3A_1300 : vector<16xf32>
        %add3A_1302 = arith.constant 32 : i32
        %add3A_1303 = arith.addi %mul3A_274, %add3A_1302 : i32
        %add3A_1304 = arith.constant 1 : i32
        %add3A_1305 = arith.addi %add3A_1303, %add3A_1304 : i32
        %get3A_1306 = arith.index_cast %add3A_1305 : i32 to index
        %get3A_1307 = arith.constant 0 : index
        %get3A_1308 = tpu.vector_load %arg7[%get3A_1306, %get3A_1307] {strides = array<i32>} : memref<800x64xf32, #tpu.memory_space<vmem>>, vector<1x16xf32>,
        %get3A_1309 = vector.shape_cast %get3A_1308 : vector<1x16xf32> to vector<16xf32>
        %add3A_1310 = arith.addf %add3A_1246, %get3A_1309 : vector<16xf32>
        %add3A_1311 = arith.constant 32 : i32
        %add3A_1312 = arith.addi %mul3A_274, %add3A_1311 : i32
        %add3A_1313 = arith.constant 1 : i32
        %add3A_1314 = arith.addi %add3A_1312, %add3A_1313 : i32
        %get3A_1315 = arith.index_cast %add3A_1314 : i32 to index
        %get3A_1316 = arith.constant 16 : index
        %get3A_1317 = tpu.vector_load %arg7[%get3A_1315, %get3A_1316] {strides = array<i32>} : memref<800x64xf32, #tpu.memory_space<vmem>>, vector<1x16xf32>,
        %get3A_1318 = vector.shape_cast %get3A_1317 : vector<1x16xf32> to vector<16xf32>
        %add3A_1319 = arith.addf %add3A_1255, %get3A_1318 : vector<16xf32>
        %add3A_1320 = arith.constant 32 : i32
        %add3A_1321 = arith.addi %mul3A_274, %add3A_1320 : i32
        %add3A_1322 = arith.constant 1 : i32
        %add3A_1323 = arith.addi %add3A_1321, %add3A_1322 : i32
        %get3A_1324 = arith.index_cast %add3A_1323 : i32 to index
        %get3A_1325 = arith.constant 32 : index
        %get3A_1326 = tpu.vector_load %arg7[%get3A_1324, %get3A_1325] {strides = array<i32>} : memref<800x64xf32, #tpu.memory_space<vmem>>, vector<1x16xf32>,
        %get3A_1327 = vector.shape_cast %get3A_1326 : vector<1x16xf32> to vector<16xf32>
        %add3A_1328 = arith.addf %add3A_1264, %get3A_1327 : vector<16xf32>
        %add3A_1329 = arith.constant 32 : i32
        %add3A_1330 = arith.addi %mul3A_274, %add3A_1329 : i32
        %add3A_1331 = arith.constant 1 : i32
        %add3A_1332 = arith.addi %add3A_1330, %add3A_1331 : i32
        %get3A_1333 = arith.index_cast %add3A_1332 : i32 to index
        %get3A_1334 = arith.constant 48 : index
        %get3A_1335 = tpu.vector_load %arg7[%get3A_1333, %get3A_1334] {strides = array<i32>} : memref<800x64xf32, #tpu.memory_space<vmem>>, vector<1x16xf32>,
        %get3A_1336 = vector.shape_cast %get3A_1335 : vector<1x16xf32> to vector<16xf32>
        %add3A_1337 = arith.addf %add3A_1273, %get3A_1336 : vector<16xf32>
        %add3A_1338 = arith.constant 34 : i32
        %add3A_1339 = arith.addi %mul3A_274, %add3A_1338 : i32
        %get3A_1340 = arith.index_cast %add3A_1339 : i32 to index
        %get3A_1341 = arith.constant 0 : index
        %get3A_1342 = tpu.vector_load %arg7[%get3A_1340, %get3A_1341] {strides = array<i32>} : memref<800x64xf32, #tpu.memory_space<vmem>>, vector<1x16xf32>,
        %get3A_1343 = vector.shape_cast %get3A_1342 : vector<1x16xf32> to vector<16xf32>
        %add3A_1344 = arith.addf %add3A_1280, %get3A_1343 : vector<16xf32>
        %add3A_1345 = arith.constant 34 : i32
        %add3A_1346 = arith.addi %mul3A_274, %add3A_1345 : i32
        %get3A_1347 = arith.index_cast %add3A_1346 : i32 to index
        %get3A_1348 = arith.constant 16 : index
        %get3A_1349 = tpu.vector_load %arg7[%get3A_1347, %get3A_1348] {strides = array<i32>} : memref<800x64xf32, #tpu.memory_space<vmem>>, vector<1x16xf32>,
        %get3A_1350 = vector.shape_cast %get3A_1349 : vector<1x16xf32> to vector<16xf32>
        %add3A_1351 = arith.addf %add3A_1287, %get3A_1350 : vector<16xf32>
        %add3A_1352 = arith.constant 34 : i32
        %add3A_1353 = arith.addi %mul3A_274, %add3A_1352 : i32
        %get3A_1354 = arith.index_cast %add3A_1353 : i32 to index
        %get3A_1355 = arith.constant 32 : index
        %get3A_1356 = tpu.vector_load %arg7[%get3A_1354, %get3A_1355] {strides = array<i32>} : memref<800x64xf32, #tpu.memory_space<vmem>>, vector<1x16xf32>,
        %get3A_1357 = vector.shape_cast %get3A_1356 : vector<1x16xf32> to vector<16xf32>
        %add3A_1358 = arith.addf %add3A_1294, %get3A_1357 : vector<16xf32>
        %add3A_1359 = arith.constant 34 : i32
        %add3A_1360 = arith.addi %mul3A_274, %add3A_1359 : i32
        %get3A_1361 = arith.index_cast %add3A_1360 : i32 to index
        %get3A_1362 = arith.constant 48 : index
        %get3A_1363 = tpu.vector_load %arg7[%get3A_1361, %get3A_1362] {strides = array<i32>} : memref<800x64xf32, #tpu.memory_space<vmem>>, vector<1x16xf32>,
        %get3A_1364 = vector.shape_cast %get3A_1363 : vector<1x16xf32> to vector<16xf32>
        %add3A_1365 = arith.addf %add3A_1301, %get3A_1364 : vector<16xf32>
        %add3A_1366 = arith.constant 34 : i32
        %add3A_1367 = arith.addi %mul3A_274, %add3A_1366 : i32
        %add3A_1368 = arith.constant 1 : i32
        %add3A_1369 = arith.addi %add3A_1367, %add3A_1368 : i32
        %get3A_1370 = arith.index_cast %add3A_1369 : i32 to index
        %get3A_1371 = arith.constant 0 : index
        %get3A_1372 = tpu.vector_load %arg7[%get3A_1370, %get3A_1371] {strides = array<i32>} : memref<800x64xf32, #tpu.memory_space<vmem>>, vector<1x16xf32>,
        %get3A_1373 = vector.shape_cast %get3A_1372 : vector<1x16xf32> to vector<16xf32>
        %add3A_1374 = arith.addf %add3A_1310, %get3A_1373 : vector<16xf32>
        %add3A_1375 = arith.constant 34 : i32
        %add3A_1376 = arith.addi %mul3A_274, %add3A_1375 : i32
        %add3A_1377 = arith.constant 1 : i32
        %add3A_1378 = arith.addi %add3A_1376, %add3A_1377 : i32
        %get3A_1379 = arith.index_cast %add3A_1378 : i32 to index
        %get3A_1380 = arith.constant 16 : index
        %get3A_1381 = tpu.vector_load %arg7[%get3A_1379, %get3A_1380] {strides = array<i32>} : memref<800x64xf32, #tpu.memory_space<vmem>>, vector<1x16xf32>,
        %get3A_1382 = vector.shape_cast %get3A_1381 : vector<1x16xf32> to vector<16xf32>
        %add3A_1383 = arith.addf %add3A_1319, %get3A_1382 : vector<16xf32>
        %add3A_1384 = arith.constant 34 : i32
        %add3A_1385 = arith.addi %mul3A_274, %add3A_1384 : i32
        %add3A_1386 = arith.constant 1 : i32
        %add3A_1387 = arith.addi %add3A_1385, %add3A_1386 : i32
        %get3A_1388 = arith.index_cast %add3A_1387 : i32 to index
        %get3A_1389 = arith.constant 32 : index
        %get3A_1390 = tpu.vector_load %arg7[%get3A_1388, %get3A_1389] {strides = array<i32>} : memref<800x64xf32, #tpu.memory_space<vmem>>, vector<1x16xf32>,
        %get3A_1391 = vector.shape_cast %get3A_1390 : vector<1x16xf32> to vector<16xf32>
        %add3A_1392 = arith.addf %add3A_1328, %get3A_1391 : vector<16xf32>
        %add3A_1393 = arith.constant 34 : i32
        %add3A_1394 = arith.addi %mul3A_274, %add3A_1393 : i32
        %add3A_1395 = arith.constant 1 : i32
        %add3A_1396 = arith.addi %add3A_1394, %add3A_1395 : i32
        %get3A_1397 = arith.index_cast %add3A_1396 : i32 to index
        %get3A_1398 = arith.constant 48 : index
        %get3A_1399 = tpu.vector_load %arg7[%get3A_1397, %get3A_1398] {strides = array<i32>} : memref<800x64xf32, #tpu.memory_space<vmem>>, vector<1x16xf32>,
        %get3A_1400 = vector.shape_cast %get3A_1399 : vector<1x16xf32> to vector<16xf32>
        %add3A_1401 = arith.addf %add3A_1337, %get3A_1400 : vector<16xf32>
        %add3A_1402 = arith.constant 36 : i32
        %add3A_1403 = arith.addi %mul3A_274, %add3A_1402 : i32
        %get3A_1404 = arith.index_cast %add3A_1403 : i32 to index
        %get3A_1405 = arith.constant 0 : index
        %get3A_1406 = tpu.vector_load %arg7[%get3A_1404, %get3A_1405] {strides = array<i32>} : memref<800x64xf32, #tpu.memory_space<vmem>>, vector<1x16xf32>,
        %get3A_1407 = vector.shape_cast %get3A_1406 : vector<1x16xf32> to vector<16xf32>
        %add3A_1408 = arith.addf %add3A_1344, %get3A_1407 : vector<16xf32>
        %add3A_1409 = arith.constant 36 : i32
        %add3A_1410 = arith.addi %mul3A_274, %add3A_1409 : i32
        %get3A_1411 = arith.index_cast %add3A_1410 : i32 to index
        %get3A_1412 = arith.constant 16 : index
        %get3A_1413 = tpu.vector_load %arg7[%get3A_1411, %get3A_1412] {strides = array<i32>} : memref<800x64xf32, #tpu.memory_space<vmem>>, vector<1x16xf32>,
        %get3A_1414 = vector.shape_cast %get3A_1413 : vector<1x16xf32> to vector<16xf32>
        %add3A_1415 = arith.addf %add3A_1351, %get3A_1414 : vector<16xf32>
        %add3A_1416 = arith.constant 36 : i32
        %add3A_1417 = arith.addi %mul3A_274, %add3A_1416 : i32
        %get3A_1418 = arith.index_cast %add3A_1417 : i32 to index
        %get3A_1419 = arith.constant 32 : index
        %get3A_1420 = tpu.vector_load %arg7[%get3A_1418, %get3A_1419] {strides = array<i32>} : memref<800x64xf32, #tpu.memory_space<vmem>>, vector<1x16xf32>,
        %get3A_1421 = vector.shape_cast %get3A_1420 : vector<1x16xf32> to vector<16xf32>
        %add3A_1422 = arith.addf %add3A_1358, %get3A_1421 : vector<16xf32>
        %add3A_1423 = arith.constant 36 : i32
        %add3A_1424 = arith.addi %mul3A_274, %add3A_1423 : i32
        %get3A_1425 = arith.index_cast %add3A_1424 : i32 to index
        %get3A_1426 = arith.constant 48 : index
        %get3A_1427 = tpu.vector_load %arg7[%get3A_1425, %get3A_1426] {strides = array<i32>} : memref<800x64xf32, #tpu.memory_space<vmem>>, vector<1x16xf32>,
        %get3A_1428 = vector.shape_cast %get3A_1427 : vector<1x16xf32> to vector<16xf32>
        %add3A_1429 = arith.addf %add3A_1365, %get3A_1428 : vector<16xf32>
        %add3A_1430 = arith.constant 36 : i32
        %add3A_1431 = arith.addi %mul3A_274, %add3A_1430 : i32
        %add3A_1432 = arith.constant 1 : i32
        %add3A_1433 = arith.addi %add3A_1431, %add3A_1432 : i32
        %get3A_1434 = arith.index_cast %add3A_1433 : i32 to index
        %get3A_1435 = arith.constant 0 : index
        %get3A_1436 = tpu.vector_load %arg7[%get3A_1434, %get3A_1435] {strides = array<i32>} : memref<800x64xf32, #tpu.memory_space<vmem>>, vector<1x16xf32>,
        %get3A_1437 = vector.shape_cast %get3A_1436 : vector<1x16xf32> to vector<16xf32>
        %add3A_1438 = arith.addf %add3A_1374, %get3A_1437 : vector<16xf32>
        %add3A_1439 = arith.constant 36 : i32
        %add3A_1440 = arith.addi %mul3A_274, %add3A_1439 : i32
        %add3A_1441 = arith.constant 1 : i32
        %add3A_1442 = arith.addi %add3A_1440, %add3A_1441 : i32
        %get3A_1443 = arith.index_cast %add3A_1442 : i32 to index
        %get3A_1444 = arith.constant 16 : index
        %get3A_1445 = tpu.vector_load %arg7[%get3A_1443, %get3A_1444] {strides = array<i32>} : memref<800x64xf32, #tpu.memory_space<vmem>>, vector<1x16xf32>,
        %get3A_1446 = vector.shape_cast %get3A_1445 : vector<1x16xf32> to vector<16xf32>
        %add3A_1447 = arith.addf %add3A_1383, %get3A_1446 : vector<16xf32>
        %add3A_1448 = arith.constant 36 : i32
        %add3A_1449 = arith.addi %mul3A_274, %add3A_1448 : i32
        %add3A_1450 = arith.constant 1 : i32
        %add3A_1451 = arith.addi %add3A_1449, %add3A_1450 : i32
        %get3A_1452 = arith.index_cast %add3A_1451 : i32 to index
        %get3A_1453 = arith.constant 32 : index
        %get3A_1454 = tpu.vector_load %arg7[%get3A_1452, %get3A_1453] {strides = array<i32>} : memref<800x64xf32, #tpu.memory_space<vmem>>, vector<1x16xf32>,
        %get3A_1455 = vector.shape_cast %get3A_1454 : vector<1x16xf32> to vector<16xf32>
        %add3A_1456 = arith.addf %add3A_1392, %get3A_1455 : vector<16xf32>
        %add3A_1457 = arith.constant 36 : i32
        %add3A_1458 = arith.addi %mul3A_274, %add3A_1457 : i32
        %add3A_1459 = arith.constant 1 : i32
        %add3A_1460 = arith.addi %add3A_1458, %add3A_1459 : i32
        %get3A_1461 = arith.index_cast %add3A_1460 : i32 to index
        %get3A_1462 = arith.constant 48 : index
        %get3A_1463 = tpu.vector_load %arg7[%get3A_1461, %get3A_1462] {strides = array<i32>} : memref<800x64xf32, #tpu.memory_space<vmem>>, vector<1x16xf32>,
        %get3A_1464 = vector.shape_cast %get3A_1463 : vector<1x16xf32> to vector<16xf32>
        %add3A_1465 = arith.addf %add3A_1401, %get3A_1464 : vector<16xf32>
        %add3A_1466 = arith.constant 38 : i32
        %add3A_1467 = arith.addi %mul3A_274, %add3A_1466 : i32
        %get3A_1468 = arith.index_cast %add3A_1467 : i32 to index
        %get3A_1469 = arith.constant 0 : index
        %get3A_1470 = tpu.vector_load %arg7[%get3A_1468, %get3A_1469] {strides = array<i32>} : memref<800x64xf32, #tpu.memory_space<vmem>>, vector<1x16xf32>,
        %get3A_1471 = vector.shape_cast %get3A_1470 : vector<1x16xf32> to vector<16xf32>
        %add3A_1472 = arith.addf %add3A_1408, %get3A_1471 : vector<16xf32>
        %add3A_1473 = arith.constant 38 : i32
        %add3A_1474 = arith.addi %mul3A_274, %add3A_1473 : i32
        %get3A_1475 = arith.index_cast %add3A_1474 : i32 to index
        %get3A_1476 = arith.constant 16 : index
        %get3A_1477 = tpu.vector_load %arg7[%get3A_1475, %get3A_1476] {strides = array<i32>} : memref<800x64xf32, #tpu.memory_space<vmem>>, vector<1x16xf32>,
        %get3A_1478 = vector.shape_cast %get3A_1477 : vector<1x16xf32> to vector<16xf32>
        %add3A_1479 = arith.addf %add3A_1415, %get3A_1478 : vector<16xf32>
        %add3A_1480 = arith.constant 38 : i32
        %add3A_1481 = arith.addi %mul3A_274, %add3A_1480 : i32
        %get3A_1482 = arith.index_cast %add3A_1481 : i32 to index
        %get3A_1483 = arith.constant 32 : index
        %get3A_1484 = tpu.vector_load %arg7[%get3A_1482, %get3A_1483] {strides = array<i32>} : memref<800x64xf32, #tpu.memory_space<vmem>>, vector<1x16xf32>,
        %get3A_1485 = vector.shape_cast %get3A_1484 : vector<1x16xf32> to vector<16xf32>
        %add3A_1486 = arith.addf %add3A_1422, %get3A_1485 : vector<16xf32>
        %add3A_1487 = arith.constant 38 : i32
        %add3A_1488 = arith.addi %mul3A_274, %add3A_1487 : i32
        %get3A_1489 = arith.index_cast %add3A_1488 : i32 to index
        %get3A_1490 = arith.constant 48 : index
        %get3A_1491 = tpu.vector_load %arg7[%get3A_1489, %get3A_1490] {strides = array<i32>} : memref<800x64xf32, #tpu.memory_space<vmem>>, vector<1x16xf32>,
        %get3A_1492 = vector.shape_cast %get3A_1491 : vector<1x16xf32> to vector<16xf32>
        %add3A_1493 = arith.addf %add3A_1429, %get3A_1492 : vector<16xf32>
        %add3A_1494 = arith.constant 38 : i32
        %add3A_1495 = arith.addi %mul3A_274, %add3A_1494 : i32
        %add3A_1496 = arith.constant 1 : i32
        %add3A_1497 = arith.addi %add3A_1495, %add3A_1496 : i32
        %get3A_1498 = arith.index_cast %add3A_1497 : i32 to index
        %get3A_1499 = arith.constant 0 : index
        %get3A_1500 = tpu.vector_load %arg7[%get3A_1498, %get3A_1499] {strides = array<i32>} : memref<800x64xf32, #tpu.memory_space<vmem>>, vector<1x16xf32>,
        %get3A_1501 = vector.shape_cast %get3A_1500 : vector<1x16xf32> to vector<16xf32>
        %add3A_1502 = arith.addf %add3A_1438, %get3A_1501 : vector<16xf32>
        %add3A_1503 = arith.constant 38 : i32
        %add3A_1504 = arith.addi %mul3A_274, %add3A_1503 : i32
        %add3A_1505 = arith.constant 1 : i32
        %add3A_1506 = arith.addi %add3A_1504, %add3A_1505 : i32
        %get3A_1507 = arith.index_cast %add3A_1506 : i32 to index
        %get3A_1508 = arith.constant 16 : index
        %get3A_1509 = tpu.vector_load %arg7[%get3A_1507, %get3A_1508] {strides = array<i32>} : memref<800x64xf32, #tpu.memory_space<vmem>>, vector<1x16xf32>,
        %get3A_1510 = vector.shape_cast %get3A_1509 : vector<1x16xf32> to vector<16xf32>
        %add3A_1511 = arith.addf %add3A_1447, %get3A_1510 : vector<16xf32>
        %add3A_1512 = arith.constant 38 : i32
        %add3A_1513 = arith.addi %mul3A_274, %add3A_1512 : i32
        %add3A_1514 = arith.constant 1 : i32
        %add3A_1515 = arith.addi %add3A_1513, %add3A_1514 : i32
        %get3A_1516 = arith.index_cast %add3A_1515 : i32 to index
        %get3A_1517 = arith.constant 32 : index
        %get3A_1518 = tpu.vector_load %arg7[%get3A_1516, %get3A_1517] {strides = array<i32>} : memref<800x64xf32, #tpu.memory_space<vmem>>, vector<1x16xf32>,
        %get3A_1519 = vector.shape_cast %get3A_1518 : vector<1x16xf32> to vector<16xf32>
        %add3A_1520 = arith.addf %add3A_1456, %get3A_1519 : vector<16xf32>
        %add3A_1521 = arith.constant 38 : i32
        %add3A_1522 = arith.addi %mul3A_274, %add3A_1521 : i32
        %add3A_1523 = arith.constant 1 : i32
        %add3A_1524 = arith.addi %add3A_1522, %add3A_1523 : i32
        %get3A_1525 = arith.index_cast %add3A_1524 : i32 to index
        %get3A_1526 = arith.constant 48 : index
        %get3A_1527 = tpu.vector_load %arg7[%get3A_1525, %get3A_1526] {strides = array<i32>} : memref<800x64xf32, #tpu.memory_space<vmem>>, vector<1x16xf32>,
        %get3A_1528 = vector.shape_cast %get3A_1527 : vector<1x16xf32> to vector<16xf32>
        %add3A_1529 = arith.addf %add3A_1465, %get3A_1528 : vector<16xf32>
        %add3A_1530 = arith.constant 40 : i32
        %add3A_1531 = arith.addi %mul3A_274, %add3A_1530 : i32
        %get3A_1532 = arith.index_cast %add3A_1531 : i32 to index
        %get3A_1533 = arith.constant 0 : index
        %get3A_1534 = tpu.vector_load %arg7[%get3A_1532, %get3A_1533] {strides = array<i32>} : memref<800x64xf32, #tpu.memory_space<vmem>>, vector<1x16xf32>,
        %get3A_1535 = vector.shape_cast %get3A_1534 : vector<1x16xf32> to vector<16xf32>
        %add3A_1536 = arith.addf %add3A_1472, %get3A_1535 : vector<16xf32>
        %add3A_1537 = arith.constant 40 : i32
        %add3A_1538 = arith.addi %mul3A_274, %add3A_1537 : i32
        %get3A_1539 = arith.index_cast %add3A_1538 : i32 to index
        %get3A_1540 = arith.constant 16 : index
        %get3A_1541 = tpu.vector_load %arg7[%get3A_1539, %get3A_1540] {strides = array<i32>} : memref<800x64xf32, #tpu.memory_space<vmem>>, vector<1x16xf32>,
        %get3A_1542 = vector.shape_cast %get3A_1541 : vector<1x16xf32> to vector<16xf32>
        %add3A_1543 = arith.addf %add3A_1479, %get3A_1542 : vector<16xf32>
        %add3A_1544 = arith.constant 40 : i32
        %add3A_1545 = arith.addi %mul3A_274, %add3A_1544 : i32
        %get3A_1546 = arith.index_cast %add3A_1545 : i32 to index
        %get3A_1547 = arith.constant 32 : index
        %get3A_1548 = tpu.vector_load %arg7[%get3A_1546, %get3A_1547] {strides = array<i32>} : memref<800x64xf32, #tpu.memory_space<vmem>>, vector<1x16xf32>,
        %get3A_1549 = vector.shape_cast %get3A_1548 : vector<1x16xf32> to vector<16xf32>
        %add3A_1550 = arith.addf %add3A_1486, %get3A_1549 : vector<16xf32>
        %add3A_1551 = arith.constant 40 : i32
        %add3A_1552 = arith.addi %mul3A_274, %add3A_1551 : i32
        %get3A_1553 = arith.index_cast %add3A_1552 : i32 to index
        %get3A_1554 = arith.constant 48 : index
        %get3A_1555 = tpu.vector_load %arg7[%get3A_1553, %get3A_1554] {strides = array<i32>} : memref<800x64xf32, #tpu.memory_space<vmem>>, vector<1x16xf32>,
        %get3A_1556 = vector.shape_cast %get3A_1555 : vector<1x16xf32> to vector<16xf32>
        %add3A_1557 = arith.addf %add3A_1493, %get3A_1556 : vector<16xf32>
        %add3A_1558 = arith.constant 40 : i32
        %add3A_1559 = arith.addi %mul3A_274, %add3A_1558 : i32
        %add3A_1560 = arith.constant 1 : i32
        %add3A_1561 = arith.addi %add3A_1559, %add3A_1560 : i32
        %get3A_1562 = arith.index_cast %add3A_1561 : i32 to index
        %get3A_1563 = arith.constant 0 : index
        %get3A_1564 = tpu.vector_load %arg7[%get3A_1562, %get3A_1563] {strides = array<i32>} : memref<800x64xf32, #tpu.memory_space<vmem>>, vector<1x16xf32>,
        %get3A_1565 = vector.shape_cast %get3A_1564 : vector<1x16xf32> to vector<16xf32>
        %add3A_1566 = arith.addf %add3A_1502, %get3A_1565 : vector<16xf32>
        %add3A_1567 = arith.constant 40 : i32
        %add3A_1568 = arith.addi %mul3A_274, %add3A_1567 : i32
        %add3A_1569 = arith.constant 1 : i32
        %add3A_1570 = arith.addi %add3A_1568, %add3A_1569 : i32
        %get3A_1571 = arith.index_cast %add3A_1570 : i32 to index
        %get3A_1572 = arith.constant 16 : index
        %get3A_1573 = tpu.vector_load %arg7[%get3A_1571, %get3A_1572] {strides = array<i32>} : memref<800x64xf32, #tpu.memory_space<vmem>>, vector<1x16xf32>,
        %get3A_1574 = vector.shape_cast %get3A_1573 : vector<1x16xf32> to vector<16xf32>
        %add3A_1575 = arith.addf %add3A_1511, %get3A_1574 : vector<16xf32>
        %add3A_1576 = arith.constant 40 : i32
        %add3A_1577 = arith.addi %mul3A_274, %add3A_1576 : i32
        %add3A_1578 = arith.constant 1 : i32
        %add3A_1579 = arith.addi %add3A_1577, %add3A_1578 : i32
        %get3A_1580 = arith.index_cast %add3A_1579 : i32 to index
        %get3A_1581 = arith.constant 32 : index
        %get3A_1582 = tpu.vector_load %arg7[%get3A_1580, %get3A_1581] {strides = array<i32>} : memref<800x64xf32, #tpu.memory_space<vmem>>, vector<1x16xf32>,
        %get3A_1583 = vector.shape_cast %get3A_1582 : vector<1x16xf32> to vector<16xf32>
        %add3A_1584 = arith.addf %add3A_1520, %get3A_1583 : vector<16xf32>
        %add3A_1585 = arith.constant 40 : i32
        %add3A_1586 = arith.addi %mul3A_274, %add3A_1585 : i32
        %add3A_1587 = arith.constant 1 : i32
        %add3A_1588 = arith.addi %add3A_1586, %add3A_1587 : i32
        %get3A_1589 = arith.index_cast %add3A_1588 : i32 to index
        %get3A_1590 = arith.constant 48 : index
        %get3A_1591 = tpu.vector_load %arg7[%get3A_1589, %get3A_1590] {strides = array<i32>} : memref<800x64xf32, #tpu.memory_space<vmem>>, vector<1x16xf32>,
        %get3A_1592 = vector.shape_cast %get3A_1591 : vector<1x16xf32> to vector<16xf32>
        %add3A_1593 = arith.addf %add3A_1529, %get3A_1592 : vector<16xf32>
        %add3A_1594 = arith.constant 42 : i32
        %add3A_1595 = arith.addi %mul3A_274, %add3A_1594 : i32
        %get3A_1596 = arith.index_cast %add3A_1595 : i32 to index
        %get3A_1597 = arith.constant 0 : index
        %get3A_1598 = tpu.vector_load %arg7[%get3A_1596, %get3A_1597] {strides = array<i32>} : memref<800x64xf32, #tpu.memory_space<vmem>>, vector<1x16xf32>,
        %get3A_1599 = vector.shape_cast %get3A_1598 : vector<1x16xf32> to vector<16xf32>
        %add3A_1600 = arith.addf %add3A_1536, %get3A_1599 : vector<16xf32>
        %add3A_1601 = arith.constant 42 : i32
        %add3A_1602 = arith.addi %mul3A_274, %add3A_1601 : i32
        %get3A_1603 = arith.index_cast %add3A_1602 : i32 to index
        %get3A_1604 = arith.constant 16 : index
        %get3A_1605 = tpu.vector_load %arg7[%get3A_1603, %get3A_1604] {strides = array<i32>} : memref<800x64xf32, #tpu.memory_space<vmem>>, vector<1x16xf32>,
        %get3A_1606 = vector.shape_cast %get3A_1605 : vector<1x16xf32> to vector<16xf32>
        %add3A_1607 = arith.addf %add3A_1543, %get3A_1606 : vector<16xf32>
        %add3A_1608 = arith.constant 42 : i32
        %add3A_1609 = arith.addi %mul3A_274, %add3A_1608 : i32
        %get3A_1610 = arith.index_cast %add3A_1609 : i32 to index
        %get3A_1611 = arith.constant 32 : index
        %get3A_1612 = tpu.vector_load %arg7[%get3A_1610, %get3A_1611] {strides = array<i32>} : memref<800x64xf32, #tpu.memory_space<vmem>>, vector<1x16xf32>,
        %get3A_1613 = vector.shape_cast %get3A_1612 : vector<1x16xf32> to vector<16xf32>
        %add3A_1614 = arith.addf %add3A_1550, %get3A_1613 : vector<16xf32>
        %add3A_1615 = arith.constant 42 : i32
        %add3A_1616 = arith.addi %mul3A_274, %add3A_1615 : i32
        %get3A_1617 = arith.index_cast %add3A_1616 : i32 to index
        %get3A_1618 = arith.constant 48 : index
        %get3A_1619 = tpu.vector_load %arg7[%get3A_1617, %get3A_1618] {strides = array<i32>} : memref<800x64xf32, #tpu.memory_space<vmem>>, vector<1x16xf32>,
        %get3A_1620 = vector.shape_cast %get3A_1619 : vector<1x16xf32> to vector<16xf32>
        %add3A_1621 = arith.addf %add3A_1557, %get3A_1620 : vector<16xf32>
        %add3A_1622 = arith.constant 42 : i32
        %add3A_1623 = arith.addi %mul3A_274, %add3A_1622 : i32
        %add3A_1624 = arith.constant 1 : i32
        %add3A_1625 = arith.addi %add3A_1623, %add3A_1624 : i32
        %get3A_1626 = arith.index_cast %add3A_1625 : i32 to index
        %get3A_1627 = arith.constant 0 : index
        %get3A_1628 = tpu.vector_load %arg7[%get3A_1626, %get3A_1627] {strides = array<i32>} : memref<800x64xf32, #tpu.memory_space<vmem>>, vector<1x16xf32>,
        %get3A_1629 = vector.shape_cast %get3A_1628 : vector<1x16xf32> to vector<16xf32>
        %add3A_1630 = arith.addf %add3A_1566, %get3A_1629 : vector<16xf32>
        %add3A_1631 = arith.constant 42 : i32
        %add3A_1632 = arith.addi %mul3A_274, %add3A_1631 : i32
        %add3A_1633 = arith.constant 1 : i32
        %add3A_1634 = arith.addi %add3A_1632, %add3A_1633 : i32
        %get3A_1635 = arith.index_cast %add3A_1634 : i32 to index
        %get3A_1636 = arith.constant 16 : index
        %get3A_1637 = tpu.vector_load %arg7[%get3A_1635, %get3A_1636] {strides = array<i32>} : memref<800x64xf32, #tpu.memory_space<vmem>>, vector<1x16xf32>,
        %get3A_1638 = vector.shape_cast %get3A_1637 : vector<1x16xf32> to vector<16xf32>
        %add3A_1639 = arith.addf %add3A_1575, %get3A_1638 : vector<16xf32>
        %add3A_1640 = arith.constant 42 : i32
        %add3A_1641 = arith.addi %mul3A_274, %add3A_1640 : i32
        %add3A_1642 = arith.constant 1 : i32
        %add3A_1643 = arith.addi %add3A_1641, %add3A_1642 : i32
        %get3A_1644 = arith.index_cast %add3A_1643 : i32 to index
        %get3A_1645 = arith.constant 32 : index
        %get3A_1646 = tpu.vector_load %arg7[%get3A_1644, %get3A_1645] {strides = array<i32>} : memref<800x64xf32, #tpu.memory_space<vmem>>, vector<1x16xf32>,
        %get3A_1647 = vector.shape_cast %get3A_1646 : vector<1x16xf32> to vector<16xf32>
        %add3A_1648 = arith.addf %add3A_1584, %get3A_1647 : vector<16xf32>
        %add3A_1649 = arith.constant 42 : i32
        %add3A_1650 = arith.addi %mul3A_274, %add3A_1649 : i32
        %add3A_1651 = arith.constant 1 : i32
        %add3A_1652 = arith.addi %add3A_1650, %add3A_1651 : i32
        %get3A_1653 = arith.index_cast %add3A_1652 : i32 to index
        %get3A_1654 = arith.constant 48 : index
        %get3A_1655 = tpu.vector_load %arg7[%get3A_1653, %get3A_1654] {strides = array<i32>} : memref<800x64xf32, #tpu.memory_space<vmem>>, vector<1x16xf32>,
        %get3A_1656 = vector.shape_cast %get3A_1655 : vector<1x16xf32> to vector<16xf32>
        %add3A_1657 = arith.addf %add3A_1593, %get3A_1656 : vector<16xf32>
        %add3A_1658 = arith.constant 44 : i32
        %add3A_1659 = arith.addi %mul3A_274, %add3A_1658 : i32
        %get3A_1660 = arith.index_cast %add3A_1659 : i32 to index
        %get3A_1661 = arith.constant 0 : index
        %get3A_1662 = tpu.vector_load %arg7[%get3A_1660, %get3A_1661] {strides = array<i32>} : memref<800x64xf32, #tpu.memory_space<vmem>>, vector<1x16xf32>,
        %get3A_1663 = vector.shape_cast %get3A_1662 : vector<1x16xf32> to vector<16xf32>
        %add3A_1664 = arith.addf %add3A_1600, %get3A_1663 : vector<16xf32>
        %add3A_1665 = arith.constant 44 : i32
        %add3A_1666 = arith.addi %mul3A_274, %add3A_1665 : i32
        %get3A_1667 = arith.index_cast %add3A_1666 : i32 to index
        %get3A_1668 = arith.constant 16 : index
        %get3A_1669 = tpu.vector_load %arg7[%get3A_1667, %get3A_1668] {strides = array<i32>} : memref<800x64xf32, #tpu.memory_space<vmem>>, vector<1x16xf32>,
        %get3A_1670 = vector.shape_cast %get3A_1669 : vector<1x16xf32> to vector<16xf32>
        %add3A_1671 = arith.addf %add3A_1607, %get3A_1670 : vector<16xf32>
        %add3A_1672 = arith.constant 44 : i32
        %add3A_1673 = arith.addi %mul3A_274, %add3A_1672 : i32
        %get3A_1674 = arith.index_cast %add3A_1673 : i32 to index
        %get3A_1675 = arith.constant 32 : index
        %get3A_1676 = tpu.vector_load %arg7[%get3A_1674, %get3A_1675] {strides = array<i32>} : memref<800x64xf32, #tpu.memory_space<vmem>>, vector<1x16xf32>,
        %get3A_1677 = vector.shape_cast %get3A_1676 : vector<1x16xf32> to vector<16xf32>
        %add3A_1678 = arith.addf %add3A_1614, %get3A_1677 : vector<16xf32>
        %add3A_1679 = arith.constant 44 : i32
        %add3A_1680 = arith.addi %mul3A_274, %add3A_1679 : i32
        %get3A_1681 = arith.index_cast %add3A_1680 : i32 to index
        %get3A_1682 = arith.constant 48 : index
        %get3A_1683 = tpu.vector_load %arg7[%get3A_1681, %get3A_1682] {strides = array<i32>} : memref<800x64xf32, #tpu.memory_space<vmem>>, vector<1x16xf32>,
        %get3A_1684 = vector.shape_cast %get3A_1683 : vector<1x16xf32> to vector<16xf32>
        %add3A_1685 = arith.addf %add3A_1621, %get3A_1684 : vector<16xf32>
        %add3A_1686 = arith.constant 44 : i32
        %add3A_1687 = arith.addi %mul3A_274, %add3A_1686 : i32
        %add3A_1688 = arith.constant 1 : i32
        %add3A_1689 = arith.addi %add3A_1687, %add3A_1688 : i32
        %get3A_1690 = arith.index_cast %add3A_1689 : i32 to index
        %get3A_1691 = arith.constant 0 : index
        %get3A_1692 = tpu.vector_load %arg7[%get3A_1690, %get3A_1691] {strides = array<i32>} : memref<800x64xf32, #tpu.memory_space<vmem>>, vector<1x16xf32>,
        %get3A_1693 = vector.shape_cast %get3A_1692 : vector<1x16xf32> to vector<16xf32>
        %add3A_1694 = arith.addf %add3A_1630, %get3A_1693 : vector<16xf32>
        %add3A_1695 = arith.constant 44 : i32
        %add3A_1696 = arith.addi %mul3A_274, %add3A_1695 : i32
        %add3A_1697 = arith.constant 1 : i32
        %add3A_1698 = arith.addi %add3A_1696, %add3A_1697 : i32
        %get3A_1699 = arith.index_cast %add3A_1698 : i32 to index
        %get3A_1700 = arith.constant 16 : index
        %get3A_1701 = tpu.vector_load %arg7[%get3A_1699, %get3A_1700] {strides = array<i32>} : memref<800x64xf32, #tpu.memory_space<vmem>>, vector<1x16xf32>,
        %get3A_1702 = vector.shape_cast %get3A_1701 : vector<1x16xf32> to vector<16xf32>
        %add3A_1703 = arith.addf %add3A_1639, %get3A_1702 : vector<16xf32>
        %add3A_1704 = arith.constant 44 : i32
        %add3A_1705 = arith.addi %mul3A_274, %add3A_1704 : i32
        %add3A_1706 = arith.constant 1 : i32
        %add3A_1707 = arith.addi %add3A_1705, %add3A_1706 : i32
        %get3A_1708 = arith.index_cast %add3A_1707 : i32 to index
        %get3A_1709 = arith.constant 32 : index
        %get3A_1710 = tpu.vector_load %arg7[%get3A_1708, %get3A_1709] {strides = array<i32>} : memref<800x64xf32, #tpu.memory_space<vmem>>, vector<1x16xf32>,
        %get3A_1711 = vector.shape_cast %get3A_1710 : vector<1x16xf32> to vector<16xf32>
        %add3A_1712 = arith.addf %add3A_1648, %get3A_1711 : vector<16xf32>
        %add3A_1713 = arith.constant 44 : i32
        %add3A_1714 = arith.addi %mul3A_274, %add3A_1713 : i32
        %add3A_1715 = arith.constant 1 : i32
        %add3A_1716 = arith.addi %add3A_1714, %add3A_1715 : i32
        %get3A_1717 = arith.index_cast %add3A_1716 : i32 to index
        %get3A_1718 = arith.constant 48 : index
        %get3A_1719 = tpu.vector_load %arg7[%get3A_1717, %get3A_1718] {strides = array<i32>} : memref<800x64xf32, #tpu.memory_space<vmem>>, vector<1x16xf32>,
        %get3A_1720 = vector.shape_cast %get3A_1719 : vector<1x16xf32> to vector<16xf32>
        %add3A_1721 = arith.addf %add3A_1657, %get3A_1720 : vector<16xf32>
        %add3A_1722 = arith.constant 46 : i32
        %add3A_1723 = arith.addi %mul3A_274, %add3A_1722 : i32
        %get3A_1724 = arith.index_cast %add3A_1723 : i32 to index
        %get3A_1725 = arith.constant 0 : index
        %get3A_1726 = tpu.vector_load %arg7[%get3A_1724, %get3A_1725] {strides = array<i32>} : memref<800x64xf32, #tpu.memory_space<vmem>>, vector<1x16xf32>,
        %get3A_1727 = vector.shape_cast %get3A_1726 : vector<1x16xf32> to vector<16xf32>
        %add3A_1728 = arith.addf %add3A_1664, %get3A_1727 : vector<16xf32>
        %add3A_1729 = arith.constant 46 : i32
        %add3A_1730 = arith.addi %mul3A_274, %add3A_1729 : i32
        %get3A_1731 = arith.index_cast %add3A_1730 : i32 to index
        %get3A_1732 = arith.constant 16 : index
        %get3A_1733 = tpu.vector_load %arg7[%get3A_1731, %get3A_1732] {strides = array<i32>} : memref<800x64xf32, #tpu.memory_space<vmem>>, vector<1x16xf32>,
        %get3A_1734 = vector.shape_cast %get3A_1733 : vector<1x16xf32> to vector<16xf32>
        %add3A_1735 = arith.addf %add3A_1671, %get3A_1734 : vector<16xf32>
        %add3A_1736 = arith.constant 46 : i32
        %add3A_1737 = arith.addi %mul3A_274, %add3A_1736 : i32
        %get3A_1738 = arith.index_cast %add3A_1737 : i32 to index
        %get3A_1739 = arith.constant 32 : index
        %get3A_1740 = tpu.vector_load %arg7[%get3A_1738, %get3A_1739] {strides = array<i32>} : memref<800x64xf32, #tpu.memory_space<vmem>>, vector<1x16xf32>,
        %get3A_1741 = vector.shape_cast %get3A_1740 : vector<1x16xf32> to vector<16xf32>
        %add3A_1742 = arith.addf %add3A_1678, %get3A_1741 : vector<16xf32>
        %add3A_1743 = arith.constant 46 : i32
        %add3A_1744 = arith.addi %mul3A_274, %add3A_1743 : i32
        %get3A_1745 = arith.index_cast %add3A_1744 : i32 to index
        %get3A_1746 = arith.constant 48 : index
        %get3A_1747 = tpu.vector_load %arg7[%get3A_1745, %get3A_1746] {strides = array<i32>} : memref<800x64xf32, #tpu.memory_space<vmem>>, vector<1x16xf32>,
        %get3A_1748 = vector.shape_cast %get3A_1747 : vector<1x16xf32> to vector<16xf32>
        %add3A_1749 = arith.addf %add3A_1685, %get3A_1748 : vector<16xf32>
        %add3A_1750 = arith.constant 46 : i32
        %add3A_1751 = arith.addi %mul3A_274, %add3A_1750 : i32
        %add3A_1752 = arith.constant 1 : i32
        %add3A_1753 = arith.addi %add3A_1751, %add3A_1752 : i32
        %get3A_1754 = arith.index_cast %add3A_1753 : i32 to index
        %get3A_1755 = arith.constant 0 : index
        %get3A_1756 = tpu.vector_load %arg7[%get3A_1754, %get3A_1755] {strides = array<i32>} : memref<800x64xf32, #tpu.memory_space<vmem>>, vector<1x16xf32>,
        %get3A_1757 = vector.shape_cast %get3A_1756 : vector<1x16xf32> to vector<16xf32>
        %add3A_1758 = arith.addf %add3A_1694, %get3A_1757 : vector<16xf32>
        %add3A_1759 = arith.constant 46 : i32
        %add3A_1760 = arith.addi %mul3A_274, %add3A_1759 : i32
        %add3A_1761 = arith.constant 1 : i32
        %add3A_1762 = arith.addi %add3A_1760, %add3A_1761 : i32
        %get3A_1763 = arith.index_cast %add3A_1762 : i32 to index
        %get3A_1764 = arith.constant 16 : index
        %get3A_1765 = tpu.vector_load %arg7[%get3A_1763, %get3A_1764] {strides = array<i32>} : memref<800x64xf32, #tpu.memory_space<vmem>>, vector<1x16xf32>,
        %get3A_1766 = vector.shape_cast %get3A_1765 : vector<1x16xf32> to vector<16xf32>
        %add3A_1767 = arith.addf %add3A_1703, %get3A_1766 : vector<16xf32>
        %add3A_1768 = arith.constant 46 : i32
        %add3A_1769 = arith.addi %mul3A_274, %add3A_1768 : i32
        %add3A_1770 = arith.constant 1 : i32
        %add3A_1771 = arith.addi %add3A_1769, %add3A_1770 : i32
        %get3A_1772 = arith.index_cast %add3A_1771 : i32 to index
        %get3A_1773 = arith.constant 32 : index
        %get3A_1774 = tpu.vector_load %arg7[%get3A_1772, %get3A_1773] {strides = array<i32>} : memref<800x64xf32, #tpu.memory_space<vmem>>, vector<1x16xf32>,
        %get3A_1775 = vector.shape_cast %get3A_1774 : vector<1x16xf32> to vector<16xf32>
        %add3A_1776 = arith.addf %add3A_1712, %get3A_1775 : vector<16xf32>
        %add3A_1777 = arith.constant 46 : i32
        %add3A_1778 = arith.addi %mul3A_274, %add3A_1777 : i32
        %add3A_1779 = arith.constant 1 : i32
        %add3A_1780 = arith.addi %add3A_1778, %add3A_1779 : i32
        %get3A_1781 = arith.index_cast %add3A_1780 : i32 to index
        %get3A_1782 = arith.constant 48 : index
        %get3A_1783 = tpu.vector_load %arg7[%get3A_1781, %get3A_1782] {strides = array<i32>} : memref<800x64xf32, #tpu.memory_space<vmem>>, vector<1x16xf32>,
        %get3A_1784 = vector.shape_cast %get3A_1783 : vector<1x16xf32> to vector<16xf32>
        %add3A_1785 = arith.addf %add3A_1721, %get3A_1784 : vector<16xf32>
        %add3A_1786 = arith.constant 48 : i32
        %add3A_1787 = arith.addi %mul3A_274, %add3A_1786 : i32
        %get3A_1788 = arith.index_cast %add3A_1787 : i32 to index
        %get3A_1789 = arith.constant 0 : index
        %get3A_1790 = tpu.vector_load %arg7[%get3A_1788, %get3A_1789] {strides = array<i32>} : memref<800x64xf32, #tpu.memory_space<vmem>>, vector<1x16xf32>,
        %get3A_1791 = vector.shape_cast %get3A_1790 : vector<1x16xf32> to vector<16xf32>
        %add3A_1792 = arith.addf %add3A_1728, %get3A_1791 : vector<16xf32>
        %add3A_1793 = arith.constant 48 : i32
        %add3A_1794 = arith.addi %mul3A_274, %add3A_1793 : i32
        %get3A_1795 = arith.index_cast %add3A_1794 : i32 to index
        %get3A_1796 = arith.constant 16 : index
        %get3A_1797 = tpu.vector_load %arg7[%get3A_1795, %get3A_1796] {strides = array<i32>} : memref<800x64xf32, #tpu.memory_space<vmem>>, vector<1x16xf32>,
        %get3A_1798 = vector.shape_cast %get3A_1797 : vector<1x16xf32> to vector<16xf32>
        %add3A_1799 = arith.addf %add3A_1735, %get3A_1798 : vector<16xf32>
        %add3A_1800 = arith.constant 48 : i32
        %add3A_1801 = arith.addi %mul3A_274, %add3A_1800 : i32
        %get3A_1802 = arith.index_cast %add3A_1801 : i32 to index
        %get3A_1803 = arith.constant 32 : index
        %get3A_1804 = tpu.vector_load %arg7[%get3A_1802, %get3A_1803] {strides = array<i32>} : memref<800x64xf32, #tpu.memory_space<vmem>>, vector<1x16xf32>,
        %get3A_1805 = vector.shape_cast %get3A_1804 : vector<1x16xf32> to vector<16xf32>
        %add3A_1806 = arith.addf %add3A_1742, %get3A_1805 : vector<16xf32>
        %add3A_1807 = arith.constant 48 : i32
        %add3A_1808 = arith.addi %mul3A_274, %add3A_1807 : i32
        %get3A_1809 = arith.index_cast %add3A_1808 : i32 to index
        %get3A_1810 = arith.constant 48 : index
        %get3A_1811 = tpu.vector_load %arg7[%get3A_1809, %get3A_1810] {strides = array<i32>} : memref<800x64xf32, #tpu.memory_space<vmem>>, vector<1x16xf32>,
        %get3A_1812 = vector.shape_cast %get3A_1811 : vector<1x16xf32> to vector<16xf32>
        %add3A_1813 = arith.addf %add3A_1749, %get3A_1812 : vector<16xf32>
        %add3A_1814 = arith.constant 48 : i32
        %add3A_1815 = arith.addi %mul3A_274, %add3A_1814 : i32
        %add3A_1816 = arith.constant 1 : i32
        %add3A_1817 = arith.addi %add3A_1815, %add3A_1816 : i32
        %get3A_1818 = arith.index_cast %add3A_1817 : i32 to index
        %get3A_1819 = arith.constant 0 : index
        %get3A_1820 = tpu.vector_load %arg7[%get3A_1818, %get3A_1819] {strides = array<i32>} : memref<800x64xf32, #tpu.memory_space<vmem>>, vector<1x16xf32>,
        %get3A_1821 = vector.shape_cast %get3A_1820 : vector<1x16xf32> to vector<16xf32>
        %add3A_1822 = arith.addf %add3A_1758, %get3A_1821 : vector<16xf32>
        %add3A_1823 = arith.constant 48 : i32
        %add3A_1824 = arith.addi %mul3A_274, %add3A_1823 : i32
        %add3A_1825 = arith.constant 1 : i32
        %add3A_1826 = arith.addi %add3A_1824, %add3A_1825 : i32
        %get3A_1827 = arith.index_cast %add3A_1826 : i32 to index
        %get3A_1828 = arith.constant 16 : index
        %get3A_1829 = tpu.vector_load %arg7[%get3A_1827, %get3A_1828] {strides = array<i32>} : memref<800x64xf32, #tpu.memory_space<vmem>>, vector<1x16xf32>,
        %get3A_1830 = vector.shape_cast %get3A_1829 : vector<1x16xf32> to vector<16xf32>
        %add3A_1831 = arith.addf %add3A_1767, %get3A_1830 : vector<16xf32>
        %add3A_1832 = arith.constant 48 : i32
        %add3A_1833 = arith.addi %mul3A_274, %add3A_1832 : i32
        %add3A_1834 = arith.constant 1 : i32
        %add3A_1835 = arith.addi %add3A_1833, %add3A_1834 : i32
        %get3A_1836 = arith.index_cast %add3A_1835 : i32 to index
        %get3A_1837 = arith.constant 32 : index
        %get3A_1838 = tpu.vector_load %arg7[%get3A_1836, %get3A_1837] {strides = array<i32>} : memref<800x64xf32, #tpu.memory_space<vmem>>, vector<1x16xf32>,
        %get3A_1839 = vector.shape_cast %get3A_1838 : vector<1x16xf32> to vector<16xf32>
        %add3A_1840 = arith.addf %add3A_1776, %get3A_1839 : vector<16xf32>
        %add3A_1841 = arith.constant 48 : i32
        %add3A_1842 = arith.addi %mul3A_274, %add3A_1841 : i32
        %add3A_1843 = arith.constant 1 : i32
        %add3A_1844 = arith.addi %add3A_1842, %add3A_1843 : i32
        %get3A_1845 = arith.index_cast %add3A_1844 : i32 to index
        %get3A_1846 = arith.constant 48 : index
        %get3A_1847 = tpu.vector_load %arg7[%get3A_1845, %get3A_1846] {strides = array<i32>} : memref<800x64xf32, #tpu.memory_space<vmem>>, vector<1x16xf32>,
        %get3A_1848 = vector.shape_cast %get3A_1847 : vector<1x16xf32> to vector<16xf32>
        %add3A_1849 = arith.addf %add3A_1785, %get3A_1848 : vector<16xf32>
        %mul3A_1850 = arith.constant 16 : i32
        %mul3A_1851 = arith.muli %add3A_253, %mul3A_1850 : i32
        %add3A_1852 = arith.addi %mul3A_1851, %scan3A_271 : i32
        %add3A_1853 = arith.addf %add3A_1792, %add3A_1822 : vector<16xf32>
        %swap3A = arith.index_cast %add3A_1852 : i32 to index
        %swap3A_1854 = arith.constant 0 : index
        %swap3A_1855 = tpu.vector_load %arg8[%swap3A, %swap3A_1854] {strides = array<i32>} : memref<128x64xf32, #tpu.memory_space<vmem>>, vector<1x16xf32>,
        %swap3A_1856 = vector.shape_cast %swap3A_1855 : vector<1x16xf32> to vector<16xf32>
        %swap3A_1857 = vector.shape_cast %add3A_1853 : vector<16xf32> to vector<1x16xf32>
        tpu.vector_store %arg8[%swap3A, %swap3A_1854], %swap3A_1857 {strides = array<i32>} : memref<128x64xf32, #tpu.memory_space<vmem>>, vector<1x16xf32>,
        %add3A_1858 = arith.addf %add3A_1799, %add3A_1831 : vector<16xf32>
        %swap3A_1859 = arith.index_cast %add3A_1852 : i32 to index
        %swap3A_1860 = arith.constant 16 : index
        %swap3A_1861 = tpu.vector_load %arg8[%swap3A_1859, %swap3A_1860] {strides = array<i32>} : memref<128x64xf32, #tpu.memory_space<vmem>>, vector<1x16xf32>,
        %swap3A_1862 = vector.shape_cast %swap3A_1861 : vector<1x16xf32> to vector<16xf32>
        %swap3A_1863 = vector.shape_cast %add3A_1858 : vector<16xf32> to vector<1x16xf32>
        tpu.vector_store %arg8[%swap3A_1859, %swap3A_1860], %swap3A_1863 {strides = array<i32>} : memref<128x64xf32, #tpu.memory_space<vmem>>, vector<1x16xf32>,
        %add3A_1864 = arith.addf %add3A_1806, %add3A_1840 : vector<16xf32>
        %swap3A_1865 = arith.index_cast %add3A_1852 : i32 to index
        %swap3A_1866 = arith.constant 32 : index
        %swap3A_1867 = tpu.vector_load %arg8[%swap3A_1865, %swap3A_1866] {strides = array<i32>} : memref<128x64xf32, #tpu.memory_space<vmem>>, vector<1x16xf32>,
        %swap3A_1868 = vector.shape_cast %swap3A_1867 : vector<1x16xf32> to vector<16xf32>
        %swap3A_1869 = vector.shape_cast %add3A_1864 : vector<16xf32> to vector<1x16xf32>
        tpu.vector_store %arg8[%swap3A_1865, %swap3A_1866], %swap3A_1869 {strides = array<i32>} : memref<128x64xf32, #tpu.memory_space<vmem>>, vector<1x16xf32>,
        %add3A_1870 = arith.addf %add3A_1813, %add3A_1849 : vector<16xf32>
        %swap3A_1871 = arith.index_cast %add3A_1852 : i32 to index
        %swap3A_1872 = arith.constant 48 : index
        %swap3A_1873 = tpu.vector_load %arg8[%swap3A_1871, %swap3A_1872] {strides = array<i32>} : memref<128x64xf32, #tpu.memory_space<vmem>>, vector<1x16xf32>,
        %swap3A_1874 = vector.shape_cast %swap3A_1873 : vector<1x16xf32> to vector<16xf32>
        %swap3A_1875 = vector.shape_cast %add3A_1870 : vector<16xf32> to vector<1x16xf32>
        tpu.vector_store %arg8[%swap3A_1871, %swap3A_1872], %swap3A_1875 {strides = array<i32>} : memref<128x64xf32, #tpu.memory_space<vmem>>, vector<1x16xf32>,
        %scan3A_1876 = arith.constant 0 : i32
        scf.yield %scan3A_1876 : i32
      }
      %scan3A_260 = arith.constant 16 : i32
      %add3A_261 = arith.constant 1 : i32
      %add3A_262 = arith.addi %mul3A_125, %add3A_261 : i32
      %add3A_263 = arith.constant 2 : i32
      %add3A_264 = arith.addi %add3A_262, %add3A_263 : i32
      %lt3A_265 = arith.constant 8 : i32
      %lt3A_266 = arith.cmpi slt, %add3A_264, %lt3A_265 : i32
      %convert_element_type3A_267 = arith.extui %lt3A_266 : i1 to i32
      %cond3A_268 = arith.constant 0 : i32
      %cond3A_269 = arith.cmpi ne, %convert_element_type3A_267, %cond3A_268 : i32
      scf.if %cond3A_269 {
        %add3A_271 = arith.constant 1 : i32
        %add3A_272 = arith.addi %mul3A_125, %add3A_271 : i32
        %add3A_273 = arith.constant 2 : i32
        %add3A_274 = arith.addi %add3A_272, %add3A_273 : i32
        %mul3A_275 = arith.constant 800 : i32
        %mul3A_276 = arith.muli %add3A_274, %mul3A_275 : i32
        %add3A_277 = arith.constant 0 : i32
        %add3A_278 = arith.addi %mul3A_276, %add3A_277 : i32
        %dma_start3A_279 = arith.constant 0 : i32
        %dma_start3A_280 = arith.constant 0 : i32
        %dma_start3A_281 = tpu.memref_slice %arg7[%dma_start3A_279, %dma_start3A_280] : memref<800x64xf32, #tpu.memory_space<vmem>> -> memref<128x64xf32, #tpu.memory_space<vmem>>
        %dma_start3A_282 = tpu.memref_slice %arg5[%add3A_278] : memref<6400xi32, #tpu.memory_space<vmem>> -> memref<128xi32, #tpu.memory_space<vmem>>
        %dma_start3A_283 = arith.constant 0 : i32
        %dma_start3A_284 = arith.constant 0 : i32
        %dma_start3A_285 = tpu.memref_slice %arg2[%dma_start3A_283, %dma_start3A_284] : memref<100000x64xf32, #tpu.memory_space<hbm>> -> memref<100000x64xf32, #tpu.memory_space<hbm>>
        tpu.enqueue_indirect_dma source(%dma_start3A_285 : memref<100000x64xf32, #tpu.memory_space<hbm>>) target(%dma_start3A_281 : memref<128x64xf32, #tpu.memory_space<vmem>>) offsets(%dma_start3A_282 : memref<128xi32, #tpu.memory_space<vmem>>) semaphore(%arg10 : memref<!tpu.dma_semaphore, #tpu.memory_space<semaphore_mem>>)
        %add3A_286 = arith.constant 128 : i32
        %add3A_287 = arith.addi %mul3A_276, %add3A_286 : i32
        %dma_start3A_288 = arith.constant 128 : i32
        %dma_start3A_289 = arith.constant 0 : i32
        %dma_start3A_290 = tpu.memref_slice %arg7[%dma_start3A_288, %dma_start3A_289] : memref<800x64xf32, #tpu.memory_space<vmem>> -> memref<128x64xf32, #tpu.memory_space<vmem>>
        %dma_start3A_291 = tpu.memref_slice %arg5[%add3A_287] : memref<6400xi32, #tpu.memory_space<vmem>> -> memref<128xi32, #tpu.memory_space<vmem>>
        %dma_start3A_292 = arith.constant 0 : i32
        %dma_start3A_293 = arith.constant 0 : i32
        %dma_start3A_294 = tpu.memref_slice %arg2[%dma_start3A_292, %dma_start3A_293] : memref<100000x64xf32, #tpu.memory_space<hbm>> -> memref<100000x64xf32, #tpu.memory_space<hbm>>
        tpu.enqueue_indirect_dma source(%dma_start3A_294 : memref<100000x64xf32, #tpu.memory_space<hbm>>) target(%dma_start3A_290 : memref<128x64xf32, #tpu.memory_space<vmem>>) offsets(%dma_start3A_291 : memref<128xi32, #tpu.memory_space<vmem>>) semaphore(%arg10 : memref<!tpu.dma_semaphore, #tpu.memory_space<semaphore_mem>>)
        %add3A_295 = arith.constant 256 : i32
        %add3A_296 = arith.addi %mul3A_276, %add3A_295 : i32
        %dma_start3A_297 = arith.constant 256 : i32
        %dma_start3A_298 = arith.constant 0 : i32
        %dma_start3A_299 = tpu.memref_slice %arg7[%dma_start3A_297, %dma_start3A_298] : memref<800x64xf32, #tpu.memory_space<vmem>> -> memref<128x64xf32, #tpu.memory_space<vmem>>
        %dma_start3A_300 = tpu.memref_slice %arg5[%add3A_296] : memref<6400xi32, #tpu.memory_space<vmem>> -> memref<128xi32, #tpu.memory_space<vmem>>
        %dma_start3A_301 = arith.constant 0 : i32
        %dma_start3A_302 = arith.constant 0 : i32
        %dma_start3A_303 = tpu.memref_slice %arg2[%dma_start3A_301, %dma_start3A_302] : memref<100000x64xf32, #tpu.memory_space<hbm>> -> memref<100000x64xf32, #tpu.memory_space<hbm>>
        tpu.enqueue_indirect_dma source(%dma_start3A_303 : memref<100000x64xf32, #tpu.memory_space<hbm>>) target(%dma_start3A_299 : memref<128x64xf32, #tpu.memory_space<vmem>>) offsets(%dma_start3A_300 : memref<128xi32, #tpu.memory_space<vmem>>) semaphore(%arg10 : memref<!tpu.dma_semaphore, #tpu.memory_space<semaphore_mem>>)
        %add3A_304 = arith.constant 384 : i32
        %add3A_305 = arith.addi %mul3A_276, %add3A_304 : i32
        %dma_start3A_306 = arith.constant 384 : i32
        %dma_start3A_307 = arith.constant 0 : i32
        %dma_start3A_308 = tpu.memref_slice %arg7[%dma_start3A_306, %dma_start3A_307] : memref<800x64xf32, #tpu.memory_space<vmem>> -> memref<128x64xf32, #tpu.memory_space<vmem>>
        %dma_start3A_309 = tpu.memref_slice %arg5[%add3A_305] : memref<6400xi32, #tpu.memory_space<vmem>> -> memref<128xi32, #tpu.memory_space<vmem>>
        %dma_start3A_310 = arith.constant 0 : i32
        %dma_start3A_311 = arith.constant 0 : i32
        %dma_start3A_312 = tpu.memref_slice %arg2[%dma_start3A_310, %dma_start3A_311] : memref<100000x64xf32, #tpu.memory_space<hbm>> -> memref<100000x64xf32, #tpu.memory_space<hbm>>
        tpu.enqueue_indirect_dma source(%dma_start3A_312 : memref<100000x64xf32, #tpu.memory_space<hbm>>) target(%dma_start3A_308 : memref<128x64xf32, #tpu.memory_space<vmem>>) offsets(%dma_start3A_309 : memref<128xi32, #tpu.memory_space<vmem>>) semaphore(%arg10 : memref<!tpu.dma_semaphore, #tpu.memory_space<semaphore_mem>>)
        %add3A_313 = arith.constant 512 : i32
        %add3A_314 = arith.addi %mul3A_276, %add3A_313 : i32
        %dma_start3A_315 = arith.constant 512 : i32
        %dma_start3A_316 = arith.constant 0 : i32
        %dma_start3A_317 = tpu.memref_slice %arg7[%dma_start3A_315, %dma_start3A_316] : memref<800x64xf32, #tpu.memory_space<vmem>> -> memref<128x64xf32, #tpu.memory_space<vmem>>
        %dma_start3A_318 = tpu.memref_slice %arg5[%add3A_314] : memref<6400xi32, #tpu.memory_space<vmem>> -> memref<128xi32, #tpu.memory_space<vmem>>
        %dma_start3A_319 = arith.constant 0 : i32
        %dma_start3A_320 = arith.constant 0 : i32
        %dma_start3A_321 = tpu.memref_slice %arg2[%dma_start3A_319, %dma_start3A_320] : memref<100000x64xf32, #tpu.memory_space<hbm>> -> memref<100000x64xf32, #tpu.memory_space<hbm>>
        tpu.enqueue_indirect_dma source(%dma_start3A_321 : memref<100000x64xf32, #tpu.memory_space<hbm>>) target(%dma_start3A_317 : memref<128x64xf32, #tpu.memory_space<vmem>>) offsets(%dma_start3A_318 : memref<128xi32, #tpu.memory_space<vmem>>) semaphore(%arg10 : memref<!tpu.dma_semaphore, #tpu.memory_space<semaphore_mem>>)
        %add3A_322 = arith.constant 640 : i32
        %add3A_323 = arith.addi %mul3A_276, %add3A_322 : i32
        %dma_start3A_324 = arith.constant 640 : i32
        %dma_start3A_325 = arith.constant 0 : i32
        %dma_start3A_326 = tpu.memref_slice %arg7[%dma_start3A_324, %dma_start3A_325] : memref<800x64xf32, #tpu.memory_space<vmem>> -> memref<128x64xf32, #tpu.memory_space<vmem>>
        %dma_start3A_327 = tpu.memref_slice %arg5[%add3A_323] : memref<6400xi32, #tpu.memory_space<vmem>> -> memref<128xi32, #tpu.memory_space<vmem>>
        %dma_start3A_328 = arith.constant 0 : i32
        %dma_start3A_329 = arith.constant 0 : i32
        %dma_start3A_330 = tpu.memref_slice %arg2[%dma_start3A_328, %dma_start3A_329] : memref<100000x64xf32, #tpu.memory_space<hbm>> -> memref<100000x64xf32, #tpu.memory_space<hbm>>
        tpu.enqueue_indirect_dma source(%dma_start3A_330 : memref<100000x64xf32, #tpu.memory_space<hbm>>) target(%dma_start3A_326 : memref<128x64xf32, #tpu.memory_space<vmem>>) offsets(%dma_start3A_327 : memref<128xi32, #tpu.memory_space<vmem>>) semaphore(%arg10 : memref<!tpu.dma_semaphore, #tpu.memory_space<semaphore_mem>>)
        %add3A_331 = arith.constant 768 : i32
        %add3A_332 = arith.addi %mul3A_276, %add3A_331 : i32
        %dma_start3A_333 = arith.constant 768 : i32
        %dma_start3A_334 = arith.constant 0 : i32
        %dma_start3A_335 = tpu.memref_slice %arg7[%dma_start3A_333, %dma_start3A_334] : memref<800x64xf32, #tpu.memory_space<vmem>> -> memref<32x64xf32, #tpu.memory_space<vmem>>
        %dma_start3A_336 = tpu.memref_slice %arg5[%add3A_332] : memref<6400xi32, #tpu.memory_space<vmem>> -> memref<32xi32, #tpu.memory_space<vmem>>
        %dma_start3A_337 = arith.constant 0 : i32
        %dma_start3A_338 = arith.constant 0 : i32
        %dma_start3A_339 = tpu.memref_slice %arg2[%dma_start3A_337, %dma_start3A_338] : memref<100000x64xf32, #tpu.memory_space<hbm>> -> memref<100000x64xf32, #tpu.memory_space<hbm>>
        tpu.enqueue_indirect_dma source(%dma_start3A_339 : memref<100000x64xf32, #tpu.memory_space<hbm>>) target(%dma_start3A_335 : memref<32x64xf32, #tpu.memory_space<vmem>>) offsets(%dma_start3A_336 : memref<32xi32, #tpu.memory_space<vmem>>) semaphore(%arg10 : memref<!tpu.dma_semaphore, #tpu.memory_space<semaphore_mem>>)
      } else {
      }
      %scan3A_270 = arith.constant 0 : i32
      scf.yield %scan3A_270 : i32
    }
    %scan3A_121 = arith.constant 4 : i32
    "tpu.region"() ({
      %run_scoped3A = tpu.sem_alloc : memref<!tpu.dma_semaphore, #tpu.memory_space<semaphore_mem>>
      %dma_start3A_122 = arith.constant 0 : i32
      %dma_start3A_123 = tpu.memref_slice %arg4[%mul3A_2, %dma_start3A_122] : memref<4096x64xf32, #tpu.memory_space<hbm>> -> memref<128x64xf32, #tpu.memory_space<hbm>>
      %dma_start3A_124 = arith.constant 0 : i32
      %dma_start3A_125 = tpu.memref_slice %arg4[%mul3A_2, %dma_start3A_124] : memref<4096x64xf32, #tpu.memory_space<hbm>> -> memref<128x64xf32, #tpu.memory_space<hbm>>
      tpu.enqueue_dma source(%arg8 : memref<128x64xf32, #tpu.memory_space<vmem>>) target(%dma_start3A_125 : memref<128x64xf32, #tpu.memory_space<hbm>>) target_semaphore(%run_scoped3A : memref<!tpu.dma_semaphore, #tpu.memory_space<semaphore_mem>>)
      %dma_wait3A = arith.constant 0 : i32
      %dma_wait3A_126 = tpu.memref_slice %arg4[%mul3A_2, %dma_wait3A] : memref<4096x64xf32, #tpu.memory_space<hbm>> -> memref<128x64xf32, #tpu.memory_space<hbm>>
      %dma_wait3A_127 = arith.constant 0 : i32
      %dma_wait3A_128 = tpu.memref_slice %arg4[%mul3A_2, %dma_wait3A_127] : memref<4096x64xf32, #tpu.memory_space<hbm>> -> memref<128x64xf32, #tpu.memory_space<hbm>>
      tpu.wait_dma2 semaphore(%run_scoped3A : memref<!tpu.dma_semaphore, #tpu.memory_space<semaphore_mem>>) src(%arg8 : memref<128x64xf32, #tpu.memory_space<vmem>>) dst(%dma_wait3A_128 : memref<128x64xf32, #tpu.memory_space<hbm>>)
      tpu.yield
    }) : () -> ()
    return
  }
}

module attributes {stable_mosaic.version = 14 : i64} {
  func.func @_proj_body(%arg0: i32, %arg1: memref<1024x64xf32, #tpu.memory_space<vmem>>, %arg2: memref<128x64xf32, #tpu.memory_space<vmem>>, %arg3: memref<1024x128xf32, #tpu.memory_space<vmem>>) attributes {dimension_semantics = [#tpu.dimension_semantics<arbitrary>], iteration_bounds = array<i64: 4>, scalar_prefetch = 0 : i64, scratch_operands = 0 : i64, tpu.core_type = #tpu.core_type<tc>, window_params = [{transform_indices = @transform_0, window_bounds = array<i64: 1024, 64>}, {pipeline_mode = #tpu.pipeline_mode<synchronous>, transform_indices = @transform_1, window_bounds = array<i64: 128, 64>}, {transform_indices = @transform_2, window_bounds = array<i64: 1024, 128>}]} {
    %get3A = arith.constant 0 : index
    %get3A_0 = arith.constant 0 : index
    %get3A_1 = vector.load %arg1[%get3A, %get3A_0] : memref<1024x64xf32, #tpu.memory_space<vmem>>, vector<1024x64xf32>
    %get3A_2 = arith.constant 0 : index
    %get3A_3 = arith.constant 0 : index
    %get3A_4 = vector.load %arg2[%get3A_2, %get3A_3] : memref<128x64xf32, #tpu.memory_space<vmem>>, vector<128x64xf32>
    %dot_general3A = arith.constant dense<0.000000e+00> : vector<1024x128xf32>
    %dot_general3A_5 = tpu.matmul %get3A_1, %get3A_4, %dot_general3A {dimension_numbers = #tpu.dot_dimension_numbers<[1], [1], [0], [0], [0, 0, 1, 0], [], []>, precision = #tpu.contract_precision<fp32>, transpose_lhs_hint = false} : vector<1024x64xf32>, vector<128x64xf32>, vector<1024x128xf32> -> vector<1024x128xf32>
    %swap3A = arith.constant 0 : index
    %swap3A_6 = arith.constant 0 : index
    %swap3A_7 = vector.load %arg3[%swap3A, %swap3A_6] : memref<1024x128xf32, #tpu.memory_space<vmem>>, vector<1024x128xf32>
    tpu.vector_store %arg3[%swap3A, %swap3A_6], %dot_general3A_5 {strides = array<i32>} : memref<1024x128xf32, #tpu.memory_space<vmem>>, vector<1024x128xf32>,
    return
  }
  func.func @transform_0(%arg0: i32) -> (i32, i32) {
    %c0_i32 = arith.constant 0 : i32
    %c0_i32_0 = arith.constant 0 : i32
    return %arg0, %c0_i32 : i32, i32
  }
  func.func @transform_1(%arg0: i32) -> (i32, i32) {
    %c0_i32 = arith.constant 0 : i32
    %c0_i32_0 = arith.constant 0 : i32
    %c0_i32_1 = arith.constant 0 : i32
    return %c0_i32, %c0_i32_0 : i32, i32
  }
  func.func @transform_2(%arg0: i32) -> (i32, i32) {
    %c0_i32 = arith.constant 0 : i32
    %c0_i32_0 = arith.constant 0 : i32
    return %arg0, %c0_i32 : i32, i32
  }
}

</mosaic_0001>

<sc_bundles>
// kernel: kernel.4.cloned.1.call-start
scs
__scs_entry_jumppad:
0x0: {  	(pc) =	sbr.rel $0x88, $3  }
0x1: {  	(tag) =	ssettag $0x0;
	lr =	simm.s32 $0x1  }
0x2: {  	[smem:$0x3F9E] =	sst lr;
	_ =	strace $0xD0000000  }
0x3: {  	_ = 	snop  }
0x4: {  	_ = 	snop  }
0x5: {  	_ = 	snop  }
0x6: {  	_ = 	snop  }
0x7: {  	_ = 	snop  }
__scs_overlays_trampoline_lowered:
0x8: {  	[smem:$0x3FAD] =	sst s0  }
0x9: {  	[smem:$0x3FAE] =	sst s1  }
0xa: {  	[smem:$0x3FAF] =	sst s2  }
0xb: {  	[smem:$0x3FB0] =	sst s3  }
0xc: {  	[smem:$0x3FB1] =	sst s4  }
0xd: {  	[smem:$0x3FB2] =	sst s5  }
0xe: {  	[smem:$0x3FB3] =	sst s6  }
0xf: {  	[smem:$0x3FB4] =	sst s7  }
0x10: {  	[smem:$0x3FB5] =	sst s8  }
0x11: {  	[smem:$0x3FB6] =	sst s9;
	s0 =	simm.s32 @!p0 $0x0  }
0x12: {  	s1 =	sld [smem:$0x3F9C];
	s0 =	simm.s32 @p0 $0x1  }
0x13: {  	[smem:$0x3FB7] =	sst s0;
	s0 =	simm.s32 @!p1 $0x0  }
0x14: {  	s2 =	sld [smem:$0x3F9B];
	s0 =	simm.s32 @p1 $0x1  }
0x15: {  	[smem:$0x3FB8] =	sst s0;
	s0 =	simm.s32 @!p2 $0x0  }
0x16: {  	s3 =	sld [smem:$0x3FDB];
	s0 =	simm.s32 @p2 $0x1  }
0x17: {  	s4 =	simm.s32 $0x1BF5;
	[smem:$0x3FBA] =	sst s0  }
0x18: {  	s0 =	sld [smem:$0x3F9D];
	_ =	swait.ge [sflag:s4], $0x0  }
0x19: {  	s7 =	sld [smem:$0x3F9E]  }
0x1a: {  	s8 =	sadd.s32 $0xFFFFE003, lr  }
0x1b: {  	s9 =	sadd.s32 $0xFFFFFEF7, lr;
	s5 =	simm.s32 $0xFFFFFFFF;
	p2 =	slt.u32 s8, $0xFFFFF086  }
0x1c: {  	p1 =	slt.u32 s9, $0xF7A;
	s5 =	simm.s32 @!p2 $0x0  }
0x1d: {  	s5 =	simm.s32 @p1 $0x1;
	p0 =	seq.s32 s7, s2  }
0x1e: {  	s7 =	smul.u32 @!p0 $0xF7A, s2;
	p2 =	seq.s32 @!p0 s5, $0x0  }
0x1f: {  	s9 =	smul.u32 $0xF7A, s1;
	s8 =	simm.s32 @!p0 $0x1BF5;
	p2 =	por !p2, p0  }
0x20: {  	[sflag:s8] =	ssyncset.s32 @!p0 $0xFFFFF086;
	s6 =	sadd.s32 @!p0 s3, s7;
	s7 =	simm.s32 @!p0 $0x108  }
0x21: {  	s3 =	sadd.s32 s3, s9;
	s6 =	sadd.s32 @!p0 $0x88, s6;
	s7 =	simm.s32 @p2 $0x1082  }
0x22: {  	[simem:s7], [sflag:s8] =	dma.local @!p0 [hbm:s6], $0xF7A  }
0x23: {  	s9 =	sor.u32 $0xD0000000, s2;
	s6 =	simm.s32 $0x108;
	_ =	swait.ge @!p0 [sflag:s8], $0x0  }
0x24: {  	s3 =	sadd.s32 $0x88, s3;
	s6 =	simm.s32 @!p1 $0x1082;
	[sflag:s4] =	ssyncset.s32 $0xFFFFF086  }
0x25: {  	[simem:s6], [sflag:s4] =	dma.local [hbm:s3], $0xF7A  }
0x26: {  	[smem:$0x3F9E] =	sst s1;
	(tag) =	ssettag s2;
	_ =	strace s9  }
0x27: {  	s1 =	sld [smem:$0x3FAE]  }
0x28: {  	s2 =	sld [smem:$0x3FAF]  }
0x29: {  	s4 =	sld [smem:$0x3FB1]  }
0x2a: {  	p0 =	seq.s32 s5, $0x0;
	s5 =	sld [smem:$0x3FB2]  }
0x2b: {  	s6 =	sld [smem:$0x3FB3]  }
0x2c: {  	s7 =	sld [smem:$0x3FB4]  }
0x2d: {  	s3 =	simm.s32 $0x108;
	s8 =	sld [smem:$0x3FB5]  }
0x2e: {  	s3 =	simm.s32 @!p0 $0x1082;
	s9 =	sld [smem:$0x3FB6]  }
0x2f: {  	lr =	sadd.s32 s0, s3;
	s0 =	sld [smem:$0x3FAD]  }
0x30: {  	s3 =	sld [smem:$0x3FB0]  }
0x31: {  	[smem:$0x3FB9] =	sst s10  }
0x32: {  	s10 =	sld [smem:$0x3FB7];
	_ =	sdelay $0x3  }
0x33: {  	p0 =	seq.s32 s10, $0x1;
	s10 =	sld [smem:$0x3FB9];
	_ =	sdelay $0x3  }
0x34: {  	[smem:$0x3FB9] =	sst s10  }
0x35: {  	s10 =	sld [smem:$0x3FB8];
	_ =	sdelay $0x3  }
0x36: {  	p1 =	seq.s32 s10, $0x1;
	s10 =	sld [smem:$0x3FB9];
	_ =	sdelay $0x3  }
0x37: {  	[smem:$0x3FB9] =	sst s10  }
0x38: {  	s10 =	sld [smem:$0x3FBA]  }
0x39: {  	_ = 	snop;
	(pc) =	sbr.ind lr, $3  }
0x3a: {  	_ = 	snop  }
0x3b: {  	_ = 	snop  }
0x3c: {  	p2 =	seq.s32 s10, $0x1;
	s10 =	sld [smem:$0x3FB9]  }
0x3d: {  	_ =	shalt  }
0x3e: {  	_ =	shalt  }
0x3f: {  	_ =	shalt  }
0x40: {  	_ =	shalt  }
0x41: {  	_ =	shalt  }
0x42: {  	_ =	shalt  }
0x43: {  	_ =	shalt  }
0x44: {  	_ =	shalt  }
0x45: {  	_ =	shalt  }
0x46: {  	_ =	shalt  }
0x47: {  	_ =	shalt  }
0x48: {  	_ =	shalt  }
0x49: {  	_ =	shalt  }
0x4a: {  	_ =	shalt  }
0x4b: {  	_ =	shalt  }
0x4c: {  	_ =	shalt  }
0x4d: {  	_ =	shalt  }
0x4e: {  	_ =	shalt  }
0x4f: {  	_ =	shalt  }
0x50: {  	_ =	shalt  }
0x51: {  	_ =	shalt  }
0x52: {  	_ =	shalt  }
0x53: {  	_ =	shalt  }
0x54: {  	_ =	shalt  }
0x55: {  	_ =	shalt  }
0x56: {  	_ =	shalt  }
0x57: {  	_ =	shalt  }
0x58: {  	_ =	shalt  }
0x59: {  	_ =	shalt  }
0x5a: {  	_ =	shalt  }
0x5b: {  	_ =	shalt  }
0x5c: {  	_ =	shalt  }
0x5d: {  	_ =	shalt  }
0x5e: {  	_ =	shalt  }
0x5f: {  	_ =	shalt  }
0x60: {  	_ =	shalt  }
0x61: {  	_ =	shalt  }
0x62: {  	_ =	shalt  }
0x63: {  	_ =	shalt  }
0x64: {  	_ =	shalt  }
0x65: {  	_ =	shalt  }
0x66: {  	_ =	shalt  }
0x67: {  	_ =	shalt  }
0x68: {  	_ =	shalt  }
0x69: {  	_ =	shalt  }
0x6a: {  	_ =	shalt  }
0x6b: {  	_ =	shalt  }
0x6c: {  	_ =	shalt  }
0x6d: {  	_ =	shalt  }
0x6e: {  	_ =	shalt  }
0x6f: {  	_ =	shalt  }
0x70: {  	_ =	shalt  }
0x71: {  	_ =	shalt  }
0x72: {  	_ =	shalt  }
0x73: {  	_ =	shalt  }
0x74: {  	_ =	shalt  }
0x75: {  	_ =	shalt  }
0x76: {  	_ =	shalt  }
0x77: {  	_ =	shalt  }
0x78: {  	_ =	shalt  }
0x79: {  	_ =	shalt  }
0x7a: {  	_ =	shalt  }
0x7b: {  	_ =	shalt  }
0x7c: {  	_ =	shalt  }
0x7d: {  	_ =	shalt  }
0x7e: {  	_ =	shalt  }
0x7f: {  	_ =	shalt  }
0x80: {  	_ =	shalt  }
0x81: {  	_ =	shalt  }
0x82: {  	_ =	shalt  }
0x83: {  	_ =	shalt  }
0x84: {  	_ =	shalt  }
0x85: {  	_ =	shalt  }
0x86: {  	_ =	shalt  }
0x87: {  	_ =	shalt  }
.Lfunc_end0:
.L_simem_size_0:
called_computation_lowered:
.L_overlay_start_0:
0x88: {  	s2 =	sld [smem:$0x3FD9]  }
0x89: {  	s3 =	sld [smem:$0x3FFE];
	_ =	sdelay $0x1  }
0x8a: {  	s1 =	srdreg.scid  }
0x8b: {  	s0 =	sand.u32 $0x1, s1  }
0x8c: {  	s17 =	sshll.u32 s0, $0xA;
	s2 =	sadd.s32 s3, s2  }
0x8d: {  	s2 =	sadd.s32 s2, s17  }
0x8e: {  	[smem:$0x3FC5] =	sst s2  }
0x8f: {  	_ = 	snop  }
0x90: {  	s2 =	sld [smem:$0x3FD0];
	(tm) =	ssettm $0x1  }
0x91: {  	s18 =	sld [smem:$0x3FFB];
	_ =	sdelay $0x3  }
0x92: {  	_ =	strace s18  }
0x93: {  	s3 =	sld [smem:$0x3FFC];
	_ =	sdelay $0x3  }
0x94: {  	_ =	strace s3  }
0x95: {  	s3 =	sld [smem:$0x3FFD];
	_ =	sdelay $0x3  }
0x96: {  	_ =	strace s3  }
0x97: {  	_ =	strace $0x8FFFFFFF  }
0x98: {  	s19 =	sld [smem:$0x3FDB];
	_ =	sdelay $0x1  }
0x99: {  	s4 =	simm.s32 $_scs_section_size  }
0x9a: {  	s5 =	simm.s32 $_size__tile_overlayer_lowered;
	s6 =	simm.s32 $_tile_overlayer_lowered  }
0x9b: {  	s22 =	simm.s32 $0x1BFF;
	s21 =	sshll.u32 s6, $0x1;
	s3 =	sadd.s32 s4, s19  }
0x9c: {  	s7 =	simm.s32 $0x0;
	s20 =	sshll.u32 s5, $0x1;
	s5 =	sadd.s32 s21, s3  }
0x9d: {  	[timem:s7], [sflag:s22] =	dma.local [hbm:s5], s20  }
0x9e: {  	_ =	swait.ge [sflag:s22], s20  }
0x9f: {  	s4 =	ssub.s32 $0x0, s20;
	[sflag:s22] =	ssyncset.done $0x0  }
0xa0: {  	[sflag:s22] =	ssyncadd.s32 s4;
	_ =	sdelay $0x1  }
0xa1: {  	s23 =	simm.s32 $0x1B8B  }
0xa2: {  	_ =	swait.ge [sflag:s23], $0x1  }
0xa3: {  	[sflag:s23] =	ssyncset.done $0x0  }
0xa4: {  	s25 =	simm.s32 $0x1B8E;
	s24 =	sld [smem:$0x3FFE];
	[sflag:s23] =	ssyncadd.s32 $0xFFFFFFFF  }
0xa5: {  	s26 =	simm.s32 $execute0_lowered;
	[smem:$0x3FD2] =	sst s25  }
0xa6: {  	s5 =	sshll.u32 s26, $0x1;
	_ =	strace $0x80000046;
	[dreg:$0x1] =	wrdreg $0xFFFFFFFF  }
0xa7: {  	s28 =	simm.s32 $_size_execute0_lowered;
	s3 =	sadd.s32 s3, s5;
	[dreg:$0x0] =	wrdreg $0x0  }
0xa8: {  	s5 =	sshll.u32 s28, $0x1;
	[dreg:$0x2] =	wrdreg s3  }
0xa9: {  	[dreg:$0x3] =	wrdreg s5  }
0xaa: {  	[dreg:$0x4] =	wrdreg $0xC0  }
0xab: {  	_ =	task [dreg:s7], $0x5FFFF  }
0xac: {  	[dreg:$0x1] =	wrdreg $0xFFFFFFFF  }
0xad: {  	[dreg:$0x0] =	wrdreg $0x60  }
0xae: {  	[dreg:$0x2] =	wrdreg s24  }
0xaf: {  	[dreg:$0x3] =	wrdreg s2  }
0xb0: {  	[dreg:$0x4] =	wrdreg $0x9  }
0xb1: {  	_ =	task.clear_ibuf [dreg:s7], $0x5FFFF;
	_ =	strace $0x90000046  }
0xb2: {  	s29 =	simm.s32 $0x9;
	_ =	strace $0x80000048  }
0xb3: {  	_ =	swait.ge [sflag:s29], $0x1  }
0xb4: {  	[sflag:s29] =	ssyncadd.s32 $0xFFFFFFFF  }
0xb5: {  	_ =	strace $0x90000048  }
0xb6: {  	_ =	sfence  }
0xb7: {  	s30 =	sld [smem:$0x0];
	_ =	sdelay $0x2  }
0xb8: {  	s31 =	sshll.u32 s1, $0xD;
	s1 =	sshrl.u32 s1, $0x2  }
0xb9: {  	s3 =	sand.u32 $0x4000, s31;
	s1 =	sadd.s32 s1, s30  }
0xba: {  	s0 =	sor.u32 s3, s0;
	s1 =	sshll.u32 s1, $0x11  }
0xbb: {  	s0 =	sor.u32 s1, s0  }
0xbc: {  	s0 =	sadd.s32 $0x8F2B, s0  }
0xbd: {  	[sflag:s0] =	ssyncadd.remote.s32 $0x1  }
0xbe: {  	_ =	sfence.sel $0xFFFF  }
0xbf: {  	[dreg:$0x0] =	wrdreg $0xFFFFFFFF;
	(pc) =	sbr.abs _section_cstart, $3  }
0xc0: {  	[dreg:$0x1] =	wrdreg $0xFFFFFFFF  }
0xc1: {  	_ =	task.clear_ibuf [dreg:s7], $0x2FFFF;
	_ =	strace $0x9FFFFFFF  }
0xc2: {  	(tm) =	ssettm $0x7FFFFFFF  }
0xc3: {  	_ =	shalt  }
tec
execute0_lowered:
.L_overlay_start_1:
0x0: {  	(tag) =	ssettag $0x1  }
0x1: {  	s0 =	rddreg [dreg:$0x0]  }
0x2: {  	s1 =	srdreg.scid;
	s2 =	stileid.u32  }
0x3: {  	s5 =	rddreg [dreg:$0x1];
	s8 =	simm.s32 $0x80;
	s19 =	simm.s32 $0x20  }
0x4: {  	s22 =	simm.s32 $0x320;
	s23 =	simm.s32 $0xE100;
	s24 =	simm.s32 $0x3A0  }
0x5: {  	s25 =	simm.s32 $0x10100;
	s28 =	simm.s32 $0x12100;
	s29 =	simm.s32 $0x4A0  }
0x6: {  	s30 =	simm.s32 $0x14100;
	s31 =	simm.s32 $0x520;
	s9 =	simm.s32 $0x18100  }
0x7: {  	s10 =	simm.s32 $0x620;
	s11 =	simm.s32 $0x1A100;
	s12 =	simm.s32 $0x1  }
0x8: {  	s13 =	simm.s32 $0x2;
	s1 =	sand.u32 $0x1, s1;
	s3 =	sshll.u32 s2, $0x1  }
0x9: {  	s14 =	simm.s32 $0x1A900;
	s2 =	simm.s32 $0x0;
	s4 =	sor.u32 s1, s3  }
0xa: {  	s15 =	simm.s32 $0x0;
	[smem:$0x7FF] =	sst s2;
	s6 =	smul.u32 $0x320, s4  }
.Ltmp0:
0xb: {  	s1 =	ssub.s32 $0x2, s1;
	s3 =	sadd.s32 $0x187200, s0;
	(pc) =	sbr.rel .LBB2_1-.Ltmp0, $4  }
0xc: {  	_ =	strace $0x80000047;
	s7 =	sshrl.u32 s1, $0x1;
	s26 =	sshll.u32 s4, $0xA  }
0xd: {  	s1 =	ssub.s32 s1, s7;
	s5 =	sadd.s32 s5, s26;
	s7 =	simm.s32 $0x3  }
0xe: {  	s26 =	simm.s32 $0x420;
	s0 =	sadd.s32 s6, s0;
	s6 =	smax.u32 s1, $0x1  }
0xf: {  	s1 =	simm.s32 $0x16100;
	s4 =	sadd.s32 $0x800, s0;
	s0 =	simm.s32 $0x5A0  }
.LBB2_8:
0x10: {  	s15 =	sadd.s32 $0x1, s15  }
0x11: {  	p0 =	sne.s32 s15, s6  }
.Ltmp1:
0x12: {  	_ = 	snop;
	(pc) =	sbr.rel @!p0 .LBB2_9-.Ltmp1, $4  }
0x13: {  	[hbm4b:s5+s2] =	stream.linear.scatter [tilespmem:s14], [sflag:$0x3], $0x2000, $0x38;
	[tilespmem:$0x1C900] =	vst v63  }
0x14: {  	_ =	swait.ge [sflag:s7], $0x2000  }
0x15: {  	[sflag:s7] =	ssyncset.done $0x0  }
0x16: {  	[sflag:s7] =	ssyncadd.s32 $0xFFFFE000  }
.LBB2_1:
0x17: {  	[tilespmem:s2], [sflag:$0x3] =	stream.linear.gather [hbm4b:s4+s2], $0x1900, $0x38;
	[tilespmem:$0x1C900] =	vst v63  }
0x18: {  	_ =	swait.ge [sflag:s7], $0x1900  }
0x19: {  	[sflag:s7] =	ssyncset.done $0x0  }
0x1a: {  	s16 =	simm.s32 $0x1900;
	[sflag:s7] =	ssyncadd.s32 $0xFFFFE700  }
0x1b: {  	[tilespmem:s16], [sflag:$0x1] =	stream.indirect.gather [hbm4b:s3+s8], $0x40, s2, s8, $0xb8;
	[tilespmem:$0x1C900] =	vst v63  }
0x1c: {  	s20 =	simm.s32 $0x3900  }
0x1d: {  	[tilespmem:s20], [sflag:$0x1] =	stream.indirect.gather [hbm4b:s3+s8], $0x40, s8, s8, $0xb8;
	[tilespmem:$0x1C900] =	vst v63  }
0x1e: {  	s21 =	simm.s32 $0x100;
	s17 =	simm.s32 $0x5900  }
0x1f: {  	[tilespmem:s17], [sflag:$0x1] =	stream.indirect.gather [hbm4b:s3+s8], $0x40, s21, s8, $0xb8;
	[tilespmem:$0x1C900] =	vst v63  }
0x20: {  	s18 =	simm.s32 $0x7900;
	s17 =	simm.s32 $0x180  }
0x21: {  	[tilespmem:s18], [sflag:$0x1] =	stream.indirect.gather [hbm4b:s3+s8], $0x40, s17, s8, $0xb8;
	[tilespmem:$0x1C900] =	vst v63  }
0x22: {  	s20 =	simm.s32 $0x200;
	s21 =	simm.s32 $0x9900  }
0x23: {  	[tilespmem:s21], [sflag:$0x1] =	stream.indirect.gather [hbm4b:s3+s8], $0x40, s20, s8, $0xb8;
	[tilespmem:$0x1C900] =	vst v63  }
0x24: {  	s17 =	simm.s32 $0x280;
	s18 =	simm.s32 $0xB900  }
0x25: {  	[tilespmem:s18], [sflag:$0x1] =	stream.indirect.gather [hbm4b:s3+s8], $0x40, s17, s8, $0xb8;
	[tilespmem:$0x1C900] =	vst v63  }
0x26: {  	s20 =	simm.s32 $0x300;
	s21 =	simm.s32 $0xD900  }
0x27: {  	[tilespmem:s21], [sflag:$0x1] =	stream.indirect.gather [hbm4b:s3+s19], $0x40, s20, s19, $0xb8;
	[tilespmem:$0x1C900] =	vst v63  }
0x28: {  	_ = 	snop  }
0x29: {  	[tilespmem:s23], [sflag:$0x2] =	stream.indirect.gather [hbm4b:s3+s8], $0x40, s22, s8, $0xb8;
	[tilespmem:$0x1C900] =	vst v63  }
0x2a: {  	_ = 	snop  }
0x2b: {  	[tilespmem:s25], [sflag:$0x2] =	stream.indirect.gather [hbm4b:s3+s8], $0x40, s24, s8, $0xb8;
	[tilespmem:$0x1C900] =	vst v63  }
0x2c: {  	_ = 	snop  }
0x2d: {  	[tilespmem:s28], [sflag:$0x2] =	stream.indirect.gather [hbm4b:s3+s8], $0x40, s26, s8, $0xb8;
	[tilespmem:$0x1C900] =	vst v63  }
0x2e: {  	_ = 	snop  }
0x2f: {  	[tilespmem:s30], [sflag:$0x2] =	stream.indirect.gather [hbm4b:s3+s8], $0x40, s29, s8, $0xb8;
	[tilespmem:$0x1C900] =	vst v63  }
0x30: {  	_ = 	snop  }
0x31: {  	[tilespmem:s1], [sflag:$0x2] =	stream.indirect.gather [hbm4b:s3+s8], $0x40, s31, s8, $0xb8;
	[tilespmem:$0x1C900] =	vst v63  }
0x32: {  	_ = 	snop  }
0x33: {  	[tilespmem:s9], [sflag:$0x2] =	stream.indirect.gather [hbm4b:s3+s8], $0x40, s0, s8, $0xb8;
	[tilespmem:$0x1C900] =	vst v63  }
0x34: {  	s16 =	simm.s32 $0x0  }
0x35: {  	[tilespmem:s11], [sflag:$0x2] =	stream.indirect.gather [hbm4b:s3+s19], $0x40, s10, s19, $0xb8;
	[tilespmem:$0x1C900] =	vst v63  }
.LBB2_2:
0x36: {  	_ =	swait.ge [sflag:s12], $0x2000  }
0x37: {  	[sflag:s12] =	ssyncset.done $0x0  }
0x38: {  	[sflag:s12] =	ssyncadd.s32 $0xFFFFE000  }
0x39: {  	_ =	swait.ge [sflag:s12], $0x2000  }
0x3a: {  	[sflag:s12] =	ssyncset.done $0x0  }
0x3b: {  	[sflag:s12] =	ssyncadd.s32 $0xFFFFE000  }
0x3c: {  	_ =	swait.ge [sflag:s12], $0x2000  }
0x3d: {  	[sflag:s12] =	ssyncset.done $0x0  }
0x3e: {  	[sflag:s12] =	ssyncadd.s32 $0xFFFFE000  }
0x3f: {  	_ =	swait.ge [sflag:s12], $0x2000  }
0x40: {  	[sflag:s12] =	ssyncset.done $0x0  }
0x41: {  	[sflag:s12] =	ssyncadd.s32 $0xFFFFE000  }
0x42: {  	_ =	swait.ge [sflag:s12], $0x2000  }
0x43: {  	[sflag:s12] =	ssyncset.done $0x0  }
0x44: {  	[sflag:s12] =	ssyncadd.s32 $0xFFFFE000  }
0x45: {  	_ =	swait.ge [sflag:s12], $0x2000  }
0x46: {  	s17 =	sshll.u32 s16, $0xB;
	[sflag:s12] =	ssyncset.done $0x0  }
0x47: {  	s17 =	sand.u32 $0x3FFFF800, s17;
	[sflag:s12] =	ssyncadd.s32 $0xFFFFE000  }
0x48: {  	s18 =	sadd.s32 $0x1A900, s17;
	_ =	swait.ge [sflag:s12], $0x800  }
0x49: {  	v5 =	vmov s18;
	[sflag:s12] =	ssyncset.done $0x0  }
0x4a: {  	s17 =	simm.s32 $0x0;
	[tilespmem:$0x1FFF0] =	vst v5;
	[sflag:s12] =	ssyncadd.s32 $0xFFFFF800  }
.LBB2_3:
0x4b: {  	s18 =	smul.u32 $0x3200, s17;
	_ =	sdelay $0x1  }
0x4c: {  	s18 =	sshra.s32 s18, $0x2  }
0x4d: {  	v54 =	vld [tilespmem:s18+$0x1CE0];
	_ =	sdelay $0x4  }
0x4e: {  	[tilespmem:$0x1FD20] =	vst v54;
	v54 =	vld [tilespmem:s18+$0x1D00];
	_ =	sdelay $0x4  }
0x4f: {  	[tilespmem:$0x1FD30] =	vst v54;
	v54 =	vld [tilespmem:s18+$0x1D10];
	_ =	sdelay $0x4  }
0x50: {  	[tilespmem:$0x1FD40] =	vst v54;
	v54 =	vld [tilespmem:s18+$0x1D20];
	_ =	sdelay $0x4  }
0x51: {  	[tilespmem:$0x1FD50] =	vst v54;
	v54 =	vld [tilespmem:s18+$0x1D30];
	_ =	sdelay $0x1  }
0x52: {  	v5 =	vld [tilespmem:s18+$0x1900]  }
0x53: {  	v10 =	vld [tilespmem:s18+$0x1910]  }
0x54: {  	v13 =	vld [tilespmem:s18+$0x1920]  }
0x55: {  	[tilespmem:$0x1FD60] =	vst v54;
	v54 =	vld [tilespmem:s18+$0x1D40]  }
0x56: {  	v18 =	vld [tilespmem:s18+$0x1930]  }
0x57: {  	v21 =	vld [tilespmem:s18+$0x1940]  }
0x58: {  	v26 =	vld [tilespmem:s18+$0x1950]  }
0x59: {  	v29 =	vld [tilespmem:s18+$0x1960]  }
0x5a: {  	[tilespmem:$0x1FD70] =	vst v54;
	v54 =	vld [tilespmem:s18+$0x1D50]  }
0x5b: {  	v34 =	vld [tilespmem:s18+$0x1970]  }
0x5c: {  	v37 =	vld [tilespmem:s18+$0x1980]  }
0x5d: {  	v42 =	vld [tilespmem:s18+$0x1990]  }
0x5e: {  	v45 =	vld [tilespmem:s18+$0x19A0]  }
0x5f: {  	[tilespmem:$0x1FD80] =	vst v54;
	v54 =	vld [tilespmem:s18+$0x1D60]  }
0x60: {  	v50 =	vld [tilespmem:s18+$0x19B0]  }
0x61: {  	v53 =	vld [tilespmem:s18+$0x19C0]  }
0x62: {  	v56 =	vld [tilespmem:s18+$0x19D0]  }
0x63: {  	v57 =	vld [tilespmem:s18+$0x19E0]  }
0x64: {  	[tilespmem:$0x1FD90] =	vst v54;
	v54 =	vld [tilespmem:s18+$0x1D70]  }
0x65: {  	v58 =	vld [tilespmem:s18+$0x19F0]  }
0x66: {  	v59 =	vld [tilespmem:s18+$0x1A00]  }
0x67: {  	v60 =	vld [tilespmem:s18+$0x1A10]  }
0x68: {  	v61 =	vld [tilespmem:s18+$0x1A20]  }
0x69: {  	[tilespmem:$0x1FDA0] =	vst v54;
	v54 =	vld [tilespmem:s18+$0x1D80]  }
0x6a: {  	v62 =	vld [tilespmem:s18+$0x1A30]  }
0x6b: {  	v63 =	vld [tilespmem:s18+$0x1A40]  }
0x6c: {  	v0 =	vld [tilespmem:s18+$0x1A50]  }
0x6d: {  	v1 =	vld [tilespmem:s18+$0x1A60]  }
0x6e: {  	[tilespmem:$0x1FDB0] =	vst v54;
	v54 =	vld [tilespmem:s18+$0x1D90]  }
0x6f: {  	v2 =	vld [tilespmem:s18+$0x1A70]  }
0x70: {  	v3 =	vld [tilespmem:s18+$0x1A80]  }
0x71: {  	v4 =	vld [tilespmem:s18+$0x1A90]  }
0x72: {  	v6 =	vld [tilespmem:s18+$0x1AA0]  }
0x73: {  	[tilespmem:$0x1FDC0] =	vst v54;
	v54 =	vld [tilespmem:s18+$0x1DA0]  }
0x74: {  	v7 =	vld [tilespmem:s18+$0x1AB0]  }
0x75: {  	v8 =	vld [tilespmem:s18+$0x1AC0]  }
0x76: {  	v9 =	vld [tilespmem:s18+$0x1AD0]  }
0x77: {  	v11 =	vld [tilespmem:s18+$0x1AE0]  }
0x78: {  	[tilespmem:$0x1FDD0] =	vst v54;
	v54 =	vld [tilespmem:s18+$0x1DB0]  }
0x79: {  	v12 =	vld [tilespmem:s18+$0x1AF0]  }
0x7a: {  	v14 =	vld [tilespmem:s18+$0x1B00]  }
0x7b: {  	v15 =	vld [tilespmem:s18+$0x1B10]  }
0x7c: {  	v16 =	vld [tilespmem:s18+$0x1B20]  }
0x7d: {  	[tilespmem:$0x1FDE0] =	vst v54;
	v54 =	vld [tilespmem:s18+$0x1DC0]  }
0x7e: {  	v17 =	vld [tilespmem:s18+$0x1B30]  }
0x7f: {  	v19 =	vld [tilespmem:s18+$0x1B40]  }
0x80: {  	v20 =	vld [tilespmem:s18+$0x1B50]  }
0x81: {  	v22 =	vld [tilespmem:s18+$0x1B60]  }
0x82: {  	[tilespmem:$0x1FDF0] =	vst v54;
	v54 =	vld [tilespmem:s18+$0x1DD0]  }
0x83: {  	v23 =	vld [tilespmem:s18+$0x1B70]  }
0x84: {  	v24 =	vld [tilespmem:s18+$0x1B80]  }
0x85: {  	v25 =	vld [tilespmem:s18+$0x1B90]  }
0x86: {  	v27 =	vld [tilespmem:s18+$0x1BA0]  }
0x87: {  	[tilespmem:$0x1FE00] =	vst v54;
	v54 =	vld [tilespmem:s18+$0x1DE0]  }
0x88: {  	v28 =	vld [tilespmem:s18+$0x1BB0]  }
0x89: {  	v30 =	vld [tilespmem:s18+$0x1BC0]  }
0x8a: {  	v31 =	vld [tilespmem:s18+$0x1BD0]  }
0x8b: {  	v32 =	vld [tilespmem:s18+$0x1BE0]  }
0x8c: {  	[tilespmem:$0x1FE10] =	vst v54;
	v54 =	vld [tilespmem:s18+$0x1DF0]  }
0x8d: {  	v33 =	vld [tilespmem:s18+$0x1BF0]  }
0x8e: {  	v35 =	vld [tilespmem:s18+$0x1C00]  }
0x8f: {  	v36 =	vld [tilespmem:s18+$0x1C10]  }
0x90: {  	v38 =	vld [tilespmem:s18+$0x1C20]  }
0x91: {  	[tilespmem:$0x1FE20] =	vst v54;
	v54 =	vld [tilespmem:s18+$0x1E00]  }
0x92: {  	v39 =	vld [tilespmem:s18+$0x1C30]  }
0x93: {  	v40 =	vld [tilespmem:s18+$0x1C40]  }
0x94: {  	v41 =	vld [tilespmem:s18+$0x1C50]  }
0x95: {  	v43 =	vld [tilespmem:s18+$0x1C60]  }
0x96: {  	[tilespmem:$0x1FE30] =	vst v54;
	v54 =	vld [tilespmem:s18+$0x1E10]  }
0x97: {  	v44 =	vld [tilespmem:s18+$0x1C70]  }
0x98: {  	v46 =	vld [tilespmem:s18+$0x1C80]  }
0x99: {  	v47 =	vld [tilespmem:s18+$0x1C90]  }
0x9a: {  	v48 =	vld [tilespmem:s18+$0x1CA0]  }
0x9b: {  	[tilespmem:$0x1FE40] =	vst v54;
	v54 =	vld [tilespmem:s18+$0x1E20]  }
0x9c: {  	v49 =	vld [tilespmem:s18+$0x1CB0]  }
0x9d: {  	v51 =	vld [tilespmem:s18+$0x1CC0]  }
0x9e: {  	v52 =	vld [tilespmem:s18+$0x1CD0]  }
0x9f: {  	v55 =	vld [tilespmem:s18+$0x1CF0]  }
0xa0: {  	[tilespmem:$0x1FE50] =	vst v54;
	v54 =	vld [tilespmem:s18+$0x1E30]  }
0xa1: {  	v37 =	vadd.f32 v37, v5;
	v5 =	vld [tilespmem:s18+$0x1FC0]  }
0xa2: {  	v42 =	vadd.f32 v42, v10;
	v10 =	vld [tilespmem:s18+$0x1FD0]  }
0xa3: {  	v45 =	vadd.f32 v45, v13;
	v13 =	vld [tilespmem:s18+$0x1FE0]  }
0xa4: {  	v50 =	vadd.f32 v50, v18;
	v18 =	vld [tilespmem:s18+$0x1FF0]  }
0xa5: {  	[tilespmem:$0x1FE60] =	vst v54;
	v54 =	vld [tilespmem:s18+$0x1E40]  }
0xa6: {  	v53 =	vadd.f32 v53, v21;
	v21 =	vld [tilespmem:s18+$0x2000]  }
0xa7: {  	v56 =	vadd.f32 v56, v26;
	v34 =	vadd.f32 v58, v34;
	v26 =	vld [tilespmem:s18+$0x2010]  }
0xa8: {  	v57 =	vadd.f32 v57, v29;
	v29 =	vld [tilespmem:s18+$0x2020]  }
0xa9: {  	v37 =	vadd.f32 v59, v37;
	v2 =	vadd.f32 v2, v34;
	v34 =	vld [tilespmem:s18+$0x2030]  }
0xaa: {  	v42 =	vadd.f32 v60, v42;
	[tilespmem:$0x1FE70] =	vst v54;
	v54 =	vld [tilespmem:s18+$0x1E50]  }
0xab: {  	v45 =	vadd.f32 v61, v45;
	v3 =	vadd.f32 v3, v37;
	v37 =	vld [tilespmem:s18+$0x2040]  }
0xac: {  	v50 =	vadd.f32 v62, v50;
	v4 =	vadd.f32 v4, v42;
	v42 =	vld [tilespmem:s18+$0x2050]  }
0xad: {  	v6 =	vadd.f32 v6, v45;
	v45 =	vld [tilespmem:s18+$0x2060]  }
0xae: {  	v53 =	vadd.f32 v63, v53;
	v7 =	vadd.f32 v7, v50;
	v50 =	vld [tilespmem:s18+$0x2070]  }
0xaf: {  	v0 =	vadd.f32 v0, v56;
	[tilespmem:$0x1FE80] =	vst v54;
	v54 =	vld [tilespmem:s18+$0x1E60]  }
0xb0: {  	v1 =	vadd.f32 v1, v57;
	v8 =	vadd.f32 v8, v53;
	v53 =	vld [tilespmem:s18+$0x2080]  }
0xb1: {  	v0 =	vadd.f32 v9, v0;
	v9 =	vld [tilespmem:s18+$0x2090]  }
0xb2: {  	v1 =	vadd.f32 v11, v1;
	v11 =	vld [tilespmem:s18+$0x20A0]  }
0xb3: {  	v2 =	vadd.f32 v12, v2;
	v12 =	vld [tilespmem:s18+$0x20B0]  }
0xb4: {  	[tilespmem:$0x1FE90] =	vst v54;
	v54 =	vld [tilespmem:s18+$0x1E70]  }
0xb5: {  	v3 =	vadd.f32 v14, v3;
	v14 =	vld [tilespmem:s18+$0x20C0]  }
0xb6: {  	v4 =	vadd.f32 v15, v4;
	v15 =	vld [tilespmem:s18+$0x20D0]  }
0xb7: {  	v6 =	vadd.f32 v16, v6;
	v16 =	vld [tilespmem:s18+$0x20E0]  }
0xb8: {  	v7 =	vadd.f32 v17, v7;
	v17 =	vld [tilespmem:s18+$0x20F0]  }
0xb9: {  	[tilespmem:$0x1FEA0] =	vst v54;
	v54 =	vld [tilespmem:s18+$0x1E80]  }
0xba: {  	v8 =	vadd.f32 v19, v8;
	v19 =	vld [tilespmem:s18+$0x2100]  }
0xbb: {  	v0 =	vadd.f32 v20, v0;
	v20 =	vld [tilespmem:s18+$0x2110]  }
0xbc: {  	v1 =	vadd.f32 v22, v1;
	v22 =	vld [tilespmem:s18+$0x2120]  }
0xbd: {  	v2 =	vadd.f32 v23, v2;
	v23 =	vld [tilespmem:s18+$0x2130]  }
0xbe: {  	[tilespmem:$0x1FEB0] =	vst v54;
	v54 =	vld [tilespmem:s18+$0x1E90]  }
0xbf: {  	v3 =	vadd.f32 v24, v3;
	v24 =	vld [tilespmem:s18+$0x2140]  }
0xc0: {  	v4 =	vadd.f32 v25, v4;
	v25 =	vld [tilespmem:s18+$0x2150]  }
0xc1: {  	v6 =	vadd.f32 v27, v6;
	v27 =	vld [tilespmem:s18+$0x2160]  }
0xc2: {  	v7 =	vadd.f32 v28, v7;
	v28 =	vld [tilespmem:s18+$0x2170]  }
0xc3: {  	[tilespmem:$0x1FEC0] =	vst v54;
	v54 =	vld [tilespmem:s18+$0x1EA0]  }
0xc4: {  	v8 =	vadd.f32 v30, v8;
	v30 =	vld [tilespmem:s18+$0x2180]  }
0xc5: {  	v0 =	vadd.f32 v31, v0;
	v31 =	vld [tilespmem:s18+$0x2190]  }
0xc6: {  	v1 =	vadd.f32 v32, v1;
	v32 =	vld [tilespmem:s18+$0x21A0]  }
0xc7: {  	v3 =	vadd.f32 v35, v3;
	v35 =	vld [tilespmem:$0x1FD20]  }
0xc8: {  	[tilespmem:$0x1FED0] =	vst v54;
	v54 =	vld [tilespmem:s18+$0x1EB0]  }
0xc9: {  	v4 =	vadd.f32 v36, v4;
	v36 =	vld [tilespmem:$0x1FD30]  }
0xca: {  	v2 =	vadd.f32 v33, v2;
	v33 =	vld [tilespmem:s18+$0x21B0];
	v1 =	vadd.f32 v43, v1  }
0xcb: {  	v6 =	vadd.f32 v38, v6;
	v38 =	vld [tilespmem:$0x1FD40]  }
0xcc: {  	v3 =	vadd.f32 v46, v3;
	v1 =	vadd.f32 v35, v1;
	v35 =	vld [tilespmem:s18+$0x21C0]  }
0xcd: {  	[tilespmem:$0x1FEE0] =	vst v54;
	v54 =	vld [tilespmem:s18+$0x1EC0]  }
0xce: {  	v3 =	vadd.f32 v36, v3;
	v36 =	vld [tilespmem:s18+$0x21D0]  }
0xcf: {  	v7 =	vadd.f32 v39, v7;
	v4 =	vadd.f32 v47, v4;
	v39 =	vld [tilespmem:$0x1FD50]  }
0xd0: {  	v8 =	vadd.f32 v40, v8;
	v40 =	vld [tilespmem:$0x1FD60]  }
0xd1: {  	v4 =	vadd.f32 v38, v4;
	v38 =	vld [tilespmem:s18+$0x21E0]  }
0xd2: {  	v6 =	vadd.f32 v48, v6;
	[tilespmem:$0x1FEF0] =	vst v54;
	v54 =	vld [tilespmem:s18+$0x1ED0]  }
0xd3: {  	v0 =	vadd.f32 v41, v0;
	v7 =	vadd.f32 v49, v7;
	v41 =	vld [tilespmem:$0x1FD70]  }
0xd4: {  	v6 =	vadd.f32 v39, v6;
	v39 =	vld [tilespmem:s18+$0x21F0]  }
0xd5: {  	v7 =	vadd.f32 v40, v7;
	v40 =	vld [tilespmem:s18+$0x2200]  }
0xd6: {  	v8 =	vadd.f32 v51, v8;
	v43 =	vld [tilespmem:$0x1FD80]  }
0xd7: {  	[tilespmem:$0x1FF00] =	vst v54;
	v54 =	vld [tilespmem:s18+$0x1EE0]  }
0xd8: {  	v8 =	vadd.f32 v41, v8;
	v41 =	vld [tilespmem:s18+$0x2210]  }
0xd9: {  	v2 =	vadd.f32 v44, v2;
	v0 =	vadd.f32 v52, v0;
	v44 =	vld [tilespmem:$0x1FD90]  }
0xda: {  	v46 =	vld [tilespmem:$0x1FDA0]  }
0xdb: {  	v0 =	vadd.f32 v43, v0;
	v43 =	vld [tilespmem:s18+$0x2220]  }
0xdc: {  	[tilespmem:$0x1FF10] =	vst v54;
	v54 =	vld [tilespmem:s18+$0x1EF0]  }
0xdd: {  	v2 =	vadd.f32 v55, v2;
	v47 =	vld [tilespmem:$0x1FDB0]  }
0xde: {  	v1 =	vadd.f32 v44, v1;
	v44 =	vld [tilespmem:s18+$0x2230]  }
0xdf: {  	v2 =	vadd.f32 v46, v2;
	v46 =	vld [tilespmem:s18+$0x2240]  }
0xe0: {  	v48 =	vld [tilespmem:$0x1FDC0]  }
0xe1: {  	[tilespmem:$0x1FF20] =	vst v54;
	v54 =	vld [tilespmem:s18+$0x1F00]  }
0xe2: {  	v3 =	vadd.f32 v47, v3;
	v47 =	vld [tilespmem:s18+$0x2250]  }
0xe3: {  	v49 =	vld [tilespmem:$0x1FDD0]  }
0xe4: {  	v51 =	vld [tilespmem:$0x1FDE0]  }
0xe5: {  	v52 =	vld [tilespmem:$0x1FDF0]  }
0xe6: {  	[tilespmem:$0x1FF30] =	vst v54;
	v54 =	vld [tilespmem:s18+$0x1F10]  }
0xe7: {  	v55 =	vld [tilespmem:$0x1FE10]  }
0xe8: {  	v56 =	vld [tilespmem:$0x1FE20]  }
0xe9: {  	v57 =	vld [tilespmem:$0x1FE30]  }
0xea: {  	v58 =	vld [tilespmem:$0x1FE40]  }
0xeb: {  	[tilespmem:$0x1FF40] =	vst v54;
	v54 =	vld [tilespmem:s18+$0x1F20]  }
0xec: {  	v59 =	vld [tilespmem:$0x1FE50]  }
0xed: {  	v60 =	vld [tilespmem:$0x1FE60]  }
0xee: {  	v61 =	vld [tilespmem:$0x1FE70]  }
0xef: {  	v4 =	vadd.f32 v48, v4;
	v48 =	vld [tilespmem:$0x1FEA0]  }
0xf0: {  	[tilespmem:$0x1FF50] =	vst v54;
	v54 =	vld [tilespmem:s18+$0x1F30]  }
0xf1: {  	v62 =	vld [tilespmem:$0x1FE80]  }
0xf2: {  	v2 =	vadd.f32 v56, v2;
	v63 =	vld [tilespmem:$0x1FE90]  }
0xf3: {  	v6 =	vadd.f32 v49, v6;
	v49 =	vld [tilespmem:$0x1FEB0]  }
0xf4: {  	v2 =	vadd.f32 v48, v2;
	v48 =	vld [tilespmem:s18+$0x2260]  }
0xf5: {  	[tilespmem:$0x1FF60] =	vst v54;
	v54 =	vld [tilespmem:s18+$0x1F40]  }
0xf6: {  	v7 =	vadd.f32 v51, v7;
	v3 =	vadd.f32 v57, v3;
	v51 =	vld [tilespmem:$0x1FEC0]  }
0xf7: {  	v8 =	vadd.f32 v52, v8;
	v52 =	vld [tilespmem:$0x1FED0]  }
0xf8: {  	v3 =	vadd.f32 v49, v3;
	v49 =	vld [tilespmem:s18+$0x2270]  }
0xf9: {  	v1 =	vadd.f32 v55, v1;
	v4 =	vadd.f32 v58, v4;
	v55 =	vld [tilespmem:$0x1FEF0]  }
0xfa: {  	v6 =	vadd.f32 v59, v6;
	[tilespmem:$0x1FF70] =	vst v54;
	v54 =	vld [tilespmem:s18+$0x1F50]  }
0xfb: {  	v4 =	vadd.f32 v51, v4;
	v51 =	vld [tilespmem:s18+$0x2280]  }
0xfc: {  	v8 =	vadd.f32 v61, v8;
	v6 =	vadd.f32 v52, v6;
	v52 =	vld [tilespmem:s18+$0x2290]  }
0xfd: {  	v56 =	vld [tilespmem:$0x1FF00]  }
0xfe: {  	v8 =	vadd.f32 v55, v8;
	v55 =	vld [tilespmem:s18+$0x22B0]  }
0xff: {  	[tilespmem:$0x1FF80] =	vst v54;
	v54 =	vld [tilespmem:s18+$0x1F60]  }
0x100: {  	v1 =	vadd.f32 v63, v1;
	v63 =	vld [tilespmem:$0x1FF70]  }
0x101: {  	v57 =	vld [tilespmem:$0x1FF10]  }
0x102: {  	v58 =	vld [tilespmem:$0x1FF20]  }
0x103: {  	v59 =	vld [tilespmem:$0x1FF30]  }
0x104: {  	[tilespmem:$0x1FF90] =	vst v54;
	v54 =	vld [tilespmem:s18+$0x1F70]  }
0x105: {  	v7 =	vadd.f32 v60, v7;
	v60 =	vld [tilespmem:$0x1FF40];
	v8 =	vadd.f32 v63, v8  }
0x106: {  	v61 =	vld [tilespmem:$0x1FF50]  }
0x107: {  	v1 =	vadd.f32 v57, v1;
	v57 =	vld [tilespmem:$0x1FF80];
	v5 =	vadd.f32 v5, v8  }
0x108: {  	v2 =	vadd.f32 v58, v2;
	v58 =	vld [tilespmem:$0x1FF90]  }
0x109: {  	v5 =	vadd.f32 v37, v5;
	[tilespmem:$0x1FFA0] =	vst v54;
	v54 =	vld [tilespmem:s18+$0x1F80]  }
0x10a: {  	v8 =	vld [tilespmem:s18+$0x22E0]  }
0x10b: {  	v37 =	vld [tilespmem:s18+$0x23F0];
	v5 =	vadd.f32 v14, v5  }
0x10c: {  	v3 =	vadd.f32 v59, v3;
	v59 =	vld [tilespmem:$0x1FFA0]  }
0x10d: {  	v5 =	vadd.f32 v24, v5;
	v1 =	vadd.f32 v58, v1;
	v58 =	vld [tilespmem:s18+$0x2380]  }
0x10e: {  	[tilespmem:$0x1FFB0] =	vst v54;
	v54 =	vld [tilespmem:s18+$0x1F90]  }
0x10f: {  	v5 =	vadd.f32 v35, v5;
	v1 =	vadd.f32 v13, v1;
	v13 =	vld [tilespmem:s18+$0x2300]  }
0x110: {  	v4 =	vadd.f32 v60, v4;
	v60 =	vld [tilespmem:$0x1FFB0]  }
0x111: {  	v5 =	vadd.f32 v46, v5;
	v46 =	vld [tilespmem:s18+$0x2480]  }
0x112: {  	v1 =	vadd.f32 v45, v1;
	v45 =	vld [tilespmem:s18+$0x2470]  }
0x113: {  	v2 =	vadd.f32 v59, v2;
	[tilespmem:$0x1FFC0] =	vst v54;
	v54 =	vld [tilespmem:s18+$0x1FA0]  }
0x114: {  	v6 =	vadd.f32 v61, v6;
	v59 =	vld [tilespmem:s18+$0x2390]  }
0x115: {  	v2 =	vadd.f32 v18, v2;
	v3 =	vadd.f32 v60, v3;
	v61 =	vld [tilespmem:$0x1FFC0]  }
0x116: {  	v1 =	vadd.f32 v16, v1;
	v18 =	vld [tilespmem:s18+$0x2310]  }
0x117: {  	v2 =	vadd.f32 v50, v2;
	v50 =	vld [tilespmem:s18+$0x2360];
	v3 =	vadd.f32 v21, v3  }
0x118: {  	v1 =	vadd.f32 v27, v1;
	[tilespmem:$0x1FFD0] =	vst v54;
	v54 =	vld [tilespmem:s18+$0x1FB0]  }
0x119: {  	v60 =	vld [tilespmem:s18+$0x23A0];
	v3 =	vadd.f32 v53, v3  }
0x11a: {  	v1 =	vadd.f32 v38, v1;
	v38 =	vld [tilespmem:s18+$0x2400];
	v4 =	vadd.f32 v61, v4  }
0x11b: {  	v2 =	vadd.f32 v17, v2;
	v21 =	vld [tilespmem:s18+$0x2320];
	v3 =	vadd.f32 v19, v3  }
0x11c: {  	v1 =	vadd.f32 v48, v1;
	v48 =	vld [tilespmem:s18+$0x24A0];
	v4 =	vadd.f32 v26, v4  }
0x11d: {  	v3 =	vadd.f32 v30, v3;
	[tilespmem:$0x1FFE0] =	vst v54;
	v54 =	vld [tilespmem:$0x1FE00]  }
0x11e: {  	v2 =	vadd.f32 v28, v2;
	v53 =	vld [tilespmem:s18+$0x2370];
	v4 =	vadd.f32 v9, v4  }
0x11f: {  	v1 =	vadd.f32 v8, v1;
	v61 =	vld [tilespmem:s18+$0x23B0];
	v3 =	vadd.f32 v40, v3  }
0x120: {  	v2 =	vadd.f32 v39, v2;
	v39 =	vld [tilespmem:s18+$0x2410];
	v4 =	vadd.f32 v20, v4  }
0x121: {  	v1 =	vadd.f32 v50, v1;
	v50 =	vld [tilespmem:s18+$0x24C0];
	v3 =	vadd.f32 v51, v3  }
0x122: {  	v4 =	vadd.f32 v31, v4;
	v0 =	vadd.f32 v54, v0;
	v54 =	vld [tilespmem:$0x1FEE0]  }
0x123: {  	v26 =	vld [tilespmem:s18+$0x2330];
	v3 =	vadd.f32 v13, v3  }
0x124: {  	v4 =	vadd.f32 v41, v4;
	v0 =	vadd.f32 v62, v0;
	v62 =	vld [tilespmem:$0x1FF60]  }
0x125: {  	v2 =	vadd.f32 v49, v2;
	v49 =	vld [tilespmem:s18+$0x24B0]  }
0x126: {  	v63 =	vld [tilespmem:$0x1FFE0];
	v3 =	vadd.f32 v58, v3;
	v4 =	vadd.f32 v52, v4  }
0x127: {  	v0 =	vadd.f32 v56, v0;
	v56 =	vld [tilespmem:s18+$0x22C0];
	v7 =	vadd.f32 v54, v7  }
0x128: {  	v9 =	vld [tilespmem:s18+$0x2340];
	v3 =	vadd.f32 v38, v3;
	v4 =	vadd.f32 v18, v4  }
0x129: {  	v0 =	vadd.f32 v57, v0;
	v7 =	vadd.f32 v62, v7;
	v62 =	vld [tilespmem:$0x1FFD0]  }
0x12a: {  	v40 =	vld [tilespmem:s18+$0x2420];
	v3 =	vadd.f32 v46, v3;
	v4 =	vadd.f32 v59, v4  }
0x12b: {  	v0 =	vadd.f32 v10, v0;
	v10 =	vld [tilespmem:s18+$0x22F0];
	v7 =	vadd.f32 v63, v7  }
0x12c: {  	v51 =	vld [tilespmem:s18+$0x24D0];
	v5 =	vadd.f32 v56, v5;
	v4 =	vadd.f32 v39, v4  }
0x12d: {  	v41 =	vld [tilespmem:s18+$0x2430];
	v0 =	vadd.f32 v42, v0;
	v7 =	vadd.f32 v34, v7  }
0x12e: {  	v58 =	vld [tilespmem:s18+$0x2540];
	v5 =	vadd.f32 v9, v5;
	v6 =	vadd.f32 v62, v6  }
0x12f: {  	v0 =	vadd.f32 v15, v0;
	v62 =	vld [tilespmem:s18+$0x23C0];
	v7 =	vadd.f32 v12, v7  }
0x130: {  	v52 =	vld [tilespmem:s18+$0x24E0];
	v2 =	vadd.f32 v10, v2;
	v6 =	vadd.f32 v29, v6  }
0x131: {  	v42 =	vld [tilespmem:s18+$0x2440];
	v0 =	vadd.f32 v25, v0;
	v7 =	vadd.f32 v23, v7  }
0x132: {  	v54 =	vld [tilespmem:s18+$0x22A0];
	v2 =	vadd.f32 v53, v2;
	v6 =	vadd.f32 v11, v6  }
0x133: {  	v57 =	vld [tilespmem:s18+$0x22D0];
	v0 =	vadd.f32 v36, v0;
	v7 =	vadd.f32 v33, v7  }
0x134: {  	v36 =	vld [tilespmem:s18+$0x23E0];
	v5 =	vadd.f32 v62, v5;
	v2 =	vadd.f32 v37, v2  }
0x135: {  	v53 =	vld [tilespmem:s18+$0x24F0];
	v6 =	vadd.f32 v22, v6;
	v0 =	vadd.f32 v47, v0  }
0x136: {  	v11 =	vld [tilespmem:s18+$0x2350];
	v7 =	vadd.f32 v44, v7;
	v5 =	vadd.f32 v42, v5  }
0x137: {  	v47 =	vld [tilespmem:s18+$0x2490];
	v2 =	vadd.f32 v45, v2;
	v6 =	vadd.f32 v32, v6  }
0x138: {  	v44 =	vld [tilespmem:s18+$0x2460];
	v0 =	vadd.f32 v57, v0;
	v7 =	vadd.f32 v55, v7  }
0x139: {  	v59 =	vld [tilespmem:s18+$0x2550];
	v1 =	vadd.f32 v36, v1;
	v5 =	vadd.f32 v50, v5  }
0x13a: {  	v63 =	vld [tilespmem:s18+$0x23D0];
	v2 =	vadd.f32 v53, v2;
	v6 =	vadd.f32 v43, v6  }
0x13b: {  	v55 =	vld [tilespmem:s18+$0x2510];
	v0 =	vadd.f32 v11, v0;
	v7 =	vadd.f32 v26, v7  }
0x13c: {  	v43 =	vld [tilespmem:s18+$0x2450];
	v4 =	vadd.f32 v47, v4;
	v6 =	vadd.f32 v54, v6  }
0x13d: {  	v56 =	vld [tilespmem:s18+$0x2520];
	v5 =	vadd.f32 v58, v5;
	v1 =	vadd.f32 v44, v1  }
0x13e: {  	v54 =	vld [tilespmem:s18+$0x2500];
	v7 =	vadd.f32 v61, v7;
	v6 =	vadd.f32 v21, v6  }
0x13f: {  	v0 =	vadd.f32 v63, v0;
	v61 =	vld [tilespmem:s18+$0x2570];
	v1 =	vadd.f32 v52, v1  }
0x140: {  	v62 =	vld [tilespmem:$0x1FFF0];
	v7 =	vadd.f32 v41, v7;
	v6 =	vadd.f32 v60, v6  }
0x141: {  	v4 =	vadd.f32 v55, v4;
	v0 =	vadd.f32 v43, v0;
	v60 =	vld [tilespmem:s18+$0x2560]  }
0x142: {  	v57 =	vld [tilespmem:s18+$0x2530];
	v7 =	vadd.f32 v49, v7;
	v6 =	vadd.f32 v40, v6  }
0x143: {  	v0 =	vadd.f32 v51, v0;
	v3 =	vadd.f32 v54, v3  }
0x144: {  	v2 =	vadd.f32 v61, v2;
	v6 =	vadd.f32 v48, v6  }
0x145: {  	v0 =	vadd.f32 v59, v0;
	v3 =	vadd.f32 v5, v3  }
0x146: {  	s21 =	sshll.u32 s17, $0x6;
	p0 =	sne.s32 s17, $0xF;
	v1 =	vadd.f32 v60, v1;
	v6 =	vadd.f32 v56, v6  }
.Ltmp2:
0x147: {  	s18 =	sand.u32 $0x3FFFFFC0, s21;
	v7 =	vadd.f32 v57, v7;
	v0 =	vadd.f32 v0, v4;
	(pc) =	sbr.rel @p0 .LBB2_3-.Ltmp2, $4  }
0x148: {  	[tilespmem:v62+s18+$0x0 ss:$0x1] =	vst.idx.msk $0xffff, v3;
	v1 =	vadd.f32 v1, v6  }
0x149: {  	v63 =	vadd.f32 v2, v7;
	[tilespmem:v62+s18+$0x10 ss:$0x1] =	vst.idx.msk $0xffff, v0  }
0x14a: {  	[tilespmem:v62+s18+$0x20 ss:$0x1] =	vst.idx.msk $0xffff, v1  }
0x14b: {  	s17 =	sadd.s32 $0x1, s17;
	[tilespmem:v62+s18+$0x30 ss:$0x1] =	vst.idx.msk $0xffff, v63  }
0x14c: {  	p0 =	seq.s32 s16, $0x3  }
0x14d: {  	s17 =	smul.u32 @!p0 $0x1900, s16;
	_ =	sdelay $0x1  }
0x14e: {  	s17 =	sshra.s32 @!p0 s17, $0x2  }
0x14f: {  	s20 =	simm.s32 @!p0 $0x80;
	s21 =	simm.s32 @!p0 $0x1900;
	s18 =	sadd.s32 @!p0 $0x640, s17  }
0x150: {  	[tilespmem:s21], [sflag:$0x1] =	stream.indirect.gather @!p0 [hbm4b:s3+s20], $0x40, s18, s20, $0xb8;
	[tilespmem:$0x1C900] =	vst v63  }
0x151: {  	s18 =	sadd.s32 @!p0 $0x6C0, s17;
	s21 =	simm.s32 @!p0 $0x3900  }
0x152: {  	[tilespmem:s21], [sflag:$0x1] =	stream.indirect.gather @!p0 [hbm4b:s3+s20], $0x40, s18, s20, $0xb8;
	[tilespmem:$0x1C900] =	vst v63  }
0x153: {  	s18 =	sadd.s32 @!p0 $0x740, s17;
	s21 =	simm.s32 @!p0 $0x5900  }
0x154: {  	[tilespmem:s21], [sflag:$0x1] =	stream.indirect.gather @!p0 [hbm4b:s3+s20], $0x40, s18, s20, $0xb8;
	[tilespmem:$0x1C900] =	vst v63  }
0x155: {  	s18 =	sadd.s32 @!p0 $0x7C0, s17;
	s21 =	simm.s32 @!p0 $0x7900  }
0x156: {  	[tilespmem:s21], [sflag:$0x1] =	stream.indirect.gather @!p0 [hbm4b:s3+s20], $0x40, s18, s20, $0xb8;
	[tilespmem:$0x1C900] =	vst v63  }
0x157: {  	s18 =	sadd.s32 @!p0 $0x840, s17;
	s21 =	simm.s32 @!p0 $0x9900  }
0x158: {  	[tilespmem:s21], [sflag:$0x1] =	stream.indirect.gather @!p0 [hbm4b:s3+s20], $0x40, s18, s20, $0xb8;
	[tilespmem:$0x1C900] =	vst v63  }
0x159: {  	s18 =	sadd.s32 @!p0 $0x8C0, s17;
	s21 =	simm.s32 @!p0 $0xB900  }
0x15a: {  	[tilespmem:s21], [sflag:$0x1] =	stream.indirect.gather @!p0 [hbm4b:s3+s20], $0x40, s18, s20, $0xb8;
	[tilespmem:$0x1C900] =	vst v63  }
0x15b: {  	s17 =	sadd.s32 @!p0 $0x940, s17;
	s18 =	simm.s32 @!p0 $0x20;
	s20 =	simm.s32 @!p0 $0xD900  }
0x15c: {  	[tilespmem:s20], [sflag:$0x1] =	stream.indirect.gather @!p0 [hbm4b:s3+s18], $0x40, s17, s18, $0xb8;
	[tilespmem:$0x1C900] =	vst v63  }
0x15d: {  	_ =	swait.ge [sflag:s13], $0x2000  }
0x15e: {  	[sflag:s13] =	ssyncset.done $0x0  }
0x15f: {  	[sflag:s13] =	ssyncadd.s32 $0xFFFFE000  }
0x160: {  	_ =	swait.ge [sflag:s13], $0x2000  }
0x161: {  	[sflag:s13] =	ssyncset.done $0x0  }
0x162: {  	[sflag:s13] =	ssyncadd.s32 $0xFFFFE000  }
0x163: {  	_ =	swait.ge [sflag:s13], $0x2000  }
0x164: {  	[sflag:s13] =	ssyncset.done $0x0  }
0x165: {  	[sflag:s13] =	ssyncadd.s32 $0xFFFFE000  }
0x166: {  	_ =	swait.ge [sflag:s13], $0x2000  }
0x167: {  	[sflag:s13] =	ssyncset.done $0x0  }
0x168: {  	[sflag:s13] =	ssyncadd.s32 $0xFFFFE000  }
0x169: {  	_ =	swait.ge [sflag:s13], $0x2000  }
0x16a: {  	[sflag:s13] =	ssyncset.done $0x0  }
0x16b: {  	[sflag:s13] =	ssyncadd.s32 $0xFFFFE000  }
0x16c: {  	_ =	swait.ge [sflag:s13], $0x2000  }
0x16d: {  	[sflag:s13] =	ssyncset.done $0x0  }
0x16e: {  	[sflag:s13] =	ssyncadd.s32 $0xFFFFE000  }
0x16f: {  	_ =	swait.ge [sflag:s13], $0x800  }
0x170: {  	[sflag:s13] =	ssyncset.done $0x0  }
0x171: {  	s17 =	simm.s32 $0x0;
	[sflag:s13] =	ssyncadd.s32 $0xFFFFF800  }
.LBB2_5:
0x172: {  	s18 =	smul.u32 $0x3200, s17;
	_ =	sdelay $0x1  }
0x173: {  	s18 =	sshra.s32 s18, $0x2  }
0x174: {  	v54 =	vld [tilespmem:s18+$0xE4E0];
	_ =	sdelay $0x4  }
0x175: {  	[tilespmem:$0x1FA50] =	vst v54;
	v54 =	vld [tilespmem:s18+$0xE500];
	_ =	sdelay $0x4  }
0x176: {  	[tilespmem:$0x1FA60] =	vst v54;
	v54 =	vld [tilespmem:s18+$0xE510];
	_ =	sdelay $0x4  }
0x177: {  	[tilespmem:$0x1FA70] =	vst v54;
	v54 =	vld [tilespmem:s18+$0xE520];
	_ =	sdelay $0x4  }
0x178: {  	[tilespmem:$0x1FA80] =	vst v54;
	v54 =	vld [tilespmem:s18+$0xE530];
	_ =	sdelay $0x4  }
0x179: {  	[tilespmem:$0x1FA90] =	vst v54;
	v54 =	vld [tilespmem:s18+$0xE540];
	_ =	sdelay $0x4  }
0x17a: {  	[tilespmem:$0x1FAA0] =	vst v54;
	v54 =	vld [tilespmem:s18+$0xE550];
	_ =	sdelay $0x4  }
0x17b: {  	[tilespmem:$0x1FAB0] =	vst v54;
	v54 =	vld [tilespmem:s18+$0xE560];
	_ =	sdelay $0x4  }
0x17c: {  	[tilespmem:$0x1FAC0] =	vst v54;
	v54 =	vld [tilespmem:s18+$0xE570];
	_ =	sdelay $0x4  }
0x17d: {  	[tilespmem:$0x1FAD0] =	vst v54;
	v54 =	vld [tilespmem:s18+$0xE580];
	_ =	sdelay $0x4  }
0x17e: {  	[tilespmem:$0x1FAE0] =	vst v54;
	v54 =	vld [tilespmem:s18+$0xE590];
	_ =	sdelay $0x4  }
0x17f: {  	[tilespmem:$0x1FAF0] =	vst v54;
	v54 =	vld [tilespmem:s18+$0xE5A0];
	_ =	sdelay $0x4  }
0x180: {  	[tilespmem:$0x1FB00] =	vst v54;
	v54 =	vld [tilespmem:s18+$0xE5B0];
	_ =	sdelay $0x4  }
0x181: {  	[tilespmem:$0x1FB10] =	vst v54;
	v54 =	vld [tilespmem:s18+$0xE5C0];
	_ =	sdelay $0x4  }
0x182: {  	[tilespmem:$0x1FB20] =	vst v54;
	v54 =	vld [tilespmem:s18+$0xE5D0];
	_ =	sdelay $0x4  }
0x183: {  	[tilespmem:$0x1FB30] =	vst v54;
	v54 =	vld [tilespmem:s18+$0xE5E0];
	_ =	sdelay $0x1  }
0x184: {  	v2 =	vld [tilespmem:s18+$0xE100]  }
0x185: {  	v5 =	vld [tilespmem:s18+$0xE110]  }
0x186: {  	v10 =	vld [tilespmem:s18+$0xE120]  }
0x187: {  	[tilespmem:$0x1FB40] =	vst v54;
	v54 =	vld [tilespmem:s18+$0xE5F0]  }
0x188: {  	v13 =	vld [tilespmem:s18+$0xE130]  }
0x189: {  	v18 =	vld [tilespmem:s18+$0xE140]  }
0x18a: {  	v21 =	vld [tilespmem:s18+$0xE150]  }
0x18b: {  	v26 =	vld [tilespmem:s18+$0xE160]  }
0x18c: {  	[tilespmem:$0x1FB50] =	vst v54;
	v54 =	vld [tilespmem:s18+$0xE600]  }
0x18d: {  	v29 =	vld [tilespmem:s18+$0xE170]  }
0x18e: {  	v34 =	vld [tilespmem:s18+$0xE180]  }
0x18f: {  	v37 =	vld [tilespmem:s18+$0xE190]  }
0x190: {  	v42 =	vld [tilespmem:s18+$0xE1A0]  }
0x191: {  	[tilespmem:$0x1FB60] =	vst v54;
	v54 =	vld [tilespmem:s18+$0xE610]  }
0x192: {  	v45 =	vld [tilespmem:s18+$0xE1B0]  }
0x193: {  	v50 =	vld [tilespmem:s18+$0xE1C0]  }
0x194: {  	v53 =	vld [tilespmem:s18+$0xE1D0]  }
0x195: {  	v56 =	vld [tilespmem:s18+$0xE1E0]  }
0x196: {  	[tilespmem:$0x1FB70] =	vst v54;
	v54 =	vld [tilespmem:s18+$0xE620]  }
0x197: {  	v57 =	vld [tilespmem:s18+$0xE1F0]  }
0x198: {  	v58 =	vld [tilespmem:s18+$0xE200]  }
0x199: {  	v59 =	vld [tilespmem:s18+$0xE210]  }
0x19a: {  	v60 =	vld [tilespmem:s18+$0xE220]  }
0x19b: {  	[tilespmem:$0x1FB80] =	vst v54;
	v54 =	vld [tilespmem:s18+$0xE630]  }
0x19c: {  	v61 =	vld [tilespmem:s18+$0xE230]  }
0x19d: {  	v62 =	vld [tilespmem:s18+$0xE240]  }
0x19e: {  	v63 =	vld [tilespmem:s18+$0xE250]  }
0x19f: {  	v0 =	vld [tilespmem:s18+$0xE260]  }
0x1a0: {  	[tilespmem:$0x1FB90] =	vst v54;
	v54 =	vld [tilespmem:s18+$0xE640]  }
0x1a1: {  	v1 =	vld [tilespmem:s18+$0xE270]  }
0x1a2: {  	v3 =	vld [tilespmem:s18+$0xE280]  }
0x1a3: {  	v4 =	vld [tilespmem:s18+$0xE290]  }
0x1a4: {  	v6 =	vld [tilespmem:s18+$0xE2A0]  }
0x1a5: {  	[tilespmem:$0x1FBA0] =	vst v54;
	v54 =	vld [tilespmem:s18+$0xE650]  }
0x1a6: {  	v7 =	vld [tilespmem:s18+$0xE2B0]  }
0x1a7: {  	v8 =	vld [tilespmem:s18+$0xE2C0]  }
0x1a8: {  	v9 =	vld [tilespmem:s18+$0xE2D0]  }
0x1a9: {  	v11 =	vld [tilespmem:s18+$0xE2E0]  }
0x1aa: {  	[tilespmem:$0x1FBB0] =	vst v54;
	v54 =	vld [tilespmem:s18+$0xE660]  }
0x1ab: {  	v12 =	vld [tilespmem:s18+$0xE2F0]  }
0x1ac: {  	v14 =	vld [tilespmem:s18+$0xE300]  }
0x1ad: {  	v15 =	vld [tilespmem:s18+$0xE310]  }
0x1ae: {  	v16 =	vld [tilespmem:s18+$0xE320]  }
0x1af: {  	[tilespmem:$0x1FBC0] =	vst v54;
	v54 =	vld [tilespmem:s18+$0xE670]  }
0x1b0: {  	v17 =	vld [tilespmem:s18+$0xE330]  }
0x1b1: {  	v19 =	vld [tilespmem:s18+$0xE340]  }
0x1b2: {  	v20 =	vld [tilespmem:s18+$0xE350]  }
0x1b3: {  	v22 =	vld [tilespmem:s18+$0xE360]  }
0x1b4: {  	[tilespmem:$0x1FBD0] =	vst v54;
	v54 =	vld [tilespmem:s18+$0xE680]  }
0x1b5: {  	v23 =	vld [tilespmem:s18+$0xE370]  }
0x1b6: {  	v24 =	vld [tilespmem:s18+$0xE380]  }
0x1b7: {  	v25 =	vld [tilespmem:s18+$0xE390]  }
0x1b8: {  	v27 =	vld [tilespmem:s18+$0xE3A0]  }
0x1b9: {  	[tilespmem:$0x1FBE0] =	vst v54;
	v54 =	vld [tilespmem:s18+$0xE690]  }
0x1ba: {  	v28 =	vld [tilespmem:s18+$0xE3B0]  }
0x1bb: {  	v30 =	vld [tilespmem:s18+$0xE3C0]  }
0x1bc: {  	v31 =	vld [tilespmem:s18+$0xE3D0]  }
0x1bd: {  	v32 =	vld [tilespmem:s18+$0xE3E0]  }
0x1be: {  	[tilespmem:$0x1FBF0] =	vst v54;
	v54 =	vld [tilespmem:s18+$0xE6A0]  }
0x1bf: {  	v33 =	vld [tilespmem:s18+$0xE3F0]  }
0x1c0: {  	v35 =	vld [tilespmem:s18+$0xE400]  }
0x1c1: {  	v36 =	vld [tilespmem:s18+$0xE410]  }
0x1c2: {  	v38 =	vld [tilespmem:s18+$0xE420]  }
0x1c3: {  	[tilespmem:$0x1FC00] =	vst v54;
	v54 =	vld [tilespmem:s18+$0xE6B0]  }
0x1c4: {  	v39 =	vld [tilespmem:s18+$0xE430]  }
0x1c5: {  	v40 =	vld [tilespmem:s18+$0xE440]  }
0x1c6: {  	v41 =	vld [tilespmem:s18+$0xE450]  }
0x1c7: {  	v43 =	vld [tilespmem:s18+$0xE460]  }
0x1c8: {  	[tilespmem:$0x1FC10] =	vst v54;
	v54 =	vld [tilespmem:s18+$0xE6C0]  }
0x1c9: {  	v44 =	vld [tilespmem:s18+$0xE470]  }
0x1ca: {  	v46 =	vld [tilespmem:s18+$0xE480]  }
0x1cb: {  	v47 =	vld [tilespmem:s18+$0xE490]  }
0x1cc: {  	v48 =	vld [tilespmem:s18+$0xE4A0]  }
0x1cd: {  	[tilespmem:$0x1FC20] =	vst v54;
	v54 =	vld [tilespmem:s18+$0xE6D0]  }
0x1ce: {  	v49 =	vld [tilespmem:s18+$0xE4B0]  }
0x1cf: {  	v51 =	vld [tilespmem:s18+$0xE4C0]  }
0x1d0: {  	v52 =	vld [tilespmem:s18+$0xE4D0]  }
0x1d1: {  	v55 =	vld [tilespmem:s18+$0xE4F0]  }
0x1d2: {  	[tilespmem:$0x1FC30] =	vst v54;
	v54 =	vld [tilespmem:s18+$0xE6E0]  }
0x1d3: {  	v2 =	vadd.f32 v34, v2;
	v34 =	vadd.f32 v37, v5;
	v5 =	vld [tilespmem:s18+$0xE7C0]  }
0x1d4: {  	v37 =	vadd.f32 v42, v10;
	v10 =	vld [tilespmem:s18+$0xE7D0]  }
0x1d5: {  	v42 =	vadd.f32 v45, v13;
	v13 =	vld [tilespmem:s18+$0xE7E0]  }
0x1d6: {  	v45 =	vadd.f32 v50, v18;
	v18 =	vld [tilespmem:s18+$0xE7F0]  }
0x1d7: {  	[tilespmem:$0x1FC40] =	vst v54;
	v54 =	vld [tilespmem:s18+$0xE6F0]  }
0x1d8: {  	v50 =	vadd.f32 v53, v21;
	v21 =	vld [tilespmem:s18+$0xE800]  }
0x1d9: {  	v53 =	vadd.f32 v56, v26;
	v26 =	vld [tilespmem:s18+$0xE810]  }
0x1da: {  	v56 =	vadd.f32 v57, v29;
	v29 =	vld [tilespmem:s18+$0xE820]  }
0x1db: {  	v57 =	vadd.f32 v59, v34;
	v34 =	vld [tilespmem:s18+$0xE830]  }
0x1dc: {  	[tilespmem:$0x1FC50] =	vst v54;
	v54 =	vld [tilespmem:s18+$0xE700]  }
0x1dd: {  	v42 =	vadd.f32 v61, v42;
	v0 =	vadd.f32 v0, v53;
	v53 =	vld [tilespmem:s18+$0xE880]  }
0x1de: {  	v45 =	vadd.f32 v62, v45;
	v1 =	vadd.f32 v1, v56;
	v56 =	vld [tilespmem:$0x1FA50]  }
0x1df: {  	v61 =	vadd.f32 v7, v42;
	v42 =	vld [tilespmem:s18+$0xE850]  }
0x1e0: {  	v50 =	vadd.f32 v63, v50;
	v62 =	vadd.f32 v8, v45;
	v45 =	vld [tilespmem:s18+$0xE860]  }
0x1e1: {  	[tilespmem:$0x1FC60] =	vst v54;
	v54 =	vld [tilespmem:s18+$0xE710]  }
0x1e2: {  	v63 =	vadd.f32 v9, v50;
	v50 =	vld [tilespmem:s18+$0xE870]  }
0x1e3: {  	v2 =	vadd.f32 v58, v2;
	v9 =	vld [tilespmem:s18+$0xE890]  }
0x1e4: {  	v0 =	vadd.f32 v11, v0;
	v11 =	vld [tilespmem:s18+$0xE8A0]  }
0x1e5: {  	v2 =	vadd.f32 v3, v2;
	v1 =	vadd.f32 v12, v1;
	v12 =	vld [tilespmem:s18+$0xE8B0]  }
0x1e6: {  	v59 =	vadd.f32 v4, v57;
	[tilespmem:$0x1FC70] =	vst v54;
	v54 =	vld [tilespmem:s18+$0xE720]  }
0x1e7: {  	v2 =	vadd.f32 v14, v2;
	v14 =	vld [tilespmem:s18+$0xE8C0]  }
0x1e8: {  	v3 =	vadd.f32 v15, v59;
	v15 =	vld [tilespmem:s18+$0xE8D0]  }
0x1e9: {  	v7 =	vadd.f32 v19, v62;
	v19 =	vld [tilespmem:s18+$0xE900]  }
0x1ea: {  	v8 =	vadd.f32 v20, v63;
	v20 =	vld [tilespmem:s18+$0xE910]  }
0x1eb: {  	[tilespmem:$0x1FC80] =	vst v54;
	v54 =	vld [tilespmem:s18+$0xE730]  }
0x1ec: {  	v0 =	vadd.f32 v22, v0;
	v22 =	vld [tilespmem:s18+$0xE920]  }
0x1ed: {  	v1 =	vadd.f32 v23, v1;
	v23 =	vld [tilespmem:s18+$0xE930]  }
0x1ee: {  	v57 =	vld [tilespmem:$0x1FA60]  }
0x1ef: {  	v2 =	vadd.f32 v24, v2;
	v24 =	vld [tilespmem:s18+$0xE940]  }
0x1f0: {  	[tilespmem:$0x1FC90] =	vst v54;
	v54 =	vld [tilespmem:s18+$0xE740]  }
0x1f1: {  	v3 =	vadd.f32 v25, v3;
	v25 =	vld [tilespmem:s18+$0xE950]  }
0x1f2: {  	v7 =	vadd.f32 v30, v7;
	v30 =	vld [tilespmem:s18+$0xE980]  }
0x1f3: {  	v8 =	vadd.f32 v31, v8;
	v31 =	vld [tilespmem:s18+$0xE990]  }
0x1f4: {  	v0 =	vadd.f32 v32, v0;
	v32 =	vld [tilespmem:s18+$0xE9A0]  }
0x1f5: {  	[tilespmem:$0x1FCA0] =	vst v54;
	v54 =	vld [tilespmem:s18+$0xE750]  }
0x1f6: {  	v1 =	vadd.f32 v33, v1;
	v33 =	vld [tilespmem:s18+$0xE9B0]  }
0x1f7: {  	v2 =	vadd.f32 v35, v2;
	v35 =	vld [tilespmem:s18+$0xE9C0]  }
0x1f8: {  	v58 =	vld [tilespmem:$0x1FA70]  }
0x1f9: {  	v3 =	vadd.f32 v36, v3;
	v36 =	vld [tilespmem:$0x1FAD0]  }
0x1fa: {  	v1 =	vadd.f32 v44, v1;
	[tilespmem:$0x1FCB0] =	vst v54;
	v54 =	vld [tilespmem:s18+$0xE760]  }
0x1fb: {  	v59 =	vld [tilespmem:$0x1FA80]  }
0x1fc: {  	v1 =	vadd.f32 v55, v1;
	v62 =	vld [tilespmem:$0x1FAB0]  }
0x1fd: {  	v63 =	vld [tilespmem:$0x1FAC0]  }
0x1fe: {  	v1 =	vadd.f32 v36, v1;
	v36 =	vld [tilespmem:s18+$0xE9D0]  }
0x1ff: {  	[tilespmem:$0x1FCC0] =	vst v54;
	v54 =	vld [tilespmem:s18+$0xE770]  }
0x200: {  	v7 =	vadd.f32 v40, v7;
	v40 =	vld [tilespmem:$0x1FB00]  }
0x201: {  	v8 =	vadd.f32 v41, v8;
	v41 =	vld [tilespmem:$0x1FB10]  }
0x202: {  	v0 =	vadd.f32 v43, v0;
	v44 =	vld [tilespmem:$0x1FB30]  }
0x203: {  	v2 =	vadd.f32 v46, v2;
	v8 =	vadd.f32 v52, v8;
	v46 =	vld [tilespmem:$0x1FB40]  }
0x204: {  	v0 =	vadd.f32 v56, v0;
	[tilespmem:$0x1FCD0] =	vst v54;
	v54 =	vld [tilespmem:s18+$0xE780]  }
0x205: {  	v3 =	vadd.f32 v47, v3;
	v8 =	vadd.f32 v62, v8;
	v47 =	vld [tilespmem:$0x1FB50]  }
0x206: {  	v0 =	vadd.f32 v63, v0;
	v43 =	vld [tilespmem:$0x1FB20]  }
0x207: {  	v8 =	vadd.f32 v44, v8;
	v44 =	vld [tilespmem:s18+$0xEA30]  }
0x208: {  	v0 =	vadd.f32 v46, v0;
	v46 =	vld [tilespmem:s18+$0xEA40]  }
0x209: {  	[tilespmem:$0x1FCE0] =	vst v54;
	v54 =	vld [tilespmem:s18+$0xE790]  }
0x20a: {  	v1 =	vadd.f32 v47, v1;
	v47 =	vld [tilespmem:s18+$0xEA50]  }
0x20b: {  	v7 =	vadd.f32 v51, v7;
	v51 =	vld [tilespmem:$0x1FB80]  }
0x20c: {  	v52 =	vld [tilespmem:$0x1FB90]  }
0x20d: {  	v55 =	vld [tilespmem:$0x1FBB0]  }
0x20e: {  	[tilespmem:$0x1FCF0] =	vst v54;
	v54 =	vld [tilespmem:s18+$0xE7A0]  }
0x20f: {  	v56 =	vld [tilespmem:$0x1FBC0]  }
0x210: {  	v2 =	vadd.f32 v57, v2;
	v57 =	vld [tilespmem:$0x1FBD0]  }
0x211: {  	v3 =	vadd.f32 v58, v3;
	v58 =	vld [tilespmem:$0x1FBE0]  }
0x212: {  	v63 =	vld [tilespmem:$0x1FC30]  }
0x213: {  	[tilespmem:$0x1FD00] =	vst v54;
	v54 =	vld [tilespmem:s18+$0xE7B0]  }
0x214: {  	v62 =	vld [tilespmem:$0x1FC20]  }
0x215: {  	v8 =	vadd.f32 v55, v8;
	v55 =	vld [tilespmem:$0x1FC60]  }
0x216: {  	v0 =	vadd.f32 v56, v0;
	v56 =	vld [tilespmem:$0x1FC70]  }
0x217: {  	v1 =	vadd.f32 v57, v1;
	v57 =	vld [tilespmem:$0x1FC80]  }
0x218: {  	v8 =	vadd.f32 v63, v8;
	v63 =	vld [tilespmem:$0x1FCE0];
	[tilespmem:$0x1FD10] =	vst v54;
	v54 =	vadd.f32 v60, v37  }
0x219: {  	v37 =	vld [tilespmem:s18+$0xE840]  }
0x21a: {  	v60 =	vadd.f32 v6, v54;
	v6 =	vadd.f32 v17, v61;
	v17 =	vld [tilespmem:s18+$0xE8F0]  }
0x21b: {  	v61 =	vld [tilespmem:$0x1FAA0]  }
0x21c: {  	v54 =	vld [tilespmem:$0x1FBA0]  }
0x21d: {  	v4 =	vadd.f32 v16, v60;
	v16 =	vld [tilespmem:s18+$0xE8E0]  }
0x21e: {  	v6 =	vadd.f32 v28, v6;
	v28 =	vld [tilespmem:s18+$0xE970]  }
0x21f: {  	v60 =	vld [tilespmem:$0x1FA90]  }
0x220: {  	v4 =	vadd.f32 v27, v4;
	v27 =	vld [tilespmem:s18+$0xE960]  }
0x221: {  	v6 =	vadd.f32 v39, v6;
	v39 =	vld [tilespmem:$0x1FAF0]  }
0x222: {  	v7 =	vadd.f32 v61, v7;
	v61 =	vld [tilespmem:$0x1FC10]  }
0x223: {  	v4 =	vadd.f32 v38, v4;
	v38 =	vld [tilespmem:$0x1FAE0]  }
0x224: {  	v6 =	vadd.f32 v49, v6;
	v49 =	vld [tilespmem:$0x1FB70]  }
0x225: {  	v7 =	vadd.f32 v43, v7;
	v43 =	vld [tilespmem:s18+$0xEA20]  }
0x226: {  	v4 =	vadd.f32 v48, v4;
	v48 =	vld [tilespmem:$0x1FB60]  }
0x227: {  	v6 =	vadd.f32 v60, v6;
	v60 =	vld [tilespmem:$0x1FC00]  }
0x228: {  	v3 =	vadd.f32 v39, v3;
	v39 =	vld [tilespmem:s18+$0xE9F0]  }
0x229: {  	v7 =	vadd.f32 v54, v7;
	v54 =	vld [tilespmem:$0x1FC50]  }
0x22a: {  	v6 =	vadd.f32 v41, v6;
	v41 =	vld [tilespmem:s18+$0xEA10]  }
0x22b: {  	v4 =	vadd.f32 v59, v4;
	v59 =	vld [tilespmem:$0x1FBF0]  }
0x22c: {  	v2 =	vadd.f32 v38, v2;
	v38 =	vld [tilespmem:s18+$0xE9E0]  }
0x22d: {  	v3 =	vadd.f32 v49, v3;
	v49 =	vld [tilespmem:s18+$0xEA70]  }
0x22e: {  	v7 =	vadd.f32 v62, v7;
	v62 =	vld [tilespmem:$0x1FCD0]  }
0x22f: {  	v4 =	vadd.f32 v40, v4;
	v40 =	vld [tilespmem:s18+$0xEA00]  }
0x230: {  	v6 =	vadd.f32 v52, v6;
	v52 =	vld [tilespmem:$0x1FC40]  }
0x231: {  	v2 =	vadd.f32 v48, v2;
	v48 =	vld [tilespmem:s18+$0xEA60]  }
0x232: {  	v4 =	vadd.f32 v51, v4;
	v51 =	vld [tilespmem:s18+$0xEA80]  }
0x233: {  	v1 =	vadd.f32 v54, v1;
	v54 =	vld [tilespmem:s18+$0xEAA0]  }
0x234: {  	v6 =	vadd.f32 v61, v6;
	v61 =	vld [tilespmem:$0x1FCC0]  }
0x235: {  	v2 =	vadd.f32 v58, v2;
	v58 =	vld [tilespmem:$0x1FC90]  }
0x236: {  	v3 =	vadd.f32 v59, v3;
	v59 =	vld [tilespmem:$0x1FCA0]  }
0x237: {  	v4 =	vadd.f32 v60, v4;
	v60 =	vld [tilespmem:$0x1FCB0]  }
0x238: {  	v1 =	vadd.f32 v62, v1;
	v62 =	vld [tilespmem:$0x1FD10]  }
0x239: {  	v0 =	vadd.f32 v52, v0;
	v52 =	vld [tilespmem:s18+$0xEA90]  }
0x23a: {  	v2 =	vadd.f32 v55, v2;
	v55 =	vld [tilespmem:s18+$0xEAB0]  }
0x23b: {  	v3 =	vadd.f32 v56, v3;
	v56 =	vld [tilespmem:s18+$0xEAC0];
	v4 =	vadd.f32 v57, v4  }
0x23c: {  	v57 =	vld [tilespmem:s18+$0xEAD0];
	v1 =	vadd.f32 v18, v1;
	v0 =	vadd.f32 v61, v0  }
0x23d: {  	v18 =	vld [tilespmem:s18+$0xEB10];
	v2 =	vadd.f32 v63, v2;
	v6 =	vadd.f32 v58, v6  }
0x23e: {  	v61 =	vld [tilespmem:$0x1FD00];
	v7 =	vadd.f32 v59, v7;
	v1 =	vadd.f32 v50, v1  }
0x23f: {  	v50 =	vld [tilespmem:s18+$0xEB60];
	v8 =	vadd.f32 v60, v8;
	v0 =	vadd.f32 v13, v0  }
0x240: {  	v58 =	vld [tilespmem:s18+$0xEB80];
	v2 =	vadd.f32 v21, v2;
	v6 =	vadd.f32 v62, v6  }
0x241: {  	v59 =	vld [tilespmem:s18+$0xEB90];
	v5 =	vadd.f32 v5, v7;
	v1 =	vadd.f32 v17, v1  }
0x242: {  	v60 =	vld [tilespmem:$0x1FCF0];
	v63 =	vadd.f32 v10, v8;
	v0 =	vadd.f32 v45, v0  }
0x243: {  	v13 =	vld [tilespmem:s18+$0xEB00];
	v2 =	vadd.f32 v53, v2;
	v4 =	vadd.f32 v61, v4  }
0x244: {  	v21 =	vld [tilespmem:s18+$0xEB20];
	v6 =	vadd.f32 v34, v6;
	v5 =	vadd.f32 v37, v5  }
0x245: {  	v62 =	vld [tilespmem:s18+$0xEBC0];
	v1 =	vadd.f32 v28, v1;
	v7 =	vadd.f32 v42, v63  }
0x246: {  	v8 =	vld [tilespmem:s18+$0xEAE0];
	v0 =	vadd.f32 v16, v0;
	v2 =	vadd.f32 v19, v2  }
0x247: {  	v10 =	vld [tilespmem:s18+$0xEAF0];
	v3 =	vadd.f32 v60, v3;
	v4 =	vadd.f32 v29, v4  }
0x248: {  	v53 =	vld [tilespmem:s18+$0xEB70];
	v6 =	vadd.f32 v12, v6;
	v5 =	vadd.f32 v14, v5  }
0x249: {  	v45 =	vld [tilespmem:s18+$0xEC60];
	v1 =	vadd.f32 v39, v1;
	v7 =	vadd.f32 v15, v7  }
0x24a: {  	v61 =	vld [tilespmem:s18+$0xEBB0];
	v0 =	vadd.f32 v27, v0;
	v2 =	vadd.f32 v30, v2  }
0x24b: {  	v37 =	vld [tilespmem:s18+$0xEBE0];
	v3 =	vadd.f32 v26, v3;
	v4 =	vadd.f32 v11, v4  }
0x24c: {  	v63 =	vld [tilespmem:s18+$0xEBD0];
	v6 =	vadd.f32 v23, v6;
	v5 =	vadd.f32 v24, v5  }
0x24d: {  	v42 =	vld [tilespmem:s18+$0xEC30];
	v1 =	vadd.f32 v49, v1;
	v7 =	vadd.f32 v25, v7  }
0x24e: {  	v60 =	vld [tilespmem:s18+$0xEBA0];
	v0 =	vadd.f32 v38, v0;
	v2 =	vadd.f32 v40, v2  }
0x24f: {  	v39 =	vld [tilespmem:s18+$0xEC00];
	v3 =	vadd.f32 v9, v3;
	v4 =	vadd.f32 v22, v4  }
0x250: {  	v26 =	vld [tilespmem:s18+$0xEB30];
	v6 =	vadd.f32 v33, v6;
	v5 =	vadd.f32 v35, v5  }
0x251: {  	v11 =	vld [tilespmem:s18+$0xEB50];
	v1 =	vadd.f32 v10, v1;
	v7 =	vadd.f32 v36, v7  }
0x252: {  	v49 =	vld [tilespmem:s18+$0xECA0];
	v0 =	vadd.f32 v48, v0;
	v2 =	vadd.f32 v51, v2  }
0x253: {  	v38 =	vld [tilespmem:s18+$0xEBF0];
	v3 =	vadd.f32 v20, v3;
	v4 =	vadd.f32 v32, v4  }
0x254: {  	v40 =	vld [tilespmem:s18+$0xEC10];
	v6 =	vadd.f32 v44, v6;
	v5 =	vadd.f32 v46, v5  }
0x255: {  	v9 =	vld [tilespmem:s18+$0xEB40];
	v1 =	vadd.f32 v53, v1;
	v7 =	vadd.f32 v47, v7  }
0x256: {  	v48 =	vld [tilespmem:s18+$0xEC90];
	v0 =	vadd.f32 v8, v0;
	v2 =	vadd.f32 v13, v2  }
0x257: {  	v51 =	vld [tilespmem:s18+$0xECC0];
	v3 =	vadd.f32 v31, v3;
	v4 =	vadd.f32 v43, v4  }
0x258: {  	v44 =	vld [tilespmem:s18+$0xEC50];
	v6 =	vadd.f32 v55, v6;
	v5 =	vadd.f32 v56, v5  }
0x259: {  	v46 =	vld [tilespmem:s18+$0xEC70];
	v1 =	vadd.f32 v38, v1;
	v7 =	vadd.f32 v57, v7  }
0x25a: {  	v53 =	vld [tilespmem:s18+$0xECE0];
	v0 =	vadd.f32 v50, v0;
	v2 =	vadd.f32 v58, v2  }
0x25b: {  	v47 =	vld [tilespmem:s18+$0xEC80];
	v3 =	vadd.f32 v41, v3;
	v4 =	vadd.f32 v54, v4  }
0x25c: {  	v43 =	vld [tilespmem:s18+$0xEC40];
	v6 =	vadd.f32 v26, v6;
	v5 =	vadd.f32 v9, v5  }
0x25d: {  	v55 =	vld [tilespmem:s18+$0xED00];
	v7 =	vadd.f32 v11, v7;
	v0 =	vadd.f32 v37, v0  }
0x25e: {  	v56 =	vld [tilespmem:s18+$0xED10];
	v2 =	vadd.f32 v39, v2;
	v1 =	vadd.f32 v46, v1  }
0x25f: {  	v50 =	vld [tilespmem:s18+$0xECB0];
	v3 =	vadd.f32 v52, v3;
	v4 =	vadd.f32 v21, v4  }
0x260: {  	v54 =	vld [tilespmem:s18+$0xECF0];
	v6 =	vadd.f32 v61, v6;
	v5 =	vadd.f32 v62, v5  }
0x261: {  	v41 =	vld [tilespmem:s18+$0xEC20];
	v7 =	vadd.f32 v63, v7;
	v0 =	vadd.f32 v45, v0  }
0x262: {  	v52 =	vld [tilespmem:s18+$0xECD0];
	v2 =	vadd.f32 v47, v2;
	v3 =	vadd.f32 v18, v3  }
0x263: {  	v61 =	vld [tilespmem:s18+$0xED60];
	v4 =	vadd.f32 v60, v4;
	v6 =	vadd.f32 v42, v6  }
0x264: {  	v62 =	vld [tilespmem:s18+$0xED70];
	v5 =	vadd.f32 v43, v5;
	v7 =	vadd.f32 v44, v7  }
0x265: {  	v63 =	vld [tilespmem:$0x1FFF0];
	v0 =	vadd.f32 v53, v0;
	v1 =	vadd.f32 v54, v1  }
0x266: {  	v2 =	vadd.f32 v55, v2;
	v3 =	vadd.f32 v59, v3;
	v59 =	vld [tilespmem:s18+$0xED40]  }
0x267: {  	v60 =	vld [tilespmem:s18+$0xED50];
	v4 =	vadd.f32 v41, v4;
	v6 =	vadd.f32 v50, v6  }
0x268: {  	v57 =	vld [tilespmem:s18+$0xED20];
	v5 =	vadd.f32 v51, v5;
	v3 =	vadd.f32 v40, v3  }
0x269: {  	v58 =	vld [tilespmem:s18+$0xED30];
	v7 =	vadd.f32 v52, v7;
	v0 =	vadd.f32 v61, v0  }
0x26a: {  	v1 =	vadd.f32 v62, v1;
	v3 =	vadd.f32 v48, v3  }
0x26b: {  	v4 =	vadd.f32 v49, v4;
	v5 =	vadd.f32 v59, v5  }
0x26c: {  	v7 =	vadd.f32 v60, v7;
	v3 =	vadd.f32 v56, v3  }
0x26d: {  	s21 =	sshll.u32 s17, $0x6;
	p1 =	sne.s32 s17, $0xF;
	v4 =	vadd.f32 v57, v4;
	v2 =	vadd.f32 v5, v2  }
.Ltmp3:
0x26e: {  	s18 =	sand.u32 $0x3FFFFFC0, s21;
	v6 =	vadd.f32 v58, v6;
	v3 =	vadd.f32 v7, v3;
	(pc) =	sbr.rel @p1 .LBB2_5-.Ltmp3, $4  }
0x26f: {  	v0 =	vadd.f32 v0, v4;
	[tilespmem:v63+s18+$0x400 ss:$0x1] =	vst.idx.msk $0xffff, v2  }
0x270: {  	v1 =	vadd.f32 v1, v6;
	[tilespmem:v63+s18+$0x410 ss:$0x1] =	vst.idx.msk $0xffff, v3  }
0x271: {  	[tilespmem:v63+s18+$0x420 ss:$0x1] =	vst.idx.msk $0xffff, v0  }
0x272: {  	s17 =	sadd.s32 $0x1, s17;
	[tilespmem:v63+s18+$0x430 ss:$0x1] =	vst.idx.msk $0xffff, v1  }
.Ltmp4:
0x273: {  	(pc) =	sbr.rel @p0 .LBB2_8-.Ltmp4, $1  }
0x274: {  	_ =	sdelay $0x3  }
0x275: {  	s17 =	smul.u32 $0x1900, s16;
	_ =	sdelay $0x1  }
0x276: {  	s17 =	sshra.s32 s17, $0x2  }
0x277: {  	s18 =	sadd.s32 $0x960, s17  }
0x278: {  	[tilespmem:s23], [sflag:$0x2] =	stream.indirect.gather [hbm4b:s3+s8], $0x40, s18, s8, $0xb8;
	[tilespmem:$0x1C900] =	vst v63  }
0x279: {  	s21 =	sadd.s32 $0x9E0, s17  }
0x27a: {  	[tilespmem:s25], [sflag:$0x2] =	stream.indirect.gather [hbm4b:s3+s8], $0x40, s21, s8, $0xb8;
	[tilespmem:$0x1C900] =	vst v63  }
0x27b: {  	s20 =	sadd.s32 $0xA60, s17  }
0x27c: {  	[tilespmem:s28], [sflag:$0x2] =	stream.indirect.gather [hbm4b:s3+s8], $0x40, s20, s8, $0xb8;
	[tilespmem:$0x1C900] =	vst v63  }
0x27d: {  	s21 =	sadd.s32 $0xAE0, s17  }
0x27e: {  	[tilespmem:s30], [sflag:$0x2] =	stream.indirect.gather [hbm4b:s3+s8], $0x40, s21, s8, $0xb8;
	[tilespmem:$0x1C900] =	vst v63  }
0x27f: {  	s20 =	sadd.s32 $0xB60, s17  }
0x280: {  	[tilespmem:s1], [sflag:$0x2] =	stream.indirect.gather [hbm4b:s3+s8], $0x40, s20, s8, $0xb8;
	[tilespmem:$0x1C900] =	vst v63  }
.Ltmp5:
0x281: {  	_ = 	snop;
	(pc) =	sbr.rel .LBB2_2-.Ltmp5, $4  }
0x282: {  	s21 =	sadd.s32 $0xBE0, s17  }
0x283: {  	[tilespmem:s9], [sflag:$0x2] =	stream.indirect.gather [hbm4b:s3+s8], $0x40, s21, s8, $0xb8;
	[tilespmem:$0x1C900] =	vst v63  }
0x284: {  	s16 =	sadd.s32 $0x1, s16;
	s17 =	sadd.s32 $0xC60, s17  }
0x285: {  	[tilespmem:s11], [sflag:$0x2] =	stream.indirect.gather [hbm4b:s3+s19], $0x40, s17, s19, $0xb8;
	[tilespmem:$0x1C900] =	vst v63  }
.LBB2_9:
0x286: {  	_ =	sfence.sel $0x180000  }
0x287: {  	[bflag:$0x0] =	sbarrier.arrive $0xFFFF  }
0x288: {  	_ =	strace $0x90000047  }
0x289: {  	s0 =	stileid.u32;
	[bflag:$0x2] =	sbarrier.arrive $0xFFFF  }
0x28a: {  	p0 =	sne.s32 s0, $0x0;
	s0 =	rddreg [dreg:$0x2]  }
0x28b: {  	s0 =	sadd.s32 @!p0 $0x100000, s0  }
0x28c: {  	[sflag:s0] =	ssyncadd.tile.s32 @!p0 $0x1;
	_ =	shalt  }
.Lfunc_end2:
_tile_overlayer_lowered:
.L_overlay_start_2:
0x28d: {  	(tag) =	ssettag $0x2  }
0x28e: {  	s0 =	rddreg [dreg:$0x0];
	s2 =	stileid.u32  }
0x28f: {  	s1 =	rddreg [dreg:$0x1];
	p0 =	sne.s32 s2, $0x0  }
0x290: {  	s3 =	rddreg [dreg:$0x2];
	[bflag:$0x3] =	sbarrier.arrive $0xFFFF;
	s2 =	simm.s32 @!p0 $0x1C03  }
0x291: {  	[timem:s3], [sflag:s2] =	dma.local @!p0 [hbm:s0], s1  }
0x292: {  	s0 =	simm.s32 @!p0 $0x3  }
0x293: {  	_ =	swait.ge @!p0 [sflag:s0], s1  }
0x294: {  	s1 =	ssub.s32 @!p0 $0x0, s1;
	[sflag:s0] =	ssyncset.done @!p0 $0x0  }
0x295: {  	[sflag:s0] =	ssyncadd.s32 @!p0 s1  }
0x296: {  	[bflag:$0x3] =	sbarrier.arrive $0xFFFF  }
0x297: {  	_ =	shalt  }

</sc_bundles>
